<compile_context>
chip_gen: v7x
topology: tpu7x:2x2x1
jax: 0.10.2.dev20260603
libtpu: 0.0.44.dev20260713+nightly
codegen_flags: <defaults>
</compile_context>

<pallas_src>
import dataclasses

import jax
import jax.numpy as jnp
from jax import lax
from jax.experimental import pallas as pl
from jax.experimental.pallas import tpu as pltpu
from jax.experimental.pallas import tpu_sc as plsc

N = 10000
E = 320000
NP = 10000
D = 128
DH = D // 2
NREL = 16
B = 4096

NC, NS = 2, 16
NW = NC * NS
EPS = E // NS
BLK = 80
NBLK = EPS // BLK
SP = 81920
TRASH = 80000


def _sc_compiler_params():
    cp = pltpu.CompilerParams()
    fields = pltpu.CompilerParams.__dataclass_fields__
    if "needs_layout_passes" in fields:
        cp = dataclasses.replace(cp, needs_layout_passes=False)
    if "use_tc_tiling_on_sc" in fields:
        cp = dataclasses.replace(cp, use_tc_tiling_on_sc=False)
    return cp


K1B = 1000


def _k1_body(id_ref, ent_ref, ir_ref, w1_ref, wr_ref, att_ref,
             gt_ref, at_ref, lt_ref, xph_ref, rp_ref, sn_ref, sr_ref):
    f32 = jnp.float32
    w1 = w1_ref[...]
    gp = jnp.dot(gt_ref[...], w1[32:64, :], preferred_element_type=f32)
    ap = jnp.dot(at_ref[...], w1[64:96, :], preferred_element_type=f32)
    lp = jnp.dot(lt_ref[...], w1[96:128, :], preferred_element_type=f32)
    ent = ent_ref[...]
    ohg = (ent[:, 0:1] == lax.broadcasted_iota(jnp.int32, (1, 3), 1)
           ).astype(f32)
    oha = (ent[:, 1:2] == lax.broadcasted_iota(jnp.int32, (1, 9), 1)
           ).astype(f32)
    ohl = (ent[:, 2:3] == lax.broadcasted_iota(jnp.int32, (1, 11), 1)
           ).astype(f32)
    xp = (jnp.dot(id_ref[...], w1[0:32, :], preferred_element_type=f32)
          + jnp.dot(ohg, gp, preferred_element_type=f32)
          + jnp.dot(oha, ap, preferred_element_type=f32)
          + jnp.dot(ohl, lp, preferred_element_type=f32))
    att = att_ref[...]
    xph_ref[:, 0, :] = xp[:, :DH]
    xph_ref[:, 1, :] = xp[:, DH:]
    sn_ref[...] = jnp.dot(xp, att, preferred_element_type=f32)

    @pl.when(pl.program_id(0) == 0)
    def _():
        rp = jnp.dot(ir_ref[...], wr_ref[...], preferred_element_type=f32)
        rp_ref[...] = rp
        sr_ref[...] = jnp.dot(rp, att, preferred_element_type=f32)


def _k1(id_embed, ent, init_rel, W1, Wr1, att2, gtab, atab, ltab):
    f32 = jnp.float32
    g = N // K1B
    return pl.pallas_call(
        _k1_body,
        grid=(g,),
        in_specs=[
            pl.BlockSpec((K1B, 32), lambda i: (i, 0)),
            pl.BlockSpec((K1B, 3), lambda i: (i, 0)),
            pl.BlockSpec((NREL, D), lambda i: (0, 0)),
            pl.BlockSpec((D, D), lambda i: (0, 0)),
            pl.BlockSpec((D, D), lambda i: (0, 0)),
            pl.BlockSpec((D, 1), lambda i: (0, 0)),
            pl.BlockSpec((3, 32), lambda i: (0, 0)),
            pl.BlockSpec((9, 32), lambda i: (0, 0)),
            pl.BlockSpec((11, 32), lambda i: (0, 0)),
        ],
        out_specs=[
            pl.BlockSpec((K1B, 2, DH), lambda i: (i, 0, 0)),
            pl.BlockSpec((NREL, D), lambda i: (0, 0)),
            pl.BlockSpec((K1B, 1), lambda i: (i, 0)),
            pl.BlockSpec((NREL, 1), lambda i: (0, 0)),
        ],
        out_shape=[
            jax.ShapeDtypeStruct((N, 2, DH), f32),
            jax.ShapeDtypeStruct((NREL, D), f32),
            jax.ShapeDtypeStruct((N, 1), f32),
            jax.ShapeDtypeStruct((NREL, 1), f32),
        ],
    )(id_embed, ent, init_rel, W1, Wr1, att2, gtab, atab, ltab)


NSLOT = 5
GLEAD = 3


def _k2_body(xp2_hbm, sn_hbm, sr_hbm, src_hbm, combo_hbm,
             out_hbm, s_hbm,
             srcx_v, combo_v, dsti_s, sidx_s, ex_s, sn_v, sr_v,
             rows_s, zlin_v, out_sh, acc_sh, semg, semr, sems):
    c = lax.axis_index("c")
    s = lax.axis_index("s")
    zero16 = jnp.zeros((16,), jnp.float32)
    rows_a_v = rows_s[0]

    @pl.loop(0, BLK)
    def _(r):
        for k in range(DH // 16):
            rows_a_v[r, pl.ds(k * 16, 16)] = zero16

    @pl.loop(0, 64)
    def _(i):
        zlin_v[pl.ds(i * 16, 16)] = zero16

    for k in range(7):
        pltpu.sync_copy(rows_a_v, out_sh.at[pl.ds(s * 625 + k * BLK, BLK)])
    pltpu.sync_copy(rows_a_v.at[pl.ds(0, 65)],
                    out_sh.at[pl.ds(s * 625 + 560, 65)])
    for k in range(8):
        pltpu.sync_copy(zlin_v.at[pl.ds(0, 640)],
                        acc_sh.at[pl.ds(s * 5120 + k * 640, 640)])

    pltpu.sync_copy(src_hbm.at[s], srcx_v)
    pltpu.sync_copy(combo_hbm.at[s], combo_v)
    pltpu.sync_copy(sn_hbm, sn_v)
    pltpu.sync_copy(sr_hbm, sr_v)

    plsc.subcore_barrier()

    @pl.loop(0, NBLK)
    def _(b):
        for k in range(BLK // 16):
            sl = pl.ds(k * 16, 16)
            srcx_v[b, sl] = srcx_v[b, sl] * 2 + c

    def p_phase(b, ex_r, sidx_r, dsti_r):
        for k in range(BLK // 16):
            sl = pl.ds(k * 16, 16)
            src16 = lax.shift_right_logical(srcx_v[b, sl], 1)
            combo16 = combo_v[b, sl]
            dst16 = lax.shift_right_logical(combo16, 4)
            et16 = combo16 & 15
            sv = plsc.load_gather(sn_v, [src16])
            rv = plsc.load_gather(sr_v, [et16])
            lg = sv + rv
            lg = jnp.maximum(lg, lg * 0.2)
            ex_r[0, sl] = jnp.exp(lg)
            dsti_r[0, sl] = dst16
            mine = lax.shift_right_logical(et16, 3) == c
            sidx_r[0, sl] = jnp.where(
                mine, dst16 * 8 + (et16 & 7),
                jnp.full((16,), TRASH, jnp.int32))

    def c_phase(ex_r, rows_r):
        @pl.loop(0, BLK)
        def _(j):
            a16 = plsc.load_gather(ex_r, [jnp.full((16,), 0, jnp.int32),
                                          jnp.full((16,), j, jnp.int32)])
            for k in range(DH // 16):
                sl = pl.ds(k * 16, 16)
                rows_r[j, sl] = rows_r[j, sl] * a16

    def wait_row_scatter(slot):
        pltpu.make_async_copy(rows_s[slot], out_sh.at[dsti_s[0].at[0]],
                              semr).wait()

    def wait_small_scatter(slot):
        pltpu.make_async_copy(ex_s[slot].at[0], acc_sh.at[dsti_s[0].at[0]],
                              sems).wait()

    def issue_gather(b, slot):
        pltpu.async_copy(xp2_hbm.at[srcx_v.at[b]], rows_s[slot],
                         semg)

    for t in range(GLEAD):
        issue_gather(t, t)

    @pl.loop(0, NBLK // NSLOT)
    def _(i):
        b0 = i * NSLOT
        for t in range(NSLOT):
            b = b0 + t
            g = (t + GLEAD) % NSLOT
            bg = b + GLEAD

            @pl.when(b >= 2)
            def _():
                wait_row_scatter(g)

            @pl.when(bg < NBLK)
            def _():
                issue_gather(bg, g)

            pltpu.make_async_copy(xp2_hbm.at[srcx_v.at[b]], rows_s[t],
                                  semg).wait()

            @pl.when(b >= NSLOT)
            def _():
                wait_small_scatter(t)

            p_phase(b, ex_s[t], sidx_s[t], dsti_s[t])
            c_phase(ex_s[t], rows_s[t])
            pltpu.async_copy(rows_s[t], out_sh.at[dsti_s[t].at[0]], semr,
                             add=True)
            pltpu.async_copy(ex_s[t].at[0], acc_sh.at[sidx_s[t].at[0]],
                             sems, add=True)

    wait_row_scatter((NBLK - 2) % NSLOT)
    wait_row_scatter((NBLK - 1) % NSLOT)
    for t in range(NSLOT):
        wait_small_scatter(t)

    plsc.subcore_barrier()

    for k in range(7):
        sl = pl.ds(s * 625 + k * BLK, BLK)
        pltpu.sync_copy(out_sh.at[sl], out_hbm.at[c, sl])
    slt = pl.ds(s * 625 + 560, 65)
    pltpu.sync_copy(out_sh.at[slt], out_hbm.at[c, slt])

    for k in range(8):
        sl = pl.ds(s * 5120 + k * 640, 640)
        pltpu.sync_copy(acc_sh.at[sl], s_hbm.at[c, sl])


def _k2(xp2, s_node, s_rel, src3, combo3):
    f32 = jnp.float32
    mesh = plsc.VectorSubcoreMesh(core_axis_name="c", subcore_axis_name="s")
    kern = pl.kernel(
        _k2_body,
        out_type=[
            jax.ShapeDtypeStruct((NC, NP, DH), f32),
            jax.ShapeDtypeStruct((NC, SP), f32),
        ],
        mesh=mesh,
        scratch_types=[
            pltpu.VMEM((NBLK, BLK), jnp.int32),
            pltpu.VMEM((NBLK, BLK), jnp.int32),
            [pltpu.VMEM((1, BLK), jnp.int32) for _ in range(NSLOT)],
            [pltpu.VMEM((1, BLK), jnp.int32) for _ in range(NSLOT)],
            [pltpu.VMEM((1, BLK), f32) for _ in range(NSLOT)],
            pltpu.VMEM((N,), f32),
            pltpu.VMEM((NREL,), f32),
            [pltpu.VMEM((BLK, DH), f32) for _ in range(NSLOT)],
            pltpu.VMEM((1024,), f32),
            pltpu.VMEM_SHARED((NP, DH), f32),
            pltpu.VMEM_SHARED((SP,), f32),
            pltpu.SemaphoreType.DMA,
            pltpu.SemaphoreType.DMA,
            pltpu.SemaphoreType.DMA,
        ],
        compiler_params=_sc_compiler_params(),
    )
    return kern(xp2, s_node, s_rel, src3, combo3)


def _k3_body(ou_ref, s2_ref, rp_ref, rel_ref, x_ref, rel_emb_ref):
    f32 = jnp.float32
    rp = rp_ref[...]
    smat = jnp.concatenate([s2_ref[0], s2_ref[1]], axis=-1)
    srp = jnp.dot(smat, rp, preferred_element_type=f32)
    den = jnp.sum(smat, axis=1, keepdims=True) + 1e-16
    ou = jnp.concatenate([ou_ref[0], ou_ref[1]], axis=-1)
    x_ref[...] = jnp.tanh((ou + srp) / den)
    ohr = (rel_ref[...] == lax.broadcasted_iota(jnp.int32, (1, NREL), 1)
           ).astype(f32)
    rel_emb_ref[...] = jnp.dot(ohr, rp, preferred_element_type=f32)


def _k3(ou, S2, rp, rel2):
    f32 = jnp.float32
    return pl.pallas_call(
        _k3_body,
        out_shape=[
            jax.ShapeDtypeStruct((N, D), f32),
            jax.ShapeDtypeStruct((B, D), f32),
        ],
    )(ou, S2, rp, rel2)


def _k4_body(x_hbm, sub_hbm, out_hbm, idx_v, rows_v, sem):
    c = lax.axis_index("c")
    s = lax.axis_index("s")
    w = c * NS + s
    pltpu.sync_copy(sub_hbm.at[w], idx_v)
    pltpu.async_copy(x_hbm.at[idx_v], rows_v, sem).wait()
    pltpu.sync_copy(rows_v, out_hbm.at[pl.ds(w * (B // NW), B // NW)])


def _k4(x, sub3):
    f32 = jnp.float32
    bpw = B // NW
    mesh = plsc.VectorSubcoreMesh(core_axis_name="c", subcore_axis_name="s")
    kern = pl.kernel(
        _k4_body,
        out_type=jax.ShapeDtypeStruct((B, D), f32),
        mesh=mesh,
        scratch_types=[
            pltpu.VMEM((bpw,), jnp.int32),
            pltpu.VMEM((bpw, D), f32),
            pltpu.SemaphoreType.DMA,
        ],
        compiler_params=_sc_compiler_params(),
    )
    return kern(x, sub3)


def kernel(id_embed, gender_table, age_table, level_table, init_rel,
           W1, Wr1, att1, ent_feature, edge_index, edge_type, sub, rel):
    i32 = jnp.int32
    ent = ent_feature.astype(i32)
    att2 = att1.reshape(D, 1)

    xph, rp, sn2, sr2 = _k1(id_embed, ent, init_rel, W1, Wr1, att2,
                            gender_table, age_table, level_table)
    xp2 = xph.reshape(2 * N, DH)

    src3 = edge_index[0].astype(i32).reshape(NS, NBLK, BLK)
    combo3 = (edge_index[1].astype(i32) * NREL
              + edge_type.astype(i32)).reshape(NS, NBLK, BLK)
    s_node = sn2.reshape(N)
    s_rel = sr2.reshape(NREL)

    out_un, S_p = _k2(xp2, s_node, s_rel, src3, combo3)

    S2 = S_p[:, :N * 8].reshape(NC, N, 8)
    rel2 = rel.astype(i32).reshape(B, 1)

    x, rel_emb = _k3(out_un, S2, rp, rel2)

    sub3 = sub.astype(i32).reshape(NW, B // NW)
    sub_emb = _k4(x, sub3)

    return (sub_emb, rel_emb, x)

# --- scband reference (transcript-rebuilt; emitter-appended) ---
"""Pipeline reference for scband-rgatbase-28054726377492 (READ-ONLY COPY).

The authoritative reference and input builder live on the scoring server;
editing this copy changes nothing except your own understanding.
"""

import jax, jax.numpy as jnp
import numpy as np

N = 10000
E = 320000
INIT_DIM = 32
D = 128  # concat of 4 x 32
NUM_REL = 8
B = 4096


def _rgat_conv(x, edge_index, edge_type, rel_emb, W, Wr, att, num_nodes):
    # Relational GAT message passing (RGATConv reconstruction):
    # project nodes and relations, build per-edge messages, attention-softmax
    # over incoming edges per destination node, scatter-add aggregation.
    src = edge_index[0]
    dst = edge_index[1]
    xp = x @ W                      # [N, out]
    rp = rel_emb @ Wr               # [2R, out]
    m = xp[src] + rp[edge_type]     # [E, out] gather-heavy
    logits = jax.nn.leaky_relu(m @ att, 0.2)          # [E]
    mx = jax.ops.segment_max(logits, dst, num_segments=num_nodes)
    ex = jnp.exp(logits - mx[dst])
    denom = jax.ops.segment_sum(ex, dst, num_segments=num_nodes)
    alpha = ex / (denom[dst] + 1e-16)
    out = jax.ops.segment_sum(alpha[:, None] * m, dst, num_segments=num_nodes)
    return jnp.tanh(out), rp


def setup_inputs(seed: int = 0) -> dict:
    key = jax.random.key(seed)
    ks = [jax.random.fold_in(key, i) for i in range(16)]
    edge_index = jax.random.randint(ks[0], (2, E), 0, N, dtype=jnp.int64 if jax.config.jax_enable_x64 else jnp.int32)
    edge_type = jax.random.randint(ks[1], (E,), 0, 2 * NUM_REL)
    ent_feature = jax.random.randint(ks[2], (N, 3), 0, 3)
    sub = jax.random.randint(ks[3], (B,), 0, N)
    rel = jax.random.randint(ks[4], (B,), 0, 2 * NUM_REL)
    # learned parameters
    id_embed = jax.random.normal(ks[5], (N, INIT_DIM), dtype=jnp.float32) * 0.02
    gender_table = jax.random.normal(ks[6], (3, INIT_DIM), dtype=jnp.float32) * 0.02
    age_table = jax.random.normal(ks[7], (9, INIT_DIM), dtype=jnp.float32) * 0.02
    level_table = jax.random.normal(ks[8], (11, INIT_DIM), dtype=jnp.float32) * 0.02
    init_rel = jax.random.normal(ks[9], (2 * NUM_REL, D), dtype=jnp.float32) * 0.02
    W1 = jax.random.normal(ks[10], (D, D), dtype=jnp.float32) / np.sqrt(D)
    Wr1 = jax.random.normal(ks[11], (D, D), dtype=jnp.float32) / np.sqrt(D)
    att1 = jax.random.normal(ks[12], (D,), dtype=jnp.float32) / np.sqrt(D)
    return {
        "id_embed": id_embed,
        "gender_table": gender_table,
        "age_table": age_table,
        "level_table": level_table,
        "init_rel": init_rel,
        "W1": W1,
        "Wr1": Wr1,
        "att1": att1,
        "ent_feature": ent_feature,
        "edge_index": edge_index,
        "edge_type": edge_type,
        "sub": sub,
        "rel": rel,
    }


def reference(id_embed, gender_table, age_table, level_table, init_rel,
              W1, Wr1, att1, ent_feature, edge_index, edge_type, sub, rel):
    # feature embedding lookups (gather)
    x1 = gender_table[ent_feature[:, 0]]
    x2 = age_table[ent_feature[:, 1]]
    x3 = level_table[ent_feature[:, 2]]
    # feature_method == 'concat'
    init_embed = jnp.concatenate([id_embed, x1, x2, x3], axis=1)  # [N, 128]
    # gcn_layer == 1: single RGAT conv; dropout is identity at inference
    x, r = _rgat_conv(init_embed, edge_index, edge_type, init_rel, W1, Wr1, att1, N)
    sub_emb = jnp.take(x, sub, axis=0)
    rel_emb = jnp.take(r, rel, axis=0)
    return (sub_emb, rel_emb, x)

if __name__ == "__main__":
    import jax
    _d = setup_inputs()
    print(jax.jit(kernel)(*tuple(_d.values())))

</pallas_src>

<mosaic_0001>
#map = affine_map<(d0, d1) -> (0, 0)>
module attributes {stable_mosaic.version = 14 : i64} {
  func.func @_k4_body(%arg0: i32, %arg1: i32, %arg2: memref<10000x128xf32, #tpu.memory_space<hbm>>, %arg3: memref<32x128xi32, #tpu.memory_space<hbm>>, %arg4: memref<4096x128xf32, #tpu.memory_space<hbm>>, %arg5: memref<128xi32, #tpu.memory_space<vmem>>, %arg6: memref<128x128xf32, #tpu.memory_space<vmem>>, %arg7: memref<!tpu.dma_semaphore, #tpu.memory_space<semaphore_mem>>) attributes {dimension_semantics = [#tpu.dimension_semantics<core_parallel>, #tpu.dimension_semantics<subcore_parallel>], iteration_bounds = array<i64: 2, 16>, scalar_prefetch = 0 : i64, scratch_operands = 3 : i64, tpu.core_type = #tpu.core_type<sc_vector_subcore>, window_params = [{transform_indices = #map}, {transform_indices = #map}, {transform_indices = #map}]} {
    %mul3A = arith.constant 16 : i32
    %mul3A_0 = arith.muli %arg0, %mul3A : i32
    %add3A = arith.addi %mul3A_0, %arg1 : i32
    "tpu.region"() ({
      %run_scoped3A = tpu.sem_alloc : memref<!tpu.dma_semaphore, #tpu.memory_space<semaphore_mem>>
      %dma_start3A_7 = arith.constant 0 : i32
      %dma_start3A_8 = tpu.memref_slice %arg3[%add3A, %dma_start3A_7] : memref<32x128xi32, #tpu.memory_space<hbm>> -> memref<1x128xi32, #tpu.memory_space<hbm>>
      %dma_start3A_9 = tpu.memref_squeeze %dma_start3A_8 : memref<1x128xi32, #tpu.memory_space<hbm>> -> memref<128xi32, #tpu.memory_space<hbm>>
      %dma_start3A_10 = arith.constant 0 : i32
      %dma_start3A_11 = tpu.memref_slice %arg3[%add3A, %dma_start3A_10] : memref<32x128xi32, #tpu.memory_space<hbm>> -> memref<1x128xi32, #tpu.memory_space<hbm>>
      %dma_start3A_12 = tpu.memref_squeeze %dma_start3A_11 : memref<1x128xi32, #tpu.memory_space<hbm>> -> memref<128xi32, #tpu.memory_space<hbm>>
      tpu.enqueue_dma source(%dma_start3A_12 : memref<128xi32, #tpu.memory_space<hbm>>) target(%arg5 : memref<128xi32, #tpu.memory_space<vmem>>) target_semaphore(%run_scoped3A : memref<!tpu.dma_semaphore, #tpu.memory_space<semaphore_mem>>)
      %dma_wait3A_13 = arith.constant 0 : i32
      %dma_wait3A_14 = tpu.memref_slice %arg3[%add3A, %dma_wait3A_13] : memref<32x128xi32, #tpu.memory_space<hbm>> -> memref<1x128xi32, #tpu.memory_space<hbm>>
      %dma_wait3A_15 = tpu.memref_squeeze %dma_wait3A_14 : memref<1x128xi32, #tpu.memory_space<hbm>> -> memref<128xi32, #tpu.memory_space<hbm>>
      %dma_wait3A_16 = arith.constant 0 : i32
      %dma_wait3A_17 = tpu.memref_slice %arg3[%add3A, %dma_wait3A_16] : memref<32x128xi32, #tpu.memory_space<hbm>> -> memref<1x128xi32, #tpu.memory_space<hbm>>
      %dma_wait3A_18 = tpu.memref_squeeze %dma_wait3A_17 : memref<1x128xi32, #tpu.memory_space<hbm>> -> memref<128xi32, #tpu.memory_space<hbm>>
      tpu.wait_dma2 semaphore(%run_scoped3A : memref<!tpu.dma_semaphore, #tpu.memory_space<semaphore_mem>>) src(%dma_wait3A_18 : memref<128xi32, #tpu.memory_space<hbm>>) dst(%arg5 : memref<128xi32, #tpu.memory_space<vmem>>)
      tpu.yield
    }) : () -> ()
    %dma_start3A = arith.constant 0 : i32
    %dma_start3A_1 = arith.constant 0 : i32
    %dma_start3A_2 = tpu.memref_slice %arg2[%dma_start3A, %dma_start3A_1] : memref<10000x128xf32, #tpu.memory_space<hbm>> -> memref<10000x128xf32, #tpu.memory_space<hbm>>
    tpu.enqueue_indirect_dma source(%dma_start3A_2 : memref<10000x128xf32, #tpu.memory_space<hbm>>) target(%arg6 : memref<128x128xf32, #tpu.memory_space<vmem>>) offsets(%arg5 : memref<128xi32, #tpu.memory_space<vmem>>) semaphore(%arg7 : memref<!tpu.dma_semaphore, #tpu.memory_space<semaphore_mem>>)
    %dma_wait3A = arith.constant 0 : i32
    %dma_wait3A_3 = arith.constant 0 : i32
    %dma_wait3A_4 = tpu.memref_slice %arg2[%dma_wait3A, %dma_wait3A_3] : memref<10000x128xf32, #tpu.memory_space<hbm>> -> memref<10000x128xf32, #tpu.memory_space<hbm>>
    tpu.wait_indirect_dma semaphore(%arg7 : memref<!tpu.dma_semaphore, #tpu.memory_space<semaphore_mem>>) src(%dma_wait3A_4 : memref<10000x128xf32, #tpu.memory_space<hbm>>) dst(%arg6 : memref<128x128xf32, #tpu.memory_space<vmem>>)
    %mul3A_5 = arith.constant 128 : i32
    %mul3A_6 = arith.muli %add3A, %mul3A_5 : i32
    "tpu.region"() ({
      %run_scoped3A = tpu.sem_alloc : memref<!tpu.dma_semaphore, #tpu.memory_space<semaphore_mem>>
      %dma_start3A_7 = arith.constant 0 : i32
      %dma_start3A_8 = tpu.memref_slice %arg4[%mul3A_6, %dma_start3A_7] : memref<4096x128xf32, #tpu.memory_space<hbm>> -> memref<128x128xf32, #tpu.memory_space<hbm>>
      %dma_start3A_9 = arith.constant 0 : i32
      %dma_start3A_10 = tpu.memref_slice %arg4[%mul3A_6, %dma_start3A_9] : memref<4096x128xf32, #tpu.memory_space<hbm>> -> memref<128x128xf32, #tpu.memory_space<hbm>>
      tpu.enqueue_dma source(%arg6 : memref<128x128xf32, #tpu.memory_space<vmem>>) target(%dma_start3A_10 : memref<128x128xf32, #tpu.memory_space<hbm>>) target_semaphore(%run_scoped3A : memref<!tpu.dma_semaphore, #tpu.memory_space<semaphore_mem>>)
      %dma_wait3A_11 = arith.constant 0 : i32
      %dma_wait3A_12 = tpu.memref_slice %arg4[%mul3A_6, %dma_wait3A_11] : memref<4096x128xf32, #tpu.memory_space<hbm>> -> memref<128x128xf32, #tpu.memory_space<hbm>>
      %dma_wait3A_13 = arith.constant 0 : i32
      %dma_wait3A_14 = tpu.memref_slice %arg4[%mul3A_6, %dma_wait3A_13] : memref<4096x128xf32, #tpu.memory_space<hbm>> -> memref<128x128xf32, #tpu.memory_space<hbm>>
      tpu.wait_dma2 semaphore(%run_scoped3A : memref<!tpu.dma_semaphore, #tpu.memory_space<semaphore_mem>>) src(%arg6 : memref<128x128xf32, #tpu.memory_space<vmem>>) dst(%dma_wait3A_14 : memref<128x128xf32, #tpu.memory_space<hbm>>)
      tpu.yield
    }) : () -> ()
    return
  }
}

#map = affine_map<(d0, d1) -> (0, 0)>
#map1 = affine_map<(d0, d1) -> (0)>
#map2 = affine_map<(d0, d1) -> (0, 0, 0)>
module attributes {stable_mosaic.version = 14 : i64} {
  func.func @_k2_body(%arg0: i32, %arg1: i32, %arg2: memref<20000x64xf32, #tpu.memory_space<hbm>>, %arg3: memref<10000xf32, #tpu.memory_space<hbm>>, %arg4: memref<16xf32, #tpu.memory_space<hbm>>, %arg5: memref<16x250x80xi32, #tpu.memory_space<hbm>>, %arg6: memref<16x250x80xi32, #tpu.memory_space<hbm>>, %arg7: memref<2x10000x64xf32, #tpu.memory_space<hbm>>, %arg8: memref<2x81920xf32, #tpu.memory_space<hbm>>, %arg9: memref<250x80xi32, #tpu.memory_space<vmem>>, %arg10: memref<250x80xi32, #tpu.memory_space<vmem>>, %arg11: memref<1x80xi32, #tpu.memory_space<vmem>>, %arg12: memref<1x80xi32, #tpu.memory_space<vmem>>, %arg13: memref<1x80xi32, #tpu.memory_space<vmem>>, %arg14: memref<1x80xi32, #tpu.memory_space<vmem>>, %arg15: memref<1x80xi32, #tpu.memory_space<vmem>>, %arg16: memref<1x80xi32, #tpu.memory_space<vmem>>, %arg17: memref<1x80xi32, #tpu.memory_space<vmem>>, %arg18: memref<1x80xi32, #tpu.memory_space<vmem>>, %arg19: memref<1x80xi32, #tpu.memory_space<vmem>>, %arg20: memref<1x80xi32, #tpu.memory_space<vmem>>, %arg21: memref<1x80xf32, #tpu.memory_space<vmem>>, %arg22: memref<1x80xf32, #tpu.memory_space<vmem>>, %arg23: memref<1x80xf32, #tpu.memory_space<vmem>>, %arg24: memref<1x80xf32, #tpu.memory_space<vmem>>, %arg25: memref<1x80xf32, #tpu.memory_space<vmem>>, %arg26: memref<10000xf32, #tpu.memory_space<vmem>>, %arg27: memref<16xf32, #tpu.memory_space<vmem>>, %arg28: memref<80x64xf32, #tpu.memory_space<vmem>>, %arg29: memref<80x64xf32, #tpu.memory_space<vmem>>, %arg30: memref<80x64xf32, #tpu.memory_space<vmem>>, %arg31: memref<80x64xf32, #tpu.memory_space<vmem>>, %arg32: memref<80x64xf32, #tpu.memory_space<vmem>>, %arg33: memref<1024xf32, #tpu.memory_space<vmem>>, %arg34: memref<10000x64xf32, #tpu.memory_space<vmem_shared>>, %arg35: memref<81920xf32, #tpu.memory_space<vmem_shared>>, %arg36: memref<!tpu.dma_semaphore, #tpu.memory_space<semaphore_mem>>, %arg37: memref<!tpu.dma_semaphore, #tpu.memory_space<semaphore_mem>>, %arg38: memref<!tpu.dma_semaphore, #tpu.memory_space<semaphore_mem>>) attributes {dimension_semantics = [#tpu.dimension_semantics<core_parallel>, #tpu.dimension_semantics<subcore_parallel>], iteration_bounds = array<i64: 2, 16>, scalar_prefetch = 0 : i64, scratch_operands = 30 : i64, tpu.core_type = #tpu.core_type<sc_vector_subcore>, window_params = [{transform_indices = #map}, {transform_indices = #map1}, {transform_indices = #map1}, {transform_indices = #map2}, {transform_indices = #map2}, {transform_indices = #map2}, {transform_indices = #map}]} {
    %broadcast_in_dim3A = arith.constant 0.000000e+00 : f32
    %broadcast_in_dim3A_0 = vector.broadcast %broadcast_in_dim3A : f32 to vector<16xf32>
    %scan3A = arith.constant 0 : i32
    %scan3A_1 = arith.constant 80 : i32
    %scan3A_2 = arith.addi %scan3A, %scan3A_1 : i32
    %scan3A_3 = arith.constant 1 : i32
    scf.for %scan3A_230 = %scan3A to %scan3A_2 step %scan3A_3  : i32 {
      %mul3A_231 = arith.constant 1 : i32
      %mul3A_232 = arith.muli %scan3A_230, %mul3A_231 : i32
      %add3A_233 = arith.constant 0 : i32
      %add3A_234 = arith.addi %add3A_233, %mul3A_232 : i32
      %swap3A = arith.index_cast %add3A_234 : i32 to index
      %swap3A_235 = arith.constant 0 : index
      %swap3A_236 = tpu.vector_load %arg28[%swap3A, %swap3A_235] {strides = array<i32>} : memref<80x64xf32, #tpu.memory_space<vmem>>, vector<16xf32>,
      tpu.vector_store %arg28[%swap3A, %swap3A_235], %broadcast_in_dim3A_0 {strides = array<i32>} : memref<80x64xf32, #tpu.memory_space<vmem>>, vector<16xf32>,
      %swap3A_237 = arith.index_cast %add3A_234 : i32 to index
      %swap3A_238 = arith.constant 16 : index
      %swap3A_239 = tpu.vector_load %arg28[%swap3A_237, %swap3A_238] {strides = array<i32>} : memref<80x64xf32, #tpu.memory_space<vmem>>, vector<16xf32>,
      tpu.vector_store %arg28[%swap3A_237, %swap3A_238], %broadcast_in_dim3A_0 {strides = array<i32>} : memref<80x64xf32, #tpu.memory_space<vmem>>, vector<16xf32>,
      %swap3A_240 = arith.index_cast %add3A_234 : i32 to index
      %swap3A_241 = arith.constant 32 : index
      %swap3A_242 = tpu.vector_load %arg28[%swap3A_240, %swap3A_241] {strides = array<i32>} : memref<80x64xf32, #tpu.memory_space<vmem>>, vector<16xf32>,
      tpu.vector_store %arg28[%swap3A_240, %swap3A_241], %broadcast_in_dim3A_0 {strides = array<i32>} : memref<80x64xf32, #tpu.memory_space<vmem>>, vector<16xf32>,
      %swap3A_243 = arith.index_cast %add3A_234 : i32 to index
      %swap3A_244 = arith.constant 48 : index
      %swap3A_245 = tpu.vector_load %arg28[%swap3A_243, %swap3A_244] {strides = array<i32>} : memref<80x64xf32, #tpu.memory_space<vmem>>, vector<16xf32>,
      tpu.vector_store %arg28[%swap3A_243, %swap3A_244], %broadcast_in_dim3A_0 {strides = array<i32>} : memref<80x64xf32, #tpu.memory_space<vmem>>, vector<16xf32>,
    }
    %scan3A_4 = arith.constant 80 : i32
    %scan3A_5 = arith.constant 0 : i32
    %scan3A_6 = arith.constant 64 : i32
    %scan3A_7 = arith.addi %scan3A_5, %scan3A_6 : i32
    %scan3A_8 = arith.constant 1 : i32
    scf.for %scan3A_230 = %scan3A_5 to %scan3A_7 step %scan3A_8  : i32 {
      %mul3A_231 = arith.constant 1 : i32
      %mul3A_232 = arith.muli %scan3A_230, %mul3A_231 : i32
      %add3A_233 = arith.constant 0 : i32
      %add3A_234 = arith.addi %add3A_233, %mul3A_232 : i32
      %mul3A_235 = arith.constant 16 : i32
      %mul3A_236 = arith.muli %add3A_234, %mul3A_235 : i32
      %swap3A = arith.index_cast %mul3A_236 : i32 to index
      %swap3A_237 = tpu.vector_load %arg33[%swap3A] {strides = array<i32>} : memref<1024xf32, #tpu.memory_space<vmem>>, vector<16xf32>,
      tpu.vector_store %arg33[%swap3A], %broadcast_in_dim3A_0 {strides = array<i32>} : memref<1024xf32, #tpu.memory_space<vmem>>, vector<16xf32>,
    }
    %scan3A_9 = arith.constant 64 : i32
    %mul3A = arith.constant 625 : i32
    %mul3A_10 = arith.muli %arg1, %mul3A : i32
    %add3A = arith.constant 0 : i32
    %add3A_11 = arith.addi %mul3A_10, %add3A : i32
    "tpu.region"() ({
      %run_scoped3A = tpu.sem_alloc : memref<!tpu.dma_semaphore, #tpu.memory_space<semaphore_mem>>
      %dma_start3A_230 = arith.constant 0 : i32
      %dma_start3A_231 = tpu.memref_slice %arg34[%add3A_11, %dma_start3A_230] : memref<10000x64xf32, #tpu.memory_space<vmem_shared>> -> memref<80x64xf32, #tpu.memory_space<vmem_shared>>
      %dma_start3A_232 = arith.constant 0 : i32
      %dma_start3A_233 = tpu.memref_slice %arg34[%add3A_11, %dma_start3A_232] : memref<10000x64xf32, #tpu.memory_space<vmem_shared>> -> memref<80x64xf32, #tpu.memory_space<vmem_shared>>
      tpu.enqueue_dma source(%arg28 : memref<80x64xf32, #tpu.memory_space<vmem>>) target(%dma_start3A_233 : memref<80x64xf32, #tpu.memory_space<vmem_shared>>) target_semaphore(%run_scoped3A : memref<!tpu.dma_semaphore, #tpu.memory_space<semaphore_mem>>)
      %dma_wait3A_234 = arith.constant 0 : i32
      %dma_wait3A_235 = tpu.memref_slice %arg34[%add3A_11, %dma_wait3A_234] : memref<10000x64xf32, #tpu.memory_space<vmem_shared>> -> memref<80x64xf32, #tpu.memory_space<vmem_shared>>
      %dma_wait3A_236 = arith.constant 0 : i32
      %dma_wait3A_237 = tpu.memref_slice %arg34[%add3A_11, %dma_wait3A_236] : memref<10000x64xf32, #tpu.memory_space<vmem_shared>> -> memref<80x64xf32, #tpu.memory_space<vmem_shared>>
      tpu.wait_dma2 semaphore(%run_scoped3A : memref<!tpu.dma_semaphore, #tpu.memory_space<semaphore_mem>>) src(%arg28 : memref<80x64xf32, #tpu.memory_space<vmem>>) dst(%dma_wait3A_237 : memref<80x64xf32, #tpu.memory_space<vmem_shared>>)
      tpu.yield
    }) : () -> ()
    %mul3A_12 = arith.constant 625 : i32
    %mul3A_13 = arith.muli %arg1, %mul3A_12 : i32
    %add3A_14 = arith.constant 80 : i32
    %add3A_15 = arith.addi %mul3A_13, %add3A_14 : i32
    "tpu.region"() ({
      %run_scoped3A = tpu.sem_alloc : memref<!tpu.dma_semaphore, #tpu.memory_space<semaphore_mem>>
      %dma_start3A_230 = arith.constant 0 : i32
      %dma_start3A_231 = tpu.memref_slice %arg34[%add3A_15, %dma_start3A_230] : memref<10000x64xf32, #tpu.memory_space<vmem_shared>> -> memref<80x64xf32, #tpu.memory_space<vmem_shared>>
      %dma_start3A_232 = arith.constant 0 : i32
      %dma_start3A_233 = tpu.memref_slice %arg34[%add3A_15, %dma_start3A_232] : memref<10000x64xf32, #tpu.memory_space<vmem_shared>> -> memref<80x64xf32, #tpu.memory_space<vmem_shared>>
      tpu.enqueue_dma source(%arg28 : memref<80x64xf32, #tpu.memory_space<vmem>>) target(%dma_start3A_233 : memref<80x64xf32, #tpu.memory_space<vmem_shared>>) target_semaphore(%run_scoped3A : memref<!tpu.dma_semaphore, #tpu.memory_space<semaphore_mem>>)
      %dma_wait3A_234 = arith.constant 0 : i32
      %dma_wait3A_235 = tpu.memref_slice %arg34[%add3A_15, %dma_wait3A_234] : memref<10000x64xf32, #tpu.memory_space<vmem_shared>> -> memref<80x64xf32, #tpu.memory_space<vmem_shared>>
      %dma_wait3A_236 = arith.constant 0 : i32
      %dma_wait3A_237 = tpu.memref_slice %arg34[%add3A_15, %dma_wait3A_236] : memref<10000x64xf32, #tpu.memory_space<vmem_shared>> -> memref<80x64xf32, #tpu.memory_space<vmem_shared>>
      tpu.wait_dma2 semaphore(%run_scoped3A : memref<!tpu.dma_semaphore, #tpu.memory_space<semaphore_mem>>) src(%arg28 : memref<80x64xf32, #tpu.memory_space<vmem>>) dst(%dma_wait3A_237 : memref<80x64xf32, #tpu.memory_space<vmem_shared>>)
      tpu.yield
    }) : () -> ()
    %mul3A_16 = arith.constant 625 : i32
    %mul3A_17 = arith.muli %arg1, %mul3A_16 : i32
    %add3A_18 = arith.constant 160 : i32
    %add3A_19 = arith.addi %mul3A_17, %add3A_18 : i32
    "tpu.region"() ({
      %run_scoped3A = tpu.sem_alloc : memref<!tpu.dma_semaphore, #tpu.memory_space<semaphore_mem>>
      %dma_start3A_230 = arith.constant 0 : i32
      %dma_start3A_231 = tpu.memref_slice %arg34[%add3A_19, %dma_start3A_230] : memref<10000x64xf32, #tpu.memory_space<vmem_shared>> -> memref<80x64xf32, #tpu.memory_space<vmem_shared>>
      %dma_start3A_232 = arith.constant 0 : i32
      %dma_start3A_233 = tpu.memref_slice %arg34[%add3A_19, %dma_start3A_232] : memref<10000x64xf32, #tpu.memory_space<vmem_shared>> -> memref<80x64xf32, #tpu.memory_space<vmem_shared>>
      tpu.enqueue_dma source(%arg28 : memref<80x64xf32, #tpu.memory_space<vmem>>) target(%dma_start3A_233 : memref<80x64xf32, #tpu.memory_space<vmem_shared>>) target_semaphore(%run_scoped3A : memref<!tpu.dma_semaphore, #tpu.memory_space<semaphore_mem>>)
      %dma_wait3A_234 = arith.constant 0 : i32
      %dma_wait3A_235 = tpu.memref_slice %arg34[%add3A_19, %dma_wait3A_234] : memref<10000x64xf32, #tpu.memory_space<vmem_shared>> -> memref<80x64xf32, #tpu.memory_space<vmem_shared>>
      %dma_wait3A_236 = arith.constant 0 : i32
      %dma_wait3A_237 = tpu.memref_slice %arg34[%add3A_19, %dma_wait3A_236] : memref<10000x64xf32, #tpu.memory_space<vmem_shared>> -> memref<80x64xf32, #tpu.memory_space<vmem_shared>>
      tpu.wait_dma2 semaphore(%run_scoped3A : memref<!tpu.dma_semaphore, #tpu.memory_space<semaphore_mem>>) src(%arg28 : memref<80x64xf32, #tpu.memory_space<vmem>>) dst(%dma_wait3A_237 : memref<80x64xf32, #tpu.memory_space<vmem_shared>>)
      tpu.yield
    }) : () -> ()
    %mul3A_20 = arith.constant 625 : i32
    %mul3A_21 = arith.muli %arg1, %mul3A_20 : i32
    %add3A_22 = arith.constant 240 : i32
    %add3A_23 = arith.addi %mul3A_21, %add3A_22 : i32
    "tpu.region"() ({
      %run_scoped3A = tpu.sem_alloc : memref<!tpu.dma_semaphore, #tpu.memory_space<semaphore_mem>>
      %dma_start3A_230 = arith.constant 0 : i32
      %dma_start3A_231 = tpu.memref_slice %arg34[%add3A_23, %dma_start3A_230] : memref<10000x64xf32, #tpu.memory_space<vmem_shared>> -> memref<80x64xf32, #tpu.memory_space<vmem_shared>>
      %dma_start3A_232 = arith.constant 0 : i32
      %dma_start3A_233 = tpu.memref_slice %arg34[%add3A_23, %dma_start3A_232] : memref<10000x64xf32, #tpu.memory_space<vmem_shared>> -> memref<80x64xf32, #tpu.memory_space<vmem_shared>>
      tpu.enqueue_dma source(%arg28 : memref<80x64xf32, #tpu.memory_space<vmem>>) target(%dma_start3A_233 : memref<80x64xf32, #tpu.memory_space<vmem_shared>>) target_semaphore(%run_scoped3A : memref<!tpu.dma_semaphore, #tpu.memory_space<semaphore_mem>>)
      %dma_wait3A_234 = arith.constant 0 : i32
      %dma_wait3A_235 = tpu.memref_slice %arg34[%add3A_23, %dma_wait3A_234] : memref<10000x64xf32, #tpu.memory_space<vmem_shared>> -> memref<80x64xf32, #tpu.memory_space<vmem_shared>>
      %dma_wait3A_236 = arith.constant 0 : i32
      %dma_wait3A_237 = tpu.memref_slice %arg34[%add3A_23, %dma_wait3A_236] : memref<10000x64xf32, #tpu.memory_space<vmem_shared>> -> memref<80x64xf32, #tpu.memory_space<vmem_shared>>
      tpu.wait_dma2 semaphore(%run_scoped3A : memref<!tpu.dma_semaphore, #tpu.memory_space<semaphore_mem>>) src(%arg28 : memref<80x64xf32, #tpu.memory_space<vmem>>) dst(%dma_wait3A_237 : memref<80x64xf32, #tpu.memory_space<vmem_shared>>)
      tpu.yield
    }) : () -> ()
    %mul3A_24 = arith.constant 625 : i32
    %mul3A_25 = arith.muli %arg1, %mul3A_24 : i32
    %add3A_26 = arith.constant 320 : i32
    %add3A_27 = arith.addi %mul3A_25, %add3A_26 : i32
    "tpu.region"() ({
      %run_scoped3A = tpu.sem_alloc : memref<!tpu.dma_semaphore, #tpu.memory_space<semaphore_mem>>
      %dma_start3A_230 = arith.constant 0 : i32
      %dma_start3A_231 = tpu.memref_slice %arg34[%add3A_27, %dma_start3A_230] : memref<10000x64xf32, #tpu.memory_space<vmem_shared>> -> memref<80x64xf32, #tpu.memory_space<vmem_shared>>
      %dma_start3A_232 = arith.constant 0 : i32
      %dma_start3A_233 = tpu.memref_slice %arg34[%add3A_27, %dma_start3A_232] : memref<10000x64xf32, #tpu.memory_space<vmem_shared>> -> memref<80x64xf32, #tpu.memory_space<vmem_shared>>
      tpu.enqueue_dma source(%arg28 : memref<80x64xf32, #tpu.memory_space<vmem>>) target(%dma_start3A_233 : memref<80x64xf32, #tpu.memory_space<vmem_shared>>) target_semaphore(%run_scoped3A : memref<!tpu.dma_semaphore, #tpu.memory_space<semaphore_mem>>)
      %dma_wait3A_234 = arith.constant 0 : i32
      %dma_wait3A_235 = tpu.memref_slice %arg34[%add3A_27, %dma_wait3A_234] : memref<10000x64xf32, #tpu.memory_space<vmem_shared>> -> memref<80x64xf32, #tpu.memory_space<vmem_shared>>
      %dma_wait3A_236 = arith.constant 0 : i32
      %dma_wait3A_237 = tpu.memref_slice %arg34[%add3A_27, %dma_wait3A_236] : memref<10000x64xf32, #tpu.memory_space<vmem_shared>> -> memref<80x64xf32, #tpu.memory_space<vmem_shared>>
      tpu.wait_dma2 semaphore(%run_scoped3A : memref<!tpu.dma_semaphore, #tpu.memory_space<semaphore_mem>>) src(%arg28 : memref<80x64xf32, #tpu.memory_space<vmem>>) dst(%dma_wait3A_237 : memref<80x64xf32, #tpu.memory_space<vmem_shared>>)
      tpu.yield
    }) : () -> ()
    %mul3A_28 = arith.constant 625 : i32
    %mul3A_29 = arith.muli %arg1, %mul3A_28 : i32
    %add3A_30 = arith.constant 400 : i32
    %add3A_31 = arith.addi %mul3A_29, %add3A_30 : i32
    "tpu.region"() ({
      %run_scoped3A = tpu.sem_alloc : memref<!tpu.dma_semaphore, #tpu.memory_space<semaphore_mem>>
      %dma_start3A_230 = arith.constant 0 : i32
      %dma_start3A_231 = tpu.memref_slice %arg34[%add3A_31, %dma_start3A_230] : memref<10000x64xf32, #tpu.memory_space<vmem_shared>> -> memref<80x64xf32, #tpu.memory_space<vmem_shared>>
      %dma_start3A_232 = arith.constant 0 : i32
      %dma_start3A_233 = tpu.memref_slice %arg34[%add3A_31, %dma_start3A_232] : memref<10000x64xf32, #tpu.memory_space<vmem_shared>> -> memref<80x64xf32, #tpu.memory_space<vmem_shared>>
      tpu.enqueue_dma source(%arg28 : memref<80x64xf32, #tpu.memory_space<vmem>>) target(%dma_start3A_233 : memref<80x64xf32, #tpu.memory_space<vmem_shared>>) target_semaphore(%run_scoped3A : memref<!tpu.dma_semaphore, #tpu.memory_space<semaphore_mem>>)
      %dma_wait3A_234 = arith.constant 0 : i32
      %dma_wait3A_235 = tpu.memref_slice %arg34[%add3A_31, %dma_wait3A_234] : memref<10000x64xf32, #tpu.memory_space<vmem_shared>> -> memref<80x64xf32, #tpu.memory_space<vmem_shared>>
      %dma_wait3A_236 = arith.constant 0 : i32
      %dma_wait3A_237 = tpu.memref_slice %arg34[%add3A_31, %dma_wait3A_236] : memref<10000x64xf32, #tpu.memory_space<vmem_shared>> -> memref<80x64xf32, #tpu.memory_space<vmem_shared>>
      tpu.wait_dma2 semaphore(%run_scoped3A : memref<!tpu.dma_semaphore, #tpu.memory_space<semaphore_mem>>) src(%arg28 : memref<80x64xf32, #tpu.memory_space<vmem>>) dst(%dma_wait3A_237 : memref<80x64xf32, #tpu.memory_space<vmem_shared>>)
      tpu.yield
    }) : () -> ()
    %mul3A_32 = arith.constant 625 : i32
    %mul3A_33 = arith.muli %arg1, %mul3A_32 : i32
    %add3A_34 = arith.constant 480 : i32
    %add3A_35 = arith.addi %mul3A_33, %add3A_34 : i32
    "tpu.region"() ({
      %run_scoped3A = tpu.sem_alloc : memref<!tpu.dma_semaphore, #tpu.memory_space<semaphore_mem>>
      %dma_start3A_230 = arith.constant 0 : i32
      %dma_start3A_231 = tpu.memref_slice %arg34[%add3A_35, %dma_start3A_230] : memref<10000x64xf32, #tpu.memory_space<vmem_shared>> -> memref<80x64xf32, #tpu.memory_space<vmem_shared>>
      %dma_start3A_232 = arith.constant 0 : i32
      %dma_start3A_233 = tpu.memref_slice %arg34[%add3A_35, %dma_start3A_232] : memref<10000x64xf32, #tpu.memory_space<vmem_shared>> -> memref<80x64xf32, #tpu.memory_space<vmem_shared>>
      tpu.enqueue_dma source(%arg28 : memref<80x64xf32, #tpu.memory_space<vmem>>) target(%dma_start3A_233 : memref<80x64xf32, #tpu.memory_space<vmem_shared>>) target_semaphore(%run_scoped3A : memref<!tpu.dma_semaphore, #tpu.memory_space<semaphore_mem>>)
      %dma_wait3A_234 = arith.constant 0 : i32
      %dma_wait3A_235 = tpu.memref_slice %arg34[%add3A_35, %dma_wait3A_234] : memref<10000x64xf32, #tpu.memory_space<vmem_shared>> -> memref<80x64xf32, #tpu.memory_space<vmem_shared>>
      %dma_wait3A_236 = arith.constant 0 : i32
      %dma_wait3A_237 = tpu.memref_slice %arg34[%add3A_35, %dma_wait3A_236] : memref<10000x64xf32, #tpu.memory_space<vmem_shared>> -> memref<80x64xf32, #tpu.memory_space<vmem_shared>>
      tpu.wait_dma2 semaphore(%run_scoped3A : memref<!tpu.dma_semaphore, #tpu.memory_space<semaphore_mem>>) src(%arg28 : memref<80x64xf32, #tpu.memory_space<vmem>>) dst(%dma_wait3A_237 : memref<80x64xf32, #tpu.memory_space<vmem_shared>>)
      tpu.yield
    }) : () -> ()
    %mul3A_36 = arith.constant 625 : i32
    %mul3A_37 = arith.muli %arg1, %mul3A_36 : i32
    %add3A_38 = arith.constant 560 : i32
    %add3A_39 = arith.addi %mul3A_37, %add3A_38 : i32
    "tpu.region"() ({
      %run_scoped3A = tpu.sem_alloc : memref<!tpu.dma_semaphore, #tpu.memory_space<semaphore_mem>>
      %dma_start3A_230 = arith.constant 0 : i32
      %dma_start3A_231 = arith.constant 0 : i32
      %dma_start3A_232 = tpu.memref_slice %arg28[%dma_start3A_230, %dma_start3A_231] : memref<80x64xf32, #tpu.memory_space<vmem>> -> memref<65x64xf32, #tpu.memory_space<vmem>>
      %dma_start3A_233 = arith.constant 0 : i32
      %dma_start3A_234 = tpu.memref_slice %arg34[%add3A_39, %dma_start3A_233] : memref<10000x64xf32, #tpu.memory_space<vmem_shared>> -> memref<65x64xf32, #tpu.memory_space<vmem_shared>>
      %dma_start3A_235 = arith.constant 0 : i32
      %dma_start3A_236 = tpu.memref_slice %arg34[%add3A_39, %dma_start3A_235] : memref<10000x64xf32, #tpu.memory_space<vmem_shared>> -> memref<65x64xf32, #tpu.memory_space<vmem_shared>>
      %dma_start3A_237 = arith.constant 0 : i32
      %dma_start3A_238 = arith.constant 0 : i32
      %dma_start3A_239 = tpu.memref_slice %arg28[%dma_start3A_237, %dma_start3A_238] : memref<80x64xf32, #tpu.memory_space<vmem>> -> memref<65x64xf32, #tpu.memory_space<vmem>>
      tpu.enqueue_dma source(%dma_start3A_239 : memref<65x64xf32, #tpu.memory_space<vmem>>) target(%dma_start3A_236 : memref<65x64xf32, #tpu.memory_space<vmem_shared>>) target_semaphore(%run_scoped3A : memref<!tpu.dma_semaphore, #tpu.memory_space<semaphore_mem>>)
      %dma_wait3A_240 = arith.constant 0 : i32
      %dma_wait3A_241 = arith.constant 0 : i32
      %dma_wait3A_242 = tpu.memref_slice %arg28[%dma_wait3A_240, %dma_wait3A_241] : memref<80x64xf32, #tpu.memory_space<vmem>> -> memref<65x64xf32, #tpu.memory_space<vmem>>
      %dma_wait3A_243 = arith.constant 0 : i32
      %dma_wait3A_244 = tpu.memref_slice %arg34[%add3A_39, %dma_wait3A_243] : memref<10000x64xf32, #tpu.memory_space<vmem_shared>> -> memref<65x64xf32, #tpu.memory_space<vmem_shared>>
      %dma_wait3A_245 = arith.constant 0 : i32
      %dma_wait3A_246 = tpu.memref_slice %arg34[%add3A_39, %dma_wait3A_245] : memref<10000x64xf32, #tpu.memory_space<vmem_shared>> -> memref<65x64xf32, #tpu.memory_space<vmem_shared>>
      %dma_wait3A_247 = arith.constant 0 : i32
      %dma_wait3A_248 = arith.constant 0 : i32
      %dma_wait3A_249 = tpu.memref_slice %arg28[%dma_wait3A_247, %dma_wait3A_248] : memref<80x64xf32, #tpu.memory_space<vmem>> -> memref<65x64xf32, #tpu.memory_space<vmem>>
      tpu.wait_dma2 semaphore(%run_scoped3A : memref<!tpu.dma_semaphore, #tpu.memory_space<semaphore_mem>>) src(%dma_wait3A_249 : memref<65x64xf32, #tpu.memory_space<vmem>>) dst(%dma_wait3A_246 : memref<65x64xf32, #tpu.memory_space<vmem_shared>>)
      tpu.yield
    }) : () -> ()
    %mul3A_40 = arith.constant 5120 : i32
    %mul3A_41 = arith.muli %arg1, %mul3A_40 : i32
    %add3A_42 = arith.constant 0 : i32
    %add3A_43 = arith.addi %mul3A_41, %add3A_42 : i32
    "tpu.region"() ({
      %run_scoped3A = tpu.sem_alloc : memref<!tpu.dma_semaphore, #tpu.memory_space<semaphore_mem>>
      %dma_start3A_230 = arith.constant 0 : i32
      %dma_start3A_231 = tpu.memref_slice %arg33[%dma_start3A_230] : memref<1024xf32, #tpu.memory_space<vmem>> -> memref<640xf32, #tpu.memory_space<vmem>>
      %dma_start3A_232 = tpu.memref_slice %arg35[%add3A_43] : memref<81920xf32, #tpu.memory_space<vmem_shared>> -> memref<640xf32, #tpu.memory_space<vmem_shared>>
      %dma_start3A_233 = tpu.memref_slice %arg35[%add3A_43] : memref<81920xf32, #tpu.memory_space<vmem_shared>> -> memref<640xf32, #tpu.memory_space<vmem_shared>>
      %dma_start3A_234 = arith.constant 0 : i32
      %dma_start3A_235 = tpu.memref_slice %arg33[%dma_start3A_234] : memref<1024xf32, #tpu.memory_space<vmem>> -> memref<640xf32, #tpu.memory_space<vmem>>
      tpu.enqueue_dma source(%dma_start3A_235 : memref<640xf32, #tpu.memory_space<vmem>>) target(%dma_start3A_233 : memref<640xf32, #tpu.memory_space<vmem_shared>>) target_semaphore(%run_scoped3A : memref<!tpu.dma_semaphore, #tpu.memory_space<semaphore_mem>>)
      %dma_wait3A_236 = arith.constant 0 : i32
      %dma_wait3A_237 = tpu.memref_slice %arg33[%dma_wait3A_236] : memref<1024xf32, #tpu.memory_space<vmem>> -> memref<640xf32, #tpu.memory_space<vmem>>
      %dma_wait3A_238 = tpu.memref_slice %arg35[%add3A_43] : memref<81920xf32, #tpu.memory_space<vmem_shared>> -> memref<640xf32, #tpu.memory_space<vmem_shared>>
      %dma_wait3A_239 = tpu.memref_slice %arg35[%add3A_43] : memref<81920xf32, #tpu.memory_space<vmem_shared>> -> memref<640xf32, #tpu.memory_space<vmem_shared>>
      %dma_wait3A_240 = arith.constant 0 : i32
      %dma_wait3A_241 = tpu.memref_slice %arg33[%dma_wait3A_240] : memref<1024xf32, #tpu.memory_space<vmem>> -> memref<640xf32, #tpu.memory_space<vmem>>
      tpu.wait_dma2 semaphore(%run_scoped3A : memref<!tpu.dma_semaphore, #tpu.memory_space<semaphore_mem>>) src(%dma_wait3A_241 : memref<640xf32, #tpu.memory_space<vmem>>) dst(%dma_wait3A_239 : memref<640xf32, #tpu.memory_space<vmem_shared>>)
      tpu.yield
    }) : () -> ()
    %mul3A_44 = arith.constant 5120 : i32
    %mul3A_45 = arith.muli %arg1, %mul3A_44 : i32
    %add3A_46 = arith.constant 640 : i32
    %add3A_47 = arith.addi %mul3A_45, %add3A_46 : i32
    "tpu.region"() ({
      %run_scoped3A = tpu.sem_alloc : memref<!tpu.dma_semaphore, #tpu.memory_space<semaphore_mem>>
      %dma_start3A_230 = arith.constant 0 : i32
      %dma_start3A_231 = tpu.memref_slice %arg33[%dma_start3A_230] : memref<1024xf32, #tpu.memory_space<vmem>> -> memref<640xf32, #tpu.memory_space<vmem>>
      %dma_start3A_232 = tpu.memref_slice %arg35[%add3A_47] : memref<81920xf32, #tpu.memory_space<vmem_shared>> -> memref<640xf32, #tpu.memory_space<vmem_shared>>
      %dma_start3A_233 = tpu.memref_slice %arg35[%add3A_47] : memref<81920xf32, #tpu.memory_space<vmem_shared>> -> memref<640xf32, #tpu.memory_space<vmem_shared>>
      %dma_start3A_234 = arith.constant 0 : i32
      %dma_start3A_235 = tpu.memref_slice %arg33[%dma_start3A_234] : memref<1024xf32, #tpu.memory_space<vmem>> -> memref<640xf32, #tpu.memory_space<vmem>>
      tpu.enqueue_dma source(%dma_start3A_235 : memref<640xf32, #tpu.memory_space<vmem>>) target(%dma_start3A_233 : memref<640xf32, #tpu.memory_space<vmem_shared>>) target_semaphore(%run_scoped3A : memref<!tpu.dma_semaphore, #tpu.memory_space<semaphore_mem>>)
      %dma_wait3A_236 = arith.constant 0 : i32
      %dma_wait3A_237 = tpu.memref_slice %arg33[%dma_wait3A_236] : memref<1024xf32, #tpu.memory_space<vmem>> -> memref<640xf32, #tpu.memory_space<vmem>>
      %dma_wait3A_238 = tpu.memref_slice %arg35[%add3A_47] : memref<81920xf32, #tpu.memory_space<vmem_shared>> -> memref<640xf32, #tpu.memory_space<vmem_shared>>
      %dma_wait3A_239 = tpu.memref_slice %arg35[%add3A_47] : memref<81920xf32, #tpu.memory_space<vmem_shared>> -> memref<640xf32, #tpu.memory_space<vmem_shared>>
      %dma_wait3A_240 = arith.constant 0 : i32
      %dma_wait3A_241 = tpu.memref_slice %arg33[%dma_wait3A_240] : memref<1024xf32, #tpu.memory_space<vmem>> -> memref<640xf32, #tpu.memory_space<vmem>>
      tpu.wait_dma2 semaphore(%run_scoped3A : memref<!tpu.dma_semaphore, #tpu.memory_space<semaphore_mem>>) src(%dma_wait3A_241 : memref<640xf32, #tpu.memory_space<vmem>>) dst(%dma_wait3A_239 : memref<640xf32, #tpu.memory_space<vmem_shared>>)
      tpu.yield
    }) : () -> ()
    %mul3A_48 = arith.constant 5120 : i32
    %mul3A_49 = arith.muli %arg1, %mul3A_48 : i32
    %add3A_50 = arith.constant 1280 : i32
    %add3A_51 = arith.addi %mul3A_49, %add3A_50 : i32
    "tpu.region"() ({
      %run_scoped3A = tpu.sem_alloc : memref<!tpu.dma_semaphore, #tpu.memory_space<semaphore_mem>>
      %dma_start3A_230 = arith.constant 0 : i32
      %dma_start3A_231 = tpu.memref_slice %arg33[%dma_start3A_230] : memref<1024xf32, #tpu.memory_space<vmem>> -> memref<640xf32, #tpu.memory_space<vmem>>
      %dma_start3A_232 = tpu.memref_slice %arg35[%add3A_51] : memref<81920xf32, #tpu.memory_space<vmem_shared>> -> memref<640xf32, #tpu.memory_space<vmem_shared>>
      %dma_start3A_233 = tpu.memref_slice %arg35[%add3A_51] : memref<81920xf32, #tpu.memory_space<vmem_shared>> -> memref<640xf32, #tpu.memory_space<vmem_shared>>
      %dma_start3A_234 = arith.constant 0 : i32
      %dma_start3A_235 = tpu.memref_slice %arg33[%dma_start3A_234] : memref<1024xf32, #tpu.memory_space<vmem>> -> memref<640xf32, #tpu.memory_space<vmem>>
      tpu.enqueue_dma source(%dma_start3A_235 : memref<640xf32, #tpu.memory_space<vmem>>) target(%dma_start3A_233 : memref<640xf32, #tpu.memory_space<vmem_shared>>) target_semaphore(%run_scoped3A : memref<!tpu.dma_semaphore, #tpu.memory_space<semaphore_mem>>)
      %dma_wait3A_236 = arith.constant 0 : i32
      %dma_wait3A_237 = tpu.memref_slice %arg33[%dma_wait3A_236] : memref<1024xf32, #tpu.memory_space<vmem>> -> memref<640xf32, #tpu.memory_space<vmem>>
      %dma_wait3A_238 = tpu.memref_slice %arg35[%add3A_51] : memref<81920xf32, #tpu.memory_space<vmem_shared>> -> memref<640xf32, #tpu.memory_space<vmem_shared>>
      %dma_wait3A_239 = tpu.memref_slice %arg35[%add3A_51] : memref<81920xf32, #tpu.memory_space<vmem_shared>> -> memref<640xf32, #tpu.memory_space<vmem_shared>>
      %dma_wait3A_240 = arith.constant 0 : i32
      %dma_wait3A_241 = tpu.memref_slice %arg33[%dma_wait3A_240] : memref<1024xf32, #tpu.memory_space<vmem>> -> memref<640xf32, #tpu.memory_space<vmem>>
      tpu.wait_dma2 semaphore(%run_scoped3A : memref<!tpu.dma_semaphore, #tpu.memory_space<semaphore_mem>>) src(%dma_wait3A_241 : memref<640xf32, #tpu.memory_space<vmem>>) dst(%dma_wait3A_239 : memref<640xf32, #tpu.memory_space<vmem_shared>>)
      tpu.yield
    }) : () -> ()
    %mul3A_52 = arith.constant 5120 : i32
    %mul3A_53 = arith.muli %arg1, %mul3A_52 : i32
    %add3A_54 = arith.constant 1920 : i32
    %add3A_55 = arith.addi %mul3A_53, %add3A_54 : i32
    "tpu.region"() ({
      %run_scoped3A = tpu.sem_alloc : memref<!tpu.dma_semaphore, #tpu.memory_space<semaphore_mem>>
      %dma_start3A_230 = arith.constant 0 : i32
      %dma_start3A_231 = tpu.memref_slice %arg33[%dma_start3A_230] : memref<1024xf32, #tpu.memory_space<vmem>> -> memref<640xf32, #tpu.memory_space<vmem>>
      %dma_start3A_232 = tpu.memref_slice %arg35[%add3A_55] : memref<81920xf32, #tpu.memory_space<vmem_shared>> -> memref<640xf32, #tpu.memory_space<vmem_shared>>
      %dma_start3A_233 = tpu.memref_slice %arg35[%add3A_55] : memref<81920xf32, #tpu.memory_space<vmem_shared>> -> memref<640xf32, #tpu.memory_space<vmem_shared>>
      %dma_start3A_234 = arith.constant 0 : i32
      %dma_start3A_235 = tpu.memref_slice %arg33[%dma_start3A_234] : memref<1024xf32, #tpu.memory_space<vmem>> -> memref<640xf32, #tpu.memory_space<vmem>>
      tpu.enqueue_dma source(%dma_start3A_235 : memref<640xf32, #tpu.memory_space<vmem>>) target(%dma_start3A_233 : memref<640xf32, #tpu.memory_space<vmem_shared>>) target_semaphore(%run_scoped3A : memref<!tpu.dma_semaphore, #tpu.memory_space<semaphore_mem>>)
      %dma_wait3A_236 = arith.constant 0 : i32
      %dma_wait3A_237 = tpu.memref_slice %arg33[%dma_wait3A_236] : memref<1024xf32, #tpu.memory_space<vmem>> -> memref<640xf32, #tpu.memory_space<vmem>>
      %dma_wait3A_238 = tpu.memref_slice %arg35[%add3A_55] : memref<81920xf32, #tpu.memory_space<vmem_shared>> -> memref<640xf32, #tpu.memory_space<vmem_shared>>
      %dma_wait3A_239 = tpu.memref_slice %arg35[%add3A_55] : memref<81920xf32, #tpu.memory_space<vmem_shared>> -> memref<640xf32, #tpu.memory_space<vmem_shared>>
      %dma_wait3A_240 = arith.constant 0 : i32
      %dma_wait3A_241 = tpu.memref_slice %arg33[%dma_wait3A_240] : memref<1024xf32, #tpu.memory_space<vmem>> -> memref<640xf32, #tpu.memory_space<vmem>>
      tpu.wait_dma2 semaphore(%run_scoped3A : memref<!tpu.dma_semaphore, #tpu.memory_space<semaphore_mem>>) src(%dma_wait3A_241 : memref<640xf32, #tpu.memory_space<vmem>>) dst(%dma_wait3A_239 : memref<640xf32, #tpu.memory_space<vmem_shared>>)
      tpu.yield
    }) : () -> ()
    %mul3A_56 = arith.constant 5120 : i32
    %mul3A_57 = arith.muli %arg1, %mul3A_56 : i32
    %add3A_58 = arith.constant 2560 : i32
    %add3A_59 = arith.addi %mul3A_57, %add3A_58 : i32
    "tpu.region"() ({
      %run_scoped3A = tpu.sem_alloc : memref<!tpu.dma_semaphore, #tpu.memory_space<semaphore_mem>>
      %dma_start3A_230 = arith.constant 0 : i32
      %dma_start3A_231 = tpu.memref_slice %arg33[%dma_start3A_230] : memref<1024xf32, #tpu.memory_space<vmem>> -> memref<640xf32, #tpu.memory_space<vmem>>
      %dma_start3A_232 = tpu.memref_slice %arg35[%add3A_59] : memref<81920xf32, #tpu.memory_space<vmem_shared>> -> memref<640xf32, #tpu.memory_space<vmem_shared>>
      %dma_start3A_233 = tpu.memref_slice %arg35[%add3A_59] : memref<81920xf32, #tpu.memory_space<vmem_shared>> -> memref<640xf32, #tpu.memory_space<vmem_shared>>
      %dma_start3A_234 = arith.constant 0 : i32
      %dma_start3A_235 = tpu.memref_slice %arg33[%dma_start3A_234] : memref<1024xf32, #tpu.memory_space<vmem>> -> memref<640xf32, #tpu.memory_space<vmem>>
      tpu.enqueue_dma source(%dma_start3A_235 : memref<640xf32, #tpu.memory_space<vmem>>) target(%dma_start3A_233 : memref<640xf32, #tpu.memory_space<vmem_shared>>) target_semaphore(%run_scoped3A : memref<!tpu.dma_semaphore, #tpu.memory_space<semaphore_mem>>)
      %dma_wait3A_236 = arith.constant 0 : i32
      %dma_wait3A_237 = tpu.memref_slice %arg33[%dma_wait3A_236] : memref<1024xf32, #tpu.memory_space<vmem>> -> memref<640xf32, #tpu.memory_space<vmem>>
      %dma_wait3A_238 = tpu.memref_slice %arg35[%add3A_59] : memref<81920xf32, #tpu.memory_space<vmem_shared>> -> memref<640xf32, #tpu.memory_space<vmem_shared>>
      %dma_wait3A_239 = tpu.memref_slice %arg35[%add3A_59] : memref<81920xf32, #tpu.memory_space<vmem_shared>> -> memref<640xf32, #tpu.memory_space<vmem_shared>>
      %dma_wait3A_240 = arith.constant 0 : i32
      %dma_wait3A_241 = tpu.memref_slice %arg33[%dma_wait3A_240] : memref<1024xf32, #tpu.memory_space<vmem>> -> memref<640xf32, #tpu.memory_space<vmem>>
      tpu.wait_dma2 semaphore(%run_scoped3A : memref<!tpu.dma_semaphore, #tpu.memory_space<semaphore_mem>>) src(%dma_wait3A_241 : memref<640xf32, #tpu.memory_space<vmem>>) dst(%dma_wait3A_239 : memref<640xf32, #tpu.memory_space<vmem_shared>>)
      tpu.yield
    }) : () -> ()
    %mul3A_60 = arith.constant 5120 : i32
    %mul3A_61 = arith.muli %arg1, %mul3A_60 : i32
    %add3A_62 = arith.constant 3200 : i32
    %add3A_63 = arith.addi %mul3A_61, %add3A_62 : i32
    "tpu.region"() ({
      %run_scoped3A = tpu.sem_alloc : memref<!tpu.dma_semaphore, #tpu.memory_space<semaphore_mem>>
      %dma_start3A_230 = arith.constant 0 : i32
      %dma_start3A_231 = tpu.memref_slice %arg33[%dma_start3A_230] : memref<1024xf32, #tpu.memory_space<vmem>> -> memref<640xf32, #tpu.memory_space<vmem>>
      %dma_start3A_232 = tpu.memref_slice %arg35[%add3A_63] : memref<81920xf32, #tpu.memory_space<vmem_shared>> -> memref<640xf32, #tpu.memory_space<vmem_shared>>
      %dma_start3A_233 = tpu.memref_slice %arg35[%add3A_63] : memref<81920xf32, #tpu.memory_space<vmem_shared>> -> memref<640xf32, #tpu.memory_space<vmem_shared>>
      %dma_start3A_234 = arith.constant 0 : i32
      %dma_start3A_235 = tpu.memref_slice %arg33[%dma_start3A_234] : memref<1024xf32, #tpu.memory_space<vmem>> -> memref<640xf32, #tpu.memory_space<vmem>>
      tpu.enqueue_dma source(%dma_start3A_235 : memref<640xf32, #tpu.memory_space<vmem>>) target(%dma_start3A_233 : memref<640xf32, #tpu.memory_space<vmem_shared>>) target_semaphore(%run_scoped3A : memref<!tpu.dma_semaphore, #tpu.memory_space<semaphore_mem>>)
      %dma_wait3A_236 = arith.constant 0 : i32
      %dma_wait3A_237 = tpu.memref_slice %arg33[%dma_wait3A_236] : memref<1024xf32, #tpu.memory_space<vmem>> -> memref<640xf32, #tpu.memory_space<vmem>>
      %dma_wait3A_238 = tpu.memref_slice %arg35[%add3A_63] : memref<81920xf32, #tpu.memory_space<vmem_shared>> -> memref<640xf32, #tpu.memory_space<vmem_shared>>
      %dma_wait3A_239 = tpu.memref_slice %arg35[%add3A_63] : memref<81920xf32, #tpu.memory_space<vmem_shared>> -> memref<640xf32, #tpu.memory_space<vmem_shared>>
      %dma_wait3A_240 = arith.constant 0 : i32
      %dma_wait3A_241 = tpu.memref_slice %arg33[%dma_wait3A_240] : memref<1024xf32, #tpu.memory_space<vmem>> -> memref<640xf32, #tpu.memory_space<vmem>>
      tpu.wait_dma2 semaphore(%run_scoped3A : memref<!tpu.dma_semaphore, #tpu.memory_space<semaphore_mem>>) src(%dma_wait3A_241 : memref<640xf32, #tpu.memory_space<vmem>>) dst(%dma_wait3A_239 : memref<640xf32, #tpu.memory_space<vmem_shared>>)
      tpu.yield
    }) : () -> ()
    %mul3A_64 = arith.constant 5120 : i32
    %mul3A_65 = arith.muli %arg1, %mul3A_64 : i32
    %add3A_66 = arith.constant 3840 : i32
    %add3A_67 = arith.addi %mul3A_65, %add3A_66 : i32
    "tpu.region"() ({
      %run_scoped3A = tpu.sem_alloc : memref<!tpu.dma_semaphore, #tpu.memory_space<semaphore_mem>>
      %dma_start3A_230 = arith.constant 0 : i32
      %dma_start3A_231 = tpu.memref_slice %arg33[%dma_start3A_230] : memref<1024xf32, #tpu.memory_space<vmem>> -> memref<640xf32, #tpu.memory_space<vmem>>
      %dma_start3A_232 = tpu.memref_slice %arg35[%add3A_67] : memref<81920xf32, #tpu.memory_space<vmem_shared>> -> memref<640xf32, #tpu.memory_space<vmem_shared>>
      %dma_start3A_233 = tpu.memref_slice %arg35[%add3A_67] : memref<81920xf32, #tpu.memory_space<vmem_shared>> -> memref<640xf32, #tpu.memory_space<vmem_shared>>
      %dma_start3A_234 = arith.constant 0 : i32
      %dma_start3A_235 = tpu.memref_slice %arg33[%dma_start3A_234] : memref<1024xf32, #tpu.memory_space<vmem>> -> memref<640xf32, #tpu.memory_space<vmem>>
      tpu.enqueue_dma source(%dma_start3A_235 : memref<640xf32, #tpu.memory_space<vmem>>) target(%dma_start3A_233 : memref<640xf32, #tpu.memory_space<vmem_shared>>) target_semaphore(%run_scoped3A : memref<!tpu.dma_semaphore, #tpu.memory_space<semaphore_mem>>)
      %dma_wait3A_236 = arith.constant 0 : i32
      %dma_wait3A_237 = tpu.memref_slice %arg33[%dma_wait3A_236] : memref<1024xf32, #tpu.memory_space<vmem>> -> memref<640xf32, #tpu.memory_space<vmem>>
      %dma_wait3A_238 = tpu.memref_slice %arg35[%add3A_67] : memref<81920xf32, #tpu.memory_space<vmem_shared>> -> memref<640xf32, #tpu.memory_space<vmem_shared>>
      %dma_wait3A_239 = tpu.memref_slice %arg35[%add3A_67] : memref<81920xf32, #tpu.memory_space<vmem_shared>> -> memref<640xf32, #tpu.memory_space<vmem_shared>>
      %dma_wait3A_240 = arith.constant 0 : i32
      %dma_wait3A_241 = tpu.memref_slice %arg33[%dma_wait3A_240] : memref<1024xf32, #tpu.memory_space<vmem>> -> memref<640xf32, #tpu.memory_space<vmem>>
      tpu.wait_dma2 semaphore(%run_scoped3A : memref<!tpu.dma_semaphore, #tpu.memory_space<semaphore_mem>>) src(%dma_wait3A_241 : memref<640xf32, #tpu.memory_space<vmem>>) dst(%dma_wait3A_239 : memref<640xf32, #tpu.memory_space<vmem_shared>>)
      tpu.yield
    }) : () -> ()
    %mul3A_68 = arith.constant 5120 : i32
    %mul3A_69 = arith.muli %arg1, %mul3A_68 : i32
    %add3A_70 = arith.constant 4480 : i32
    %add3A_71 = arith.addi %mul3A_69, %add3A_70 : i32
    "tpu.region"() ({
      %run_scoped3A = tpu.sem_alloc : memref<!tpu.dma_semaphore, #tpu.memory_space<semaphore_mem>>
      %dma_start3A_230 = arith.constant 0 : i32
      %dma_start3A_231 = tpu.memref_slice %arg33[%dma_start3A_230] : memref<1024xf32, #tpu.memory_space<vmem>> -> memref<640xf32, #tpu.memory_space<vmem>>
      %dma_start3A_232 = tpu.memref_slice %arg35[%add3A_71] : memref<81920xf32, #tpu.memory_space<vmem_shared>> -> memref<640xf32, #tpu.memory_space<vmem_shared>>
      %dma_start3A_233 = tpu.memref_slice %arg35[%add3A_71] : memref<81920xf32, #tpu.memory_space<vmem_shared>> -> memref<640xf32, #tpu.memory_space<vmem_shared>>
      %dma_start3A_234 = arith.constant 0 : i32
      %dma_start3A_235 = tpu.memref_slice %arg33[%dma_start3A_234] : memref<1024xf32, #tpu.memory_space<vmem>> -> memref<640xf32, #tpu.memory_space<vmem>>
      tpu.enqueue_dma source(%dma_start3A_235 : memref<640xf32, #tpu.memory_space<vmem>>) target(%dma_start3A_233 : memref<640xf32, #tpu.memory_space<vmem_shared>>) target_semaphore(%run_scoped3A : memref<!tpu.dma_semaphore, #tpu.memory_space<semaphore_mem>>)
      %dma_wait3A_236 = arith.constant 0 : i32
      %dma_wait3A_237 = tpu.memref_slice %arg33[%dma_wait3A_236] : memref<1024xf32, #tpu.memory_space<vmem>> -> memref<640xf32, #tpu.memory_space<vmem>>
      %dma_wait3A_238 = tpu.memref_slice %arg35[%add3A_71] : memref<81920xf32, #tpu.memory_space<vmem_shared>> -> memref<640xf32, #tpu.memory_space<vmem_shared>>
      %dma_wait3A_239 = tpu.memref_slice %arg35[%add3A_71] : memref<81920xf32, #tpu.memory_space<vmem_shared>> -> memref<640xf32, #tpu.memory_space<vmem_shared>>
      %dma_wait3A_240 = arith.constant 0 : i32
      %dma_wait3A_241 = tpu.memref_slice %arg33[%dma_wait3A_240] : memref<1024xf32, #tpu.memory_space<vmem>> -> memref<640xf32, #tpu.memory_space<vmem>>
      tpu.wait_dma2 semaphore(%run_scoped3A : memref<!tpu.dma_semaphore, #tpu.memory_space<semaphore_mem>>) src(%dma_wait3A_241 : memref<640xf32, #tpu.memory_space<vmem>>) dst(%dma_wait3A_239 : memref<640xf32, #tpu.memory_space<vmem_shared>>)
      tpu.yield
    }) : () -> ()
    "tpu.region"() ({
      %run_scoped3A = tpu.sem_alloc : memref<!tpu.dma_semaphore, #tpu.memory_space<semaphore_mem>>
      %dma_start3A_230 = arith.constant 0 : i32
      %dma_start3A_231 = arith.constant 0 : i32
      %dma_start3A_232 = tpu.memref_slice %arg5[%arg1, %dma_start3A_230, %dma_start3A_231] : memref<16x250x80xi32, #tpu.memory_space<hbm>> -> memref<1x250x80xi32, #tpu.memory_space<hbm>>
      %dma_start3A_233 = tpu.memref_squeeze %dma_start3A_232 : memref<1x250x80xi32, #tpu.memory_space<hbm>> -> memref<250x80xi32, #tpu.memory_space<hbm>>
      %dma_start3A_234 = arith.constant 0 : i32
      %dma_start3A_235 = arith.constant 0 : i32
      %dma_start3A_236 = tpu.memref_slice %arg5[%arg1, %dma_start3A_234, %dma_start3A_235] : memref<16x250x80xi32, #tpu.memory_space<hbm>> -> memref<1x250x80xi32, #tpu.memory_space<hbm>>
      %dma_start3A_237 = tpu.memref_squeeze %dma_start3A_236 : memref<1x250x80xi32, #tpu.memory_space<hbm>> -> memref<250x80xi32, #tpu.memory_space<hbm>>
      tpu.enqueue_dma source(%dma_start3A_237 : memref<250x80xi32, #tpu.memory_space<hbm>>) target(%arg9 : memref<250x80xi32, #tpu.memory_space<vmem>>) target_semaphore(%run_scoped3A : memref<!tpu.dma_semaphore, #tpu.memory_space<semaphore_mem>>)
      %dma_wait3A_238 = arith.constant 0 : i32
      %dma_wait3A_239 = arith.constant 0 : i32
      %dma_wait3A_240 = tpu.memref_slice %arg5[%arg1, %dma_wait3A_238, %dma_wait3A_239] : memref<16x250x80xi32, #tpu.memory_space<hbm>> -> memref<1x250x80xi32, #tpu.memory_space<hbm>>
      %dma_wait3A_241 = tpu.memref_squeeze %dma_wait3A_240 : memref<1x250x80xi32, #tpu.memory_space<hbm>> -> memref<250x80xi32, #tpu.memory_space<hbm>>
      %dma_wait3A_242 = arith.constant 0 : i32
      %dma_wait3A_243 = arith.constant 0 : i32
      %dma_wait3A_244 = tpu.memref_slice %arg5[%arg1, %dma_wait3A_242, %dma_wait3A_243] : memref<16x250x80xi32, #tpu.memory_space<hbm>> -> memref<1x250x80xi32, #tpu.memory_space<hbm>>
      %dma_wait3A_245 = tpu.memref_squeeze %dma_wait3A_244 : memref<1x250x80xi32, #tpu.memory_space<hbm>> -> memref<250x80xi32, #tpu.memory_space<hbm>>
      tpu.wait_dma2 semaphore(%run_scoped3A : memref<!tpu.dma_semaphore, #tpu.memory_space<semaphore_mem>>) src(%dma_wait3A_245 : memref<250x80xi32, #tpu.memory_space<hbm>>) dst(%arg9 : memref<250x80xi32, #tpu.memory_space<vmem>>)
      tpu.yield
    }) : () -> ()
    "tpu.region"() ({
      %run_scoped3A = tpu.sem_alloc : memref<!tpu.dma_semaphore, #tpu.memory_space<semaphore_mem>>
      %dma_start3A_230 = arith.constant 0 : i32
      %dma_start3A_231 = arith.constant 0 : i32
      %dma_start3A_232 = tpu.memref_slice %arg6[%arg1, %dma_start3A_230, %dma_start3A_231] : memref<16x250x80xi32, #tpu.memory_space<hbm>> -> memref<1x250x80xi32, #tpu.memory_space<hbm>>
      %dma_start3A_233 = tpu.memref_squeeze %dma_start3A_232 : memref<1x250x80xi32, #tpu.memory_space<hbm>> -> memref<250x80xi32, #tpu.memory_space<hbm>>
      %dma_start3A_234 = arith.constant 0 : i32
      %dma_start3A_235 = arith.constant 0 : i32
      %dma_start3A_236 = tpu.memref_slice %arg6[%arg1, %dma_start3A_234, %dma_start3A_235] : memref<16x250x80xi32, #tpu.memory_space<hbm>> -> memref<1x250x80xi32, #tpu.memory_space<hbm>>
      %dma_start3A_237 = tpu.memref_squeeze %dma_start3A_236 : memref<1x250x80xi32, #tpu.memory_space<hbm>> -> memref<250x80xi32, #tpu.memory_space<hbm>>
      tpu.enqueue_dma source(%dma_start3A_237 : memref<250x80xi32, #tpu.memory_space<hbm>>) target(%arg10 : memref<250x80xi32, #tpu.memory_space<vmem>>) target_semaphore(%run_scoped3A : memref<!tpu.dma_semaphore, #tpu.memory_space<semaphore_mem>>)
      %dma_wait3A_238 = arith.constant 0 : i32
      %dma_wait3A_239 = arith.constant 0 : i32
      %dma_wait3A_240 = tpu.memref_slice %arg6[%arg1, %dma_wait3A_238, %dma_wait3A_239] : memref<16x250x80xi32, #tpu.memory_space<hbm>> -> memref<1x250x80xi32, #tpu.memory_space<hbm>>
      %dma_wait3A_241 = tpu.memref_squeeze %dma_wait3A_240 : memref<1x250x80xi32, #tpu.memory_space<hbm>> -> memref<250x80xi32, #tpu.memory_space<hbm>>
      %dma_wait3A_242 = arith.constant 0 : i32
      %dma_wait3A_243 = arith.constant 0 : i32
      %dma_wait3A_244 = tpu.memref_slice %arg6[%arg1, %dma_wait3A_242, %dma_wait3A_243] : memref<16x250x80xi32, #tpu.memory_space<hbm>> -> memref<1x250x80xi32, #tpu.memory_space<hbm>>
      %dma_wait3A_245 = tpu.memref_squeeze %dma_wait3A_244 : memref<1x250x80xi32, #tpu.memory_space<hbm>> -> memref<250x80xi32, #tpu.memory_space<hbm>>
      tpu.wait_dma2 semaphore(%run_scoped3A : memref<!tpu.dma_semaphore, #tpu.memory_space<semaphore_mem>>) src(%dma_wait3A_245 : memref<250x80xi32, #tpu.memory_space<hbm>>) dst(%arg10 : memref<250x80xi32, #tpu.memory_space<vmem>>)
      tpu.yield
    }) : () -> ()
    "tpu.region"() ({
      %run_scoped3A = tpu.sem_alloc : memref<!tpu.dma_semaphore, #tpu.memory_space<semaphore_mem>>
      tpu.enqueue_dma source(%arg3 : memref<10000xf32, #tpu.memory_space<hbm>>) target(%arg26 : memref<10000xf32, #tpu.memory_space<vmem>>) target_semaphore(%run_scoped3A : memref<!tpu.dma_semaphore, #tpu.memory_space<semaphore_mem>>)
      tpu.wait_dma2 semaphore(%run_scoped3A : memref<!tpu.dma_semaphore, #tpu.memory_space<semaphore_mem>>) src(%arg3 : memref<10000xf32, #tpu.memory_space<hbm>>) dst(%arg26 : memref<10000xf32, #tpu.memory_space<vmem>>)
      tpu.yield
    }) : () -> ()
    "tpu.region"() ({
      %run_scoped3A = tpu.sem_alloc : memref<!tpu.dma_semaphore, #tpu.memory_space<semaphore_mem>>
      tpu.enqueue_dma source(%arg4 : memref<16xf32, #tpu.memory_space<hbm>>) target(%arg27 : memref<16xf32, #tpu.memory_space<vmem>>) target_semaphore(%run_scoped3A : memref<!tpu.dma_semaphore, #tpu.memory_space<semaphore_mem>>)
      tpu.wait_dma2 semaphore(%run_scoped3A : memref<!tpu.dma_semaphore, #tpu.memory_space<semaphore_mem>>) src(%arg4 : memref<16xf32, #tpu.memory_space<hbm>>) dst(%arg27 : memref<16xf32, #tpu.memory_space<vmem>>)
      tpu.yield
    }) : () -> ()
    %barrier3A = arith.constant 0 : index
    tpu.barrier barrier_id(%barrier3A)
    %scan3A_72 = arith.constant 0 : i32
    %scan3A_73 = arith.constant 250 : i32
    %scan3A_74 = arith.addi %scan3A_72, %scan3A_73 : i32
    %scan3A_75 = arith.constant 1 : i32
    scf.for %scan3A_230 = %scan3A_72 to %scan3A_74 step %scan3A_75  : i32 {
      %mul3A_231 = arith.constant 1 : i32
      %mul3A_232 = arith.muli %scan3A_230, %mul3A_231 : i32
      %add3A_233 = arith.constant 0 : i32
      %add3A_234 = arith.addi %add3A_233, %mul3A_232 : i32
      %get3A = arith.index_cast %add3A_234 : i32 to index
      %get3A_235 = arith.constant 0 : index
      %get3A_236 = tpu.vector_load %arg9[%get3A, %get3A_235] {strides = array<i32>} : memref<250x80xi32, #tpu.memory_space<vmem>>, vector<16xi32>,
      %mul3A_237 = arith.constant 2 : i32
      %mul3A_238 = vector.broadcast %mul3A_237 : i32 to vector<16xi32>
      %mul3A_239 = arith.muli %get3A_236, %mul3A_238 : vector<16xi32>
      %add3A_240 = vector.broadcast %arg0 : i32 to vector<16xi32>
      %add3A_241 = arith.addi %mul3A_239, %add3A_240 : vector<16xi32>
      %swap3A = arith.index_cast %add3A_234 : i32 to index
      %swap3A_242 = arith.constant 0 : index
      %swap3A_243 = tpu.vector_load %arg9[%swap3A, %swap3A_242] {strides = array<i32>} : memref<250x80xi32, #tpu.memory_space<vmem>>, vector<16xi32>,
      tpu.vector_store %arg9[%swap3A, %swap3A_242], %add3A_241 {strides = array<i32>} : memref<250x80xi32, #tpu.memory_space<vmem>>, vector<16xi32>,
      %get3A_244 = arith.index_cast %add3A_234 : i32 to index
      %get3A_245 = arith.constant 16 : index
      %get3A_246 = tpu.vector_load %arg9[%get3A_244, %get3A_245] {strides = array<i32>} : memref<250x80xi32, #tpu.memory_space<vmem>>, vector<16xi32>,
      %mul3A_247 = arith.constant 2 : i32
      %mul3A_248 = vector.broadcast %mul3A_247 : i32 to vector<16xi32>
      %mul3A_249 = arith.muli %get3A_246, %mul3A_248 : vector<16xi32>
      %add3A_250 = vector.broadcast %arg0 : i32 to vector<16xi32>
      %add3A_251 = arith.addi %mul3A_249, %add3A_250 : vector<16xi32>
      %swap3A_252 = arith.index_cast %add3A_234 : i32 to index
      %swap3A_253 = arith.constant 16 : index
      %swap3A_254 = tpu.vector_load %arg9[%swap3A_252, %swap3A_253] {strides = array<i32>} : memref<250x80xi32, #tpu.memory_space<vmem>>, vector<16xi32>,
      tpu.vector_store %arg9[%swap3A_252, %swap3A_253], %add3A_251 {strides = array<i32>} : memref<250x80xi32, #tpu.memory_space<vmem>>, vector<16xi32>,
      %get3A_255 = arith.index_cast %add3A_234 : i32 to index
      %get3A_256 = arith.constant 32 : index
      %get3A_257 = tpu.vector_load %arg9[%get3A_255, %get3A_256] {strides = array<i32>} : memref<250x80xi32, #tpu.memory_space<vmem>>, vector<16xi32>,
      %mul3A_258 = arith.constant 2 : i32
      %mul3A_259 = vector.broadcast %mul3A_258 : i32 to vector<16xi32>
      %mul3A_260 = arith.muli %get3A_257, %mul3A_259 : vector<16xi32>
      %add3A_261 = vector.broadcast %arg0 : i32 to vector<16xi32>
      %add3A_262 = arith.addi %mul3A_260, %add3A_261 : vector<16xi32>
      %swap3A_263 = arith.index_cast %add3A_234 : i32 to index
      %swap3A_264 = arith.constant 32 : index
      %swap3A_265 = tpu.vector_load %arg9[%swap3A_263, %swap3A_264] {strides = array<i32>} : memref<250x80xi32, #tpu.memory_space<vmem>>, vector<16xi32>,
      tpu.vector_store %arg9[%swap3A_263, %swap3A_264], %add3A_262 {strides = array<i32>} : memref<250x80xi32, #tpu.memory_space<vmem>>, vector<16xi32>,
      %get3A_266 = arith.index_cast %add3A_234 : i32 to index
      %get3A_267 = arith.constant 48 : index
      %get3A_268 = tpu.vector_load %arg9[%get3A_266, %get3A_267] {strides = array<i32>} : memref<250x80xi32, #tpu.memory_space<vmem>>, vector<16xi32>,
      %mul3A_269 = arith.constant 2 : i32
      %mul3A_270 = vector.broadcast %mul3A_269 : i32 to vector<16xi32>
      %mul3A_271 = arith.muli %get3A_268, %mul3A_270 : vector<16xi32>
      %add3A_272 = vector.broadcast %arg0 : i32 to vector<16xi32>
      %add3A_273 = arith.addi %mul3A_271, %add3A_272 : vector<16xi32>
      %swap3A_274 = arith.index_cast %add3A_234 : i32 to index
      %swap3A_275 = arith.constant 48 : index
      %swap3A_276 = tpu.vector_load %arg9[%swap3A_274, %swap3A_275] {strides = array<i32>} : memref<250x80xi32, #tpu.memory_space<vmem>>, vector<16xi32>,
      tpu.vector_store %arg9[%swap3A_274, %swap3A_275], %add3A_273 {strides = array<i32>} : memref<250x80xi32, #tpu.memory_space<vmem>>, vector<16xi32>,
      %get3A_277 = arith.index_cast %add3A_234 : i32 to index
      %get3A_278 = arith.constant 64 : index
      %get3A_279 = tpu.vector_load %arg9[%get3A_277, %get3A_278] {strides = array<i32>} : memref<250x80xi32, #tpu.memory_space<vmem>>, vector<16xi32>,
      %mul3A_280 = arith.constant 2 : i32
      %mul3A_281 = vector.broadcast %mul3A_280 : i32 to vector<16xi32>
      %mul3A_282 = arith.muli %get3A_279, %mul3A_281 : vector<16xi32>
      %add3A_283 = vector.broadcast %arg0 : i32 to vector<16xi32>
      %add3A_284 = arith.addi %mul3A_282, %add3A_283 : vector<16xi32>
      %swap3A_285 = arith.index_cast %add3A_234 : i32 to index
      %swap3A_286 = arith.constant 64 : index
      %swap3A_287 = tpu.vector_load %arg9[%swap3A_285, %swap3A_286] {strides = array<i32>} : memref<250x80xi32, #tpu.memory_space<vmem>>, vector<16xi32>,
      tpu.vector_store %arg9[%swap3A_285, %swap3A_286], %add3A_284 {strides = array<i32>} : memref<250x80xi32, #tpu.memory_space<vmem>>, vector<16xi32>,
    }
    %scan3A_76 = arith.constant 250 : i32
    %dma_start3A = arith.constant 0 : i32
    %dma_start3A_77 = arith.constant 0 : i32
    %dma_start3A_78 = tpu.memref_slice %arg9[%dma_start3A, %dma_start3A_77] : memref<250x80xi32, #tpu.memory_space<vmem>> -> memref<1x80xi32, #tpu.memory_space<vmem>>
    %dma_start3A_79 = tpu.memref_squeeze %dma_start3A_78 : memref<1x80xi32, #tpu.memory_space<vmem>> -> memref<80xi32, #tpu.memory_space<vmem>>
    %dma_start3A_80 = arith.constant 0 : i32
    %dma_start3A_81 = arith.constant 0 : i32
    %dma_start3A_82 = tpu.memref_slice %arg2[%dma_start3A_80, %dma_start3A_81] : memref<20000x64xf32, #tpu.memory_space<hbm>> -> memref<20000x64xf32, #tpu.memory_space<hbm>>
    tpu.enqueue_indirect_dma source(%dma_start3A_82 : memref<20000x64xf32, #tpu.memory_space<hbm>>) target(%arg28 : memref<80x64xf32, #tpu.memory_space<vmem>>) offsets(%dma_start3A_79 : memref<80xi32, #tpu.memory_space<vmem>>) semaphore(%arg36 : memref<!tpu.dma_semaphore, #tpu.memory_space<semaphore_mem>>)
    %dma_start3A_83 = arith.constant 1 : i32
    %dma_start3A_84 = arith.constant 0 : i32
    %dma_start3A_85 = tpu.memref_slice %arg9[%dma_start3A_83, %dma_start3A_84] : memref<250x80xi32, #tpu.memory_space<vmem>> -> memref<1x80xi32, #tpu.memory_space<vmem>>
    %dma_start3A_86 = tpu.memref_squeeze %dma_start3A_85 : memref<1x80xi32, #tpu.memory_space<vmem>> -> memref<80xi32, #tpu.memory_space<vmem>>
    %dma_start3A_87 = arith.constant 0 : i32
    %dma_start3A_88 = arith.constant 0 : i32
    %dma_start3A_89 = tpu.memref_slice %arg2[%dma_start3A_87, %dma_start3A_88] : memref<20000x64xf32, #tpu.memory_space<hbm>> -> memref<20000x64xf32, #tpu.memory_space<hbm>>
    tpu.enqueue_indirect_dma source(%dma_start3A_89 : memref<20000x64xf32, #tpu.memory_space<hbm>>) target(%arg29 : memref<80x64xf32, #tpu.memory_space<vmem>>) offsets(%dma_start3A_86 : memref<80xi32, #tpu.memory_space<vmem>>) semaphore(%arg36 : memref<!tpu.dma_semaphore, #tpu.memory_space<semaphore_mem>>)
    %dma_start3A_90 = arith.constant 2 : i32
    %dma_start3A_91 = arith.constant 0 : i32
    %dma_start3A_92 = tpu.memref_slice %arg9[%dma_start3A_90, %dma_start3A_91] : memref<250x80xi32, #tpu.memory_space<vmem>> -> memref<1x80xi32, #tpu.memory_space<vmem>>
    %dma_start3A_93 = tpu.memref_squeeze %dma_start3A_92 : memref<1x80xi32, #tpu.memory_space<vmem>> -> memref<80xi32, #tpu.memory_space<vmem>>
    %dma_start3A_94 = arith.constant 0 : i32
    %dma_start3A_95 = arith.constant 0 : i32
    %dma_start3A_96 = tpu.memref_slice %arg2[%dma_start3A_94, %dma_start3A_95] : memref<20000x64xf32, #tpu.memory_space<hbm>> -> memref<20000x64xf32, #tpu.memory_space<hbm>>
    tpu.enqueue_indirect_dma source(%dma_start3A_96 : memref<20000x64xf32, #tpu.memory_space<hbm>>) target(%arg30 : memref<80x64xf32, #tpu.memory_space<vmem>>) offsets(%dma_start3A_93 : memref<80xi32, #tpu.memory_space<vmem>>) semaphore(%arg36 : memref<!tpu.dma_semaphore, #tpu.memory_space<semaphore_mem>>)
    %scan3A_97 = arith.constant 0 : i32
    %scan3A_98 = arith.constant 50 : i32
    %scan3A_99 = arith.addi %scan3A_97, %scan3A_98 : i32
    %scan3A_100 = arith.constant 1 : i32
    scf.for %scan3A_230 = %scan3A_97 to %scan3A_99 step %scan3A_100  : i32 {
      %mul3A_231 = arith.constant 1 : i32
      %mul3A_232 = arith.muli %scan3A_230, %mul3A_231 : i32
      %add3A_233 = arith.constant 0 : i32
      %add3A_234 = arith.addi %add3A_233, %mul3A_232 : i32
      %mul3A_235 = arith.constant 5 : i32
      %mul3A_236 = arith.muli %add3A_234, %mul3A_235 : i32
      %add3A_237 = arith.constant 0 : i32
      %add3A_238 = arith.addi %mul3A_236, %add3A_237 : i32
      %add3A_239 = arith.constant 3 : i32
      %add3A_240 = arith.addi %add3A_238, %add3A_239 : i32
      %ge3A = arith.constant 2 : i32
      %ge3A_241 = arith.cmpi sge, %add3A_238, %ge3A : i32
      %convert_element_type3A = arith.extui %ge3A_241 : i1 to i32
      %cond3A = arith.constant 0 : i32
      %cond3A_242 = arith.cmpi ne, %convert_element_type3A, %cond3A : i32
      scf.if %cond3A_242 {
        %dma_wait3A_1709 = arith.constant 0 : i32
        %dma_wait3A_1710 = arith.constant 0 : i32
        %dma_wait3A_1711 = tpu.memref_slice %arg11[%dma_wait3A_1709, %dma_wait3A_1710] : memref<1x80xi32, #tpu.memory_space<vmem>> -> memref<1x80xi32, #tpu.memory_space<vmem>>
        %dma_wait3A_1712 = tpu.memref_squeeze %dma_wait3A_1711 : memref<1x80xi32, #tpu.memory_space<vmem>> -> memref<80xi32, #tpu.memory_space<vmem>>
        %dma_wait3A_1713 = arith.constant 0 : i32
        %dma_wait3A_1714 = arith.constant 0 : i32
        %dma_wait3A_1715 = tpu.memref_slice %arg34[%dma_wait3A_1713, %dma_wait3A_1714] : memref<10000x64xf32, #tpu.memory_space<vmem_shared>> -> memref<10000x64xf32, #tpu.memory_space<vmem_shared>>
        tpu.wait_indirect_dma semaphore(%arg37 : memref<!tpu.dma_semaphore, #tpu.memory_space<semaphore_mem>>) src(%arg31 : memref<80x64xf32, #tpu.memory_space<vmem>>) dst(%dma_wait3A_1715 : memref<10000x64xf32, #tpu.memory_space<vmem_shared>>)
      } else {
      }
      %lt3A = arith.constant 250 : i32
      %lt3A_243 = arith.cmpi slt, %add3A_240, %lt3A : i32
      %convert_element_type3A_244 = arith.extui %lt3A_243 : i1 to i32
      %cond3A_245 = arith.constant 0 : i32
      %cond3A_246 = arith.cmpi ne, %convert_element_type3A_244, %cond3A_245 : i32
      scf.if %cond3A_246 {
        %dma_start3A_1709 = arith.constant 0 : i32
        %dma_start3A_1710 = tpu.memref_slice %arg9[%add3A_240, %dma_start3A_1709] : memref<250x80xi32, #tpu.memory_space<vmem>> -> memref<1x80xi32, #tpu.memory_space<vmem>>
        %dma_start3A_1711 = tpu.memref_squeeze %dma_start3A_1710 : memref<1x80xi32, #tpu.memory_space<vmem>> -> memref<80xi32, #tpu.memory_space<vmem>>
        %dma_start3A_1712 = arith.constant 0 : i32
        %dma_start3A_1713 = arith.constant 0 : i32
        %dma_start3A_1714 = tpu.memref_slice %arg2[%dma_start3A_1712, %dma_start3A_1713] : memref<20000x64xf32, #tpu.memory_space<hbm>> -> memref<20000x64xf32, #tpu.memory_space<hbm>>
        tpu.enqueue_indirect_dma source(%dma_start3A_1714 : memref<20000x64xf32, #tpu.memory_space<hbm>>) target(%arg31 : memref<80x64xf32, #tpu.memory_space<vmem>>) offsets(%dma_start3A_1711 : memref<80xi32, #tpu.memory_space<vmem>>) semaphore(%arg36 : memref<!tpu.dma_semaphore, #tpu.memory_space<semaphore_mem>>)
      } else {
      }
      %dma_wait3A_247 = arith.constant 0 : i32
      %dma_wait3A_248 = tpu.memref_slice %arg9[%add3A_238, %dma_wait3A_247] : memref<250x80xi32, #tpu.memory_space<vmem>> -> memref<1x80xi32, #tpu.memory_space<vmem>>
      %dma_wait3A_249 = tpu.memref_squeeze %dma_wait3A_248 : memref<1x80xi32, #tpu.memory_space<vmem>> -> memref<80xi32, #tpu.memory_space<vmem>>
      %dma_wait3A_250 = arith.constant 0 : i32
      %dma_wait3A_251 = arith.constant 0 : i32
      %dma_wait3A_252 = tpu.memref_slice %arg2[%dma_wait3A_250, %dma_wait3A_251] : memref<20000x64xf32, #tpu.memory_space<hbm>> -> memref<20000x64xf32, #tpu.memory_space<hbm>>
      tpu.wait_indirect_dma semaphore(%arg36 : memref<!tpu.dma_semaphore, #tpu.memory_space<semaphore_mem>>) src(%dma_wait3A_252 : memref<20000x64xf32, #tpu.memory_space<hbm>>) dst(%arg28 : memref<80x64xf32, #tpu.memory_space<vmem>>)
      %ge3A_253 = arith.constant 5 : i32
      %ge3A_254 = arith.cmpi sge, %add3A_238, %ge3A_253 : i32
      %convert_element_type3A_255 = arith.extui %ge3A_254 : i1 to i32
      %cond3A_256 = arith.constant 0 : i32
      %cond3A_257 = arith.cmpi ne, %convert_element_type3A_255, %cond3A_256 : i32
      scf.if %cond3A_257 {
        %dma_wait3A_1709 = arith.constant 0 : i32
        %dma_wait3A_1710 = arith.constant 0 : i32
        %dma_wait3A_1711 = arith.constant 0 : i32
        %dma_wait3A_1712 = tpu.memref_slice %arg21[%dma_wait3A_1709, %dma_wait3A_1711] : memref<1x80xf32, #tpu.memory_space<vmem>> -> memref<1x80xf32, #tpu.memory_space<vmem>>
        %dma_wait3A_1713 = tpu.memref_squeeze %dma_wait3A_1712 : memref<1x80xf32, #tpu.memory_space<vmem>> -> memref<80xf32, #tpu.memory_space<vmem>>
        %dma_wait3A_1714 = arith.constant 0 : i32
        %dma_wait3A_1715 = tpu.memref_slice %arg11[%dma_wait3A_1710, %dma_wait3A_1714] : memref<1x80xi32, #tpu.memory_space<vmem>> -> memref<1x80xi32, #tpu.memory_space<vmem>>
        %dma_wait3A_1716 = tpu.memref_squeeze %dma_wait3A_1715 : memref<1x80xi32, #tpu.memory_space<vmem>> -> memref<80xi32, #tpu.memory_space<vmem>>
        %dma_wait3A_1717 = arith.constant 0 : i32
        %dma_wait3A_1718 = tpu.memref_slice %arg35[%dma_wait3A_1717] : memref<81920xf32, #tpu.memory_space<vmem_shared>> -> memref<81920xf32, #tpu.memory_space<vmem_shared>>
        tpu.wait_indirect_dma semaphore(%arg38 : memref<!tpu.dma_semaphore, #tpu.memory_space<semaphore_mem>>) src(%dma_wait3A_1713 : memref<80xf32, #tpu.memory_space<vmem>>) dst(%dma_wait3A_1718 : memref<81920xf32, #tpu.memory_space<vmem_shared>>)
      } else {
      }
      %get3A = arith.index_cast %add3A_238 : i32 to index
      %get3A_258 = arith.constant 0 : index
      %get3A_259 = tpu.vector_load %arg9[%get3A, %get3A_258] {strides = array<i32>} : memref<250x80xi32, #tpu.memory_space<vmem>>, vector<16xi32>,
      %shift_right_logical3A = arith.constant 1 : i32
      %shift_right_logical3A_260 = vector.broadcast %shift_right_logical3A : i32 to vector<16xi32>
      %shift_right_logical3A_261 = arith.shrui %get3A_259, %shift_right_logical3A_260 : vector<16xi32>
      %get3A_262 = arith.index_cast %add3A_238 : i32 to index
      %get3A_263 = arith.constant 0 : index
      %get3A_264 = tpu.vector_load %arg10[%get3A_262, %get3A_263] {strides = array<i32>} : memref<250x80xi32, #tpu.memory_space<vmem>>, vector<16xi32>,
      %shift_right_logical3A_265 = arith.constant 4 : i32
      %shift_right_logical3A_266 = vector.broadcast %shift_right_logical3A_265 : i32 to vector<16xi32>
      %shift_right_logical3A_267 = arith.shrui %get3A_264, %shift_right_logical3A_266 : vector<16xi32>
      %and3A = arith.constant 15 : i32
      %and3A_268 = vector.broadcast %and3A : i32 to vector<16xi32>
      %and3A_269 = arith.andi %get3A_264, %and3A_268 : vector<16xi32>
      %gather3A = tpu.vector_load_idx %arg26[%shift_right_logical3A_261] : memref<10000xf32, #tpu.memory_space<vmem>>[vector<16xi32>], vector<16xf32>,
      %gather3A_270 = tpu.vector_load_idx %arg27[%and3A_269] : memref<16xf32, #tpu.memory_space<vmem>>[vector<16xi32>], vector<16xf32>,
      %add3A_271 = arith.addf %gather3A, %gather3A_270 : vector<16xf32>
      %mul3A_272 = arith.constant 2.000000e-01 : f32
      %mul3A_273 = vector.broadcast %mul3A_272 : f32 to vector<16xf32>
      %mul3A_274 = arith.mulf %add3A_271, %mul3A_273 : vector<16xf32>
      %max3A = arith.maximumf %add3A_271, %mul3A_274 : vector<16xf32>
      %exp3A = math.exp %max3A : vector<16xf32>
      %swap3A = arith.constant 0 : i32
      %swap3A_275 = arith.index_cast %swap3A : i32 to index
      %swap3A_276 = arith.constant 0 : index
      %swap3A_277 = tpu.vector_load %arg21[%swap3A_275, %swap3A_276] {strides = array<i32>} : memref<1x80xf32, #tpu.memory_space<vmem>>, vector<16xf32>,
      tpu.vector_store %arg21[%swap3A_275, %swap3A_276], %exp3A {strides = array<i32>} : memref<1x80xf32, #tpu.memory_space<vmem>>, vector<16xf32>,
      %swap3A_278 = arith.constant 0 : i32
      %swap3A_279 = arith.index_cast %swap3A_278 : i32 to index
      %swap3A_280 = arith.constant 0 : index
      %swap3A_281 = tpu.vector_load %arg11[%swap3A_279, %swap3A_280] {strides = array<i32>} : memref<1x80xi32, #tpu.memory_space<vmem>>, vector<16xi32>,
      tpu.vector_store %arg11[%swap3A_279, %swap3A_280], %shift_right_logical3A_267 {strides = array<i32>} : memref<1x80xi32, #tpu.memory_space<vmem>>, vector<16xi32>,
      %shift_right_logical3A_282 = arith.constant 3 : i32
      %shift_right_logical3A_283 = vector.broadcast %shift_right_logical3A_282 : i32 to vector<16xi32>
      %shift_right_logical3A_284 = arith.shrui %and3A_269, %shift_right_logical3A_283 : vector<16xi32>
      %eq3A = vector.broadcast %arg0 : i32 to vector<16xi32>
      %eq3A_285 = arith.cmpi eq, %shift_right_logical3A_284, %eq3A : vector<16xi32>
      %mul3A_286 = arith.constant 8 : i32
      %mul3A_287 = vector.broadcast %mul3A_286 : i32 to vector<16xi32>
      %mul3A_288 = arith.muli %shift_right_logical3A_267, %mul3A_287 : vector<16xi32>
      %and3A_289 = arith.constant 7 : i32
      %and3A_290 = vector.broadcast %and3A_289 : i32 to vector<16xi32>
      %and3A_291 = arith.andi %and3A_269, %and3A_290 : vector<16xi32>
      %add3A_292 = arith.addi %mul3A_288, %and3A_291 : vector<16xi32>
      %broadcast_in_dim3A_293 = arith.constant 80000 : i32
      %broadcast_in_dim3A_294 = vector.broadcast %broadcast_in_dim3A_293 : i32 to vector<16xi32>
      %select_n3A = arith.select %eq3A_285, %add3A_292, %broadcast_in_dim3A_294 : vector<16xi1>, vector<16xi32>
      %swap3A_295 = arith.constant 0 : i32
      %swap3A_296 = arith.index_cast %swap3A_295 : i32 to index
      %swap3A_297 = arith.constant 0 : index
      %swap3A_298 = tpu.vector_load %arg16[%swap3A_296, %swap3A_297] {strides = array<i32>} : memref<1x80xi32, #tpu.memory_space<vmem>>, vector<16xi32>,
      tpu.vector_store %arg16[%swap3A_296, %swap3A_297], %select_n3A {strides = array<i32>} : memref<1x80xi32, #tpu.memory_space<vmem>>, vector<16xi32>,
      %get3A_299 = arith.index_cast %add3A_238 : i32 to index
      %get3A_300 = arith.constant 16 : index
      %get3A_301 = tpu.vector_load %arg9[%get3A_299, %get3A_300] {strides = array<i32>} : memref<250x80xi32, #tpu.memory_space<vmem>>, vector<16xi32>,
      %shift_right_logical3A_302 = arith.constant 1 : i32
      %shift_right_logical3A_303 = vector.broadcast %shift_right_logical3A_302 : i32 to vector<16xi32>
      %shift_right_logical3A_304 = arith.shrui %get3A_301, %shift_right_logical3A_303 : vector<16xi32>
      %get3A_305 = arith.index_cast %add3A_238 : i32 to index
      %get3A_306 = arith.constant 16 : index
      %get3A_307 = tpu.vector_load %arg10[%get3A_305, %get3A_306] {strides = array<i32>} : memref<250x80xi32, #tpu.memory_space<vmem>>, vector<16xi32>,
      %shift_right_logical3A_308 = arith.constant 4 : i32
      %shift_right_logical3A_309 = vector.broadcast %shift_right_logical3A_308 : i32 to vector<16xi32>
      %shift_right_logical3A_310 = arith.shrui %get3A_307, %shift_right_logical3A_309 : vector<16xi32>
      %and3A_311 = arith.constant 15 : i32
      %and3A_312 = vector.broadcast %and3A_311 : i32 to vector<16xi32>
      %and3A_313 = arith.andi %get3A_307, %and3A_312 : vector<16xi32>
      %gather3A_314 = tpu.vector_load_idx %arg26[%shift_right_logical3A_304] : memref<10000xf32, #tpu.memory_space<vmem>>[vector<16xi32>], vector<16xf32>,
      %gather3A_315 = tpu.vector_load_idx %arg27[%and3A_313] : memref<16xf32, #tpu.memory_space<vmem>>[vector<16xi32>], vector<16xf32>,
      %add3A_316 = arith.addf %gather3A_314, %gather3A_315 : vector<16xf32>
      %mul3A_317 = arith.constant 2.000000e-01 : f32
      %mul3A_318 = vector.broadcast %mul3A_317 : f32 to vector<16xf32>
      %mul3A_319 = arith.mulf %add3A_316, %mul3A_318 : vector<16xf32>
      %max3A_320 = arith.maximumf %add3A_316, %mul3A_319 : vector<16xf32>
      %exp3A_321 = math.exp %max3A_320 : vector<16xf32>
      %swap3A_322 = arith.constant 0 : i32
      %swap3A_323 = arith.index_cast %swap3A_322 : i32 to index
      %swap3A_324 = arith.constant 16 : index
      %swap3A_325 = tpu.vector_load %arg21[%swap3A_323, %swap3A_324] {strides = array<i32>} : memref<1x80xf32, #tpu.memory_space<vmem>>, vector<16xf32>,
      tpu.vector_store %arg21[%swap3A_323, %swap3A_324], %exp3A_321 {strides = array<i32>} : memref<1x80xf32, #tpu.memory_space<vmem>>, vector<16xf32>,
      %swap3A_326 = arith.constant 0 : i32
      %swap3A_327 = arith.index_cast %swap3A_326 : i32 to index
      %swap3A_328 = arith.constant 16 : index
      %swap3A_329 = tpu.vector_load %arg11[%swap3A_327, %swap3A_328] {strides = array<i32>} : memref<1x80xi32, #tpu.memory_space<vmem>>, vector<16xi32>,
      tpu.vector_store %arg11[%swap3A_327, %swap3A_328], %shift_right_logical3A_310 {strides = array<i32>} : memref<1x80xi32, #tpu.memory_space<vmem>>, vector<16xi32>,
      %shift_right_logical3A_330 = arith.constant 3 : i32
      %shift_right_logical3A_331 = vector.broadcast %shift_right_logical3A_330 : i32 to vector<16xi32>
      %shift_right_logical3A_332 = arith.shrui %and3A_313, %shift_right_logical3A_331 : vector<16xi32>
      %eq3A_333 = vector.broadcast %arg0 : i32 to vector<16xi32>
      %eq3A_334 = arith.cmpi eq, %shift_right_logical3A_332, %eq3A_333 : vector<16xi32>
      %mul3A_335 = arith.constant 8 : i32
      %mul3A_336 = vector.broadcast %mul3A_335 : i32 to vector<16xi32>
      %mul3A_337 = arith.muli %shift_right_logical3A_310, %mul3A_336 : vector<16xi32>
      %and3A_338 = arith.constant 7 : i32
      %and3A_339 = vector.broadcast %and3A_338 : i32 to vector<16xi32>
      %and3A_340 = arith.andi %and3A_313, %and3A_339 : vector<16xi32>
      %add3A_341 = arith.addi %mul3A_337, %and3A_340 : vector<16xi32>
      %broadcast_in_dim3A_342 = arith.constant 80000 : i32
      %broadcast_in_dim3A_343 = vector.broadcast %broadcast_in_dim3A_342 : i32 to vector<16xi32>
      %select_n3A_344 = arith.select %eq3A_334, %add3A_341, %broadcast_in_dim3A_343 : vector<16xi1>, vector<16xi32>
      %swap3A_345 = arith.constant 0 : i32
      %swap3A_346 = arith.index_cast %swap3A_345 : i32 to index
      %swap3A_347 = arith.constant 16 : index
      %swap3A_348 = tpu.vector_load %arg16[%swap3A_346, %swap3A_347] {strides = array<i32>} : memref<1x80xi32, #tpu.memory_space<vmem>>, vector<16xi32>,
      tpu.vector_store %arg16[%swap3A_346, %swap3A_347], %select_n3A_344 {strides = array<i32>} : memref<1x80xi32, #tpu.memory_space<vmem>>, vector<16xi32>,
      %get3A_349 = arith.index_cast %add3A_238 : i32 to index
      %get3A_350 = arith.constant 32 : index
      %get3A_351 = tpu.vector_load %arg9[%get3A_349, %get3A_350] {strides = array<i32>} : memref<250x80xi32, #tpu.memory_space<vmem>>, vector<16xi32>,
      %shift_right_logical3A_352 = arith.constant 1 : i32
      %shift_right_logical3A_353 = vector.broadcast %shift_right_logical3A_352 : i32 to vector<16xi32>
      %shift_right_logical3A_354 = arith.shrui %get3A_351, %shift_right_logical3A_353 : vector<16xi32>
      %get3A_355 = arith.index_cast %add3A_238 : i32 to index
      %get3A_356 = arith.constant 32 : index
      %get3A_357 = tpu.vector_load %arg10[%get3A_355, %get3A_356] {strides = array<i32>} : memref<250x80xi32, #tpu.memory_space<vmem>>, vector<16xi32>,
      %shift_right_logical3A_358 = arith.constant 4 : i32
      %shift_right_logical3A_359 = vector.broadcast %shift_right_logical3A_358 : i32 to vector<16xi32>
      %shift_right_logical3A_360 = arith.shrui %get3A_357, %shift_right_logical3A_359 : vector<16xi32>
      %and3A_361 = arith.constant 15 : i32
      %and3A_362 = vector.broadcast %and3A_361 : i32 to vector<16xi32>
      %and3A_363 = arith.andi %get3A_357, %and3A_362 : vector<16xi32>
      %gather3A_364 = tpu.vector_load_idx %arg26[%shift_right_logical3A_354] : memref<10000xf32, #tpu.memory_space<vmem>>[vector<16xi32>], vector<16xf32>,
      %gather3A_365 = tpu.vector_load_idx %arg27[%and3A_363] : memref<16xf32, #tpu.memory_space<vmem>>[vector<16xi32>], vector<16xf32>,
      %add3A_366 = arith.addf %gather3A_364, %gather3A_365 : vector<16xf32>
      %mul3A_367 = arith.constant 2.000000e-01 : f32
      %mul3A_368 = vector.broadcast %mul3A_367 : f32 to vector<16xf32>
      %mul3A_369 = arith.mulf %add3A_366, %mul3A_368 : vector<16xf32>
      %max3A_370 = arith.maximumf %add3A_366, %mul3A_369 : vector<16xf32>
      %exp3A_371 = math.exp %max3A_370 : vector<16xf32>
      %swap3A_372 = arith.constant 0 : i32
      %swap3A_373 = arith.index_cast %swap3A_372 : i32 to index
      %swap3A_374 = arith.constant 32 : index
      %swap3A_375 = tpu.vector_load %arg21[%swap3A_373, %swap3A_374] {strides = array<i32>} : memref<1x80xf32, #tpu.memory_space<vmem>>, vector<16xf32>,
      tpu.vector_store %arg21[%swap3A_373, %swap3A_374], %exp3A_371 {strides = array<i32>} : memref<1x80xf32, #tpu.memory_space<vmem>>, vector<16xf32>,
      %swap3A_376 = arith.constant 0 : i32
      %swap3A_377 = arith.index_cast %swap3A_376 : i32 to index
      %swap3A_378 = arith.constant 32 : index
      %swap3A_379 = tpu.vector_load %arg11[%swap3A_377, %swap3A_378] {strides = array<i32>} : memref<1x80xi32, #tpu.memory_space<vmem>>, vector<16xi32>,
      tpu.vector_store %arg11[%swap3A_377, %swap3A_378], %shift_right_logical3A_360 {strides = array<i32>} : memref<1x80xi32, #tpu.memory_space<vmem>>, vector<16xi32>,
      %shift_right_logical3A_380 = arith.constant 3 : i32
      %shift_right_logical3A_381 = vector.broadcast %shift_right_logical3A_380 : i32 to vector<16xi32>
      %shift_right_logical3A_382 = arith.shrui %and3A_363, %shift_right_logical3A_381 : vector<16xi32>
      %eq3A_383 = vector.broadcast %arg0 : i32 to vector<16xi32>
      %eq3A_384 = arith.cmpi eq, %shift_right_logical3A_382, %eq3A_383 : vector<16xi32>
      %mul3A_385 = arith.constant 8 : i32
      %mul3A_386 = vector.broadcast %mul3A_385 : i32 to vector<16xi32>
      %mul3A_387 = arith.muli %shift_right_logical3A_360, %mul3A_386 : vector<16xi32>
      %and3A_388 = arith.constant 7 : i32
      %and3A_389 = vector.broadcast %and3A_388 : i32 to vector<16xi32>
      %and3A_390 = arith.andi %and3A_363, %and3A_389 : vector<16xi32>
      %add3A_391 = arith.addi %mul3A_387, %and3A_390 : vector<16xi32>
      %broadcast_in_dim3A_392 = arith.constant 80000 : i32
      %broadcast_in_dim3A_393 = vector.broadcast %broadcast_in_dim3A_392 : i32 to vector<16xi32>
      %select_n3A_394 = arith.select %eq3A_384, %add3A_391, %broadcast_in_dim3A_393 : vector<16xi1>, vector<16xi32>
      %swap3A_395 = arith.constant 0 : i32
      %swap3A_396 = arith.index_cast %swap3A_395 : i32 to index
      %swap3A_397 = arith.constant 32 : index
      %swap3A_398 = tpu.vector_load %arg16[%swap3A_396, %swap3A_397] {strides = array<i32>} : memref<1x80xi32, #tpu.memory_space<vmem>>, vector<16xi32>,
      tpu.vector_store %arg16[%swap3A_396, %swap3A_397], %select_n3A_394 {strides = array<i32>} : memref<1x80xi32, #tpu.memory_space<vmem>>, vector<16xi32>,
      %get3A_399 = arith.index_cast %add3A_238 : i32 to index
      %get3A_400 = arith.constant 48 : index
      %get3A_401 = tpu.vector_load %arg9[%get3A_399, %get3A_400] {strides = array<i32>} : memref<250x80xi32, #tpu.memory_space<vmem>>, vector<16xi32>,
      %shift_right_logical3A_402 = arith.constant 1 : i32
      %shift_right_logical3A_403 = vector.broadcast %shift_right_logical3A_402 : i32 to vector<16xi32>
      %shift_right_logical3A_404 = arith.shrui %get3A_401, %shift_right_logical3A_403 : vector<16xi32>
      %get3A_405 = arith.index_cast %add3A_238 : i32 to index
      %get3A_406 = arith.constant 48 : index
      %get3A_407 = tpu.vector_load %arg10[%get3A_405, %get3A_406] {strides = array<i32>} : memref<250x80xi32, #tpu.memory_space<vmem>>, vector<16xi32>,
      %shift_right_logical3A_408 = arith.constant 4 : i32
      %shift_right_logical3A_409 = vector.broadcast %shift_right_logical3A_408 : i32 to vector<16xi32>
      %shift_right_logical3A_410 = arith.shrui %get3A_407, %shift_right_logical3A_409 : vector<16xi32>
      %and3A_411 = arith.constant 15 : i32
      %and3A_412 = vector.broadcast %and3A_411 : i32 to vector<16xi32>
      %and3A_413 = arith.andi %get3A_407, %and3A_412 : vector<16xi32>
      %gather3A_414 = tpu.vector_load_idx %arg26[%shift_right_logical3A_404] : memref<10000xf32, #tpu.memory_space<vmem>>[vector<16xi32>], vector<16xf32>,
      %gather3A_415 = tpu.vector_load_idx %arg27[%and3A_413] : memref<16xf32, #tpu.memory_space<vmem>>[vector<16xi32>], vector<16xf32>,
      %add3A_416 = arith.addf %gather3A_414, %gather3A_415 : vector<16xf32>
      %mul3A_417 = arith.constant 2.000000e-01 : f32
      %mul3A_418 = vector.broadcast %mul3A_417 : f32 to vector<16xf32>
      %mul3A_419 = arith.mulf %add3A_416, %mul3A_418 : vector<16xf32>
      %max3A_420 = arith.maximumf %add3A_416, %mul3A_419 : vector<16xf32>
      %exp3A_421 = math.exp %max3A_420 : vector<16xf32>
      %swap3A_422 = arith.constant 0 : i32
      %swap3A_423 = arith.index_cast %swap3A_422 : i32 to index
      %swap3A_424 = arith.constant 48 : index
      %swap3A_425 = tpu.vector_load %arg21[%swap3A_423, %swap3A_424] {strides = array<i32>} : memref<1x80xf32, #tpu.memory_space<vmem>>, vector<16xf32>,
      tpu.vector_store %arg21[%swap3A_423, %swap3A_424], %exp3A_421 {strides = array<i32>} : memref<1x80xf32, #tpu.memory_space<vmem>>, vector<16xf32>,
      %swap3A_426 = arith.constant 0 : i32
      %swap3A_427 = arith.index_cast %swap3A_426 : i32 to index
      %swap3A_428 = arith.constant 48 : index
      %swap3A_429 = tpu.vector_load %arg11[%swap3A_427, %swap3A_428] {strides = array<i32>} : memref<1x80xi32, #tpu.memory_space<vmem>>, vector<16xi32>,
      tpu.vector_store %arg11[%swap3A_427, %swap3A_428], %shift_right_logical3A_410 {strides = array<i32>} : memref<1x80xi32, #tpu.memory_space<vmem>>, vector<16xi32>,
      %shift_right_logical3A_430 = arith.constant 3 : i32
      %shift_right_logical3A_431 = vector.broadcast %shift_right_logical3A_430 : i32 to vector<16xi32>
      %shift_right_logical3A_432 = arith.shrui %and3A_413, %shift_right_logical3A_431 : vector<16xi32>
      %eq3A_433 = vector.broadcast %arg0 : i32 to vector<16xi32>
      %eq3A_434 = arith.cmpi eq, %shift_right_logical3A_432, %eq3A_433 : vector<16xi32>
      %mul3A_435 = arith.constant 8 : i32
      %mul3A_436 = vector.broadcast %mul3A_435 : i32 to vector<16xi32>
      %mul3A_437 = arith.muli %shift_right_logical3A_410, %mul3A_436 : vector<16xi32>
      %and3A_438 = arith.constant 7 : i32
      %and3A_439 = vector.broadcast %and3A_438 : i32 to vector<16xi32>
      %and3A_440 = arith.andi %and3A_413, %and3A_439 : vector<16xi32>
      %add3A_441 = arith.addi %mul3A_437, %and3A_440 : vector<16xi32>
      %broadcast_in_dim3A_442 = arith.constant 80000 : i32
      %broadcast_in_dim3A_443 = vector.broadcast %broadcast_in_dim3A_442 : i32 to vector<16xi32>
      %select_n3A_444 = arith.select %eq3A_434, %add3A_441, %broadcast_in_dim3A_443 : vector<16xi1>, vector<16xi32>
      %swap3A_445 = arith.constant 0 : i32
      %swap3A_446 = arith.index_cast %swap3A_445 : i32 to index
      %swap3A_447 = arith.constant 48 : index
      %swap3A_448 = tpu.vector_load %arg16[%swap3A_446, %swap3A_447] {strides = array<i32>} : memref<1x80xi32, #tpu.memory_space<vmem>>, vector<16xi32>,
      tpu.vector_store %arg16[%swap3A_446, %swap3A_447], %select_n3A_444 {strides = array<i32>} : memref<1x80xi32, #tpu.memory_space<vmem>>, vector<16xi32>,
      %get3A_449 = arith.index_cast %add3A_238 : i32 to index
      %get3A_450 = arith.constant 64 : index
      %get3A_451 = tpu.vector_load %arg9[%get3A_449, %get3A_450] {strides = array<i32>} : memref<250x80xi32, #tpu.memory_space<vmem>>, vector<16xi32>,
      %shift_right_logical3A_452 = arith.constant 1 : i32
      %shift_right_logical3A_453 = vector.broadcast %shift_right_logical3A_452 : i32 to vector<16xi32>
      %shift_right_logical3A_454 = arith.shrui %get3A_451, %shift_right_logical3A_453 : vector<16xi32>
      %get3A_455 = arith.index_cast %add3A_238 : i32 to index
      %get3A_456 = arith.constant 64 : index
      %get3A_457 = tpu.vector_load %arg10[%get3A_455, %get3A_456] {strides = array<i32>} : memref<250x80xi32, #tpu.memory_space<vmem>>, vector<16xi32>,
      %shift_right_logical3A_458 = arith.constant 4 : i32
      %shift_right_logical3A_459 = vector.broadcast %shift_right_logical3A_458 : i32 to vector<16xi32>
      %shift_right_logical3A_460 = arith.shrui %get3A_457, %shift_right_logical3A_459 : vector<16xi32>
      %and3A_461 = arith.constant 15 : i32
      %and3A_462 = vector.broadcast %and3A_461 : i32 to vector<16xi32>
      %and3A_463 = arith.andi %get3A_457, %and3A_462 : vector<16xi32>
      %gather3A_464 = tpu.vector_load_idx %arg26[%shift_right_logical3A_454] : memref<10000xf32, #tpu.memory_space<vmem>>[vector<16xi32>], vector<16xf32>,
      %gather3A_465 = tpu.vector_load_idx %arg27[%and3A_463] : memref<16xf32, #tpu.memory_space<vmem>>[vector<16xi32>], vector<16xf32>,
      %add3A_466 = arith.addf %gather3A_464, %gather3A_465 : vector<16xf32>
      %mul3A_467 = arith.constant 2.000000e-01 : f32
      %mul3A_468 = vector.broadcast %mul3A_467 : f32 to vector<16xf32>
      %mul3A_469 = arith.mulf %add3A_466, %mul3A_468 : vector<16xf32>
      %max3A_470 = arith.maximumf %add3A_466, %mul3A_469 : vector<16xf32>
      %exp3A_471 = math.exp %max3A_470 : vector<16xf32>
      %swap3A_472 = arith.constant 0 : i32
      %swap3A_473 = arith.index_cast %swap3A_472 : i32 to index
      %swap3A_474 = arith.constant 64 : index
      %swap3A_475 = tpu.vector_load %arg21[%swap3A_473, %swap3A_474] {strides = array<i32>} : memref<1x80xf32, #tpu.memory_space<vmem>>, vector<16xf32>,
      tpu.vector_store %arg21[%swap3A_473, %swap3A_474], %exp3A_471 {strides = array<i32>} : memref<1x80xf32, #tpu.memory_space<vmem>>, vector<16xf32>,
      %swap3A_476 = arith.constant 0 : i32
      %swap3A_477 = arith.index_cast %swap3A_476 : i32 to index
      %swap3A_478 = arith.constant 64 : index
      %swap3A_479 = tpu.vector_load %arg11[%swap3A_477, %swap3A_478] {strides = array<i32>} : memref<1x80xi32, #tpu.memory_space<vmem>>, vector<16xi32>,
      tpu.vector_store %arg11[%swap3A_477, %swap3A_478], %shift_right_logical3A_460 {strides = array<i32>} : memref<1x80xi32, #tpu.memory_space<vmem>>, vector<16xi32>,
      %shift_right_logical3A_480 = arith.constant 3 : i32
      %shift_right_logical3A_481 = vector.broadcast %shift_right_logical3A_480 : i32 to vector<16xi32>
      %shift_right_logical3A_482 = arith.shrui %and3A_463, %shift_right_logical3A_481 : vector<16xi32>
      %eq3A_483 = vector.broadcast %arg0 : i32 to vector<16xi32>
      %eq3A_484 = arith.cmpi eq, %shift_right_logical3A_482, %eq3A_483 : vector<16xi32>
      %mul3A_485 = arith.constant 8 : i32
      %mul3A_486 = vector.broadcast %mul3A_485 : i32 to vector<16xi32>
      %mul3A_487 = arith.muli %shift_right_logical3A_460, %mul3A_486 : vector<16xi32>
      %and3A_488 = arith.constant 7 : i32
      %and3A_489 = vector.broadcast %and3A_488 : i32 to vector<16xi32>
      %and3A_490 = arith.andi %and3A_463, %and3A_489 : vector<16xi32>
      %add3A_491 = arith.addi %mul3A_487, %and3A_490 : vector<16xi32>
      %broadcast_in_dim3A_492 = arith.constant 80000 : i32
      %broadcast_in_dim3A_493 = vector.broadcast %broadcast_in_dim3A_492 : i32 to vector<16xi32>
      %select_n3A_494 = arith.select %eq3A_484, %add3A_491, %broadcast_in_dim3A_493 : vector<16xi1>, vector<16xi32>
      %swap3A_495 = arith.constant 0 : i32
      %swap3A_496 = arith.index_cast %swap3A_495 : i32 to index
      %swap3A_497 = arith.constant 64 : index
      %swap3A_498 = tpu.vector_load %arg16[%swap3A_496, %swap3A_497] {strides = array<i32>} : memref<1x80xi32, #tpu.memory_space<vmem>>, vector<16xi32>,
      tpu.vector_store %arg16[%swap3A_496, %swap3A_497], %select_n3A_494 {strides = array<i32>} : memref<1x80xi32, #tpu.memory_space<vmem>>, vector<16xi32>,
      %scan3A_499 = arith.constant 0 : i32
      %scan3A_500 = arith.constant 80 : i32
      %scan3A_501 = arith.addi %scan3A_499, %scan3A_500 : i32
      %scan3A_502 = arith.constant 1 : i32
      scf.for %scan3A_1709 = %scan3A_499 to %scan3A_501 step %scan3A_502  : i32 {
        %mul3A_1710 = arith.constant 1 : i32
        %mul3A_1711 = arith.muli %scan3A_1709, %mul3A_1710 : i32
        %add3A_1712 = arith.constant 0 : i32
        %add3A_1713 = arith.addi %add3A_1712, %mul3A_1711 : i32
        %broadcast_in_dim3A_1714 = arith.constant 0 : i32
        %broadcast_in_dim3A_1715 = vector.broadcast %broadcast_in_dim3A_1714 : i32 to vector<16xi32>
        %broadcast_in_dim3A_1716 = vector.broadcast %add3A_1713 : i32 to vector<16xi32>
        %gather3A_1717 = tpu.vector_load_idx %arg21[%broadcast_in_dim3A_1715, %broadcast_in_dim3A_1716] : memref<1x80xf32, #tpu.memory_space<vmem>>[vector<16xi32>, vector<16xi32>], vector<16xf32>,
        %get3A_1718 = arith.index_cast %add3A_1713 : i32 to index
        %get3A_1719 = arith.constant 0 : index
        %get3A_1720 = tpu.vector_load %arg28[%get3A_1718, %get3A_1719] {strides = array<i32>} : memref<80x64xf32, #tpu.memory_space<vmem>>, vector<16xf32>,
        %mul3A_1721 = arith.mulf %get3A_1720, %gather3A_1717 : vector<16xf32>
        %swap3A_1722 = arith.index_cast %add3A_1713 : i32 to index
        %swap3A_1723 = arith.constant 0 : index
        %swap3A_1724 = tpu.vector_load %arg28[%swap3A_1722, %swap3A_1723] {strides = array<i32>} : memref<80x64xf32, #tpu.memory_space<vmem>>, vector<16xf32>,
        tpu.vector_store %arg28[%swap3A_1722, %swap3A_1723], %mul3A_1721 {strides = array<i32>} : memref<80x64xf32, #tpu.memory_space<vmem>>, vector<16xf32>,
        %get3A_1725 = arith.index_cast %add3A_1713 : i32 to index
        %get3A_1726 = arith.constant 16 : index
        %get3A_1727 = tpu.vector_load %arg28[%get3A_1725, %get3A_1726] {strides = array<i32>} : memref<80x64xf32, #tpu.memory_space<vmem>>, vector<16xf32>,
        %mul3A_1728 = arith.mulf %get3A_1727, %gather3A_1717 : vector<16xf32>
        %swap3A_1729 = arith.index_cast %add3A_1713 : i32 to index
        %swap3A_1730 = arith.constant 16 : index
        %swap3A_1731 = tpu.vector_load %arg28[%swap3A_1729, %swap3A_1730] {strides = array<i32>} : memref<80x64xf32, #tpu.memory_space<vmem>>, vector<16xf32>,
        tpu.vector_store %arg28[%swap3A_1729, %swap3A_1730], %mul3A_1728 {strides = array<i32>} : memref<80x64xf32, #tpu.memory_space<vmem>>, vector<16xf32>,
        %get3A_1732 = arith.index_cast %add3A_1713 : i32 to index
        %get3A_1733 = arith.constant 32 : index
        %get3A_1734 = tpu.vector_load %arg28[%get3A_1732, %get3A_1733] {strides = array<i32>} : memref<80x64xf32, #tpu.memory_space<vmem>>, vector<16xf32>,
        %mul3A_1735 = arith.mulf %get3A_1734, %gather3A_1717 : vector<16xf32>
        %swap3A_1736 = arith.index_cast %add3A_1713 : i32 to index
        %swap3A_1737 = arith.constant 32 : index
        %swap3A_1738 = tpu.vector_load %arg28[%swap3A_1736, %swap3A_1737] {strides = array<i32>} : memref<80x64xf32, #tpu.memory_space<vmem>>, vector<16xf32>,
        tpu.vector_store %arg28[%swap3A_1736, %swap3A_1737], %mul3A_1735 {strides = array<i32>} : memref<80x64xf32, #tpu.memory_space<vmem>>, vector<16xf32>,
        %get3A_1739 = arith.index_cast %add3A_1713 : i32 to index
        %get3A_1740 = arith.constant 48 : index
        %get3A_1741 = tpu.vector_load %arg28[%get3A_1739, %get3A_1740] {strides = array<i32>} : memref<80x64xf32, #tpu.memory_space<vmem>>, vector<16xf32>,
        %mul3A_1742 = arith.mulf %get3A_1741, %gather3A_1717 : vector<16xf32>
        %swap3A_1743 = arith.index_cast %add3A_1713 : i32 to index
        %swap3A_1744 = arith.constant 48 : index
        %swap3A_1745 = tpu.vector_load %arg28[%swap3A_1743, %swap3A_1744] {strides = array<i32>} : memref<80x64xf32, #tpu.memory_space<vmem>>, vector<16xf32>,
        tpu.vector_store %arg28[%swap3A_1743, %swap3A_1744], %mul3A_1742 {strides = array<i32>} : memref<80x64xf32, #tpu.memory_space<vmem>>, vector<16xf32>,
      }
      %scan3A_503 = arith.constant 80 : i32
      %dma_start3A_504 = arith.constant 0 : i32
      %dma_start3A_505 = arith.constant 0 : i32
      %dma_start3A_506 = tpu.memref_slice %arg11[%dma_start3A_504, %dma_start3A_505] : memref<1x80xi32, #tpu.memory_space<vmem>> -> memref<1x80xi32, #tpu.memory_space<vmem>>
      %dma_start3A_507 = tpu.memref_squeeze %dma_start3A_506 : memref<1x80xi32, #tpu.memory_space<vmem>> -> memref<80xi32, #tpu.memory_space<vmem>>
      %dma_start3A_508 = arith.constant 0 : i32
      %dma_start3A_509 = arith.constant 0 : i32
      %dma_start3A_510 = tpu.memref_slice %arg34[%dma_start3A_508, %dma_start3A_509] : memref<10000x64xf32, #tpu.memory_space<vmem_shared>> -> memref<10000x64xf32, #tpu.memory_space<vmem_shared>>
      tpu.enqueue_indirect_dma source(%arg28 : memref<80x64xf32, #tpu.memory_space<vmem>>) target(%dma_start3A_510 : memref<10000x64xf32, #tpu.memory_space<vmem_shared>>) offsets(%dma_start3A_507 : memref<80xi32, #tpu.memory_space<vmem>>) semaphore(%arg37 : memref<!tpu.dma_semaphore, #tpu.memory_space<semaphore_mem>>) {add = true}
      %dma_start3A_511 = arith.constant 0 : i32
      %dma_start3A_512 = arith.constant 0 : i32
      %dma_start3A_513 = arith.constant 0 : i32
      %dma_start3A_514 = tpu.memref_slice %arg21[%dma_start3A_511, %dma_start3A_513] : memref<1x80xf32, #tpu.memory_space<vmem>> -> memref<1x80xf32, #tpu.memory_space<vmem>>
      %dma_start3A_515 = tpu.memref_squeeze %dma_start3A_514 : memref<1x80xf32, #tpu.memory_space<vmem>> -> memref<80xf32, #tpu.memory_space<vmem>>
      %dma_start3A_516 = arith.constant 0 : i32
      %dma_start3A_517 = tpu.memref_slice %arg16[%dma_start3A_512, %dma_start3A_516] : memref<1x80xi32, #tpu.memory_space<vmem>> -> memref<1x80xi32, #tpu.memory_space<vmem>>
      %dma_start3A_518 = tpu.memref_squeeze %dma_start3A_517 : memref<1x80xi32, #tpu.memory_space<vmem>> -> memref<80xi32, #tpu.memory_space<vmem>>
      %dma_start3A_519 = arith.constant 0 : i32
      %dma_start3A_520 = tpu.memref_slice %arg35[%dma_start3A_519] : memref<81920xf32, #tpu.memory_space<vmem_shared>> -> memref<81920xf32, #tpu.memory_space<vmem_shared>>
      tpu.enqueue_indirect_dma source(%dma_start3A_515 : memref<80xf32, #tpu.memory_space<vmem>>) target(%dma_start3A_520 : memref<81920xf32, #tpu.memory_space<vmem_shared>>) offsets(%dma_start3A_518 : memref<80xi32, #tpu.memory_space<vmem>>) semaphore(%arg38 : memref<!tpu.dma_semaphore, #tpu.memory_space<semaphore_mem>>) {add = true}
      %add3A_521 = arith.constant 1 : i32
      %add3A_522 = arith.addi %mul3A_236, %add3A_521 : i32
      %add3A_523 = arith.constant 3 : i32
      %add3A_524 = arith.addi %add3A_522, %add3A_523 : i32
      %ge3A_525 = arith.constant 2 : i32
      %ge3A_526 = arith.cmpi sge, %add3A_522, %ge3A_525 : i32
      %convert_element_type3A_527 = arith.extui %ge3A_526 : i1 to i32
      %cond3A_528 = arith.constant 0 : i32
      %cond3A_529 = arith.cmpi ne, %convert_element_type3A_527, %cond3A_528 : i32
      scf.if %cond3A_529 {
        %dma_wait3A_1709 = arith.constant 0 : i32
        %dma_wait3A_1710 = arith.constant 0 : i32
        %dma_wait3A_1711 = tpu.memref_slice %arg11[%dma_wait3A_1709, %dma_wait3A_1710] : memref<1x80xi32, #tpu.memory_space<vmem>> -> memref<1x80xi32, #tpu.memory_space<vmem>>
        %dma_wait3A_1712 = tpu.memref_squeeze %dma_wait3A_1711 : memref<1x80xi32, #tpu.memory_space<vmem>> -> memref<80xi32, #tpu.memory_space<vmem>>
        %dma_wait3A_1713 = arith.constant 0 : i32
        %dma_wait3A_1714 = arith.constant 0 : i32
        %dma_wait3A_1715 = tpu.memref_slice %arg34[%dma_wait3A_1713, %dma_wait3A_1714] : memref<10000x64xf32, #tpu.memory_space<vmem_shared>> -> memref<10000x64xf32, #tpu.memory_space<vmem_shared>>
        tpu.wait_indirect_dma semaphore(%arg37 : memref<!tpu.dma_semaphore, #tpu.memory_space<semaphore_mem>>) src(%arg32 : memref<80x64xf32, #tpu.memory_space<vmem>>) dst(%dma_wait3A_1715 : memref<10000x64xf32, #tpu.memory_space<vmem_shared>>)
      } else {
      }
      %lt3A_530 = arith.constant 250 : i32
      %lt3A_531 = arith.cmpi slt, %add3A_524, %lt3A_530 : i32
      %convert_element_type3A_532 = arith.extui %lt3A_531 : i1 to i32
      %cond3A_533 = arith.constant 0 : i32
      %cond3A_534 = arith.cmpi ne, %convert_element_type3A_532, %cond3A_533 : i32
      scf.if %cond3A_534 {
        %dma_start3A_1709 = arith.constant 0 : i32
        %dma_start3A_1710 = tpu.memref_slice %arg9[%add3A_524, %dma_start3A_1709] : memref<250x80xi32, #tpu.memory_space<vmem>> -> memref<1x80xi32, #tpu.memory_space<vmem>>
        %dma_start3A_1711 = tpu.memref_squeeze %dma_start3A_1710 : memref<1x80xi32, #tpu.memory_space<vmem>> -> memref<80xi32, #tpu.memory_space<vmem>>
        %dma_start3A_1712 = arith.constant 0 : i32
        %dma_start3A_1713 = arith.constant 0 : i32
        %dma_start3A_1714 = tpu.memref_slice %arg2[%dma_start3A_1712, %dma_start3A_1713] : memref<20000x64xf32, #tpu.memory_space<hbm>> -> memref<20000x64xf32, #tpu.memory_space<hbm>>
        tpu.enqueue_indirect_dma source(%dma_start3A_1714 : memref<20000x64xf32, #tpu.memory_space<hbm>>) target(%arg32 : memref<80x64xf32, #tpu.memory_space<vmem>>) offsets(%dma_start3A_1711 : memref<80xi32, #tpu.memory_space<vmem>>) semaphore(%arg36 : memref<!tpu.dma_semaphore, #tpu.memory_space<semaphore_mem>>)
      } else {
      }
      %dma_wait3A_535 = arith.constant 0 : i32
      %dma_wait3A_536 = tpu.memref_slice %arg9[%add3A_522, %dma_wait3A_535] : memref<250x80xi32, #tpu.memory_space<vmem>> -> memref<1x80xi32, #tpu.memory_space<vmem>>
      %dma_wait3A_537 = tpu.memref_squeeze %dma_wait3A_536 : memref<1x80xi32, #tpu.memory_space<vmem>> -> memref<80xi32, #tpu.memory_space<vmem>>
      %dma_wait3A_538 = arith.constant 0 : i32
      %dma_wait3A_539 = arith.constant 0 : i32
      %dma_wait3A_540 = tpu.memref_slice %arg2[%dma_wait3A_538, %dma_wait3A_539] : memref<20000x64xf32, #tpu.memory_space<hbm>> -> memref<20000x64xf32, #tpu.memory_space<hbm>>
      tpu.wait_indirect_dma semaphore(%arg36 : memref<!tpu.dma_semaphore, #tpu.memory_space<semaphore_mem>>) src(%dma_wait3A_540 : memref<20000x64xf32, #tpu.memory_space<hbm>>) dst(%arg29 : memref<80x64xf32, #tpu.memory_space<vmem>>)
      %ge3A_541 = arith.constant 5 : i32
      %ge3A_542 = arith.cmpi sge, %add3A_522, %ge3A_541 : i32
      %convert_element_type3A_543 = arith.extui %ge3A_542 : i1 to i32
      %cond3A_544 = arith.constant 0 : i32
      %cond3A_545 = arith.cmpi ne, %convert_element_type3A_543, %cond3A_544 : i32
      scf.if %cond3A_545 {
        %dma_wait3A_1709 = arith.constant 0 : i32
        %dma_wait3A_1710 = arith.constant 0 : i32
        %dma_wait3A_1711 = arith.constant 0 : i32
        %dma_wait3A_1712 = tpu.memref_slice %arg22[%dma_wait3A_1709, %dma_wait3A_1711] : memref<1x80xf32, #tpu.memory_space<vmem>> -> memref<1x80xf32, #tpu.memory_space<vmem>>
        %dma_wait3A_1713 = tpu.memref_squeeze %dma_wait3A_1712 : memref<1x80xf32, #tpu.memory_space<vmem>> -> memref<80xf32, #tpu.memory_space<vmem>>
        %dma_wait3A_1714 = arith.constant 0 : i32
        %dma_wait3A_1715 = tpu.memref_slice %arg11[%dma_wait3A_1710, %dma_wait3A_1714] : memref<1x80xi32, #tpu.memory_space<vmem>> -> memref<1x80xi32, #tpu.memory_space<vmem>>
        %dma_wait3A_1716 = tpu.memref_squeeze %dma_wait3A_1715 : memref<1x80xi32, #tpu.memory_space<vmem>> -> memref<80xi32, #tpu.memory_space<vmem>>
        %dma_wait3A_1717 = arith.constant 0 : i32
        %dma_wait3A_1718 = tpu.memref_slice %arg35[%dma_wait3A_1717] : memref<81920xf32, #tpu.memory_space<vmem_shared>> -> memref<81920xf32, #tpu.memory_space<vmem_shared>>
        tpu.wait_indirect_dma semaphore(%arg38 : memref<!tpu.dma_semaphore, #tpu.memory_space<semaphore_mem>>) src(%dma_wait3A_1713 : memref<80xf32, #tpu.memory_space<vmem>>) dst(%dma_wait3A_1718 : memref<81920xf32, #tpu.memory_space<vmem_shared>>)
      } else {
      }
      %get3A_546 = arith.index_cast %add3A_522 : i32 to index
      %get3A_547 = arith.constant 0 : index
      %get3A_548 = tpu.vector_load %arg9[%get3A_546, %get3A_547] {strides = array<i32>} : memref<250x80xi32, #tpu.memory_space<vmem>>, vector<16xi32>,
      %shift_right_logical3A_549 = arith.constant 1 : i32
      %shift_right_logical3A_550 = vector.broadcast %shift_right_logical3A_549 : i32 to vector<16xi32>
      %shift_right_logical3A_551 = arith.shrui %get3A_548, %shift_right_logical3A_550 : vector<16xi32>
      %get3A_552 = arith.index_cast %add3A_522 : i32 to index
      %get3A_553 = arith.constant 0 : index
      %get3A_554 = tpu.vector_load %arg10[%get3A_552, %get3A_553] {strides = array<i32>} : memref<250x80xi32, #tpu.memory_space<vmem>>, vector<16xi32>,
      %shift_right_logical3A_555 = arith.constant 4 : i32
      %shift_right_logical3A_556 = vector.broadcast %shift_right_logical3A_555 : i32 to vector<16xi32>
      %shift_right_logical3A_557 = arith.shrui %get3A_554, %shift_right_logical3A_556 : vector<16xi32>
      %and3A_558 = arith.constant 15 : i32
      %and3A_559 = vector.broadcast %and3A_558 : i32 to vector<16xi32>
      %and3A_560 = arith.andi %get3A_554, %and3A_559 : vector<16xi32>
      %gather3A_561 = tpu.vector_load_idx %arg26[%shift_right_logical3A_551] : memref<10000xf32, #tpu.memory_space<vmem>>[vector<16xi32>], vector<16xf32>,
      %gather3A_562 = tpu.vector_load_idx %arg27[%and3A_560] : memref<16xf32, #tpu.memory_space<vmem>>[vector<16xi32>], vector<16xf32>,
      %add3A_563 = arith.addf %gather3A_561, %gather3A_562 : vector<16xf32>
      %mul3A_564 = arith.constant 2.000000e-01 : f32
      %mul3A_565 = vector.broadcast %mul3A_564 : f32 to vector<16xf32>
      %mul3A_566 = arith.mulf %add3A_563, %mul3A_565 : vector<16xf32>
      %max3A_567 = arith.maximumf %add3A_563, %mul3A_566 : vector<16xf32>
      %exp3A_568 = math.exp %max3A_567 : vector<16xf32>
      %swap3A_569 = arith.constant 0 : i32
      %swap3A_570 = arith.index_cast %swap3A_569 : i32 to index
      %swap3A_571 = arith.constant 0 : index
      %swap3A_572 = tpu.vector_load %arg22[%swap3A_570, %swap3A_571] {strides = array<i32>} : memref<1x80xf32, #tpu.memory_space<vmem>>, vector<16xf32>,
      tpu.vector_store %arg22[%swap3A_570, %swap3A_571], %exp3A_568 {strides = array<i32>} : memref<1x80xf32, #tpu.memory_space<vmem>>, vector<16xf32>,
      %swap3A_573 = arith.constant 0 : i32
      %swap3A_574 = arith.index_cast %swap3A_573 : i32 to index
      %swap3A_575 = arith.constant 0 : index
      %swap3A_576 = tpu.vector_load %arg12[%swap3A_574, %swap3A_575] {strides = array<i32>} : memref<1x80xi32, #tpu.memory_space<vmem>>, vector<16xi32>,
      tpu.vector_store %arg12[%swap3A_574, %swap3A_575], %shift_right_logical3A_557 {strides = array<i32>} : memref<1x80xi32, #tpu.memory_space<vmem>>, vector<16xi32>,
      %shift_right_logical3A_577 = arith.constant 3 : i32
      %shift_right_logical3A_578 = vector.broadcast %shift_right_logical3A_577 : i32 to vector<16xi32>
      %shift_right_logical3A_579 = arith.shrui %and3A_560, %shift_right_logical3A_578 : vector<16xi32>
      %eq3A_580 = vector.broadcast %arg0 : i32 to vector<16xi32>
      %eq3A_581 = arith.cmpi eq, %shift_right_logical3A_579, %eq3A_580 : vector<16xi32>
      %mul3A_582 = arith.constant 8 : i32
      %mul3A_583 = vector.broadcast %mul3A_582 : i32 to vector<16xi32>
      %mul3A_584 = arith.muli %shift_right_logical3A_557, %mul3A_583 : vector<16xi32>
      %and3A_585 = arith.constant 7 : i32
      %and3A_586 = vector.broadcast %and3A_585 : i32 to vector<16xi32>
      %and3A_587 = arith.andi %and3A_560, %and3A_586 : vector<16xi32>
      %add3A_588 = arith.addi %mul3A_584, %and3A_587 : vector<16xi32>
      %broadcast_in_dim3A_589 = arith.constant 80000 : i32
      %broadcast_in_dim3A_590 = vector.broadcast %broadcast_in_dim3A_589 : i32 to vector<16xi32>
      %select_n3A_591 = arith.select %eq3A_581, %add3A_588, %broadcast_in_dim3A_590 : vector<16xi1>, vector<16xi32>
      %swap3A_592 = arith.constant 0 : i32
      %swap3A_593 = arith.index_cast %swap3A_592 : i32 to index
      %swap3A_594 = arith.constant 0 : index
      %swap3A_595 = tpu.vector_load %arg17[%swap3A_593, %swap3A_594] {strides = array<i32>} : memref<1x80xi32, #tpu.memory_space<vmem>>, vector<16xi32>,
      tpu.vector_store %arg17[%swap3A_593, %swap3A_594], %select_n3A_591 {strides = array<i32>} : memref<1x80xi32, #tpu.memory_space<vmem>>, vector<16xi32>,
      %get3A_596 = arith.index_cast %add3A_522 : i32 to index
      %get3A_597 = arith.constant 16 : index
      %get3A_598 = tpu.vector_load %arg9[%get3A_596, %get3A_597] {strides = array<i32>} : memref<250x80xi32, #tpu.memory_space<vmem>>, vector<16xi32>,
      %shift_right_logical3A_599 = arith.constant 1 : i32
      %shift_right_logical3A_600 = vector.broadcast %shift_right_logical3A_599 : i32 to vector<16xi32>
      %shift_right_logical3A_601 = arith.shrui %get3A_598, %shift_right_logical3A_600 : vector<16xi32>
      %get3A_602 = arith.index_cast %add3A_522 : i32 to index
      %get3A_603 = arith.constant 16 : index
      %get3A_604 = tpu.vector_load %arg10[%get3A_602, %get3A_603] {strides = array<i32>} : memref<250x80xi32, #tpu.memory_space<vmem>>, vector<16xi32>,
      %shift_right_logical3A_605 = arith.constant 4 : i32
      %shift_right_logical3A_606 = vector.broadcast %shift_right_logical3A_605 : i32 to vector<16xi32>
      %shift_right_logical3A_607 = arith.shrui %get3A_604, %shift_right_logical3A_606 : vector<16xi32>
      %and3A_608 = arith.constant 15 : i32
      %and3A_609 = vector.broadcast %and3A_608 : i32 to vector<16xi32>
      %and3A_610 = arith.andi %get3A_604, %and3A_609 : vector<16xi32>
      %gather3A_611 = tpu.vector_load_idx %arg26[%shift_right_logical3A_601] : memref<10000xf32, #tpu.memory_space<vmem>>[vector<16xi32>], vector<16xf32>,
      %gather3A_612 = tpu.vector_load_idx %arg27[%and3A_610] : memref<16xf32, #tpu.memory_space<vmem>>[vector<16xi32>], vector<16xf32>,
      %add3A_613 = arith.addf %gather3A_611, %gather3A_612 : vector<16xf32>
      %mul3A_614 = arith.constant 2.000000e-01 : f32
      %mul3A_615 = vector.broadcast %mul3A_614 : f32 to vector<16xf32>
      %mul3A_616 = arith.mulf %add3A_613, %mul3A_615 : vector<16xf32>
      %max3A_617 = arith.maximumf %add3A_613, %mul3A_616 : vector<16xf32>
      %exp3A_618 = math.exp %max3A_617 : vector<16xf32>
      %swap3A_619 = arith.constant 0 : i32
      %swap3A_620 = arith.index_cast %swap3A_619 : i32 to index
      %swap3A_621 = arith.constant 16 : index
      %swap3A_622 = tpu.vector_load %arg22[%swap3A_620, %swap3A_621] {strides = array<i32>} : memref<1x80xf32, #tpu.memory_space<vmem>>, vector<16xf32>,
      tpu.vector_store %arg22[%swap3A_620, %swap3A_621], %exp3A_618 {strides = array<i32>} : memref<1x80xf32, #tpu.memory_space<vmem>>, vector<16xf32>,
      %swap3A_623 = arith.constant 0 : i32
      %swap3A_624 = arith.index_cast %swap3A_623 : i32 to index
      %swap3A_625 = arith.constant 16 : index
      %swap3A_626 = tpu.vector_load %arg12[%swap3A_624, %swap3A_625] {strides = array<i32>} : memref<1x80xi32, #tpu.memory_space<vmem>>, vector<16xi32>,
      tpu.vector_store %arg12[%swap3A_624, %swap3A_625], %shift_right_logical3A_607 {strides = array<i32>} : memref<1x80xi32, #tpu.memory_space<vmem>>, vector<16xi32>,
      %shift_right_logical3A_627 = arith.constant 3 : i32
      %shift_right_logical3A_628 = vector.broadcast %shift_right_logical3A_627 : i32 to vector<16xi32>
      %shift_right_logical3A_629 = arith.shrui %and3A_610, %shift_right_logical3A_628 : vector<16xi32>
      %eq3A_630 = vector.broadcast %arg0 : i32 to vector<16xi32>
      %eq3A_631 = arith.cmpi eq, %shift_right_logical3A_629, %eq3A_630 : vector<16xi32>
      %mul3A_632 = arith.constant 8 : i32
      %mul3A_633 = vector.broadcast %mul3A_632 : i32 to vector<16xi32>
      %mul3A_634 = arith.muli %shift_right_logical3A_607, %mul3A_633 : vector<16xi32>
      %and3A_635 = arith.constant 7 : i32
      %and3A_636 = vector.broadcast %and3A_635 : i32 to vector<16xi32>
      %and3A_637 = arith.andi %and3A_610, %and3A_636 : vector<16xi32>
      %add3A_638 = arith.addi %mul3A_634, %and3A_637 : vector<16xi32>
      %broadcast_in_dim3A_639 = arith.constant 80000 : i32
      %broadcast_in_dim3A_640 = vector.broadcast %broadcast_in_dim3A_639 : i32 to vector<16xi32>
      %select_n3A_641 = arith.select %eq3A_631, %add3A_638, %broadcast_in_dim3A_640 : vector<16xi1>, vector<16xi32>
      %swap3A_642 = arith.constant 0 : i32
      %swap3A_643 = arith.index_cast %swap3A_642 : i32 to index
      %swap3A_644 = arith.constant 16 : index
      %swap3A_645 = tpu.vector_load %arg17[%swap3A_643, %swap3A_644] {strides = array<i32>} : memref<1x80xi32, #tpu.memory_space<vmem>>, vector<16xi32>,
      tpu.vector_store %arg17[%swap3A_643, %swap3A_644], %select_n3A_641 {strides = array<i32>} : memref<1x80xi32, #tpu.memory_space<vmem>>, vector<16xi32>,
      %get3A_646 = arith.index_cast %add3A_522 : i32 to index
      %get3A_647 = arith.constant 32 : index
      %get3A_648 = tpu.vector_load %arg9[%get3A_646, %get3A_647] {strides = array<i32>} : memref<250x80xi32, #tpu.memory_space<vmem>>, vector<16xi32>,
      %shift_right_logical3A_649 = arith.constant 1 : i32
      %shift_right_logical3A_650 = vector.broadcast %shift_right_logical3A_649 : i32 to vector<16xi32>
      %shift_right_logical3A_651 = arith.shrui %get3A_648, %shift_right_logical3A_650 : vector<16xi32>
      %get3A_652 = arith.index_cast %add3A_522 : i32 to index
      %get3A_653 = arith.constant 32 : index
      %get3A_654 = tpu.vector_load %arg10[%get3A_652, %get3A_653] {strides = array<i32>} : memref<250x80xi32, #tpu.memory_space<vmem>>, vector<16xi32>,
      %shift_right_logical3A_655 = arith.constant 4 : i32
      %shift_right_logical3A_656 = vector.broadcast %shift_right_logical3A_655 : i32 to vector<16xi32>
      %shift_right_logical3A_657 = arith.shrui %get3A_654, %shift_right_logical3A_656 : vector<16xi32>
      %and3A_658 = arith.constant 15 : i32
      %and3A_659 = vector.broadcast %and3A_658 : i32 to vector<16xi32>
      %and3A_660 = arith.andi %get3A_654, %and3A_659 : vector<16xi32>
      %gather3A_661 = tpu.vector_load_idx %arg26[%shift_right_logical3A_651] : memref<10000xf32, #tpu.memory_space<vmem>>[vector<16xi32>], vector<16xf32>,
      %gather3A_662 = tpu.vector_load_idx %arg27[%and3A_660] : memref<16xf32, #tpu.memory_space<vmem>>[vector<16xi32>], vector<16xf32>,
      %add3A_663 = arith.addf %gather3A_661, %gather3A_662 : vector<16xf32>
      %mul3A_664 = arith.constant 2.000000e-01 : f32
      %mul3A_665 = vector.broadcast %mul3A_664 : f32 to vector<16xf32>
      %mul3A_666 = arith.mulf %add3A_663, %mul3A_665 : vector<16xf32>
      %max3A_667 = arith.maximumf %add3A_663, %mul3A_666 : vector<16xf32>
      %exp3A_668 = math.exp %max3A_667 : vector<16xf32>
      %swap3A_669 = arith.constant 0 : i32
      %swap3A_670 = arith.index_cast %swap3A_669 : i32 to index
      %swap3A_671 = arith.constant 32 : index
      %swap3A_672 = tpu.vector_load %arg22[%swap3A_670, %swap3A_671] {strides = array<i32>} : memref<1x80xf32, #tpu.memory_space<vmem>>, vector<16xf32>,
      tpu.vector_store %arg22[%swap3A_670, %swap3A_671], %exp3A_668 {strides = array<i32>} : memref<1x80xf32, #tpu.memory_space<vmem>>, vector<16xf32>,
      %swap3A_673 = arith.constant 0 : i32
      %swap3A_674 = arith.index_cast %swap3A_673 : i32 to index
      %swap3A_675 = arith.constant 32 : index
      %swap3A_676 = tpu.vector_load %arg12[%swap3A_674, %swap3A_675] {strides = array<i32>} : memref<1x80xi32, #tpu.memory_space<vmem>>, vector<16xi32>,
      tpu.vector_store %arg12[%swap3A_674, %swap3A_675], %shift_right_logical3A_657 {strides = array<i32>} : memref<1x80xi32, #tpu.memory_space<vmem>>, vector<16xi32>,
      %shift_right_logical3A_677 = arith.constant 3 : i32
      %shift_right_logical3A_678 = vector.broadcast %shift_right_logical3A_677 : i32 to vector<16xi32>
      %shift_right_logical3A_679 = arith.shrui %and3A_660, %shift_right_logical3A_678 : vector<16xi32>
      %eq3A_680 = vector.broadcast %arg0 : i32 to vector<16xi32>
      %eq3A_681 = arith.cmpi eq, %shift_right_logical3A_679, %eq3A_680 : vector<16xi32>
      %mul3A_682 = arith.constant 8 : i32
      %mul3A_683 = vector.broadcast %mul3A_682 : i32 to vector<16xi32>
      %mul3A_684 = arith.muli %shift_right_logical3A_657, %mul3A_683 : vector<16xi32>
      %and3A_685 = arith.constant 7 : i32
      %and3A_686 = vector.broadcast %and3A_685 : i32 to vector<16xi32>
      %and3A_687 = arith.andi %and3A_660, %and3A_686 : vector<16xi32>
      %add3A_688 = arith.addi %mul3A_684, %and3A_687 : vector<16xi32>
      %broadcast_in_dim3A_689 = arith.constant 80000 : i32
      %broadcast_in_dim3A_690 = vector.broadcast %broadcast_in_dim3A_689 : i32 to vector<16xi32>
      %select_n3A_691 = arith.select %eq3A_681, %add3A_688, %broadcast_in_dim3A_690 : vector<16xi1>, vector<16xi32>
      %swap3A_692 = arith.constant 0 : i32
      %swap3A_693 = arith.index_cast %swap3A_692 : i32 to index
      %swap3A_694 = arith.constant 32 : index
      %swap3A_695 = tpu.vector_load %arg17[%swap3A_693, %swap3A_694] {strides = array<i32>} : memref<1x80xi32, #tpu.memory_space<vmem>>, vector<16xi32>,
      tpu.vector_store %arg17[%swap3A_693, %swap3A_694], %select_n3A_691 {strides = array<i32>} : memref<1x80xi32, #tpu.memory_space<vmem>>, vector<16xi32>,
      %get3A_696 = arith.index_cast %add3A_522 : i32 to index
      %get3A_697 = arith.constant 48 : index
      %get3A_698 = tpu.vector_load %arg9[%get3A_696, %get3A_697] {strides = array<i32>} : memref<250x80xi32, #tpu.memory_space<vmem>>, vector<16xi32>,
      %shift_right_logical3A_699 = arith.constant 1 : i32
      %shift_right_logical3A_700 = vector.broadcast %shift_right_logical3A_699 : i32 to vector<16xi32>
      %shift_right_logical3A_701 = arith.shrui %get3A_698, %shift_right_logical3A_700 : vector<16xi32>
      %get3A_702 = arith.index_cast %add3A_522 : i32 to index
      %get3A_703 = arith.constant 48 : index
      %get3A_704 = tpu.vector_load %arg10[%get3A_702, %get3A_703] {strides = array<i32>} : memref<250x80xi32, #tpu.memory_space<vmem>>, vector<16xi32>,
      %shift_right_logical3A_705 = arith.constant 4 : i32
      %shift_right_logical3A_706 = vector.broadcast %shift_right_logical3A_705 : i32 to vector<16xi32>
      %shift_right_logical3A_707 = arith.shrui %get3A_704, %shift_right_logical3A_706 : vector<16xi32>
      %and3A_708 = arith.constant 15 : i32
      %and3A_709 = vector.broadcast %and3A_708 : i32 to vector<16xi32>
      %and3A_710 = arith.andi %get3A_704, %and3A_709 : vector<16xi32>
      %gather3A_711 = tpu.vector_load_idx %arg26[%shift_right_logical3A_701] : memref<10000xf32, #tpu.memory_space<vmem>>[vector<16xi32>], vector<16xf32>,
      %gather3A_712 = tpu.vector_load_idx %arg27[%and3A_710] : memref<16xf32, #tpu.memory_space<vmem>>[vector<16xi32>], vector<16xf32>,
      %add3A_713 = arith.addf %gather3A_711, %gather3A_712 : vector<16xf32>
      %mul3A_714 = arith.constant 2.000000e-01 : f32
      %mul3A_715 = vector.broadcast %mul3A_714 : f32 to vector<16xf32>
      %mul3A_716 = arith.mulf %add3A_713, %mul3A_715 : vector<16xf32>
      %max3A_717 = arith.maximumf %add3A_713, %mul3A_716 : vector<16xf32>
      %exp3A_718 = math.exp %max3A_717 : vector<16xf32>
      %swap3A_719 = arith.constant 0 : i32
      %swap3A_720 = arith.index_cast %swap3A_719 : i32 to index
      %swap3A_721 = arith.constant 48 : index
      %swap3A_722 = tpu.vector_load %arg22[%swap3A_720, %swap3A_721] {strides = array<i32>} : memref<1x80xf32, #tpu.memory_space<vmem>>, vector<16xf32>,
      tpu.vector_store %arg22[%swap3A_720, %swap3A_721], %exp3A_718 {strides = array<i32>} : memref<1x80xf32, #tpu.memory_space<vmem>>, vector<16xf32>,
      %swap3A_723 = arith.constant 0 : i32
      %swap3A_724 = arith.index_cast %swap3A_723 : i32 to index
      %swap3A_725 = arith.constant 48 : index
      %swap3A_726 = tpu.vector_load %arg12[%swap3A_724, %swap3A_725] {strides = array<i32>} : memref<1x80xi32, #tpu.memory_space<vmem>>, vector<16xi32>,
      tpu.vector_store %arg12[%swap3A_724, %swap3A_725], %shift_right_logical3A_707 {strides = array<i32>} : memref<1x80xi32, #tpu.memory_space<vmem>>, vector<16xi32>,
      %shift_right_logical3A_727 = arith.constant 3 : i32
      %shift_right_logical3A_728 = vector.broadcast %shift_right_logical3A_727 : i32 to vector<16xi32>
      %shift_right_logical3A_729 = arith.shrui %and3A_710, %shift_right_logical3A_728 : vector<16xi32>
      %eq3A_730 = vector.broadcast %arg0 : i32 to vector<16xi32>
      %eq3A_731 = arith.cmpi eq, %shift_right_logical3A_729, %eq3A_730 : vector<16xi32>
      %mul3A_732 = arith.constant 8 : i32
      %mul3A_733 = vector.broadcast %mul3A_732 : i32 to vector<16xi32>
      %mul3A_734 = arith.muli %shift_right_logical3A_707, %mul3A_733 : vector<16xi32>
      %and3A_735 = arith.constant 7 : i32
      %and3A_736 = vector.broadcast %and3A_735 : i32 to vector<16xi32>
      %and3A_737 = arith.andi %and3A_710, %and3A_736 : vector<16xi32>
      %add3A_738 = arith.addi %mul3A_734, %and3A_737 : vector<16xi32>
      %broadcast_in_dim3A_739 = arith.constant 80000 : i32
      %broadcast_in_dim3A_740 = vector.broadcast %broadcast_in_dim3A_739 : i32 to vector<16xi32>
      %select_n3A_741 = arith.select %eq3A_731, %add3A_738, %broadcast_in_dim3A_740 : vector<16xi1>, vector<16xi32>
      %swap3A_742 = arith.constant 0 : i32
      %swap3A_743 = arith.index_cast %swap3A_742 : i32 to index
      %swap3A_744 = arith.constant 48 : index
      %swap3A_745 = tpu.vector_load %arg17[%swap3A_743, %swap3A_744] {strides = array<i32>} : memref<1x80xi32, #tpu.memory_space<vmem>>, vector<16xi32>,
      tpu.vector_store %arg17[%swap3A_743, %swap3A_744], %select_n3A_741 {strides = array<i32>} : memref<1x80xi32, #tpu.memory_space<vmem>>, vector<16xi32>,
      %get3A_746 = arith.index_cast %add3A_522 : i32 to index
      %get3A_747 = arith.constant 64 : index
      %get3A_748 = tpu.vector_load %arg9[%get3A_746, %get3A_747] {strides = array<i32>} : memref<250x80xi32, #tpu.memory_space<vmem>>, vector<16xi32>,
      %shift_right_logical3A_749 = arith.constant 1 : i32
      %shift_right_logical3A_750 = vector.broadcast %shift_right_logical3A_749 : i32 to vector<16xi32>
      %shift_right_logical3A_751 = arith.shrui %get3A_748, %shift_right_logical3A_750 : vector<16xi32>
      %get3A_752 = arith.index_cast %add3A_522 : i32 to index
      %get3A_753 = arith.constant 64 : index
      %get3A_754 = tpu.vector_load %arg10[%get3A_752, %get3A_753] {strides = array<i32>} : memref<250x80xi32, #tpu.memory_space<vmem>>, vector<16xi32>,
      %shift_right_logical3A_755 = arith.constant 4 : i32
      %shift_right_logical3A_756 = vector.broadcast %shift_right_logical3A_755 : i32 to vector<16xi32>
      %shift_right_logical3A_757 = arith.shrui %get3A_754, %shift_right_logical3A_756 : vector<16xi32>
      %and3A_758 = arith.constant 15 : i32
      %and3A_759 = vector.broadcast %and3A_758 : i32 to vector<16xi32>
      %and3A_760 = arith.andi %get3A_754, %and3A_759 : vector<16xi32>
      %gather3A_761 = tpu.vector_load_idx %arg26[%shift_right_logical3A_751] : memref<10000xf32, #tpu.memory_space<vmem>>[vector<16xi32>], vector<16xf32>,
      %gather3A_762 = tpu.vector_load_idx %arg27[%and3A_760] : memref<16xf32, #tpu.memory_space<vmem>>[vector<16xi32>], vector<16xf32>,
      %add3A_763 = arith.addf %gather3A_761, %gather3A_762 : vector<16xf32>
      %mul3A_764 = arith.constant 2.000000e-01 : f32
      %mul3A_765 = vector.broadcast %mul3A_764 : f32 to vector<16xf32>
      %mul3A_766 = arith.mulf %add3A_763, %mul3A_765 : vector<16xf32>
      %max3A_767 = arith.maximumf %add3A_763, %mul3A_766 : vector<16xf32>
      %exp3A_768 = math.exp %max3A_767 : vector<16xf32>
      %swap3A_769 = arith.constant 0 : i32
      %swap3A_770 = arith.index_cast %swap3A_769 : i32 to index
      %swap3A_771 = arith.constant 64 : index
      %swap3A_772 = tpu.vector_load %arg22[%swap3A_770, %swap3A_771] {strides = array<i32>} : memref<1x80xf32, #tpu.memory_space<vmem>>, vector<16xf32>,
      tpu.vector_store %arg22[%swap3A_770, %swap3A_771], %exp3A_768 {strides = array<i32>} : memref<1x80xf32, #tpu.memory_space<vmem>>, vector<16xf32>,
      %swap3A_773 = arith.constant 0 : i32
      %swap3A_774 = arith.index_cast %swap3A_773 : i32 to index
      %swap3A_775 = arith.constant 64 : index
      %swap3A_776 = tpu.vector_load %arg12[%swap3A_774, %swap3A_775] {strides = array<i32>} : memref<1x80xi32, #tpu.memory_space<vmem>>, vector<16xi32>,
      tpu.vector_store %arg12[%swap3A_774, %swap3A_775], %shift_right_logical3A_757 {strides = array<i32>} : memref<1x80xi32, #tpu.memory_space<vmem>>, vector<16xi32>,
      %shift_right_logical3A_777 = arith.constant 3 : i32
      %shift_right_logical3A_778 = vector.broadcast %shift_right_logical3A_777 : i32 to vector<16xi32>
      %shift_right_logical3A_779 = arith.shrui %and3A_760, %shift_right_logical3A_778 : vector<16xi32>
      %eq3A_780 = vector.broadcast %arg0 : i32 to vector<16xi32>
      %eq3A_781 = arith.cmpi eq, %shift_right_logical3A_779, %eq3A_780 : vector<16xi32>
      %mul3A_782 = arith.constant 8 : i32
      %mul3A_783 = vector.broadcast %mul3A_782 : i32 to vector<16xi32>
      %mul3A_784 = arith.muli %shift_right_logical3A_757, %mul3A_783 : vector<16xi32>
      %and3A_785 = arith.constant 7 : i32
      %and3A_786 = vector.broadcast %and3A_785 : i32 to vector<16xi32>
      %and3A_787 = arith.andi %and3A_760, %and3A_786 : vector<16xi32>
      %add3A_788 = arith.addi %mul3A_784, %and3A_787 : vector<16xi32>
      %broadcast_in_dim3A_789 = arith.constant 80000 : i32
      %broadcast_in_dim3A_790 = vector.broadcast %broadcast_in_dim3A_789 : i32 to vector<16xi32>
      %select_n3A_791 = arith.select %eq3A_781, %add3A_788, %broadcast_in_dim3A_790 : vector<16xi1>, vector<16xi32>
      %swap3A_792 = arith.constant 0 : i32
      %swap3A_793 = arith.index_cast %swap3A_792 : i32 to index
      %swap3A_794 = arith.constant 64 : index
      %swap3A_795 = tpu.vector_load %arg17[%swap3A_793, %swap3A_794] {strides = array<i32>} : memref<1x80xi32, #tpu.memory_space<vmem>>, vector<16xi32>,
      tpu.vector_store %arg17[%swap3A_793, %swap3A_794], %select_n3A_791 {strides = array<i32>} : memref<1x80xi32, #tpu.memory_space<vmem>>, vector<16xi32>,
      %scan3A_796 = arith.constant 0 : i32
      %scan3A_797 = arith.constant 80 : i32
      %scan3A_798 = arith.addi %scan3A_796, %scan3A_797 : i32
      %scan3A_799 = arith.constant 1 : i32
      scf.for %scan3A_1709 = %scan3A_796 to %scan3A_798 step %scan3A_799  : i32 {
        %mul3A_1710 = arith.constant 1 : i32
        %mul3A_1711 = arith.muli %scan3A_1709, %mul3A_1710 : i32
        %add3A_1712 = arith.constant 0 : i32
        %add3A_1713 = arith.addi %add3A_1712, %mul3A_1711 : i32
        %broadcast_in_dim3A_1714 = arith.constant 0 : i32
        %broadcast_in_dim3A_1715 = vector.broadcast %broadcast_in_dim3A_1714 : i32 to vector<16xi32>
        %broadcast_in_dim3A_1716 = vector.broadcast %add3A_1713 : i32 to vector<16xi32>
        %gather3A_1717 = tpu.vector_load_idx %arg22[%broadcast_in_dim3A_1715, %broadcast_in_dim3A_1716] : memref<1x80xf32, #tpu.memory_space<vmem>>[vector<16xi32>, vector<16xi32>], vector<16xf32>,
        %get3A_1718 = arith.index_cast %add3A_1713 : i32 to index
        %get3A_1719 = arith.constant 0 : index
        %get3A_1720 = tpu.vector_load %arg29[%get3A_1718, %get3A_1719] {strides = array<i32>} : memref<80x64xf32, #tpu.memory_space<vmem>>, vector<16xf32>,
        %mul3A_1721 = arith.mulf %get3A_1720, %gather3A_1717 : vector<16xf32>
        %swap3A_1722 = arith.index_cast %add3A_1713 : i32 to index
        %swap3A_1723 = arith.constant 0 : index
        %swap3A_1724 = tpu.vector_load %arg29[%swap3A_1722, %swap3A_1723] {strides = array<i32>} : memref<80x64xf32, #tpu.memory_space<vmem>>, vector<16xf32>,
        tpu.vector_store %arg29[%swap3A_1722, %swap3A_1723], %mul3A_1721 {strides = array<i32>} : memref<80x64xf32, #tpu.memory_space<vmem>>, vector<16xf32>,
        %get3A_1725 = arith.index_cast %add3A_1713 : i32 to index
        %get3A_1726 = arith.constant 16 : index
        %get3A_1727 = tpu.vector_load %arg29[%get3A_1725, %get3A_1726] {strides = array<i32>} : memref<80x64xf32, #tpu.memory_space<vmem>>, vector<16xf32>,
        %mul3A_1728 = arith.mulf %get3A_1727, %gather3A_1717 : vector<16xf32>
        %swap3A_1729 = arith.index_cast %add3A_1713 : i32 to index
        %swap3A_1730 = arith.constant 16 : index
        %swap3A_1731 = tpu.vector_load %arg29[%swap3A_1729, %swap3A_1730] {strides = array<i32>} : memref<80x64xf32, #tpu.memory_space<vmem>>, vector<16xf32>,
        tpu.vector_store %arg29[%swap3A_1729, %swap3A_1730], %mul3A_1728 {strides = array<i32>} : memref<80x64xf32, #tpu.memory_space<vmem>>, vector<16xf32>,
        %get3A_1732 = arith.index_cast %add3A_1713 : i32 to index
        %get3A_1733 = arith.constant 32 : index
        %get3A_1734 = tpu.vector_load %arg29[%get3A_1732, %get3A_1733] {strides = array<i32>} : memref<80x64xf32, #tpu.memory_space<vmem>>, vector<16xf32>,
        %mul3A_1735 = arith.mulf %get3A_1734, %gather3A_1717 : vector<16xf32>
        %swap3A_1736 = arith.index_cast %add3A_1713 : i32 to index
        %swap3A_1737 = arith.constant 32 : index
        %swap3A_1738 = tpu.vector_load %arg29[%swap3A_1736, %swap3A_1737] {strides = array<i32>} : memref<80x64xf32, #tpu.memory_space<vmem>>, vector<16xf32>,
        tpu.vector_store %arg29[%swap3A_1736, %swap3A_1737], %mul3A_1735 {strides = array<i32>} : memref<80x64xf32, #tpu.memory_space<vmem>>, vector<16xf32>,
        %get3A_1739 = arith.index_cast %add3A_1713 : i32 to index
        %get3A_1740 = arith.constant 48 : index
        %get3A_1741 = tpu.vector_load %arg29[%get3A_1739, %get3A_1740] {strides = array<i32>} : memref<80x64xf32, #tpu.memory_space<vmem>>, vector<16xf32>,
        %mul3A_1742 = arith.mulf %get3A_1741, %gather3A_1717 : vector<16xf32>
        %swap3A_1743 = arith.index_cast %add3A_1713 : i32 to index
        %swap3A_1744 = arith.constant 48 : index
        %swap3A_1745 = tpu.vector_load %arg29[%swap3A_1743, %swap3A_1744] {strides = array<i32>} : memref<80x64xf32, #tpu.memory_space<vmem>>, vector<16xf32>,
        tpu.vector_store %arg29[%swap3A_1743, %swap3A_1744], %mul3A_1742 {strides = array<i32>} : memref<80x64xf32, #tpu.memory_space<vmem>>, vector<16xf32>,
      }
      %scan3A_800 = arith.constant 80 : i32
      %dma_start3A_801 = arith.constant 0 : i32
      %dma_start3A_802 = arith.constant 0 : i32
      %dma_start3A_803 = tpu.memref_slice %arg12[%dma_start3A_801, %dma_start3A_802] : memref<1x80xi32, #tpu.memory_space<vmem>> -> memref<1x80xi32, #tpu.memory_space<vmem>>
      %dma_start3A_804 = tpu.memref_squeeze %dma_start3A_803 : memref<1x80xi32, #tpu.memory_space<vmem>> -> memref<80xi32, #tpu.memory_space<vmem>>
      %dma_start3A_805 = arith.constant 0 : i32
      %dma_start3A_806 = arith.constant 0 : i32
      %dma_start3A_807 = tpu.memref_slice %arg34[%dma_start3A_805, %dma_start3A_806] : memref<10000x64xf32, #tpu.memory_space<vmem_shared>> -> memref<10000x64xf32, #tpu.memory_space<vmem_shared>>
      tpu.enqueue_indirect_dma source(%arg29 : memref<80x64xf32, #tpu.memory_space<vmem>>) target(%dma_start3A_807 : memref<10000x64xf32, #tpu.memory_space<vmem_shared>>) offsets(%dma_start3A_804 : memref<80xi32, #tpu.memory_space<vmem>>) semaphore(%arg37 : memref<!tpu.dma_semaphore, #tpu.memory_space<semaphore_mem>>) {add = true}
      %dma_start3A_808 = arith.constant 0 : i32
      %dma_start3A_809 = arith.constant 0 : i32
      %dma_start3A_810 = arith.constant 0 : i32
      %dma_start3A_811 = tpu.memref_slice %arg22[%dma_start3A_808, %dma_start3A_810] : memref<1x80xf32, #tpu.memory_space<vmem>> -> memref<1x80xf32, #tpu.memory_space<vmem>>
      %dma_start3A_812 = tpu.memref_squeeze %dma_start3A_811 : memref<1x80xf32, #tpu.memory_space<vmem>> -> memref<80xf32, #tpu.memory_space<vmem>>
      %dma_start3A_813 = arith.constant 0 : i32
      %dma_start3A_814 = tpu.memref_slice %arg17[%dma_start3A_809, %dma_start3A_813] : memref<1x80xi32, #tpu.memory_space<vmem>> -> memref<1x80xi32, #tpu.memory_space<vmem>>
      %dma_start3A_815 = tpu.memref_squeeze %dma_start3A_814 : memref<1x80xi32, #tpu.memory_space<vmem>> -> memref<80xi32, #tpu.memory_space<vmem>>
      %dma_start3A_816 = arith.constant 0 : i32
      %dma_start3A_817 = tpu.memref_slice %arg35[%dma_start3A_816] : memref<81920xf32, #tpu.memory_space<vmem_shared>> -> memref<81920xf32, #tpu.memory_space<vmem_shared>>
      tpu.enqueue_indirect_dma source(%dma_start3A_812 : memref<80xf32, #tpu.memory_space<vmem>>) target(%dma_start3A_817 : memref<81920xf32, #tpu.memory_space<vmem_shared>>) offsets(%dma_start3A_815 : memref<80xi32, #tpu.memory_space<vmem>>) semaphore(%arg38 : memref<!tpu.dma_semaphore, #tpu.memory_space<semaphore_mem>>) {add = true}
      %add3A_818 = arith.constant 2 : i32
      %add3A_819 = arith.addi %mul3A_236, %add3A_818 : i32
      %add3A_820 = arith.constant 3 : i32
      %add3A_821 = arith.addi %add3A_819, %add3A_820 : i32
      %ge3A_822 = arith.constant 2 : i32
      %ge3A_823 = arith.cmpi sge, %add3A_819, %ge3A_822 : i32
      %convert_element_type3A_824 = arith.extui %ge3A_823 : i1 to i32
      %cond3A_825 = arith.constant 0 : i32
      %cond3A_826 = arith.cmpi ne, %convert_element_type3A_824, %cond3A_825 : i32
      scf.if %cond3A_826 {
        %dma_wait3A_1709 = arith.constant 0 : i32
        %dma_wait3A_1710 = arith.constant 0 : i32
        %dma_wait3A_1711 = tpu.memref_slice %arg11[%dma_wait3A_1709, %dma_wait3A_1710] : memref<1x80xi32, #tpu.memory_space<vmem>> -> memref<1x80xi32, #tpu.memory_space<vmem>>
        %dma_wait3A_1712 = tpu.memref_squeeze %dma_wait3A_1711 : memref<1x80xi32, #tpu.memory_space<vmem>> -> memref<80xi32, #tpu.memory_space<vmem>>
        %dma_wait3A_1713 = arith.constant 0 : i32
        %dma_wait3A_1714 = arith.constant 0 : i32
        %dma_wait3A_1715 = tpu.memref_slice %arg34[%dma_wait3A_1713, %dma_wait3A_1714] : memref<10000x64xf32, #tpu.memory_space<vmem_shared>> -> memref<10000x64xf32, #tpu.memory_space<vmem_shared>>
        tpu.wait_indirect_dma semaphore(%arg37 : memref<!tpu.dma_semaphore, #tpu.memory_space<semaphore_mem>>) src(%arg28 : memref<80x64xf32, #tpu.memory_space<vmem>>) dst(%dma_wait3A_1715 : memref<10000x64xf32, #tpu.memory_space<vmem_shared>>)
      } else {
      }
      %lt3A_827 = arith.constant 250 : i32
      %lt3A_828 = arith.cmpi slt, %add3A_821, %lt3A_827 : i32
      %convert_element_type3A_829 = arith.extui %lt3A_828 : i1 to i32
      %cond3A_830 = arith.constant 0 : i32
      %cond3A_831 = arith.cmpi ne, %convert_element_type3A_829, %cond3A_830 : i32
      scf.if %cond3A_831 {
        %dma_start3A_1709 = arith.constant 0 : i32
        %dma_start3A_1710 = tpu.memref_slice %arg9[%add3A_821, %dma_start3A_1709] : memref<250x80xi32, #tpu.memory_space<vmem>> -> memref<1x80xi32, #tpu.memory_space<vmem>>
        %dma_start3A_1711 = tpu.memref_squeeze %dma_start3A_1710 : memref<1x80xi32, #tpu.memory_space<vmem>> -> memref<80xi32, #tpu.memory_space<vmem>>
        %dma_start3A_1712 = arith.constant 0 : i32
        %dma_start3A_1713 = arith.constant 0 : i32
        %dma_start3A_1714 = tpu.memref_slice %arg2[%dma_start3A_1712, %dma_start3A_1713] : memref<20000x64xf32, #tpu.memory_space<hbm>> -> memref<20000x64xf32, #tpu.memory_space<hbm>>
        tpu.enqueue_indirect_dma source(%dma_start3A_1714 : memref<20000x64xf32, #tpu.memory_space<hbm>>) target(%arg28 : memref<80x64xf32, #tpu.memory_space<vmem>>) offsets(%dma_start3A_1711 : memref<80xi32, #tpu.memory_space<vmem>>) semaphore(%arg36 : memref<!tpu.dma_semaphore, #tpu.memory_space<semaphore_mem>>)
      } else {
      }
      %dma_wait3A_832 = arith.constant 0 : i32
      %dma_wait3A_833 = tpu.memref_slice %arg9[%add3A_819, %dma_wait3A_832] : memref<250x80xi32, #tpu.memory_space<vmem>> -> memref<1x80xi32, #tpu.memory_space<vmem>>
      %dma_wait3A_834 = tpu.memref_squeeze %dma_wait3A_833 : memref<1x80xi32, #tpu.memory_space<vmem>> -> memref<80xi32, #tpu.memory_space<vmem>>
      %dma_wait3A_835 = arith.constant 0 : i32
      %dma_wait3A_836 = arith.constant 0 : i32
      %dma_wait3A_837 = tpu.memref_slice %arg2[%dma_wait3A_835, %dma_wait3A_836] : memref<20000x64xf32, #tpu.memory_space<hbm>> -> memref<20000x64xf32, #tpu.memory_space<hbm>>
      tpu.wait_indirect_dma semaphore(%arg36 : memref<!tpu.dma_semaphore, #tpu.memory_space<semaphore_mem>>) src(%dma_wait3A_837 : memref<20000x64xf32, #tpu.memory_space<hbm>>) dst(%arg30 : memref<80x64xf32, #tpu.memory_space<vmem>>)
      %ge3A_838 = arith.constant 5 : i32
      %ge3A_839 = arith.cmpi sge, %add3A_819, %ge3A_838 : i32
      %convert_element_type3A_840 = arith.extui %ge3A_839 : i1 to i32
      %cond3A_841 = arith.constant 0 : i32
      %cond3A_842 = arith.cmpi ne, %convert_element_type3A_840, %cond3A_841 : i32
      scf.if %cond3A_842 {
        %dma_wait3A_1709 = arith.constant 0 : i32
        %dma_wait3A_1710 = arith.constant 0 : i32
        %dma_wait3A_1711 = arith.constant 0 : i32
        %dma_wait3A_1712 = tpu.memref_slice %arg23[%dma_wait3A_1709, %dma_wait3A_1711] : memref<1x80xf32, #tpu.memory_space<vmem>> -> memref<1x80xf32, #tpu.memory_space<vmem>>
        %dma_wait3A_1713 = tpu.memref_squeeze %dma_wait3A_1712 : memref<1x80xf32, #tpu.memory_space<vmem>> -> memref<80xf32, #tpu.memory_space<vmem>>
        %dma_wait3A_1714 = arith.constant 0 : i32
        %dma_wait3A_1715 = tpu.memref_slice %arg11[%dma_wait3A_1710, %dma_wait3A_1714] : memref<1x80xi32, #tpu.memory_space<vmem>> -> memref<1x80xi32, #tpu.memory_space<vmem>>
        %dma_wait3A_1716 = tpu.memref_squeeze %dma_wait3A_1715 : memref<1x80xi32, #tpu.memory_space<vmem>> -> memref<80xi32, #tpu.memory_space<vmem>>
        %dma_wait3A_1717 = arith.constant 0 : i32
        %dma_wait3A_1718 = tpu.memref_slice %arg35[%dma_wait3A_1717] : memref<81920xf32, #tpu.memory_space<vmem_shared>> -> memref<81920xf32, #tpu.memory_space<vmem_shared>>
        tpu.wait_indirect_dma semaphore(%arg38 : memref<!tpu.dma_semaphore, #tpu.memory_space<semaphore_mem>>) src(%dma_wait3A_1713 : memref<80xf32, #tpu.memory_space<vmem>>) dst(%dma_wait3A_1718 : memref<81920xf32, #tpu.memory_space<vmem_shared>>)
      } else {
      }
      %get3A_843 = arith.index_cast %add3A_819 : i32 to index
      %get3A_844 = arith.constant 0 : index
      %get3A_845 = tpu.vector_load %arg9[%get3A_843, %get3A_844] {strides = array<i32>} : memref<250x80xi32, #tpu.memory_space<vmem>>, vector<16xi32>,
      %shift_right_logical3A_846 = arith.constant 1 : i32
      %shift_right_logical3A_847 = vector.broadcast %shift_right_logical3A_846 : i32 to vector<16xi32>
      %shift_right_logical3A_848 = arith.shrui %get3A_845, %shift_right_logical3A_847 : vector<16xi32>
      %get3A_849 = arith.index_cast %add3A_819 : i32 to index
      %get3A_850 = arith.constant 0 : index
      %get3A_851 = tpu.vector_load %arg10[%get3A_849, %get3A_850] {strides = array<i32>} : memref<250x80xi32, #tpu.memory_space<vmem>>, vector<16xi32>,
      %shift_right_logical3A_852 = arith.constant 4 : i32
      %shift_right_logical3A_853 = vector.broadcast %shift_right_logical3A_852 : i32 to vector<16xi32>
      %shift_right_logical3A_854 = arith.shrui %get3A_851, %shift_right_logical3A_853 : vector<16xi32>
      %and3A_855 = arith.constant 15 : i32
      %and3A_856 = vector.broadcast %and3A_855 : i32 to vector<16xi32>
      %and3A_857 = arith.andi %get3A_851, %and3A_856 : vector<16xi32>
      %gather3A_858 = tpu.vector_load_idx %arg26[%shift_right_logical3A_848] : memref<10000xf32, #tpu.memory_space<vmem>>[vector<16xi32>], vector<16xf32>,
      %gather3A_859 = tpu.vector_load_idx %arg27[%and3A_857] : memref<16xf32, #tpu.memory_space<vmem>>[vector<16xi32>], vector<16xf32>,
      %add3A_860 = arith.addf %gather3A_858, %gather3A_859 : vector<16xf32>
      %mul3A_861 = arith.constant 2.000000e-01 : f32
      %mul3A_862 = vector.broadcast %mul3A_861 : f32 to vector<16xf32>
      %mul3A_863 = arith.mulf %add3A_860, %mul3A_862 : vector<16xf32>
      %max3A_864 = arith.maximumf %add3A_860, %mul3A_863 : vector<16xf32>
      %exp3A_865 = math.exp %max3A_864 : vector<16xf32>
      %swap3A_866 = arith.constant 0 : i32
      %swap3A_867 = arith.index_cast %swap3A_866 : i32 to index
      %swap3A_868 = arith.constant 0 : index
      %swap3A_869 = tpu.vector_load %arg23[%swap3A_867, %swap3A_868] {strides = array<i32>} : memref<1x80xf32, #tpu.memory_space<vmem>>, vector<16xf32>,
      tpu.vector_store %arg23[%swap3A_867, %swap3A_868], %exp3A_865 {strides = array<i32>} : memref<1x80xf32, #tpu.memory_space<vmem>>, vector<16xf32>,
      %swap3A_870 = arith.constant 0 : i32
      %swap3A_871 = arith.index_cast %swap3A_870 : i32 to index
      %swap3A_872 = arith.constant 0 : index
      %swap3A_873 = tpu.vector_load %arg13[%swap3A_871, %swap3A_872] {strides = array<i32>} : memref<1x80xi32, #tpu.memory_space<vmem>>, vector<16xi32>,
      tpu.vector_store %arg13[%swap3A_871, %swap3A_872], %shift_right_logical3A_854 {strides = array<i32>} : memref<1x80xi32, #tpu.memory_space<vmem>>, vector<16xi32>,
      %shift_right_logical3A_874 = arith.constant 3 : i32
      %shift_right_logical3A_875 = vector.broadcast %shift_right_logical3A_874 : i32 to vector<16xi32>
      %shift_right_logical3A_876 = arith.shrui %and3A_857, %shift_right_logical3A_875 : vector<16xi32>
      %eq3A_877 = vector.broadcast %arg0 : i32 to vector<16xi32>
      %eq3A_878 = arith.cmpi eq, %shift_right_logical3A_876, %eq3A_877 : vector<16xi32>
      %mul3A_879 = arith.constant 8 : i32
      %mul3A_880 = vector.broadcast %mul3A_879 : i32 to vector<16xi32>
      %mul3A_881 = arith.muli %shift_right_logical3A_854, %mul3A_880 : vector<16xi32>
      %and3A_882 = arith.constant 7 : i32
      %and3A_883 = vector.broadcast %and3A_882 : i32 to vector<16xi32>
      %and3A_884 = arith.andi %and3A_857, %and3A_883 : vector<16xi32>
      %add3A_885 = arith.addi %mul3A_881, %and3A_884 : vector<16xi32>
      %broadcast_in_dim3A_886 = arith.constant 80000 : i32
      %broadcast_in_dim3A_887 = vector.broadcast %broadcast_in_dim3A_886 : i32 to vector<16xi32>
      %select_n3A_888 = arith.select %eq3A_878, %add3A_885, %broadcast_in_dim3A_887 : vector<16xi1>, vector<16xi32>
      %swap3A_889 = arith.constant 0 : i32
      %swap3A_890 = arith.index_cast %swap3A_889 : i32 to index
      %swap3A_891 = arith.constant 0 : index
      %swap3A_892 = tpu.vector_load %arg18[%swap3A_890, %swap3A_891] {strides = array<i32>} : memref<1x80xi32, #tpu.memory_space<vmem>>, vector<16xi32>,
      tpu.vector_store %arg18[%swap3A_890, %swap3A_891], %select_n3A_888 {strides = array<i32>} : memref<1x80xi32, #tpu.memory_space<vmem>>, vector<16xi32>,
      %get3A_893 = arith.index_cast %add3A_819 : i32 to index
      %get3A_894 = arith.constant 16 : index
      %get3A_895 = tpu.vector_load %arg9[%get3A_893, %get3A_894] {strides = array<i32>} : memref<250x80xi32, #tpu.memory_space<vmem>>, vector<16xi32>,
      %shift_right_logical3A_896 = arith.constant 1 : i32
      %shift_right_logical3A_897 = vector.broadcast %shift_right_logical3A_896 : i32 to vector<16xi32>
      %shift_right_logical3A_898 = arith.shrui %get3A_895, %shift_right_logical3A_897 : vector<16xi32>
      %get3A_899 = arith.index_cast %add3A_819 : i32 to index
      %get3A_900 = arith.constant 16 : index
      %get3A_901 = tpu.vector_load %arg10[%get3A_899, %get3A_900] {strides = array<i32>} : memref<250x80xi32, #tpu.memory_space<vmem>>, vector<16xi32>,
      %shift_right_logical3A_902 = arith.constant 4 : i32
      %shift_right_logical3A_903 = vector.broadcast %shift_right_logical3A_902 : i32 to vector<16xi32>
      %shift_right_logical3A_904 = arith.shrui %get3A_901, %shift_right_logical3A_903 : vector<16xi32>
      %and3A_905 = arith.constant 15 : i32
      %and3A_906 = vector.broadcast %and3A_905 : i32 to vector<16xi32>
      %and3A_907 = arith.andi %get3A_901, %and3A_906 : vector<16xi32>
      %gather3A_908 = tpu.vector_load_idx %arg26[%shift_right_logical3A_898] : memref<10000xf32, #tpu.memory_space<vmem>>[vector<16xi32>], vector<16xf32>,
      %gather3A_909 = tpu.vector_load_idx %arg27[%and3A_907] : memref<16xf32, #tpu.memory_space<vmem>>[vector<16xi32>], vector<16xf32>,
      %add3A_910 = arith.addf %gather3A_908, %gather3A_909 : vector<16xf32>
      %mul3A_911 = arith.constant 2.000000e-01 : f32
      %mul3A_912 = vector.broadcast %mul3A_911 : f32 to vector<16xf32>
      %mul3A_913 = arith.mulf %add3A_910, %mul3A_912 : vector<16xf32>
      %max3A_914 = arith.maximumf %add3A_910, %mul3A_913 : vector<16xf32>
      %exp3A_915 = math.exp %max3A_914 : vector<16xf32>
      %swap3A_916 = arith.constant 0 : i32
      %swap3A_917 = arith.index_cast %swap3A_916 : i32 to index
      %swap3A_918 = arith.constant 16 : index
      %swap3A_919 = tpu.vector_load %arg23[%swap3A_917, %swap3A_918] {strides = array<i32>} : memref<1x80xf32, #tpu.memory_space<vmem>>, vector<16xf32>,
      tpu.vector_store %arg23[%swap3A_917, %swap3A_918], %exp3A_915 {strides = array<i32>} : memref<1x80xf32, #tpu.memory_space<vmem>>, vector<16xf32>,
      %swap3A_920 = arith.constant 0 : i32
      %swap3A_921 = arith.index_cast %swap3A_920 : i32 to index
      %swap3A_922 = arith.constant 16 : index
      %swap3A_923 = tpu.vector_load %arg13[%swap3A_921, %swap3A_922] {strides = array<i32>} : memref<1x80xi32, #tpu.memory_space<vmem>>, vector<16xi32>,
      tpu.vector_store %arg13[%swap3A_921, %swap3A_922], %shift_right_logical3A_904 {strides = array<i32>} : memref<1x80xi32, #tpu.memory_space<vmem>>, vector<16xi32>,
      %shift_right_logical3A_924 = arith.constant 3 : i32
      %shift_right_logical3A_925 = vector.broadcast %shift_right_logical3A_924 : i32 to vector<16xi32>
      %shift_right_logical3A_926 = arith.shrui %and3A_907, %shift_right_logical3A_925 : vector<16xi32>
      %eq3A_927 = vector.broadcast %arg0 : i32 to vector<16xi32>
      %eq3A_928 = arith.cmpi eq, %shift_right_logical3A_926, %eq3A_927 : vector<16xi32>
      %mul3A_929 = arith.constant 8 : i32
      %mul3A_930 = vector.broadcast %mul3A_929 : i32 to vector<16xi32>
      %mul3A_931 = arith.muli %shift_right_logical3A_904, %mul3A_930 : vector<16xi32>
      %and3A_932 = arith.constant 7 : i32
      %and3A_933 = vector.broadcast %and3A_932 : i32 to vector<16xi32>
      %and3A_934 = arith.andi %and3A_907, %and3A_933 : vector<16xi32>
      %add3A_935 = arith.addi %mul3A_931, %and3A_934 : vector<16xi32>
      %broadcast_in_dim3A_936 = arith.constant 80000 : i32
      %broadcast_in_dim3A_937 = vector.broadcast %broadcast_in_dim3A_936 : i32 to vector<16xi32>
      %select_n3A_938 = arith.select %eq3A_928, %add3A_935, %broadcast_in_dim3A_937 : vector<16xi1>, vector<16xi32>
      %swap3A_939 = arith.constant 0 : i32
      %swap3A_940 = arith.index_cast %swap3A_939 : i32 to index
      %swap3A_941 = arith.constant 16 : index
      %swap3A_942 = tpu.vector_load %arg18[%swap3A_940, %swap3A_941] {strides = array<i32>} : memref<1x80xi32, #tpu.memory_space<vmem>>, vector<16xi32>,
      tpu.vector_store %arg18[%swap3A_940, %swap3A_941], %select_n3A_938 {strides = array<i32>} : memref<1x80xi32, #tpu.memory_space<vmem>>, vector<16xi32>,
      %get3A_943 = arith.index_cast %add3A_819 : i32 to index
      %get3A_944 = arith.constant 32 : index
      %get3A_945 = tpu.vector_load %arg9[%get3A_943, %get3A_944] {strides = array<i32>} : memref<250x80xi32, #tpu.memory_space<vmem>>, vector<16xi32>,
      %shift_right_logical3A_946 = arith.constant 1 : i32
      %shift_right_logical3A_947 = vector.broadcast %shift_right_logical3A_946 : i32 to vector<16xi32>
      %shift_right_logical3A_948 = arith.shrui %get3A_945, %shift_right_logical3A_947 : vector<16xi32>
      %get3A_949 = arith.index_cast %add3A_819 : i32 to index
      %get3A_950 = arith.constant 32 : index
      %get3A_951 = tpu.vector_load %arg10[%get3A_949, %get3A_950] {strides = array<i32>} : memref<250x80xi32, #tpu.memory_space<vmem>>, vector<16xi32>,
      %shift_right_logical3A_952 = arith.constant 4 : i32
      %shift_right_logical3A_953 = vector.broadcast %shift_right_logical3A_952 : i32 to vector<16xi32>
      %shift_right_logical3A_954 = arith.shrui %get3A_951, %shift_right_logical3A_953 : vector<16xi32>
      %and3A_955 = arith.constant 15 : i32
      %and3A_956 = vector.broadcast %and3A_955 : i32 to vector<16xi32>
      %and3A_957 = arith.andi %get3A_951, %and3A_956 : vector<16xi32>
      %gather3A_958 = tpu.vector_load_idx %arg26[%shift_right_logical3A_948] : memref<10000xf32, #tpu.memory_space<vmem>>[vector<16xi32>], vector<16xf32>,
      %gather3A_959 = tpu.vector_load_idx %arg27[%and3A_957] : memref<16xf32, #tpu.memory_space<vmem>>[vector<16xi32>], vector<16xf32>,
      %add3A_960 = arith.addf %gather3A_958, %gather3A_959 : vector<16xf32>
      %mul3A_961 = arith.constant 2.000000e-01 : f32
      %mul3A_962 = vector.broadcast %mul3A_961 : f32 to vector<16xf32>
      %mul3A_963 = arith.mulf %add3A_960, %mul3A_962 : vector<16xf32>
      %max3A_964 = arith.maximumf %add3A_960, %mul3A_963 : vector<16xf32>
      %exp3A_965 = math.exp %max3A_964 : vector<16xf32>
      %swap3A_966 = arith.constant 0 : i32
      %swap3A_967 = arith.index_cast %swap3A_966 : i32 to index
      %swap3A_968 = arith.constant 32 : index
      %swap3A_969 = tpu.vector_load %arg23[%swap3A_967, %swap3A_968] {strides = array<i32>} : memref<1x80xf32, #tpu.memory_space<vmem>>, vector<16xf32>,
      tpu.vector_store %arg23[%swap3A_967, %swap3A_968], %exp3A_965 {strides = array<i32>} : memref<1x80xf32, #tpu.memory_space<vmem>>, vector<16xf32>,
      %swap3A_970 = arith.constant 0 : i32
      %swap3A_971 = arith.index_cast %swap3A_970 : i32 to index
      %swap3A_972 = arith.constant 32 : index
      %swap3A_973 = tpu.vector_load %arg13[%swap3A_971, %swap3A_972] {strides = array<i32>} : memref<1x80xi32, #tpu.memory_space<vmem>>, vector<16xi32>,
      tpu.vector_store %arg13[%swap3A_971, %swap3A_972], %shift_right_logical3A_954 {strides = array<i32>} : memref<1x80xi32, #tpu.memory_space<vmem>>, vector<16xi32>,
      %shift_right_logical3A_974 = arith.constant 3 : i32
      %shift_right_logical3A_975 = vector.broadcast %shift_right_logical3A_974 : i32 to vector<16xi32>
      %shift_right_logical3A_976 = arith.shrui %and3A_957, %shift_right_logical3A_975 : vector<16xi32>
      %eq3A_977 = vector.broadcast %arg0 : i32 to vector<16xi32>
      %eq3A_978 = arith.cmpi eq, %shift_right_logical3A_976, %eq3A_977 : vector<16xi32>
      %mul3A_979 = arith.constant 8 : i32
      %mul3A_980 = vector.broadcast %mul3A_979 : i32 to vector<16xi32>
      %mul3A_981 = arith.muli %shift_right_logical3A_954, %mul3A_980 : vector<16xi32>
      %and3A_982 = arith.constant 7 : i32
      %and3A_983 = vector.broadcast %and3A_982 : i32 to vector<16xi32>
      %and3A_984 = arith.andi %and3A_957, %and3A_983 : vector<16xi32>
      %add3A_985 = arith.addi %mul3A_981, %and3A_984 : vector<16xi32>
      %broadcast_in_dim3A_986 = arith.constant 80000 : i32
      %broadcast_in_dim3A_987 = vector.broadcast %broadcast_in_dim3A_986 : i32 to vector<16xi32>
      %select_n3A_988 = arith.select %eq3A_978, %add3A_985, %broadcast_in_dim3A_987 : vector<16xi1>, vector<16xi32>
      %swap3A_989 = arith.constant 0 : i32
      %swap3A_990 = arith.index_cast %swap3A_989 : i32 to index
      %swap3A_991 = arith.constant 32 : index
      %swap3A_992 = tpu.vector_load %arg18[%swap3A_990, %swap3A_991] {strides = array<i32>} : memref<1x80xi32, #tpu.memory_space<vmem>>, vector<16xi32>,
      tpu.vector_store %arg18[%swap3A_990, %swap3A_991], %select_n3A_988 {strides = array<i32>} : memref<1x80xi32, #tpu.memory_space<vmem>>, vector<16xi32>,
      %get3A_993 = arith.index_cast %add3A_819 : i32 to index
      %get3A_994 = arith.constant 48 : index
      %get3A_995 = tpu.vector_load %arg9[%get3A_993, %get3A_994] {strides = array<i32>} : memref<250x80xi32, #tpu.memory_space<vmem>>, vector<16xi32>,
      %shift_right_logical3A_996 = arith.constant 1 : i32
      %shift_right_logical3A_997 = vector.broadcast %shift_right_logical3A_996 : i32 to vector<16xi32>
      %shift_right_logical3A_998 = arith.shrui %get3A_995, %shift_right_logical3A_997 : vector<16xi32>
      %get3A_999 = arith.index_cast %add3A_819 : i32 to index
      %get3A_1000 = arith.constant 48 : index
      %get3A_1001 = tpu.vector_load %arg10[%get3A_999, %get3A_1000] {strides = array<i32>} : memref<250x80xi32, #tpu.memory_space<vmem>>, vector<16xi32>,
      %shift_right_logical3A_1002 = arith.constant 4 : i32
      %shift_right_logical3A_1003 = vector.broadcast %shift_right_logical3A_1002 : i32 to vector<16xi32>
      %shift_right_logical3A_1004 = arith.shrui %get3A_1001, %shift_right_logical3A_1003 : vector<16xi32>
      %and3A_1005 = arith.constant 15 : i32
      %and3A_1006 = vector.broadcast %and3A_1005 : i32 to vector<16xi32>
      %and3A_1007 = arith.andi %get3A_1001, %and3A_1006 : vector<16xi32>
      %gather3A_1008 = tpu.vector_load_idx %arg26[%shift_right_logical3A_998] : memref<10000xf32, #tpu.memory_space<vmem>>[vector<16xi32>], vector<16xf32>,
      %gather3A_1009 = tpu.vector_load_idx %arg27[%and3A_1007] : memref<16xf32, #tpu.memory_space<vmem>>[vector<16xi32>], vector<16xf32>,
      %add3A_1010 = arith.addf %gather3A_1008, %gather3A_1009 : vector<16xf32>
      %mul3A_1011 = arith.constant 2.000000e-01 : f32
      %mul3A_1012 = vector.broadcast %mul3A_1011 : f32 to vector<16xf32>
      %mul3A_1013 = arith.mulf %add3A_1010, %mul3A_1012 : vector<16xf32>
      %max3A_1014 = arith.maximumf %add3A_1010, %mul3A_1013 : vector<16xf32>
      %exp3A_1015 = math.exp %max3A_1014 : vector<16xf32>
      %swap3A_1016 = arith.constant 0 : i32
      %swap3A_1017 = arith.index_cast %swap3A_1016 : i32 to index
      %swap3A_1018 = arith.constant 48 : index
      %swap3A_1019 = tpu.vector_load %arg23[%swap3A_1017, %swap3A_1018] {strides = array<i32>} : memref<1x80xf32, #tpu.memory_space<vmem>>, vector<16xf32>,
      tpu.vector_store %arg23[%swap3A_1017, %swap3A_1018], %exp3A_1015 {strides = array<i32>} : memref<1x80xf32, #tpu.memory_space<vmem>>, vector<16xf32>,
      %swap3A_1020 = arith.constant 0 : i32
      %swap3A_1021 = arith.index_cast %swap3A_1020 : i32 to index
      %swap3A_1022 = arith.constant 48 : index
      %swap3A_1023 = tpu.vector_load %arg13[%swap3A_1021, %swap3A_1022] {strides = array<i32>} : memref<1x80xi32, #tpu.memory_space<vmem>>, vector<16xi32>,
      tpu.vector_store %arg13[%swap3A_1021, %swap3A_1022], %shift_right_logical3A_1004 {strides = array<i32>} : memref<1x80xi32, #tpu.memory_space<vmem>>, vector<16xi32>,
      %shift_right_logical3A_1024 = arith.constant 3 : i32
      %shift_right_logical3A_1025 = vector.broadcast %shift_right_logical3A_1024 : i32 to vector<16xi32>
      %shift_right_logical3A_1026 = arith.shrui %and3A_1007, %shift_right_logical3A_1025 : vector<16xi32>
      %eq3A_1027 = vector.broadcast %arg0 : i32 to vector<16xi32>
      %eq3A_1028 = arith.cmpi eq, %shift_right_logical3A_1026, %eq3A_1027 : vector<16xi32>
      %mul3A_1029 = arith.constant 8 : i32
      %mul3A_1030 = vector.broadcast %mul3A_1029 : i32 to vector<16xi32>
      %mul3A_1031 = arith.muli %shift_right_logical3A_1004, %mul3A_1030 : vector<16xi32>
      %and3A_1032 = arith.constant 7 : i32
      %and3A_1033 = vector.broadcast %and3A_1032 : i32 to vector<16xi32>
      %and3A_1034 = arith.andi %and3A_1007, %and3A_1033 : vector<16xi32>
      %add3A_1035 = arith.addi %mul3A_1031, %and3A_1034 : vector<16xi32>
      %broadcast_in_dim3A_1036 = arith.constant 80000 : i32
      %broadcast_in_dim3A_1037 = vector.broadcast %broadcast_in_dim3A_1036 : i32 to vector<16xi32>
      %select_n3A_1038 = arith.select %eq3A_1028, %add3A_1035, %broadcast_in_dim3A_1037 : vector<16xi1>, vector<16xi32>
      %swap3A_1039 = arith.constant 0 : i32
      %swap3A_1040 = arith.index_cast %swap3A_1039 : i32 to index
      %swap3A_1041 = arith.constant 48 : index
      %swap3A_1042 = tpu.vector_load %arg18[%swap3A_1040, %swap3A_1041] {strides = array<i32>} : memref<1x80xi32, #tpu.memory_space<vmem>>, vector<16xi32>,
      tpu.vector_store %arg18[%swap3A_1040, %swap3A_1041], %select_n3A_1038 {strides = array<i32>} : memref<1x80xi32, #tpu.memory_space<vmem>>, vector<16xi32>,
      %get3A_1043 = arith.index_cast %add3A_819 : i32 to index
      %get3A_1044 = arith.constant 64 : index
      %get3A_1045 = tpu.vector_load %arg9[%get3A_1043, %get3A_1044] {strides = array<i32>} : memref<250x80xi32, #tpu.memory_space<vmem>>, vector<16xi32>,
      %shift_right_logical3A_1046 = arith.constant 1 : i32
      %shift_right_logical3A_1047 = vector.broadcast %shift_right_logical3A_1046 : i32 to vector<16xi32>
      %shift_right_logical3A_1048 = arith.shrui %get3A_1045, %shift_right_logical3A_1047 : vector<16xi32>
      %get3A_1049 = arith.index_cast %add3A_819 : i32 to index
      %get3A_1050 = arith.constant 64 : index
      %get3A_1051 = tpu.vector_load %arg10[%get3A_1049, %get3A_1050] {strides = array<i32>} : memref<250x80xi32, #tpu.memory_space<vmem>>, vector<16xi32>,
      %shift_right_logical3A_1052 = arith.constant 4 : i32
      %shift_right_logical3A_1053 = vector.broadcast %shift_right_logical3A_1052 : i32 to vector<16xi32>
      %shift_right_logical3A_1054 = arith.shrui %get3A_1051, %shift_right_logical3A_1053 : vector<16xi32>
      %and3A_1055 = arith.constant 15 : i32
      %and3A_1056 = vector.broadcast %and3A_1055 : i32 to vector<16xi32>
      %and3A_1057 = arith.andi %get3A_1051, %and3A_1056 : vector<16xi32>
      %gather3A_1058 = tpu.vector_load_idx %arg26[%shift_right_logical3A_1048] : memref<10000xf32, #tpu.memory_space<vmem>>[vector<16xi32>], vector<16xf32>,
      %gather3A_1059 = tpu.vector_load_idx %arg27[%and3A_1057] : memref<16xf32, #tpu.memory_space<vmem>>[vector<16xi32>], vector<16xf32>,
      %add3A_1060 = arith.addf %gather3A_1058, %gather3A_1059 : vector<16xf32>
      %mul3A_1061 = arith.constant 2.000000e-01 : f32
      %mul3A_1062 = vector.broadcast %mul3A_1061 : f32 to vector<16xf32>
      %mul3A_1063 = arith.mulf %add3A_1060, %mul3A_1062 : vector<16xf32>
      %max3A_1064 = arith.maximumf %add3A_1060, %mul3A_1063 : vector<16xf32>
      %exp3A_1065 = math.exp %max3A_1064 : vector<16xf32>
      %swap3A_1066 = arith.constant 0 : i32
      %swap3A_1067 = arith.index_cast %swap3A_1066 : i32 to index
      %swap3A_1068 = arith.constant 64 : index
      %swap3A_1069 = tpu.vector_load %arg23[%swap3A_1067, %swap3A_1068] {strides = array<i32>} : memref<1x80xf32, #tpu.memory_space<vmem>>, vector<16xf32>,
      tpu.vector_store %arg23[%swap3A_1067, %swap3A_1068], %exp3A_1065 {strides = array<i32>} : memref<1x80xf32, #tpu.memory_space<vmem>>, vector<16xf32>,
      %swap3A_1070 = arith.constant 0 : i32
      %swap3A_1071 = arith.index_cast %swap3A_1070 : i32 to index
      %swap3A_1072 = arith.constant 64 : index
      %swap3A_1073 = tpu.vector_load %arg13[%swap3A_1071, %swap3A_1072] {strides = array<i32>} : memref<1x80xi32, #tpu.memory_space<vmem>>, vector<16xi32>,
      tpu.vector_store %arg13[%swap3A_1071, %swap3A_1072], %shift_right_logical3A_1054 {strides = array<i32>} : memref<1x80xi32, #tpu.memory_space<vmem>>, vector<16xi32>,
      %shift_right_logical3A_1074 = arith.constant 3 : i32
      %shift_right_logical3A_1075 = vector.broadcast %shift_right_logical3A_1074 : i32 to vector<16xi32>
      %shift_right_logical3A_1076 = arith.shrui %and3A_1057, %shift_right_logical3A_1075 : vector<16xi32>
      %eq3A_1077 = vector.broadcast %arg0 : i32 to vector<16xi32>
      %eq3A_1078 = arith.cmpi eq, %shift_right_logical3A_1076, %eq3A_1077 : vector<16xi32>
      %mul3A_1079 = arith.constant 8 : i32
      %mul3A_1080 = vector.broadcast %mul3A_1079 : i32 to vector<16xi32>
      %mul3A_1081 = arith.muli %shift_right_logical3A_1054, %mul3A_1080 : vector<16xi32>
      %and3A_1082 = arith.constant 7 : i32
      %and3A_1083 = vector.broadcast %and3A_1082 : i32 to vector<16xi32>
      %and3A_1084 = arith.andi %and3A_1057, %and3A_1083 : vector<16xi32>
      %add3A_1085 = arith.addi %mul3A_1081, %and3A_1084 : vector<16xi32>
      %broadcast_in_dim3A_1086 = arith.constant 80000 : i32
      %broadcast_in_dim3A_1087 = vector.broadcast %broadcast_in_dim3A_1086 : i32 to vector<16xi32>
      %select_n3A_1088 = arith.select %eq3A_1078, %add3A_1085, %broadcast_in_dim3A_1087 : vector<16xi1>, vector<16xi32>
      %swap3A_1089 = arith.constant 0 : i32
      %swap3A_1090 = arith.index_cast %swap3A_1089 : i32 to index
      %swap3A_1091 = arith.constant 64 : index
      %swap3A_1092 = tpu.vector_load %arg18[%swap3A_1090, %swap3A_1091] {strides = array<i32>} : memref<1x80xi32, #tpu.memory_space<vmem>>, vector<16xi32>,
      tpu.vector_store %arg18[%swap3A_1090, %swap3A_1091], %select_n3A_1088 {strides = array<i32>} : memref<1x80xi32, #tpu.memory_space<vmem>>, vector<16xi32>,
      %scan3A_1093 = arith.constant 0 : i32
      %scan3A_1094 = arith.constant 80 : i32
      %scan3A_1095 = arith.addi %scan3A_1093, %scan3A_1094 : i32
      %scan3A_1096 = arith.constant 1 : i32
      scf.for %scan3A_1709 = %scan3A_1093 to %scan3A_1095 step %scan3A_1096  : i32 {
        %mul3A_1710 = arith.constant 1 : i32
        %mul3A_1711 = arith.muli %scan3A_1709, %mul3A_1710 : i32
        %add3A_1712 = arith.constant 0 : i32
        %add3A_1713 = arith.addi %add3A_1712, %mul3A_1711 : i32
        %broadcast_in_dim3A_1714 = arith.constant 0 : i32
        %broadcast_in_dim3A_1715 = vector.broadcast %broadcast_in_dim3A_1714 : i32 to vector<16xi32>
        %broadcast_in_dim3A_1716 = vector.broadcast %add3A_1713 : i32 to vector<16xi32>
        %gather3A_1717 = tpu.vector_load_idx %arg23[%broadcast_in_dim3A_1715, %broadcast_in_dim3A_1716] : memref<1x80xf32, #tpu.memory_space<vmem>>[vector<16xi32>, vector<16xi32>], vector<16xf32>,
        %get3A_1718 = arith.index_cast %add3A_1713 : i32 to index
        %get3A_1719 = arith.constant 0 : index
        %get3A_1720 = tpu.vector_load %arg30[%get3A_1718, %get3A_1719] {strides = array<i32>} : memref<80x64xf32, #tpu.memory_space<vmem>>, vector<16xf32>,
        %mul3A_1721 = arith.mulf %get3A_1720, %gather3A_1717 : vector<16xf32>
        %swap3A_1722 = arith.index_cast %add3A_1713 : i32 to index
        %swap3A_1723 = arith.constant 0 : index
        %swap3A_1724 = tpu.vector_load %arg30[%swap3A_1722, %swap3A_1723] {strides = array<i32>} : memref<80x64xf32, #tpu.memory_space<vmem>>, vector<16xf32>,
        tpu.vector_store %arg30[%swap3A_1722, %swap3A_1723], %mul3A_1721 {strides = array<i32>} : memref<80x64xf32, #tpu.memory_space<vmem>>, vector<16xf32>,
        %get3A_1725 = arith.index_cast %add3A_1713 : i32 to index
        %get3A_1726 = arith.constant 16 : index
        %get3A_1727 = tpu.vector_load %arg30[%get3A_1725, %get3A_1726] {strides = array<i32>} : memref<80x64xf32, #tpu.memory_space<vmem>>, vector<16xf32>,
        %mul3A_1728 = arith.mulf %get3A_1727, %gather3A_1717 : vector<16xf32>
        %swap3A_1729 = arith.index_cast %add3A_1713 : i32 to index
        %swap3A_1730 = arith.constant 16 : index
        %swap3A_1731 = tpu.vector_load %arg30[%swap3A_1729, %swap3A_1730] {strides = array<i32>} : memref<80x64xf32, #tpu.memory_space<vmem>>, vector<16xf32>,
        tpu.vector_store %arg30[%swap3A_1729, %swap3A_1730], %mul3A_1728 {strides = array<i32>} : memref<80x64xf32, #tpu.memory_space<vmem>>, vector<16xf32>,
        %get3A_1732 = arith.index_cast %add3A_1713 : i32 to index
        %get3A_1733 = arith.constant 32 : index
        %get3A_1734 = tpu.vector_load %arg30[%get3A_1732, %get3A_1733] {strides = array<i32>} : memref<80x64xf32, #tpu.memory_space<vmem>>, vector<16xf32>,
        %mul3A_1735 = arith.mulf %get3A_1734, %gather3A_1717 : vector<16xf32>
        %swap3A_1736 = arith.index_cast %add3A_1713 : i32 to index
        %swap3A_1737 = arith.constant 32 : index
        %swap3A_1738 = tpu.vector_load %arg30[%swap3A_1736, %swap3A_1737] {strides = array<i32>} : memref<80x64xf32, #tpu.memory_space<vmem>>, vector<16xf32>,
        tpu.vector_store %arg30[%swap3A_1736, %swap3A_1737], %mul3A_1735 {strides = array<i32>} : memref<80x64xf32, #tpu.memory_space<vmem>>, vector<16xf32>,
        %get3A_1739 = arith.index_cast %add3A_1713 : i32 to index
        %get3A_1740 = arith.constant 48 : index
        %get3A_1741 = tpu.vector_load %arg30[%get3A_1739, %get3A_1740] {strides = array<i32>} : memref<80x64xf32, #tpu.memory_space<vmem>>, vector<16xf32>,
        %mul3A_1742 = arith.mulf %get3A_1741, %gather3A_1717 : vector<16xf32>
        %swap3A_1743 = arith.index_cast %add3A_1713 : i32 to index
        %swap3A_1744 = arith.constant 48 : index
        %swap3A_1745 = tpu.vector_load %arg30[%swap3A_1743, %swap3A_1744] {strides = array<i32>} : memref<80x64xf32, #tpu.memory_space<vmem>>, vector<16xf32>,
        tpu.vector_store %arg30[%swap3A_1743, %swap3A_1744], %mul3A_1742 {strides = array<i32>} : memref<80x64xf32, #tpu.memory_space<vmem>>, vector<16xf32>,
      }
      %scan3A_1097 = arith.constant 80 : i32
      %dma_start3A_1098 = arith.constant 0 : i32
      %dma_start3A_1099 = arith.constant 0 : i32
      %dma_start3A_1100 = tpu.memref_slice %arg13[%dma_start3A_1098, %dma_start3A_1099] : memref<1x80xi32, #tpu.memory_space<vmem>> -> memref<1x80xi32, #tpu.memory_space<vmem>>
      %dma_start3A_1101 = tpu.memref_squeeze %dma_start3A_1100 : memref<1x80xi32, #tpu.memory_space<vmem>> -> memref<80xi32, #tpu.memory_space<vmem>>
      %dma_start3A_1102 = arith.constant 0 : i32
      %dma_start3A_1103 = arith.constant 0 : i32
      %dma_start3A_1104 = tpu.memref_slice %arg34[%dma_start3A_1102, %dma_start3A_1103] : memref<10000x64xf32, #tpu.memory_space<vmem_shared>> -> memref<10000x64xf32, #tpu.memory_space<vmem_shared>>
      tpu.enqueue_indirect_dma source(%arg30 : memref<80x64xf32, #tpu.memory_space<vmem>>) target(%dma_start3A_1104 : memref<10000x64xf32, #tpu.memory_space<vmem_shared>>) offsets(%dma_start3A_1101 : memref<80xi32, #tpu.memory_space<vmem>>) semaphore(%arg37 : memref<!tpu.dma_semaphore, #tpu.memory_space<semaphore_mem>>) {add = true}
      %dma_start3A_1105 = arith.constant 0 : i32
      %dma_start3A_1106 = arith.constant 0 : i32
      %dma_start3A_1107 = arith.constant 0 : i32
      %dma_start3A_1108 = tpu.memref_slice %arg23[%dma_start3A_1105, %dma_start3A_1107] : memref<1x80xf32, #tpu.memory_space<vmem>> -> memref<1x80xf32, #tpu.memory_space<vmem>>
      %dma_start3A_1109 = tpu.memref_squeeze %dma_start3A_1108 : memref<1x80xf32, #tpu.memory_space<vmem>> -> memref<80xf32, #tpu.memory_space<vmem>>
      %dma_start3A_1110 = arith.constant 0 : i32
      %dma_start3A_1111 = tpu.memref_slice %arg18[%dma_start3A_1106, %dma_start3A_1110] : memref<1x80xi32, #tpu.memory_space<vmem>> -> memref<1x80xi32, #tpu.memory_space<vmem>>
      %dma_start3A_1112 = tpu.memref_squeeze %dma_start3A_1111 : memref<1x80xi32, #tpu.memory_space<vmem>> -> memref<80xi32, #tpu.memory_space<vmem>>
      %dma_start3A_1113 = arith.constant 0 : i32
      %dma_start3A_1114 = tpu.memref_slice %arg35[%dma_start3A_1113] : memref<81920xf32, #tpu.memory_space<vmem_shared>> -> memref<81920xf32, #tpu.memory_space<vmem_shared>>
      tpu.enqueue_indirect_dma source(%dma_start3A_1109 : memref<80xf32, #tpu.memory_space<vmem>>) target(%dma_start3A_1114 : memref<81920xf32, #tpu.memory_space<vmem_shared>>) offsets(%dma_start3A_1112 : memref<80xi32, #tpu.memory_space<vmem>>) semaphore(%arg38 : memref<!tpu.dma_semaphore, #tpu.memory_space<semaphore_mem>>) {add = true}
      %add3A_1115 = arith.constant 3 : i32
      %add3A_1116 = arith.addi %mul3A_236, %add3A_1115 : i32
      %add3A_1117 = arith.constant 3 : i32
      %add3A_1118 = arith.addi %add3A_1116, %add3A_1117 : i32
      %ge3A_1119 = arith.constant 2 : i32
      %ge3A_1120 = arith.cmpi sge, %add3A_1116, %ge3A_1119 : i32
      %convert_element_type3A_1121 = arith.extui %ge3A_1120 : i1 to i32
      %cond3A_1122 = arith.constant 0 : i32
      %cond3A_1123 = arith.cmpi ne, %convert_element_type3A_1121, %cond3A_1122 : i32
      scf.if %cond3A_1123 {
        %dma_wait3A_1709 = arith.constant 0 : i32
        %dma_wait3A_1710 = arith.constant 0 : i32
        %dma_wait3A_1711 = tpu.memref_slice %arg11[%dma_wait3A_1709, %dma_wait3A_1710] : memref<1x80xi32, #tpu.memory_space<vmem>> -> memref<1x80xi32, #tpu.memory_space<vmem>>
        %dma_wait3A_1712 = tpu.memref_squeeze %dma_wait3A_1711 : memref<1x80xi32, #tpu.memory_space<vmem>> -> memref<80xi32, #tpu.memory_space<vmem>>
        %dma_wait3A_1713 = arith.constant 0 : i32
        %dma_wait3A_1714 = arith.constant 0 : i32
        %dma_wait3A_1715 = tpu.memref_slice %arg34[%dma_wait3A_1713, %dma_wait3A_1714] : memref<10000x64xf32, #tpu.memory_space<vmem_shared>> -> memref<10000x64xf32, #tpu.memory_space<vmem_shared>>
        tpu.wait_indirect_dma semaphore(%arg37 : memref<!tpu.dma_semaphore, #tpu.memory_space<semaphore_mem>>) src(%arg29 : memref<80x64xf32, #tpu.memory_space<vmem>>) dst(%dma_wait3A_1715 : memref<10000x64xf32, #tpu.memory_space<vmem_shared>>)
      } else {
      }
      %lt3A_1124 = arith.constant 250 : i32
      %lt3A_1125 = arith.cmpi slt, %add3A_1118, %lt3A_1124 : i32
      %convert_element_type3A_1126 = arith.extui %lt3A_1125 : i1 to i32
      %cond3A_1127 = arith.constant 0 : i32
      %cond3A_1128 = arith.cmpi ne, %convert_element_type3A_1126, %cond3A_1127 : i32
      scf.if %cond3A_1128 {
        %dma_start3A_1709 = arith.constant 0 : i32
        %dma_start3A_1710 = tpu.memref_slice %arg9[%add3A_1118, %dma_start3A_1709] : memref<250x80xi32, #tpu.memory_space<vmem>> -> memref<1x80xi32, #tpu.memory_space<vmem>>
        %dma_start3A_1711 = tpu.memref_squeeze %dma_start3A_1710 : memref<1x80xi32, #tpu.memory_space<vmem>> -> memref<80xi32, #tpu.memory_space<vmem>>
        %dma_start3A_1712 = arith.constant 0 : i32
        %dma_start3A_1713 = arith.constant 0 : i32
        %dma_start3A_1714 = tpu.memref_slice %arg2[%dma_start3A_1712, %dma_start3A_1713] : memref<20000x64xf32, #tpu.memory_space<hbm>> -> memref<20000x64xf32, #tpu.memory_space<hbm>>
        tpu.enqueue_indirect_dma source(%dma_start3A_1714 : memref<20000x64xf32, #tpu.memory_space<hbm>>) target(%arg29 : memref<80x64xf32, #tpu.memory_space<vmem>>) offsets(%dma_start3A_1711 : memref<80xi32, #tpu.memory_space<vmem>>) semaphore(%arg36 : memref<!tpu.dma_semaphore, #tpu.memory_space<semaphore_mem>>)
      } else {
      }
      %dma_wait3A_1129 = arith.constant 0 : i32
      %dma_wait3A_1130 = tpu.memref_slice %arg9[%add3A_1116, %dma_wait3A_1129] : memref<250x80xi32, #tpu.memory_space<vmem>> -> memref<1x80xi32, #tpu.memory_space<vmem>>
      %dma_wait3A_1131 = tpu.memref_squeeze %dma_wait3A_1130 : memref<1x80xi32, #tpu.memory_space<vmem>> -> memref<80xi32, #tpu.memory_space<vmem>>
      %dma_wait3A_1132 = arith.constant 0 : i32
      %dma_wait3A_1133 = arith.constant 0 : i32
      %dma_wait3A_1134 = tpu.memref_slice %arg2[%dma_wait3A_1132, %dma_wait3A_1133] : memref<20000x64xf32, #tpu.memory_space<hbm>> -> memref<20000x64xf32, #tpu.memory_space<hbm>>
      tpu.wait_indirect_dma semaphore(%arg36 : memref<!tpu.dma_semaphore, #tpu.memory_space<semaphore_mem>>) src(%dma_wait3A_1134 : memref<20000x64xf32, #tpu.memory_space<hbm>>) dst(%arg31 : memref<80x64xf32, #tpu.memory_space<vmem>>)
      %ge3A_1135 = arith.constant 5 : i32
      %ge3A_1136 = arith.cmpi sge, %add3A_1116, %ge3A_1135 : i32
      %convert_element_type3A_1137 = arith.extui %ge3A_1136 : i1 to i32
      %cond3A_1138 = arith.constant 0 : i32
      %cond3A_1139 = arith.cmpi ne, %convert_element_type3A_1137, %cond3A_1138 : i32
      scf.if %cond3A_1139 {
        %dma_wait3A_1709 = arith.constant 0 : i32
        %dma_wait3A_1710 = arith.constant 0 : i32
        %dma_wait3A_1711 = arith.constant 0 : i32
        %dma_wait3A_1712 = tpu.memref_slice %arg24[%dma_wait3A_1709, %dma_wait3A_1711] : memref<1x80xf32, #tpu.memory_space<vmem>> -> memref<1x80xf32, #tpu.memory_space<vmem>>
        %dma_wait3A_1713 = tpu.memref_squeeze %dma_wait3A_1712 : memref<1x80xf32, #tpu.memory_space<vmem>> -> memref<80xf32, #tpu.memory_space<vmem>>
        %dma_wait3A_1714 = arith.constant 0 : i32
        %dma_wait3A_1715 = tpu.memref_slice %arg11[%dma_wait3A_1710, %dma_wait3A_1714] : memref<1x80xi32, #tpu.memory_space<vmem>> -> memref<1x80xi32, #tpu.memory_space<vmem>>
        %dma_wait3A_1716 = tpu.memref_squeeze %dma_wait3A_1715 : memref<1x80xi32, #tpu.memory_space<vmem>> -> memref<80xi32, #tpu.memory_space<vmem>>
        %dma_wait3A_1717 = arith.constant 0 : i32
        %dma_wait3A_1718 = tpu.memref_slice %arg35[%dma_wait3A_1717] : memref<81920xf32, #tpu.memory_space<vmem_shared>> -> memref<81920xf32, #tpu.memory_space<vmem_shared>>
        tpu.wait_indirect_dma semaphore(%arg38 : memref<!tpu.dma_semaphore, #tpu.memory_space<semaphore_mem>>) src(%dma_wait3A_1713 : memref<80xf32, #tpu.memory_space<vmem>>) dst(%dma_wait3A_1718 : memref<81920xf32, #tpu.memory_space<vmem_shared>>)
      } else {
      }
      %get3A_1140 = arith.index_cast %add3A_1116 : i32 to index
      %get3A_1141 = arith.constant 0 : index
      %get3A_1142 = tpu.vector_load %arg9[%get3A_1140, %get3A_1141] {strides = array<i32>} : memref<250x80xi32, #tpu.memory_space<vmem>>, vector<16xi32>,
      %shift_right_logical3A_1143 = arith.constant 1 : i32
      %shift_right_logical3A_1144 = vector.broadcast %shift_right_logical3A_1143 : i32 to vector<16xi32>
      %shift_right_logical3A_1145 = arith.shrui %get3A_1142, %shift_right_logical3A_1144 : vector<16xi32>
      %get3A_1146 = arith.index_cast %add3A_1116 : i32 to index
      %get3A_1147 = arith.constant 0 : index
      %get3A_1148 = tpu.vector_load %arg10[%get3A_1146, %get3A_1147] {strides = array<i32>} : memref<250x80xi32, #tpu.memory_space<vmem>>, vector<16xi32>,
      %shift_right_logical3A_1149 = arith.constant 4 : i32
      %shift_right_logical3A_1150 = vector.broadcast %shift_right_logical3A_1149 : i32 to vector<16xi32>
      %shift_right_logical3A_1151 = arith.shrui %get3A_1148, %shift_right_logical3A_1150 : vector<16xi32>
      %and3A_1152 = arith.constant 15 : i32
      %and3A_1153 = vector.broadcast %and3A_1152 : i32 to vector<16xi32>
      %and3A_1154 = arith.andi %get3A_1148, %and3A_1153 : vector<16xi32>
      %gather3A_1155 = tpu.vector_load_idx %arg26[%shift_right_logical3A_1145] : memref<10000xf32, #tpu.memory_space<vmem>>[vector<16xi32>], vector<16xf32>,
      %gather3A_1156 = tpu.vector_load_idx %arg27[%and3A_1154] : memref<16xf32, #tpu.memory_space<vmem>>[vector<16xi32>], vector<16xf32>,
      %add3A_1157 = arith.addf %gather3A_1155, %gather3A_1156 : vector<16xf32>
      %mul3A_1158 = arith.constant 2.000000e-01 : f32
      %mul3A_1159 = vector.broadcast %mul3A_1158 : f32 to vector<16xf32>
      %mul3A_1160 = arith.mulf %add3A_1157, %mul3A_1159 : vector<16xf32>
      %max3A_1161 = arith.maximumf %add3A_1157, %mul3A_1160 : vector<16xf32>
      %exp3A_1162 = math.exp %max3A_1161 : vector<16xf32>
      %swap3A_1163 = arith.constant 0 : i32
      %swap3A_1164 = arith.index_cast %swap3A_1163 : i32 to index
      %swap3A_1165 = arith.constant 0 : index
      %swap3A_1166 = tpu.vector_load %arg24[%swap3A_1164, %swap3A_1165] {strides = array<i32>} : memref<1x80xf32, #tpu.memory_space<vmem>>, vector<16xf32>,
      tpu.vector_store %arg24[%swap3A_1164, %swap3A_1165], %exp3A_1162 {strides = array<i32>} : memref<1x80xf32, #tpu.memory_space<vmem>>, vector<16xf32>,
      %swap3A_1167 = arith.constant 0 : i32
      %swap3A_1168 = arith.index_cast %swap3A_1167 : i32 to index
      %swap3A_1169 = arith.constant 0 : index
      %swap3A_1170 = tpu.vector_load %arg14[%swap3A_1168, %swap3A_1169] {strides = array<i32>} : memref<1x80xi32, #tpu.memory_space<vmem>>, vector<16xi32>,
      tpu.vector_store %arg14[%swap3A_1168, %swap3A_1169], %shift_right_logical3A_1151 {strides = array<i32>} : memref<1x80xi32, #tpu.memory_space<vmem>>, vector<16xi32>,
      %shift_right_logical3A_1171 = arith.constant 3 : i32
      %shift_right_logical3A_1172 = vector.broadcast %shift_right_logical3A_1171 : i32 to vector<16xi32>
      %shift_right_logical3A_1173 = arith.shrui %and3A_1154, %shift_right_logical3A_1172 : vector<16xi32>
      %eq3A_1174 = vector.broadcast %arg0 : i32 to vector<16xi32>
      %eq3A_1175 = arith.cmpi eq, %shift_right_logical3A_1173, %eq3A_1174 : vector<16xi32>
      %mul3A_1176 = arith.constant 8 : i32
      %mul3A_1177 = vector.broadcast %mul3A_1176 : i32 to vector<16xi32>
      %mul3A_1178 = arith.muli %shift_right_logical3A_1151, %mul3A_1177 : vector<16xi32>
      %and3A_1179 = arith.constant 7 : i32
      %and3A_1180 = vector.broadcast %and3A_1179 : i32 to vector<16xi32>
      %and3A_1181 = arith.andi %and3A_1154, %and3A_1180 : vector<16xi32>
      %add3A_1182 = arith.addi %mul3A_1178, %and3A_1181 : vector<16xi32>
      %broadcast_in_dim3A_1183 = arith.constant 80000 : i32
      %broadcast_in_dim3A_1184 = vector.broadcast %broadcast_in_dim3A_1183 : i32 to vector<16xi32>
      %select_n3A_1185 = arith.select %eq3A_1175, %add3A_1182, %broadcast_in_dim3A_1184 : vector<16xi1>, vector<16xi32>
      %swap3A_1186 = arith.constant 0 : i32
      %swap3A_1187 = arith.index_cast %swap3A_1186 : i32 to index
      %swap3A_1188 = arith.constant 0 : index
      %swap3A_1189 = tpu.vector_load %arg19[%swap3A_1187, %swap3A_1188] {strides = array<i32>} : memref<1x80xi32, #tpu.memory_space<vmem>>, vector<16xi32>,
      tpu.vector_store %arg19[%swap3A_1187, %swap3A_1188], %select_n3A_1185 {strides = array<i32>} : memref<1x80xi32, #tpu.memory_space<vmem>>, vector<16xi32>,
      %get3A_1190 = arith.index_cast %add3A_1116 : i32 to index
      %get3A_1191 = arith.constant 16 : index
      %get3A_1192 = tpu.vector_load %arg9[%get3A_1190, %get3A_1191] {strides = array<i32>} : memref<250x80xi32, #tpu.memory_space<vmem>>, vector<16xi32>,
      %shift_right_logical3A_1193 = arith.constant 1 : i32
      %shift_right_logical3A_1194 = vector.broadcast %shift_right_logical3A_1193 : i32 to vector<16xi32>
      %shift_right_logical3A_1195 = arith.shrui %get3A_1192, %shift_right_logical3A_1194 : vector<16xi32>
      %get3A_1196 = arith.index_cast %add3A_1116 : i32 to index
      %get3A_1197 = arith.constant 16 : index
      %get3A_1198 = tpu.vector_load %arg10[%get3A_1196, %get3A_1197] {strides = array<i32>} : memref<250x80xi32, #tpu.memory_space<vmem>>, vector<16xi32>,
      %shift_right_logical3A_1199 = arith.constant 4 : i32
      %shift_right_logical3A_1200 = vector.broadcast %shift_right_logical3A_1199 : i32 to vector<16xi32>
      %shift_right_logical3A_1201 = arith.shrui %get3A_1198, %shift_right_logical3A_1200 : vector<16xi32>
      %and3A_1202 = arith.constant 15 : i32
      %and3A_1203 = vector.broadcast %and3A_1202 : i32 to vector<16xi32>
      %and3A_1204 = arith.andi %get3A_1198, %and3A_1203 : vector<16xi32>
      %gather3A_1205 = tpu.vector_load_idx %arg26[%shift_right_logical3A_1195] : memref<10000xf32, #tpu.memory_space<vmem>>[vector<16xi32>], vector<16xf32>,
      %gather3A_1206 = tpu.vector_load_idx %arg27[%and3A_1204] : memref<16xf32, #tpu.memory_space<vmem>>[vector<16xi32>], vector<16xf32>,
      %add3A_1207 = arith.addf %gather3A_1205, %gather3A_1206 : vector<16xf32>
      %mul3A_1208 = arith.constant 2.000000e-01 : f32
      %mul3A_1209 = vector.broadcast %mul3A_1208 : f32 to vector<16xf32>
      %mul3A_1210 = arith.mulf %add3A_1207, %mul3A_1209 : vector<16xf32>
      %max3A_1211 = arith.maximumf %add3A_1207, %mul3A_1210 : vector<16xf32>
      %exp3A_1212 = math.exp %max3A_1211 : vector<16xf32>
      %swap3A_1213 = arith.constant 0 : i32
      %swap3A_1214 = arith.index_cast %swap3A_1213 : i32 to index
      %swap3A_1215 = arith.constant 16 : index
      %swap3A_1216 = tpu.vector_load %arg24[%swap3A_1214, %swap3A_1215] {strides = array<i32>} : memref<1x80xf32, #tpu.memory_space<vmem>>, vector<16xf32>,
      tpu.vector_store %arg24[%swap3A_1214, %swap3A_1215], %exp3A_1212 {strides = array<i32>} : memref<1x80xf32, #tpu.memory_space<vmem>>, vector<16xf32>,
      %swap3A_1217 = arith.constant 0 : i32
      %swap3A_1218 = arith.index_cast %swap3A_1217 : i32 to index
      %swap3A_1219 = arith.constant 16 : index
      %swap3A_1220 = tpu.vector_load %arg14[%swap3A_1218, %swap3A_1219] {strides = array<i32>} : memref<1x80xi32, #tpu.memory_space<vmem>>, vector<16xi32>,
      tpu.vector_store %arg14[%swap3A_1218, %swap3A_1219], %shift_right_logical3A_1201 {strides = array<i32>} : memref<1x80xi32, #tpu.memory_space<vmem>>, vector<16xi32>,
      %shift_right_logical3A_1221 = arith.constant 3 : i32
      %shift_right_logical3A_1222 = vector.broadcast %shift_right_logical3A_1221 : i32 to vector<16xi32>
      %shift_right_logical3A_1223 = arith.shrui %and3A_1204, %shift_right_logical3A_1222 : vector<16xi32>
      %eq3A_1224 = vector.broadcast %arg0 : i32 to vector<16xi32>
      %eq3A_1225 = arith.cmpi eq, %shift_right_logical3A_1223, %eq3A_1224 : vector<16xi32>
      %mul3A_1226 = arith.constant 8 : i32
      %mul3A_1227 = vector.broadcast %mul3A_1226 : i32 to vector<16xi32>
      %mul3A_1228 = arith.muli %shift_right_logical3A_1201, %mul3A_1227 : vector<16xi32>
      %and3A_1229 = arith.constant 7 : i32
      %and3A_1230 = vector.broadcast %and3A_1229 : i32 to vector<16xi32>
      %and3A_1231 = arith.andi %and3A_1204, %and3A_1230 : vector<16xi32>
      %add3A_1232 = arith.addi %mul3A_1228, %and3A_1231 : vector<16xi32>
      %broadcast_in_dim3A_1233 = arith.constant 80000 : i32
      %broadcast_in_dim3A_1234 = vector.broadcast %broadcast_in_dim3A_1233 : i32 to vector<16xi32>
      %select_n3A_1235 = arith.select %eq3A_1225, %add3A_1232, %broadcast_in_dim3A_1234 : vector<16xi1>, vector<16xi32>
      %swap3A_1236 = arith.constant 0 : i32
      %swap3A_1237 = arith.index_cast %swap3A_1236 : i32 to index
      %swap3A_1238 = arith.constant 16 : index
      %swap3A_1239 = tpu.vector_load %arg19[%swap3A_1237, %swap3A_1238] {strides = array<i32>} : memref<1x80xi32, #tpu.memory_space<vmem>>, vector<16xi32>,
      tpu.vector_store %arg19[%swap3A_1237, %swap3A_1238], %select_n3A_1235 {strides = array<i32>} : memref<1x80xi32, #tpu.memory_space<vmem>>, vector<16xi32>,
      %get3A_1240 = arith.index_cast %add3A_1116 : i32 to index
      %get3A_1241 = arith.constant 32 : index
      %get3A_1242 = tpu.vector_load %arg9[%get3A_1240, %get3A_1241] {strides = array<i32>} : memref<250x80xi32, #tpu.memory_space<vmem>>, vector<16xi32>,
      %shift_right_logical3A_1243 = arith.constant 1 : i32
      %shift_right_logical3A_1244 = vector.broadcast %shift_right_logical3A_1243 : i32 to vector<16xi32>
      %shift_right_logical3A_1245 = arith.shrui %get3A_1242, %shift_right_logical3A_1244 : vector<16xi32>
      %get3A_1246 = arith.index_cast %add3A_1116 : i32 to index
      %get3A_1247 = arith.constant 32 : index
      %get3A_1248 = tpu.vector_load %arg10[%get3A_1246, %get3A_1247] {strides = array<i32>} : memref<250x80xi32, #tpu.memory_space<vmem>>, vector<16xi32>,
      %shift_right_logical3A_1249 = arith.constant 4 : i32
      %shift_right_logical3A_1250 = vector.broadcast %shift_right_logical3A_1249 : i32 to vector<16xi32>
      %shift_right_logical3A_1251 = arith.shrui %get3A_1248, %shift_right_logical3A_1250 : vector<16xi32>
      %and3A_1252 = arith.constant 15 : i32
      %and3A_1253 = vector.broadcast %and3A_1252 : i32 to vector<16xi32>
      %and3A_1254 = arith.andi %get3A_1248, %and3A_1253 : vector<16xi32>
      %gather3A_1255 = tpu.vector_load_idx %arg26[%shift_right_logical3A_1245] : memref<10000xf32, #tpu.memory_space<vmem>>[vector<16xi32>], vector<16xf32>,
      %gather3A_1256 = tpu.vector_load_idx %arg27[%and3A_1254] : memref<16xf32, #tpu.memory_space<vmem>>[vector<16xi32>], vector<16xf32>,
      %add3A_1257 = arith.addf %gather3A_1255, %gather3A_1256 : vector<16xf32>
      %mul3A_1258 = arith.constant 2.000000e-01 : f32
      %mul3A_1259 = vector.broadcast %mul3A_1258 : f32 to vector<16xf32>
      %mul3A_1260 = arith.mulf %add3A_1257, %mul3A_1259 : vector<16xf32>
      %max3A_1261 = arith.maximumf %add3A_1257, %mul3A_1260 : vector<16xf32>
      %exp3A_1262 = math.exp %max3A_1261 : vector<16xf32>
      %swap3A_1263 = arith.constant 0 : i32
      %swap3A_1264 = arith.index_cast %swap3A_1263 : i32 to index
      %swap3A_1265 = arith.constant 32 : index
      %swap3A_1266 = tpu.vector_load %arg24[%swap3A_1264, %swap3A_1265] {strides = array<i32>} : memref<1x80xf32, #tpu.memory_space<vmem>>, vector<16xf32>,
      tpu.vector_store %arg24[%swap3A_1264, %swap3A_1265], %exp3A_1262 {strides = array<i32>} : memref<1x80xf32, #tpu.memory_space<vmem>>, vector<16xf32>,
      %swap3A_1267 = arith.constant 0 : i32
      %swap3A_1268 = arith.index_cast %swap3A_1267 : i32 to index
      %swap3A_1269 = arith.constant 32 : index
      %swap3A_1270 = tpu.vector_load %arg14[%swap3A_1268, %swap3A_1269] {strides = array<i32>} : memref<1x80xi32, #tpu.memory_space<vmem>>, vector<16xi32>,
      tpu.vector_store %arg14[%swap3A_1268, %swap3A_1269], %shift_right_logical3A_1251 {strides = array<i32>} : memref<1x80xi32, #tpu.memory_space<vmem>>, vector<16xi32>,
      %shift_right_logical3A_1271 = arith.constant 3 : i32
      %shift_right_logical3A_1272 = vector.broadcast %shift_right_logical3A_1271 : i32 to vector<16xi32>
      %shift_right_logical3A_1273 = arith.shrui %and3A_1254, %shift_right_logical3A_1272 : vector<16xi32>
      %eq3A_1274 = vector.broadcast %arg0 : i32 to vector<16xi32>
      %eq3A_1275 = arith.cmpi eq, %shift_right_logical3A_1273, %eq3A_1274 : vector<16xi32>
      %mul3A_1276 = arith.constant 8 : i32
      %mul3A_1277 = vector.broadcast %mul3A_1276 : i32 to vector<16xi32>
      %mul3A_1278 = arith.muli %shift_right_logical3A_1251, %mul3A_1277 : vector<16xi32>
      %and3A_1279 = arith.constant 7 : i32
      %and3A_1280 = vector.broadcast %and3A_1279 : i32 to vector<16xi32>
      %and3A_1281 = arith.andi %and3A_1254, %and3A_1280 : vector<16xi32>
      %add3A_1282 = arith.addi %mul3A_1278, %and3A_1281 : vector<16xi32>
      %broadcast_in_dim3A_1283 = arith.constant 80000 : i32
      %broadcast_in_dim3A_1284 = vector.broadcast %broadcast_in_dim3A_1283 : i32 to vector<16xi32>
      %select_n3A_1285 = arith.select %eq3A_1275, %add3A_1282, %broadcast_in_dim3A_1284 : vector<16xi1>, vector<16xi32>
      %swap3A_1286 = arith.constant 0 : i32
      %swap3A_1287 = arith.index_cast %swap3A_1286 : i32 to index
      %swap3A_1288 = arith.constant 32 : index
      %swap3A_1289 = tpu.vector_load %arg19[%swap3A_1287, %swap3A_1288] {strides = array<i32>} : memref<1x80xi32, #tpu.memory_space<vmem>>, vector<16xi32>,
      tpu.vector_store %arg19[%swap3A_1287, %swap3A_1288], %select_n3A_1285 {strides = array<i32>} : memref<1x80xi32, #tpu.memory_space<vmem>>, vector<16xi32>,
      %get3A_1290 = arith.index_cast %add3A_1116 : i32 to index
      %get3A_1291 = arith.constant 48 : index
      %get3A_1292 = tpu.vector_load %arg9[%get3A_1290, %get3A_1291] {strides = array<i32>} : memref<250x80xi32, #tpu.memory_space<vmem>>, vector<16xi32>,
      %shift_right_logical3A_1293 = arith.constant 1 : i32
      %shift_right_logical3A_1294 = vector.broadcast %shift_right_logical3A_1293 : i32 to vector<16xi32>
      %shift_right_logical3A_1295 = arith.shrui %get3A_1292, %shift_right_logical3A_1294 : vector<16xi32>
      %get3A_1296 = arith.index_cast %add3A_1116 : i32 to index
      %get3A_1297 = arith.constant 48 : index
      %get3A_1298 = tpu.vector_load %arg10[%get3A_1296, %get3A_1297] {strides = array<i32>} : memref<250x80xi32, #tpu.memory_space<vmem>>, vector<16xi32>,
      %shift_right_logical3A_1299 = arith.constant 4 : i32
      %shift_right_logical3A_1300 = vector.broadcast %shift_right_logical3A_1299 : i32 to vector<16xi32>
      %shift_right_logical3A_1301 = arith.shrui %get3A_1298, %shift_right_logical3A_1300 : vector<16xi32>
      %and3A_1302 = arith.constant 15 : i32
      %and3A_1303 = vector.broadcast %and3A_1302 : i32 to vector<16xi32>
      %and3A_1304 = arith.andi %get3A_1298, %and3A_1303 : vector<16xi32>
      %gather3A_1305 = tpu.vector_load_idx %arg26[%shift_right_logical3A_1295] : memref<10000xf32, #tpu.memory_space<vmem>>[vector<16xi32>], vector<16xf32>,
      %gather3A_1306 = tpu.vector_load_idx %arg27[%and3A_1304] : memref<16xf32, #tpu.memory_space<vmem>>[vector<16xi32>], vector<16xf32>,
      %add3A_1307 = arith.addf %gather3A_1305, %gather3A_1306 : vector<16xf32>
      %mul3A_1308 = arith.constant 2.000000e-01 : f32
      %mul3A_1309 = vector.broadcast %mul3A_1308 : f32 to vector<16xf32>
      %mul3A_1310 = arith.mulf %add3A_1307, %mul3A_1309 : vector<16xf32>
      %max3A_1311 = arith.maximumf %add3A_1307, %mul3A_1310 : vector<16xf32>
      %exp3A_1312 = math.exp %max3A_1311 : vector<16xf32>
      %swap3A_1313 = arith.constant 0 : i32
      %swap3A_1314 = arith.index_cast %swap3A_1313 : i32 to index
      %swap3A_1315 = arith.constant 48 : index
      %swap3A_1316 = tpu.vector_load %arg24[%swap3A_1314, %swap3A_1315] {strides = array<i32>} : memref<1x80xf32, #tpu.memory_space<vmem>>, vector<16xf32>,
      tpu.vector_store %arg24[%swap3A_1314, %swap3A_1315], %exp3A_1312 {strides = array<i32>} : memref<1x80xf32, #tpu.memory_space<vmem>>, vector<16xf32>,
      %swap3A_1317 = arith.constant 0 : i32
      %swap3A_1318 = arith.index_cast %swap3A_1317 : i32 to index
      %swap3A_1319 = arith.constant 48 : index
      %swap3A_1320 = tpu.vector_load %arg14[%swap3A_1318, %swap3A_1319] {strides = array<i32>} : memref<1x80xi32, #tpu.memory_space<vmem>>, vector<16xi32>,
      tpu.vector_store %arg14[%swap3A_1318, %swap3A_1319], %shift_right_logical3A_1301 {strides = array<i32>} : memref<1x80xi32, #tpu.memory_space<vmem>>, vector<16xi32>,
      %shift_right_logical3A_1321 = arith.constant 3 : i32
      %shift_right_logical3A_1322 = vector.broadcast %shift_right_logical3A_1321 : i32 to vector<16xi32>
      %shift_right_logical3A_1323 = arith.shrui %and3A_1304, %shift_right_logical3A_1322 : vector<16xi32>
      %eq3A_1324 = vector.broadcast %arg0 : i32 to vector<16xi32>
      %eq3A_1325 = arith.cmpi eq, %shift_right_logical3A_1323, %eq3A_1324 : vector<16xi32>
      %mul3A_1326 = arith.constant 8 : i32
      %mul3A_1327 = vector.broadcast %mul3A_1326 : i32 to vector<16xi32>
      %mul3A_1328 = arith.muli %shift_right_logical3A_1301, %mul3A_1327 : vector<16xi32>
      %and3A_1329 = arith.constant 7 : i32
      %and3A_1330 = vector.broadcast %and3A_1329 : i32 to vector<16xi32>
      %and3A_1331 = arith.andi %and3A_1304, %and3A_1330 : vector<16xi32>
      %add3A_1332 = arith.addi %mul3A_1328, %and3A_1331 : vector<16xi32>
      %broadcast_in_dim3A_1333 = arith.constant 80000 : i32
      %broadcast_in_dim3A_1334 = vector.broadcast %broadcast_in_dim3A_1333 : i32 to vector<16xi32>
      %select_n3A_1335 = arith.select %eq3A_1325, %add3A_1332, %broadcast_in_dim3A_1334 : vector<16xi1>, vector<16xi32>
      %swap3A_1336 = arith.constant 0 : i32
      %swap3A_1337 = arith.index_cast %swap3A_1336 : i32 to index
      %swap3A_1338 = arith.constant 48 : index
      %swap3A_1339 = tpu.vector_load %arg19[%swap3A_1337, %swap3A_1338] {strides = array<i32>} : memref<1x80xi32, #tpu.memory_space<vmem>>, vector<16xi32>,
      tpu.vector_store %arg19[%swap3A_1337, %swap3A_1338], %select_n3A_1335 {strides = array<i32>} : memref<1x80xi32, #tpu.memory_space<vmem>>, vector<16xi32>,
      %get3A_1340 = arith.index_cast %add3A_1116 : i32 to index
      %get3A_1341 = arith.constant 64 : index
      %get3A_1342 = tpu.vector_load %arg9[%get3A_1340, %get3A_1341] {strides = array<i32>} : memref<250x80xi32, #tpu.memory_space<vmem>>, vector<16xi32>,
      %shift_right_logical3A_1343 = arith.constant 1 : i32
      %shift_right_logical3A_1344 = vector.broadcast %shift_right_logical3A_1343 : i32 to vector<16xi32>
      %shift_right_logical3A_1345 = arith.shrui %get3A_1342, %shift_right_logical3A_1344 : vector<16xi32>
      %get3A_1346 = arith.index_cast %add3A_1116 : i32 to index
      %get3A_1347 = arith.constant 64 : index
      %get3A_1348 = tpu.vector_load %arg10[%get3A_1346, %get3A_1347] {strides = array<i32>} : memref<250x80xi32, #tpu.memory_space<vmem>>, vector<16xi32>,
      %shift_right_logical3A_1349 = arith.constant 4 : i32
      %shift_right_logical3A_1350 = vector.broadcast %shift_right_logical3A_1349 : i32 to vector<16xi32>
      %shift_right_logical3A_1351 = arith.shrui %get3A_1348, %shift_right_logical3A_1350 : vector<16xi32>
      %and3A_1352 = arith.constant 15 : i32
      %and3A_1353 = vector.broadcast %and3A_1352 : i32 to vector<16xi32>
      %and3A_1354 = arith.andi %get3A_1348, %and3A_1353 : vector<16xi32>
      %gather3A_1355 = tpu.vector_load_idx %arg26[%shift_right_logical3A_1345] : memref<10000xf32, #tpu.memory_space<vmem>>[vector<16xi32>], vector<16xf32>,
      %gather3A_1356 = tpu.vector_load_idx %arg27[%and3A_1354] : memref<16xf32, #tpu.memory_space<vmem>>[vector<16xi32>], vector<16xf32>,
      %add3A_1357 = arith.addf %gather3A_1355, %gather3A_1356 : vector<16xf32>
      %mul3A_1358 = arith.constant 2.000000e-01 : f32
      %mul3A_1359 = vector.broadcast %mul3A_1358 : f32 to vector<16xf32>
      %mul3A_1360 = arith.mulf %add3A_1357, %mul3A_1359 : vector<16xf32>
      %max3A_1361 = arith.maximumf %add3A_1357, %mul3A_1360 : vector<16xf32>
      %exp3A_1362 = math.exp %max3A_1361 : vector<16xf32>
      %swap3A_1363 = arith.constant 0 : i32
      %swap3A_1364 = arith.index_cast %swap3A_1363 : i32 to index
      %swap3A_1365 = arith.constant 64 : index
      %swap3A_1366 = tpu.vector_load %arg24[%swap3A_1364, %swap3A_1365] {strides = array<i32>} : memref<1x80xf32, #tpu.memory_space<vmem>>, vector<16xf32>,
      tpu.vector_store %arg24[%swap3A_1364, %swap3A_1365], %exp3A_1362 {strides = array<i32>} : memref<1x80xf32, #tpu.memory_space<vmem>>, vector<16xf32>,
      %swap3A_1367 = arith.constant 0 : i32
      %swap3A_1368 = arith.index_cast %swap3A_1367 : i32 to index
      %swap3A_1369 = arith.constant 64 : index
      %swap3A_1370 = tpu.vector_load %arg14[%swap3A_1368, %swap3A_1369] {strides = array<i32>} : memref<1x80xi32, #tpu.memory_space<vmem>>, vector<16xi32>,
      tpu.vector_store %arg14[%swap3A_1368, %swap3A_1369], %shift_right_logical3A_1351 {strides = array<i32>} : memref<1x80xi32, #tpu.memory_space<vmem>>, vector<16xi32>,
      %shift_right_logical3A_1371 = arith.constant 3 : i32
      %shift_right_logical3A_1372 = vector.broadcast %shift_right_logical3A_1371 : i32 to vector<16xi32>
      %shift_right_logical3A_1373 = arith.shrui %and3A_1354, %shift_right_logical3A_1372 : vector<16xi32>
      %eq3A_1374 = vector.broadcast %arg0 : i32 to vector<16xi32>
      %eq3A_1375 = arith.cmpi eq, %shift_right_logical3A_1373, %eq3A_1374 : vector<16xi32>
      %mul3A_1376 = arith.constant 8 : i32
      %mul3A_1377 = vector.broadcast %mul3A_1376 : i32 to vector<16xi32>
      %mul3A_1378 = arith.muli %shift_right_logical3A_1351, %mul3A_1377 : vector<16xi32>
      %and3A_1379 = arith.constant 7 : i32
      %and3A_1380 = vector.broadcast %and3A_1379 : i32 to vector<16xi32>
      %and3A_1381 = arith.andi %and3A_1354, %and3A_1380 : vector<16xi32>
      %add3A_1382 = arith.addi %mul3A_1378, %and3A_1381 : vector<16xi32>
      %broadcast_in_dim3A_1383 = arith.constant 80000 : i32
      %broadcast_in_dim3A_1384 = vector.broadcast %broadcast_in_dim3A_1383 : i32 to vector<16xi32>
      %select_n3A_1385 = arith.select %eq3A_1375, %add3A_1382, %broadcast_in_dim3A_1384 : vector<16xi1>, vector<16xi32>
      %swap3A_1386 = arith.constant 0 : i32
      %swap3A_1387 = arith.index_cast %swap3A_1386 : i32 to index
      %swap3A_1388 = arith.constant 64 : index
      %swap3A_1389 = tpu.vector_load %arg19[%swap3A_1387, %swap3A_1388] {strides = array<i32>} : memref<1x80xi32, #tpu.memory_space<vmem>>, vector<16xi32>,
      tpu.vector_store %arg19[%swap3A_1387, %swap3A_1388], %select_n3A_1385 {strides = array<i32>} : memref<1x80xi32, #tpu.memory_space<vmem>>, vector<16xi32>,
      %scan3A_1390 = arith.constant 0 : i32
      %scan3A_1391 = arith.constant 80 : i32
      %scan3A_1392 = arith.addi %scan3A_1390, %scan3A_1391 : i32
      %scan3A_1393 = arith.constant 1 : i32
      scf.for %scan3A_1709 = %scan3A_1390 to %scan3A_1392 step %scan3A_1393  : i32 {
        %mul3A_1710 = arith.constant 1 : i32
        %mul3A_1711 = arith.muli %scan3A_1709, %mul3A_1710 : i32
        %add3A_1712 = arith.constant 0 : i32
        %add3A_1713 = arith.addi %add3A_1712, %mul3A_1711 : i32
        %broadcast_in_dim3A_1714 = arith.constant 0 : i32
        %broadcast_in_dim3A_1715 = vector.broadcast %broadcast_in_dim3A_1714 : i32 to vector<16xi32>
        %broadcast_in_dim3A_1716 = vector.broadcast %add3A_1713 : i32 to vector<16xi32>
        %gather3A_1717 = tpu.vector_load_idx %arg24[%broadcast_in_dim3A_1715, %broadcast_in_dim3A_1716] : memref<1x80xf32, #tpu.memory_space<vmem>>[vector<16xi32>, vector<16xi32>], vector<16xf32>,
        %get3A_1718 = arith.index_cast %add3A_1713 : i32 to index
        %get3A_1719 = arith.constant 0 : index
        %get3A_1720 = tpu.vector_load %arg31[%get3A_1718, %get3A_1719] {strides = array<i32>} : memref<80x64xf32, #tpu.memory_space<vmem>>, vector<16xf32>,
        %mul3A_1721 = arith.mulf %get3A_1720, %gather3A_1717 : vector<16xf32>
        %swap3A_1722 = arith.index_cast %add3A_1713 : i32 to index
        %swap3A_1723 = arith.constant 0 : index
        %swap3A_1724 = tpu.vector_load %arg31[%swap3A_1722, %swap3A_1723] {strides = array<i32>} : memref<80x64xf32, #tpu.memory_space<vmem>>, vector<16xf32>,
        tpu.vector_store %arg31[%swap3A_1722, %swap3A_1723], %mul3A_1721 {strides = array<i32>} : memref<80x64xf32, #tpu.memory_space<vmem>>, vector<16xf32>,
        %get3A_1725 = arith.index_cast %add3A_1713 : i32 to index
        %get3A_1726 = arith.constant 16 : index
        %get3A_1727 = tpu.vector_load %arg31[%get3A_1725, %get3A_1726] {strides = array<i32>} : memref<80x64xf32, #tpu.memory_space<vmem>>, vector<16xf32>,
        %mul3A_1728 = arith.mulf %get3A_1727, %gather3A_1717 : vector<16xf32>
        %swap3A_1729 = arith.index_cast %add3A_1713 : i32 to index
        %swap3A_1730 = arith.constant 16 : index
        %swap3A_1731 = tpu.vector_load %arg31[%swap3A_1729, %swap3A_1730] {strides = array<i32>} : memref<80x64xf32, #tpu.memory_space<vmem>>, vector<16xf32>,
        tpu.vector_store %arg31[%swap3A_1729, %swap3A_1730], %mul3A_1728 {strides = array<i32>} : memref<80x64xf32, #tpu.memory_space<vmem>>, vector<16xf32>,
        %get3A_1732 = arith.index_cast %add3A_1713 : i32 to index
        %get3A_1733 = arith.constant 32 : index
        %get3A_1734 = tpu.vector_load %arg31[%get3A_1732, %get3A_1733] {strides = array<i32>} : memref<80x64xf32, #tpu.memory_space<vmem>>, vector<16xf32>,
        %mul3A_1735 = arith.mulf %get3A_1734, %gather3A_1717 : vector<16xf32>
        %swap3A_1736 = arith.index_cast %add3A_1713 : i32 to index
        %swap3A_1737 = arith.constant 32 : index
        %swap3A_1738 = tpu.vector_load %arg31[%swap3A_1736, %swap3A_1737] {strides = array<i32>} : memref<80x64xf32, #tpu.memory_space<vmem>>, vector<16xf32>,
        tpu.vector_store %arg31[%swap3A_1736, %swap3A_1737], %mul3A_1735 {strides = array<i32>} : memref<80x64xf32, #tpu.memory_space<vmem>>, vector<16xf32>,
        %get3A_1739 = arith.index_cast %add3A_1713 : i32 to index
        %get3A_1740 = arith.constant 48 : index
        %get3A_1741 = tpu.vector_load %arg31[%get3A_1739, %get3A_1740] {strides = array<i32>} : memref<80x64xf32, #tpu.memory_space<vmem>>, vector<16xf32>,
        %mul3A_1742 = arith.mulf %get3A_1741, %gather3A_1717 : vector<16xf32>
        %swap3A_1743 = arith.index_cast %add3A_1713 : i32 to index
        %swap3A_1744 = arith.constant 48 : index
        %swap3A_1745 = tpu.vector_load %arg31[%swap3A_1743, %swap3A_1744] {strides = array<i32>} : memref<80x64xf32, #tpu.memory_space<vmem>>, vector<16xf32>,
        tpu.vector_store %arg31[%swap3A_1743, %swap3A_1744], %mul3A_1742 {strides = array<i32>} : memref<80x64xf32, #tpu.memory_space<vmem>>, vector<16xf32>,
      }
      %scan3A_1394 = arith.constant 80 : i32
      %dma_start3A_1395 = arith.constant 0 : i32
      %dma_start3A_1396 = arith.constant 0 : i32
      %dma_start3A_1397 = tpu.memref_slice %arg14[%dma_start3A_1395, %dma_start3A_1396] : memref<1x80xi32, #tpu.memory_space<vmem>> -> memref<1x80xi32, #tpu.memory_space<vmem>>
      %dma_start3A_1398 = tpu.memref_squeeze %dma_start3A_1397 : memref<1x80xi32, #tpu.memory_space<vmem>> -> memref<80xi32, #tpu.memory_space<vmem>>
      %dma_start3A_1399 = arith.constant 0 : i32
      %dma_start3A_1400 = arith.constant 0 : i32
      %dma_start3A_1401 = tpu.memref_slice %arg34[%dma_start3A_1399, %dma_start3A_1400] : memref<10000x64xf32, #tpu.memory_space<vmem_shared>> -> memref<10000x64xf32, #tpu.memory_space<vmem_shared>>
      tpu.enqueue_indirect_dma source(%arg31 : memref<80x64xf32, #tpu.memory_space<vmem>>) target(%dma_start3A_1401 : memref<10000x64xf32, #tpu.memory_space<vmem_shared>>) offsets(%dma_start3A_1398 : memref<80xi32, #tpu.memory_space<vmem>>) semaphore(%arg37 : memref<!tpu.dma_semaphore, #tpu.memory_space<semaphore_mem>>) {add = true}
      %dma_start3A_1402 = arith.constant 0 : i32
      %dma_start3A_1403 = arith.constant 0 : i32
      %dma_start3A_1404 = arith.constant 0 : i32
      %dma_start3A_1405 = tpu.memref_slice %arg24[%dma_start3A_1402, %dma_start3A_1404] : memref<1x80xf32, #tpu.memory_space<vmem>> -> memref<1x80xf32, #tpu.memory_space<vmem>>
      %dma_start3A_1406 = tpu.memref_squeeze %dma_start3A_1405 : memref<1x80xf32, #tpu.memory_space<vmem>> -> memref<80xf32, #tpu.memory_space<vmem>>
      %dma_start3A_1407 = arith.constant 0 : i32
      %dma_start3A_1408 = tpu.memref_slice %arg19[%dma_start3A_1403, %dma_start3A_1407] : memref<1x80xi32, #tpu.memory_space<vmem>> -> memref<1x80xi32, #tpu.memory_space<vmem>>
      %dma_start3A_1409 = tpu.memref_squeeze %dma_start3A_1408 : memref<1x80xi32, #tpu.memory_space<vmem>> -> memref<80xi32, #tpu.memory_space<vmem>>
      %dma_start3A_1410 = arith.constant 0 : i32
      %dma_start3A_1411 = tpu.memref_slice %arg35[%dma_start3A_1410] : memref<81920xf32, #tpu.memory_space<vmem_shared>> -> memref<81920xf32, #tpu.memory_space<vmem_shared>>
      tpu.enqueue_indirect_dma source(%dma_start3A_1406 : memref<80xf32, #tpu.memory_space<vmem>>) target(%dma_start3A_1411 : memref<81920xf32, #tpu.memory_space<vmem_shared>>) offsets(%dma_start3A_1409 : memref<80xi32, #tpu.memory_space<vmem>>) semaphore(%arg38 : memref<!tpu.dma_semaphore, #tpu.memory_space<semaphore_mem>>) {add = true}
      %add3A_1412 = arith.constant 4 : i32
      %add3A_1413 = arith.addi %mul3A_236, %add3A_1412 : i32
      %add3A_1414 = arith.constant 3 : i32
      %add3A_1415 = arith.addi %add3A_1413, %add3A_1414 : i32
      %ge3A_1416 = arith.constant 2 : i32
      %ge3A_1417 = arith.cmpi sge, %add3A_1413, %ge3A_1416 : i32
      %convert_element_type3A_1418 = arith.extui %ge3A_1417 : i1 to i32
      %cond3A_1419 = arith.constant 0 : i32
      %cond3A_1420 = arith.cmpi ne, %convert_element_type3A_1418, %cond3A_1419 : i32
      scf.if %cond3A_1420 {
        %dma_wait3A_1709 = arith.constant 0 : i32
        %dma_wait3A_1710 = arith.constant 0 : i32
        %dma_wait3A_1711 = tpu.memref_slice %arg11[%dma_wait3A_1709, %dma_wait3A_1710] : memref<1x80xi32, #tpu.memory_space<vmem>> -> memref<1x80xi32, #tpu.memory_space<vmem>>
        %dma_wait3A_1712 = tpu.memref_squeeze %dma_wait3A_1711 : memref<1x80xi32, #tpu.memory_space<vmem>> -> memref<80xi32, #tpu.memory_space<vmem>>
        %dma_wait3A_1713 = arith.constant 0 : i32
        %dma_wait3A_1714 = arith.constant 0 : i32
        %dma_wait3A_1715 = tpu.memref_slice %arg34[%dma_wait3A_1713, %dma_wait3A_1714] : memref<10000x64xf32, #tpu.memory_space<vmem_shared>> -> memref<10000x64xf32, #tpu.memory_space<vmem_shared>>
        tpu.wait_indirect_dma semaphore(%arg37 : memref<!tpu.dma_semaphore, #tpu.memory_space<semaphore_mem>>) src(%arg30 : memref<80x64xf32, #tpu.memory_space<vmem>>) dst(%dma_wait3A_1715 : memref<10000x64xf32, #tpu.memory_space<vmem_shared>>)
      } else {
      }
      %lt3A_1421 = arith.constant 250 : i32
      %lt3A_1422 = arith.cmpi slt, %add3A_1415, %lt3A_1421 : i32
      %convert_element_type3A_1423 = arith.extui %lt3A_1422 : i1 to i32
      %cond3A_1424 = arith.constant 0 : i32
      %cond3A_1425 = arith.cmpi ne, %convert_element_type3A_1423, %cond3A_1424 : i32
      scf.if %cond3A_1425 {
        %dma_start3A_1709 = arith.constant 0 : i32
        %dma_start3A_1710 = tpu.memref_slice %arg9[%add3A_1415, %dma_start3A_1709] : memref<250x80xi32, #tpu.memory_space<vmem>> -> memref<1x80xi32, #tpu.memory_space<vmem>>
        %dma_start3A_1711 = tpu.memref_squeeze %dma_start3A_1710 : memref<1x80xi32, #tpu.memory_space<vmem>> -> memref<80xi32, #tpu.memory_space<vmem>>
        %dma_start3A_1712 = arith.constant 0 : i32
        %dma_start3A_1713 = arith.constant 0 : i32
        %dma_start3A_1714 = tpu.memref_slice %arg2[%dma_start3A_1712, %dma_start3A_1713] : memref<20000x64xf32, #tpu.memory_space<hbm>> -> memref<20000x64xf32, #tpu.memory_space<hbm>>
        tpu.enqueue_indirect_dma source(%dma_start3A_1714 : memref<20000x64xf32, #tpu.memory_space<hbm>>) target(%arg30 : memref<80x64xf32, #tpu.memory_space<vmem>>) offsets(%dma_start3A_1711 : memref<80xi32, #tpu.memory_space<vmem>>) semaphore(%arg36 : memref<!tpu.dma_semaphore, #tpu.memory_space<semaphore_mem>>)
      } else {
      }
      %dma_wait3A_1426 = arith.constant 0 : i32
      %dma_wait3A_1427 = tpu.memref_slice %arg9[%add3A_1413, %dma_wait3A_1426] : memref<250x80xi32, #tpu.memory_space<vmem>> -> memref<1x80xi32, #tpu.memory_space<vmem>>
      %dma_wait3A_1428 = tpu.memref_squeeze %dma_wait3A_1427 : memref<1x80xi32, #tpu.memory_space<vmem>> -> memref<80xi32, #tpu.memory_space<vmem>>
      %dma_wait3A_1429 = arith.constant 0 : i32
      %dma_wait3A_1430 = arith.constant 0 : i32
      %dma_wait3A_1431 = tpu.memref_slice %arg2[%dma_wait3A_1429, %dma_wait3A_1430] : memref<20000x64xf32, #tpu.memory_space<hbm>> -> memref<20000x64xf32, #tpu.memory_space<hbm>>
      tpu.wait_indirect_dma semaphore(%arg36 : memref<!tpu.dma_semaphore, #tpu.memory_space<semaphore_mem>>) src(%dma_wait3A_1431 : memref<20000x64xf32, #tpu.memory_space<hbm>>) dst(%arg32 : memref<80x64xf32, #tpu.memory_space<vmem>>)
      %ge3A_1432 = arith.constant 5 : i32
      %ge3A_1433 = arith.cmpi sge, %add3A_1413, %ge3A_1432 : i32
      %convert_element_type3A_1434 = arith.extui %ge3A_1433 : i1 to i32
      %cond3A_1435 = arith.constant 0 : i32
      %cond3A_1436 = arith.cmpi ne, %convert_element_type3A_1434, %cond3A_1435 : i32
      scf.if %cond3A_1436 {
        %dma_wait3A_1709 = arith.constant 0 : i32
        %dma_wait3A_1710 = arith.constant 0 : i32
        %dma_wait3A_1711 = arith.constant 0 : i32
        %dma_wait3A_1712 = tpu.memref_slice %arg25[%dma_wait3A_1709, %dma_wait3A_1711] : memref<1x80xf32, #tpu.memory_space<vmem>> -> memref<1x80xf32, #tpu.memory_space<vmem>>
        %dma_wait3A_1713 = tpu.memref_squeeze %dma_wait3A_1712 : memref<1x80xf32, #tpu.memory_space<vmem>> -> memref<80xf32, #tpu.memory_space<vmem>>
        %dma_wait3A_1714 = arith.constant 0 : i32
        %dma_wait3A_1715 = tpu.memref_slice %arg11[%dma_wait3A_1710, %dma_wait3A_1714] : memref<1x80xi32, #tpu.memory_space<vmem>> -> memref<1x80xi32, #tpu.memory_space<vmem>>
        %dma_wait3A_1716 = tpu.memref_squeeze %dma_wait3A_1715 : memref<1x80xi32, #tpu.memory_space<vmem>> -> memref<80xi32, #tpu.memory_space<vmem>>
        %dma_wait3A_1717 = arith.constant 0 : i32
        %dma_wait3A_1718 = tpu.memref_slice %arg35[%dma_wait3A_1717] : memref<81920xf32, #tpu.memory_space<vmem_shared>> -> memref<81920xf32, #tpu.memory_space<vmem_shared>>
        tpu.wait_indirect_dma semaphore(%arg38 : memref<!tpu.dma_semaphore, #tpu.memory_space<semaphore_mem>>) src(%dma_wait3A_1713 : memref<80xf32, #tpu.memory_space<vmem>>) dst(%dma_wait3A_1718 : memref<81920xf32, #tpu.memory_space<vmem_shared>>)
      } else {
      }
      %get3A_1437 = arith.index_cast %add3A_1413 : i32 to index
      %get3A_1438 = arith.constant 0 : index
      %get3A_1439 = tpu.vector_load %arg9[%get3A_1437, %get3A_1438] {strides = array<i32>} : memref<250x80xi32, #tpu.memory_space<vmem>>, vector<16xi32>,
      %shift_right_logical3A_1440 = arith.constant 1 : i32
      %shift_right_logical3A_1441 = vector.broadcast %shift_right_logical3A_1440 : i32 to vector<16xi32>
      %shift_right_logical3A_1442 = arith.shrui %get3A_1439, %shift_right_logical3A_1441 : vector<16xi32>
      %get3A_1443 = arith.index_cast %add3A_1413 : i32 to index
      %get3A_1444 = arith.constant 0 : index
      %get3A_1445 = tpu.vector_load %arg10[%get3A_1443, %get3A_1444] {strides = array<i32>} : memref<250x80xi32, #tpu.memory_space<vmem>>, vector<16xi32>,
      %shift_right_logical3A_1446 = arith.constant 4 : i32
      %shift_right_logical3A_1447 = vector.broadcast %shift_right_logical3A_1446 : i32 to vector<16xi32>
      %shift_right_logical3A_1448 = arith.shrui %get3A_1445, %shift_right_logical3A_1447 : vector<16xi32>
      %and3A_1449 = arith.constant 15 : i32
      %and3A_1450 = vector.broadcast %and3A_1449 : i32 to vector<16xi32>
      %and3A_1451 = arith.andi %get3A_1445, %and3A_1450 : vector<16xi32>
      %gather3A_1452 = tpu.vector_load_idx %arg26[%shift_right_logical3A_1442] : memref<10000xf32, #tpu.memory_space<vmem>>[vector<16xi32>], vector<16xf32>,
      %gather3A_1453 = tpu.vector_load_idx %arg27[%and3A_1451] : memref<16xf32, #tpu.memory_space<vmem>>[vector<16xi32>], vector<16xf32>,
      %add3A_1454 = arith.addf %gather3A_1452, %gather3A_1453 : vector<16xf32>
      %mul3A_1455 = arith.constant 2.000000e-01 : f32
      %mul3A_1456 = vector.broadcast %mul3A_1455 : f32 to vector<16xf32>
      %mul3A_1457 = arith.mulf %add3A_1454, %mul3A_1456 : vector<16xf32>
      %max3A_1458 = arith.maximumf %add3A_1454, %mul3A_1457 : vector<16xf32>
      %exp3A_1459 = math.exp %max3A_1458 : vector<16xf32>
      %swap3A_1460 = arith.constant 0 : i32
      %swap3A_1461 = arith.index_cast %swap3A_1460 : i32 to index
      %swap3A_1462 = arith.constant 0 : index
      %swap3A_1463 = tpu.vector_load %arg25[%swap3A_1461, %swap3A_1462] {strides = array<i32>} : memref<1x80xf32, #tpu.memory_space<vmem>>, vector<16xf32>,
      tpu.vector_store %arg25[%swap3A_1461, %swap3A_1462], %exp3A_1459 {strides = array<i32>} : memref<1x80xf32, #tpu.memory_space<vmem>>, vector<16xf32>,
      %swap3A_1464 = arith.constant 0 : i32
      %swap3A_1465 = arith.index_cast %swap3A_1464 : i32 to index
      %swap3A_1466 = arith.constant 0 : index
      %swap3A_1467 = tpu.vector_load %arg15[%swap3A_1465, %swap3A_1466] {strides = array<i32>} : memref<1x80xi32, #tpu.memory_space<vmem>>, vector<16xi32>,
      tpu.vector_store %arg15[%swap3A_1465, %swap3A_1466], %shift_right_logical3A_1448 {strides = array<i32>} : memref<1x80xi32, #tpu.memory_space<vmem>>, vector<16xi32>,
      %shift_right_logical3A_1468 = arith.constant 3 : i32
      %shift_right_logical3A_1469 = vector.broadcast %shift_right_logical3A_1468 : i32 to vector<16xi32>
      %shift_right_logical3A_1470 = arith.shrui %and3A_1451, %shift_right_logical3A_1469 : vector<16xi32>
      %eq3A_1471 = vector.broadcast %arg0 : i32 to vector<16xi32>
      %eq3A_1472 = arith.cmpi eq, %shift_right_logical3A_1470, %eq3A_1471 : vector<16xi32>
      %mul3A_1473 = arith.constant 8 : i32
      %mul3A_1474 = vector.broadcast %mul3A_1473 : i32 to vector<16xi32>
      %mul3A_1475 = arith.muli %shift_right_logical3A_1448, %mul3A_1474 : vector<16xi32>
      %and3A_1476 = arith.constant 7 : i32
      %and3A_1477 = vector.broadcast %and3A_1476 : i32 to vector<16xi32>
      %and3A_1478 = arith.andi %and3A_1451, %and3A_1477 : vector<16xi32>
      %add3A_1479 = arith.addi %mul3A_1475, %and3A_1478 : vector<16xi32>
      %broadcast_in_dim3A_1480 = arith.constant 80000 : i32
      %broadcast_in_dim3A_1481 = vector.broadcast %broadcast_in_dim3A_1480 : i32 to vector<16xi32>
      %select_n3A_1482 = arith.select %eq3A_1472, %add3A_1479, %broadcast_in_dim3A_1481 : vector<16xi1>, vector<16xi32>
      %swap3A_1483 = arith.constant 0 : i32
      %swap3A_1484 = arith.index_cast %swap3A_1483 : i32 to index
      %swap3A_1485 = arith.constant 0 : index
      %swap3A_1486 = tpu.vector_load %arg20[%swap3A_1484, %swap3A_1485] {strides = array<i32>} : memref<1x80xi32, #tpu.memory_space<vmem>>, vector<16xi32>,
      tpu.vector_store %arg20[%swap3A_1484, %swap3A_1485], %select_n3A_1482 {strides = array<i32>} : memref<1x80xi32, #tpu.memory_space<vmem>>, vector<16xi32>,
      %get3A_1487 = arith.index_cast %add3A_1413 : i32 to index
      %get3A_1488 = arith.constant 16 : index
      %get3A_1489 = tpu.vector_load %arg9[%get3A_1487, %get3A_1488] {strides = array<i32>} : memref<250x80xi32, #tpu.memory_space<vmem>>, vector<16xi32>,
      %shift_right_logical3A_1490 = arith.constant 1 : i32
      %shift_right_logical3A_1491 = vector.broadcast %shift_right_logical3A_1490 : i32 to vector<16xi32>
      %shift_right_logical3A_1492 = arith.shrui %get3A_1489, %shift_right_logical3A_1491 : vector<16xi32>
      %get3A_1493 = arith.index_cast %add3A_1413 : i32 to index
      %get3A_1494 = arith.constant 16 : index
      %get3A_1495 = tpu.vector_load %arg10[%get3A_1493, %get3A_1494] {strides = array<i32>} : memref<250x80xi32, #tpu.memory_space<vmem>>, vector<16xi32>,
      %shift_right_logical3A_1496 = arith.constant 4 : i32
      %shift_right_logical3A_1497 = vector.broadcast %shift_right_logical3A_1496 : i32 to vector<16xi32>
      %shift_right_logical3A_1498 = arith.shrui %get3A_1495, %shift_right_logical3A_1497 : vector<16xi32>
      %and3A_1499 = arith.constant 15 : i32
      %and3A_1500 = vector.broadcast %and3A_1499 : i32 to vector<16xi32>
      %and3A_1501 = arith.andi %get3A_1495, %and3A_1500 : vector<16xi32>
      %gather3A_1502 = tpu.vector_load_idx %arg26[%shift_right_logical3A_1492] : memref<10000xf32, #tpu.memory_space<vmem>>[vector<16xi32>], vector<16xf32>,
      %gather3A_1503 = tpu.vector_load_idx %arg27[%and3A_1501] : memref<16xf32, #tpu.memory_space<vmem>>[vector<16xi32>], vector<16xf32>,
      %add3A_1504 = arith.addf %gather3A_1502, %gather3A_1503 : vector<16xf32>
      %mul3A_1505 = arith.constant 2.000000e-01 : f32
      %mul3A_1506 = vector.broadcast %mul3A_1505 : f32 to vector<16xf32>
      %mul3A_1507 = arith.mulf %add3A_1504, %mul3A_1506 : vector<16xf32>
      %max3A_1508 = arith.maximumf %add3A_1504, %mul3A_1507 : vector<16xf32>
      %exp3A_1509 = math.exp %max3A_1508 : vector<16xf32>
      %swap3A_1510 = arith.constant 0 : i32
      %swap3A_1511 = arith.index_cast %swap3A_1510 : i32 to index
      %swap3A_1512 = arith.constant 16 : index
      %swap3A_1513 = tpu.vector_load %arg25[%swap3A_1511, %swap3A_1512] {strides = array<i32>} : memref<1x80xf32, #tpu.memory_space<vmem>>, vector<16xf32>,
      tpu.vector_store %arg25[%swap3A_1511, %swap3A_1512], %exp3A_1509 {strides = array<i32>} : memref<1x80xf32, #tpu.memory_space<vmem>>, vector<16xf32>,
      %swap3A_1514 = arith.constant 0 : i32
      %swap3A_1515 = arith.index_cast %swap3A_1514 : i32 to index
      %swap3A_1516 = arith.constant 16 : index
      %swap3A_1517 = tpu.vector_load %arg15[%swap3A_1515, %swap3A_1516] {strides = array<i32>} : memref<1x80xi32, #tpu.memory_space<vmem>>, vector<16xi32>,
      tpu.vector_store %arg15[%swap3A_1515, %swap3A_1516], %shift_right_logical3A_1498 {strides = array<i32>} : memref<1x80xi32, #tpu.memory_space<vmem>>, vector<16xi32>,
      %shift_right_logical3A_1518 = arith.constant 3 : i32
      %shift_right_logical3A_1519 = vector.broadcast %shift_right_logical3A_1518 : i32 to vector<16xi32>
      %shift_right_logical3A_1520 = arith.shrui %and3A_1501, %shift_right_logical3A_1519 : vector<16xi32>
      %eq3A_1521 = vector.broadcast %arg0 : i32 to vector<16xi32>
      %eq3A_1522 = arith.cmpi eq, %shift_right_logical3A_1520, %eq3A_1521 : vector<16xi32>
      %mul3A_1523 = arith.constant 8 : i32
      %mul3A_1524 = vector.broadcast %mul3A_1523 : i32 to vector<16xi32>
      %mul3A_1525 = arith.muli %shift_right_logical3A_1498, %mul3A_1524 : vector<16xi32>
      %and3A_1526 = arith.constant 7 : i32
      %and3A_1527 = vector.broadcast %and3A_1526 : i32 to vector<16xi32>
      %and3A_1528 = arith.andi %and3A_1501, %and3A_1527 : vector<16xi32>
      %add3A_1529 = arith.addi %mul3A_1525, %and3A_1528 : vector<16xi32>
      %broadcast_in_dim3A_1530 = arith.constant 80000 : i32
      %broadcast_in_dim3A_1531 = vector.broadcast %broadcast_in_dim3A_1530 : i32 to vector<16xi32>
      %select_n3A_1532 = arith.select %eq3A_1522, %add3A_1529, %broadcast_in_dim3A_1531 : vector<16xi1>, vector<16xi32>
      %swap3A_1533 = arith.constant 0 : i32
      %swap3A_1534 = arith.index_cast %swap3A_1533 : i32 to index
      %swap3A_1535 = arith.constant 16 : index
      %swap3A_1536 = tpu.vector_load %arg20[%swap3A_1534, %swap3A_1535] {strides = array<i32>} : memref<1x80xi32, #tpu.memory_space<vmem>>, vector<16xi32>,
      tpu.vector_store %arg20[%swap3A_1534, %swap3A_1535], %select_n3A_1532 {strides = array<i32>} : memref<1x80xi32, #tpu.memory_space<vmem>>, vector<16xi32>,
      %get3A_1537 = arith.index_cast %add3A_1413 : i32 to index
      %get3A_1538 = arith.constant 32 : index
      %get3A_1539 = tpu.vector_load %arg9[%get3A_1537, %get3A_1538] {strides = array<i32>} : memref<250x80xi32, #tpu.memory_space<vmem>>, vector<16xi32>,
      %shift_right_logical3A_1540 = arith.constant 1 : i32
      %shift_right_logical3A_1541 = vector.broadcast %shift_right_logical3A_1540 : i32 to vector<16xi32>
      %shift_right_logical3A_1542 = arith.shrui %get3A_1539, %shift_right_logical3A_1541 : vector<16xi32>
      %get3A_1543 = arith.index_cast %add3A_1413 : i32 to index
      %get3A_1544 = arith.constant 32 : index
      %get3A_1545 = tpu.vector_load %arg10[%get3A_1543, %get3A_1544] {strides = array<i32>} : memref<250x80xi32, #tpu.memory_space<vmem>>, vector<16xi32>,
      %shift_right_logical3A_1546 = arith.constant 4 : i32
      %shift_right_logical3A_1547 = vector.broadcast %shift_right_logical3A_1546 : i32 to vector<16xi32>
      %shift_right_logical3A_1548 = arith.shrui %get3A_1545, %shift_right_logical3A_1547 : vector<16xi32>
      %and3A_1549 = arith.constant 15 : i32
      %and3A_1550 = vector.broadcast %and3A_1549 : i32 to vector<16xi32>
      %and3A_1551 = arith.andi %get3A_1545, %and3A_1550 : vector<16xi32>
      %gather3A_1552 = tpu.vector_load_idx %arg26[%shift_right_logical3A_1542] : memref<10000xf32, #tpu.memory_space<vmem>>[vector<16xi32>], vector<16xf32>,
      %gather3A_1553 = tpu.vector_load_idx %arg27[%and3A_1551] : memref<16xf32, #tpu.memory_space<vmem>>[vector<16xi32>], vector<16xf32>,
      %add3A_1554 = arith.addf %gather3A_1552, %gather3A_1553 : vector<16xf32>
      %mul3A_1555 = arith.constant 2.000000e-01 : f32
      %mul3A_1556 = vector.broadcast %mul3A_1555 : f32 to vector<16xf32>
      %mul3A_1557 = arith.mulf %add3A_1554, %mul3A_1556 : vector<16xf32>
      %max3A_1558 = arith.maximumf %add3A_1554, %mul3A_1557 : vector<16xf32>
      %exp3A_1559 = math.exp %max3A_1558 : vector<16xf32>
      %swap3A_1560 = arith.constant 0 : i32
      %swap3A_1561 = arith.index_cast %swap3A_1560 : i32 to index
      %swap3A_1562 = arith.constant 32 : index
      %swap3A_1563 = tpu.vector_load %arg25[%swap3A_1561, %swap3A_1562] {strides = array<i32>} : memref<1x80xf32, #tpu.memory_space<vmem>>, vector<16xf32>,
      tpu.vector_store %arg25[%swap3A_1561, %swap3A_1562], %exp3A_1559 {strides = array<i32>} : memref<1x80xf32, #tpu.memory_space<vmem>>, vector<16xf32>,
      %swap3A_1564 = arith.constant 0 : i32
      %swap3A_1565 = arith.index_cast %swap3A_1564 : i32 to index
      %swap3A_1566 = arith.constant 32 : index
      %swap3A_1567 = tpu.vector_load %arg15[%swap3A_1565, %swap3A_1566] {strides = array<i32>} : memref<1x80xi32, #tpu.memory_space<vmem>>, vector<16xi32>,
      tpu.vector_store %arg15[%swap3A_1565, %swap3A_1566], %shift_right_logical3A_1548 {strides = array<i32>} : memref<1x80xi32, #tpu.memory_space<vmem>>, vector<16xi32>,
      %shift_right_logical3A_1568 = arith.constant 3 : i32
      %shift_right_logical3A_1569 = vector.broadcast %shift_right_logical3A_1568 : i32 to vector<16xi32>
      %shift_right_logical3A_1570 = arith.shrui %and3A_1551, %shift_right_logical3A_1569 : vector<16xi32>
      %eq3A_1571 = vector.broadcast %arg0 : i32 to vector<16xi32>
      %eq3A_1572 = arith.cmpi eq, %shift_right_logical3A_1570, %eq3A_1571 : vector<16xi32>
      %mul3A_1573 = arith.constant 8 : i32
      %mul3A_1574 = vector.broadcast %mul3A_1573 : i32 to vector<16xi32>
      %mul3A_1575 = arith.muli %shift_right_logical3A_1548, %mul3A_1574 : vector<16xi32>
      %and3A_1576 = arith.constant 7 : i32
      %and3A_1577 = vector.broadcast %and3A_1576 : i32 to vector<16xi32>
      %and3A_1578 = arith.andi %and3A_1551, %and3A_1577 : vector<16xi32>
      %add3A_1579 = arith.addi %mul3A_1575, %and3A_1578 : vector<16xi32>
      %broadcast_in_dim3A_1580 = arith.constant 80000 : i32
      %broadcast_in_dim3A_1581 = vector.broadcast %broadcast_in_dim3A_1580 : i32 to vector<16xi32>
      %select_n3A_1582 = arith.select %eq3A_1572, %add3A_1579, %broadcast_in_dim3A_1581 : vector<16xi1>, vector<16xi32>
      %swap3A_1583 = arith.constant 0 : i32
      %swap3A_1584 = arith.index_cast %swap3A_1583 : i32 to index
      %swap3A_1585 = arith.constant 32 : index
      %swap3A_1586 = tpu.vector_load %arg20[%swap3A_1584, %swap3A_1585] {strides = array<i32>} : memref<1x80xi32, #tpu.memory_space<vmem>>, vector<16xi32>,
      tpu.vector_store %arg20[%swap3A_1584, %swap3A_1585], %select_n3A_1582 {strides = array<i32>} : memref<1x80xi32, #tpu.memory_space<vmem>>, vector<16xi32>,
      %get3A_1587 = arith.index_cast %add3A_1413 : i32 to index
      %get3A_1588 = arith.constant 48 : index
      %get3A_1589 = tpu.vector_load %arg9[%get3A_1587, %get3A_1588] {strides = array<i32>} : memref<250x80xi32, #tpu.memory_space<vmem>>, vector<16xi32>,
      %shift_right_logical3A_1590 = arith.constant 1 : i32
      %shift_right_logical3A_1591 = vector.broadcast %shift_right_logical3A_1590 : i32 to vector<16xi32>
      %shift_right_logical3A_1592 = arith.shrui %get3A_1589, %shift_right_logical3A_1591 : vector<16xi32>
      %get3A_1593 = arith.index_cast %add3A_1413 : i32 to index
      %get3A_1594 = arith.constant 48 : index
      %get3A_1595 = tpu.vector_load %arg10[%get3A_1593, %get3A_1594] {strides = array<i32>} : memref<250x80xi32, #tpu.memory_space<vmem>>, vector<16xi32>,
      %shift_right_logical3A_1596 = arith.constant 4 : i32
      %shift_right_logical3A_1597 = vector.broadcast %shift_right_logical3A_1596 : i32 to vector<16xi32>
      %shift_right_logical3A_1598 = arith.shrui %get3A_1595, %shift_right_logical3A_1597 : vector<16xi32>
      %and3A_1599 = arith.constant 15 : i32
      %and3A_1600 = vector.broadcast %and3A_1599 : i32 to vector<16xi32>
      %and3A_1601 = arith.andi %get3A_1595, %and3A_1600 : vector<16xi32>
      %gather3A_1602 = tpu.vector_load_idx %arg26[%shift_right_logical3A_1592] : memref<10000xf32, #tpu.memory_space<vmem>>[vector<16xi32>], vector<16xf32>,
      %gather3A_1603 = tpu.vector_load_idx %arg27[%and3A_1601] : memref<16xf32, #tpu.memory_space<vmem>>[vector<16xi32>], vector<16xf32>,
      %add3A_1604 = arith.addf %gather3A_1602, %gather3A_1603 : vector<16xf32>
      %mul3A_1605 = arith.constant 2.000000e-01 : f32
      %mul3A_1606 = vector.broadcast %mul3A_1605 : f32 to vector<16xf32>
      %mul3A_1607 = arith.mulf %add3A_1604, %mul3A_1606 : vector<16xf32>
      %max3A_1608 = arith.maximumf %add3A_1604, %mul3A_1607 : vector<16xf32>
      %exp3A_1609 = math.exp %max3A_1608 : vector<16xf32>
      %swap3A_1610 = arith.constant 0 : i32
      %swap3A_1611 = arith.index_cast %swap3A_1610 : i32 to index
      %swap3A_1612 = arith.constant 48 : index
      %swap3A_1613 = tpu.vector_load %arg25[%swap3A_1611, %swap3A_1612] {strides = array<i32>} : memref<1x80xf32, #tpu.memory_space<vmem>>, vector<16xf32>,
      tpu.vector_store %arg25[%swap3A_1611, %swap3A_1612], %exp3A_1609 {strides = array<i32>} : memref<1x80xf32, #tpu.memory_space<vmem>>, vector<16xf32>,
      %swap3A_1614 = arith.constant 0 : i32
      %swap3A_1615 = arith.index_cast %swap3A_1614 : i32 to index
      %swap3A_1616 = arith.constant 48 : index
      %swap3A_1617 = tpu.vector_load %arg15[%swap3A_1615, %swap3A_1616] {strides = array<i32>} : memref<1x80xi32, #tpu.memory_space<vmem>>, vector<16xi32>,
      tpu.vector_store %arg15[%swap3A_1615, %swap3A_1616], %shift_right_logical3A_1598 {strides = array<i32>} : memref<1x80xi32, #tpu.memory_space<vmem>>, vector<16xi32>,
      %shift_right_logical3A_1618 = arith.constant 3 : i32
      %shift_right_logical3A_1619 = vector.broadcast %shift_right_logical3A_1618 : i32 to vector<16xi32>
      %shift_right_logical3A_1620 = arith.shrui %and3A_1601, %shift_right_logical3A_1619 : vector<16xi32>
      %eq3A_1621 = vector.broadcast %arg0 : i32 to vector<16xi32>
      %eq3A_1622 = arith.cmpi eq, %shift_right_logical3A_1620, %eq3A_1621 : vector<16xi32>
      %mul3A_1623 = arith.constant 8 : i32
      %mul3A_1624 = vector.broadcast %mul3A_1623 : i32 to vector<16xi32>
      %mul3A_1625 = arith.muli %shift_right_logical3A_1598, %mul3A_1624 : vector<16xi32>
      %and3A_1626 = arith.constant 7 : i32
      %and3A_1627 = vector.broadcast %and3A_1626 : i32 to vector<16xi32>
      %and3A_1628 = arith.andi %and3A_1601, %and3A_1627 : vector<16xi32>
      %add3A_1629 = arith.addi %mul3A_1625, %and3A_1628 : vector<16xi32>
      %broadcast_in_dim3A_1630 = arith.constant 80000 : i32
      %broadcast_in_dim3A_1631 = vector.broadcast %broadcast_in_dim3A_1630 : i32 to vector<16xi32>
      %select_n3A_1632 = arith.select %eq3A_1622, %add3A_1629, %broadcast_in_dim3A_1631 : vector<16xi1>, vector<16xi32>
      %swap3A_1633 = arith.constant 0 : i32
      %swap3A_1634 = arith.index_cast %swap3A_1633 : i32 to index
      %swap3A_1635 = arith.constant 48 : index
      %swap3A_1636 = tpu.vector_load %arg20[%swap3A_1634, %swap3A_1635] {strides = array<i32>} : memref<1x80xi32, #tpu.memory_space<vmem>>, vector<16xi32>,
      tpu.vector_store %arg20[%swap3A_1634, %swap3A_1635], %select_n3A_1632 {strides = array<i32>} : memref<1x80xi32, #tpu.memory_space<vmem>>, vector<16xi32>,
      %get3A_1637 = arith.index_cast %add3A_1413 : i32 to index
      %get3A_1638 = arith.constant 64 : index
      %get3A_1639 = tpu.vector_load %arg9[%get3A_1637, %get3A_1638] {strides = array<i32>} : memref<250x80xi32, #tpu.memory_space<vmem>>, vector<16xi32>,
      %shift_right_logical3A_1640 = arith.constant 1 : i32
      %shift_right_logical3A_1641 = vector.broadcast %shift_right_logical3A_1640 : i32 to vector<16xi32>
      %shift_right_logical3A_1642 = arith.shrui %get3A_1639, %shift_right_logical3A_1641 : vector<16xi32>
      %get3A_1643 = arith.index_cast %add3A_1413 : i32 to index
      %get3A_1644 = arith.constant 64 : index
      %get3A_1645 = tpu.vector_load %arg10[%get3A_1643, %get3A_1644] {strides = array<i32>} : memref<250x80xi32, #tpu.memory_space<vmem>>, vector<16xi32>,
      %shift_right_logical3A_1646 = arith.constant 4 : i32
      %shift_right_logical3A_1647 = vector.broadcast %shift_right_logical3A_1646 : i32 to vector<16xi32>
      %shift_right_logical3A_1648 = arith.shrui %get3A_1645, %shift_right_logical3A_1647 : vector<16xi32>
      %and3A_1649 = arith.constant 15 : i32
      %and3A_1650 = vector.broadcast %and3A_1649 : i32 to vector<16xi32>
      %and3A_1651 = arith.andi %get3A_1645, %and3A_1650 : vector<16xi32>
      %gather3A_1652 = tpu.vector_load_idx %arg26[%shift_right_logical3A_1642] : memref<10000xf32, #tpu.memory_space<vmem>>[vector<16xi32>], vector<16xf32>,
      %gather3A_1653 = tpu.vector_load_idx %arg27[%and3A_1651] : memref<16xf32, #tpu.memory_space<vmem>>[vector<16xi32>], vector<16xf32>,
      %add3A_1654 = arith.addf %gather3A_1652, %gather3A_1653 : vector<16xf32>
      %mul3A_1655 = arith.constant 2.000000e-01 : f32
      %mul3A_1656 = vector.broadcast %mul3A_1655 : f32 to vector<16xf32>
      %mul3A_1657 = arith.mulf %add3A_1654, %mul3A_1656 : vector<16xf32>
      %max3A_1658 = arith.maximumf %add3A_1654, %mul3A_1657 : vector<16xf32>
      %exp3A_1659 = math.exp %max3A_1658 : vector<16xf32>
      %swap3A_1660 = arith.constant 0 : i32
      %swap3A_1661 = arith.index_cast %swap3A_1660 : i32 to index
      %swap3A_1662 = arith.constant 64 : index
      %swap3A_1663 = tpu.vector_load %arg25[%swap3A_1661, %swap3A_1662] {strides = array<i32>} : memref<1x80xf32, #tpu.memory_space<vmem>>, vector<16xf32>,
      tpu.vector_store %arg25[%swap3A_1661, %swap3A_1662], %exp3A_1659 {strides = array<i32>} : memref<1x80xf32, #tpu.memory_space<vmem>>, vector<16xf32>,
      %swap3A_1664 = arith.constant 0 : i32
      %swap3A_1665 = arith.index_cast %swap3A_1664 : i32 to index
      %swap3A_1666 = arith.constant 64 : index
      %swap3A_1667 = tpu.vector_load %arg15[%swap3A_1665, %swap3A_1666] {strides = array<i32>} : memref<1x80xi32, #tpu.memory_space<vmem>>, vector<16xi32>,
      tpu.vector_store %arg15[%swap3A_1665, %swap3A_1666], %shift_right_logical3A_1648 {strides = array<i32>} : memref<1x80xi32, #tpu.memory_space<vmem>>, vector<16xi32>,
      %shift_right_logical3A_1668 = arith.constant 3 : i32
      %shift_right_logical3A_1669 = vector.broadcast %shift_right_logical3A_1668 : i32 to vector<16xi32>
      %shift_right_logical3A_1670 = arith.shrui %and3A_1651, %shift_right_logical3A_1669 : vector<16xi32>
      %eq3A_1671 = vector.broadcast %arg0 : i32 to vector<16xi32>
      %eq3A_1672 = arith.cmpi eq, %shift_right_logical3A_1670, %eq3A_1671 : vector<16xi32>
      %mul3A_1673 = arith.constant 8 : i32
      %mul3A_1674 = vector.broadcast %mul3A_1673 : i32 to vector<16xi32>
      %mul3A_1675 = arith.muli %shift_right_logical3A_1648, %mul3A_1674 : vector<16xi32>
      %and3A_1676 = arith.constant 7 : i32
      %and3A_1677 = vector.broadcast %and3A_1676 : i32 to vector<16xi32>
      %and3A_1678 = arith.andi %and3A_1651, %and3A_1677 : vector<16xi32>
      %add3A_1679 = arith.addi %mul3A_1675, %and3A_1678 : vector<16xi32>
      %broadcast_in_dim3A_1680 = arith.constant 80000 : i32
      %broadcast_in_dim3A_1681 = vector.broadcast %broadcast_in_dim3A_1680 : i32 to vector<16xi32>
      %select_n3A_1682 = arith.select %eq3A_1672, %add3A_1679, %broadcast_in_dim3A_1681 : vector<16xi1>, vector<16xi32>
      %swap3A_1683 = arith.constant 0 : i32
      %swap3A_1684 = arith.index_cast %swap3A_1683 : i32 to index
      %swap3A_1685 = arith.constant 64 : index
      %swap3A_1686 = tpu.vector_load %arg20[%swap3A_1684, %swap3A_1685] {strides = array<i32>} : memref<1x80xi32, #tpu.memory_space<vmem>>, vector<16xi32>,
      tpu.vector_store %arg20[%swap3A_1684, %swap3A_1685], %select_n3A_1682 {strides = array<i32>} : memref<1x80xi32, #tpu.memory_space<vmem>>, vector<16xi32>,
      %scan3A_1687 = arith.constant 0 : i32
      %scan3A_1688 = arith.constant 80 : i32
      %scan3A_1689 = arith.addi %scan3A_1687, %scan3A_1688 : i32
      %scan3A_1690 = arith.constant 1 : i32
      scf.for %scan3A_1709 = %scan3A_1687 to %scan3A_1689 step %scan3A_1690  : i32 {
        %mul3A_1710 = arith.constant 1 : i32
        %mul3A_1711 = arith.muli %scan3A_1709, %mul3A_1710 : i32
        %add3A_1712 = arith.constant 0 : i32
        %add3A_1713 = arith.addi %add3A_1712, %mul3A_1711 : i32
        %broadcast_in_dim3A_1714 = arith.constant 0 : i32
        %broadcast_in_dim3A_1715 = vector.broadcast %broadcast_in_dim3A_1714 : i32 to vector<16xi32>
        %broadcast_in_dim3A_1716 = vector.broadcast %add3A_1713 : i32 to vector<16xi32>
        %gather3A_1717 = tpu.vector_load_idx %arg25[%broadcast_in_dim3A_1715, %broadcast_in_dim3A_1716] : memref<1x80xf32, #tpu.memory_space<vmem>>[vector<16xi32>, vector<16xi32>], vector<16xf32>,
        %get3A_1718 = arith.index_cast %add3A_1713 : i32 to index
        %get3A_1719 = arith.constant 0 : index
        %get3A_1720 = tpu.vector_load %arg32[%get3A_1718, %get3A_1719] {strides = array<i32>} : memref<80x64xf32, #tpu.memory_space<vmem>>, vector<16xf32>,
        %mul3A_1721 = arith.mulf %get3A_1720, %gather3A_1717 : vector<16xf32>
        %swap3A_1722 = arith.index_cast %add3A_1713 : i32 to index
        %swap3A_1723 = arith.constant 0 : index
        %swap3A_1724 = tpu.vector_load %arg32[%swap3A_1722, %swap3A_1723] {strides = array<i32>} : memref<80x64xf32, #tpu.memory_space<vmem>>, vector<16xf32>,
        tpu.vector_store %arg32[%swap3A_1722, %swap3A_1723], %mul3A_1721 {strides = array<i32>} : memref<80x64xf32, #tpu.memory_space<vmem>>, vector<16xf32>,
        %get3A_1725 = arith.index_cast %add3A_1713 : i32 to index
        %get3A_1726 = arith.constant 16 : index
        %get3A_1727 = tpu.vector_load %arg32[%get3A_1725, %get3A_1726] {strides = array<i32>} : memref<80x64xf32, #tpu.memory_space<vmem>>, vector<16xf32>,
        %mul3A_1728 = arith.mulf %get3A_1727, %gather3A_1717 : vector<16xf32>
        %swap3A_1729 = arith.index_cast %add3A_1713 : i32 to index
        %swap3A_1730 = arith.constant 16 : index
        %swap3A_1731 = tpu.vector_load %arg32[%swap3A_1729, %swap3A_1730] {strides = array<i32>} : memref<80x64xf32, #tpu.memory_space<vmem>>, vector<16xf32>,
        tpu.vector_store %arg32[%swap3A_1729, %swap3A_1730], %mul3A_1728 {strides = array<i32>} : memref<80x64xf32, #tpu.memory_space<vmem>>, vector<16xf32>,
        %get3A_1732 = arith.index_cast %add3A_1713 : i32 to index
        %get3A_1733 = arith.constant 32 : index
        %get3A_1734 = tpu.vector_load %arg32[%get3A_1732, %get3A_1733] {strides = array<i32>} : memref<80x64xf32, #tpu.memory_space<vmem>>, vector<16xf32>,
        %mul3A_1735 = arith.mulf %get3A_1734, %gather3A_1717 : vector<16xf32>
        %swap3A_1736 = arith.index_cast %add3A_1713 : i32 to index
        %swap3A_1737 = arith.constant 32 : index
        %swap3A_1738 = tpu.vector_load %arg32[%swap3A_1736, %swap3A_1737] {strides = array<i32>} : memref<80x64xf32, #tpu.memory_space<vmem>>, vector<16xf32>,
        tpu.vector_store %arg32[%swap3A_1736, %swap3A_1737], %mul3A_1735 {strides = array<i32>} : memref<80x64xf32, #tpu.memory_space<vmem>>, vector<16xf32>,
        %get3A_1739 = arith.index_cast %add3A_1713 : i32 to index
        %get3A_1740 = arith.constant 48 : index
        %get3A_1741 = tpu.vector_load %arg32[%get3A_1739, %get3A_1740] {strides = array<i32>} : memref<80x64xf32, #tpu.memory_space<vmem>>, vector<16xf32>,
        %mul3A_1742 = arith.mulf %get3A_1741, %gather3A_1717 : vector<16xf32>
        %swap3A_1743 = arith.index_cast %add3A_1713 : i32 to index
        %swap3A_1744 = arith.constant 48 : index
        %swap3A_1745 = tpu.vector_load %arg32[%swap3A_1743, %swap3A_1744] {strides = array<i32>} : memref<80x64xf32, #tpu.memory_space<vmem>>, vector<16xf32>,
        tpu.vector_store %arg32[%swap3A_1743, %swap3A_1744], %mul3A_1742 {strides = array<i32>} : memref<80x64xf32, #tpu.memory_space<vmem>>, vector<16xf32>,
      }
      %scan3A_1691 = arith.constant 80 : i32
      %dma_start3A_1692 = arith.constant 0 : i32
      %dma_start3A_1693 = arith.constant 0 : i32
      %dma_start3A_1694 = tpu.memref_slice %arg15[%dma_start3A_1692, %dma_start3A_1693] : memref<1x80xi32, #tpu.memory_space<vmem>> -> memref<1x80xi32, #tpu.memory_space<vmem>>
      %dma_start3A_1695 = tpu.memref_squeeze %dma_start3A_1694 : memref<1x80xi32, #tpu.memory_space<vmem>> -> memref<80xi32, #tpu.memory_space<vmem>>
      %dma_start3A_1696 = arith.constant 0 : i32
      %dma_start3A_1697 = arith.constant 0 : i32
      %dma_start3A_1698 = tpu.memref_slice %arg34[%dma_start3A_1696, %dma_start3A_1697] : memref<10000x64xf32, #tpu.memory_space<vmem_shared>> -> memref<10000x64xf32, #tpu.memory_space<vmem_shared>>
      tpu.enqueue_indirect_dma source(%arg32 : memref<80x64xf32, #tpu.memory_space<vmem>>) target(%dma_start3A_1698 : memref<10000x64xf32, #tpu.memory_space<vmem_shared>>) offsets(%dma_start3A_1695 : memref<80xi32, #tpu.memory_space<vmem>>) semaphore(%arg37 : memref<!tpu.dma_semaphore, #tpu.memory_space<semaphore_mem>>) {add = true}
      %dma_start3A_1699 = arith.constant 0 : i32
      %dma_start3A_1700 = arith.constant 0 : i32
      %dma_start3A_1701 = arith.constant 0 : i32
      %dma_start3A_1702 = tpu.memref_slice %arg25[%dma_start3A_1699, %dma_start3A_1701] : memref<1x80xf32, #tpu.memory_space<vmem>> -> memref<1x80xf32, #tpu.memory_space<vmem>>
      %dma_start3A_1703 = tpu.memref_squeeze %dma_start3A_1702 : memref<1x80xf32, #tpu.memory_space<vmem>> -> memref<80xf32, #tpu.memory_space<vmem>>
      %dma_start3A_1704 = arith.constant 0 : i32
      %dma_start3A_1705 = tpu.memref_slice %arg20[%dma_start3A_1700, %dma_start3A_1704] : memref<1x80xi32, #tpu.memory_space<vmem>> -> memref<1x80xi32, #tpu.memory_space<vmem>>
      %dma_start3A_1706 = tpu.memref_squeeze %dma_start3A_1705 : memref<1x80xi32, #tpu.memory_space<vmem>> -> memref<80xi32, #tpu.memory_space<vmem>>
      %dma_start3A_1707 = arith.constant 0 : i32
      %dma_start3A_1708 = tpu.memref_slice %arg35[%dma_start3A_1707] : memref<81920xf32, #tpu.memory_space<vmem_shared>> -> memref<81920xf32, #tpu.memory_space<vmem_shared>>
      tpu.enqueue_indirect_dma source(%dma_start3A_1703 : memref<80xf32, #tpu.memory_space<vmem>>) target(%dma_start3A_1708 : memref<81920xf32, #tpu.memory_space<vmem_shared>>) offsets(%dma_start3A_1706 : memref<80xi32, #tpu.memory_space<vmem>>) semaphore(%arg38 : memref<!tpu.dma_semaphore, #tpu.memory_space<semaphore_mem>>) {add = true}
    }
    %scan3A_101 = arith.constant 50 : i32
    %dma_wait3A = arith.constant 0 : i32
    %dma_wait3A_102 = arith.constant 0 : i32
    %dma_wait3A_103 = tpu.memref_slice %arg11[%dma_wait3A, %dma_wait3A_102] : memref<1x80xi32, #tpu.memory_space<vmem>> -> memref<1x80xi32, #tpu.memory_space<vmem>>
    %dma_wait3A_104 = tpu.memref_squeeze %dma_wait3A_103 : memref<1x80xi32, #tpu.memory_space<vmem>> -> memref<80xi32, #tpu.memory_space<vmem>>
    %dma_wait3A_105 = arith.constant 0 : i32
    %dma_wait3A_106 = arith.constant 0 : i32
    %dma_wait3A_107 = tpu.memref_slice %arg34[%dma_wait3A_105, %dma_wait3A_106] : memref<10000x64xf32, #tpu.memory_space<vmem_shared>> -> memref<10000x64xf32, #tpu.memory_space<vmem_shared>>
    tpu.wait_indirect_dma semaphore(%arg37 : memref<!tpu.dma_semaphore, #tpu.memory_space<semaphore_mem>>) src(%arg31 : memref<80x64xf32, #tpu.memory_space<vmem>>) dst(%dma_wait3A_107 : memref<10000x64xf32, #tpu.memory_space<vmem_shared>>)
    %dma_wait3A_108 = arith.constant 0 : i32
    %dma_wait3A_109 = arith.constant 0 : i32
    %dma_wait3A_110 = tpu.memref_slice %arg11[%dma_wait3A_108, %dma_wait3A_109] : memref<1x80xi32, #tpu.memory_space<vmem>> -> memref<1x80xi32, #tpu.memory_space<vmem>>
    %dma_wait3A_111 = tpu.memref_squeeze %dma_wait3A_110 : memref<1x80xi32, #tpu.memory_space<vmem>> -> memref<80xi32, #tpu.memory_space<vmem>>
    %dma_wait3A_112 = arith.constant 0 : i32
    %dma_wait3A_113 = arith.constant 0 : i32
    %dma_wait3A_114 = tpu.memref_slice %arg34[%dma_wait3A_112, %dma_wait3A_113] : memref<10000x64xf32, #tpu.memory_space<vmem_shared>> -> memref<10000x64xf32, #tpu.memory_space<vmem_shared>>
    tpu.wait_indirect_dma semaphore(%arg37 : memref<!tpu.dma_semaphore, #tpu.memory_space<semaphore_mem>>) src(%arg32 : memref<80x64xf32, #tpu.memory_space<vmem>>) dst(%dma_wait3A_114 : memref<10000x64xf32, #tpu.memory_space<vmem_shared>>)
    %dma_wait3A_115 = arith.constant 0 : i32
    %dma_wait3A_116 = arith.constant 0 : i32
    %dma_wait3A_117 = arith.constant 0 : i32
    %dma_wait3A_118 = tpu.memref_slice %arg21[%dma_wait3A_115, %dma_wait3A_117] : memref<1x80xf32, #tpu.memory_space<vmem>> -> memref<1x80xf32, #tpu.memory_space<vmem>>
    %dma_wait3A_119 = tpu.memref_squeeze %dma_wait3A_118 : memref<1x80xf32, #tpu.memory_space<vmem>> -> memref<80xf32, #tpu.memory_space<vmem>>
    %dma_wait3A_120 = arith.constant 0 : i32
    %dma_wait3A_121 = tpu.memref_slice %arg11[%dma_wait3A_116, %dma_wait3A_120] : memref<1x80xi32, #tpu.memory_space<vmem>> -> memref<1x80xi32, #tpu.memory_space<vmem>>
    %dma_wait3A_122 = tpu.memref_squeeze %dma_wait3A_121 : memref<1x80xi32, #tpu.memory_space<vmem>> -> memref<80xi32, #tpu.memory_space<vmem>>
    %dma_wait3A_123 = arith.constant 0 : i32
    %dma_wait3A_124 = tpu.memref_slice %arg35[%dma_wait3A_123] : memref<81920xf32, #tpu.memory_space<vmem_shared>> -> memref<81920xf32, #tpu.memory_space<vmem_shared>>
    tpu.wait_indirect_dma semaphore(%arg38 : memref<!tpu.dma_semaphore, #tpu.memory_space<semaphore_mem>>) src(%dma_wait3A_119 : memref<80xf32, #tpu.memory_space<vmem>>) dst(%dma_wait3A_124 : memref<81920xf32, #tpu.memory_space<vmem_shared>>)
    %dma_wait3A_125 = arith.constant 0 : i32
    %dma_wait3A_126 = arith.constant 0 : i32
    %dma_wait3A_127 = arith.constant 0 : i32
    %dma_wait3A_128 = tpu.memref_slice %arg22[%dma_wait3A_125, %dma_wait3A_127] : memref<1x80xf32, #tpu.memory_space<vmem>> -> memref<1x80xf32, #tpu.memory_space<vmem>>
    %dma_wait3A_129 = tpu.memref_squeeze %dma_wait3A_128 : memref<1x80xf32, #tpu.memory_space<vmem>> -> memref<80xf32, #tpu.memory_space<vmem>>
    %dma_wait3A_130 = arith.constant 0 : i32
    %dma_wait3A_131 = tpu.memref_slice %arg11[%dma_wait3A_126, %dma_wait3A_130] : memref<1x80xi32, #tpu.memory_space<vmem>> -> memref<1x80xi32, #tpu.memory_space<vmem>>
    %dma_wait3A_132 = tpu.memref_squeeze %dma_wait3A_131 : memref<1x80xi32, #tpu.memory_space<vmem>> -> memref<80xi32, #tpu.memory_space<vmem>>
    %dma_wait3A_133 = arith.constant 0 : i32
    %dma_wait3A_134 = tpu.memref_slice %arg35[%dma_wait3A_133] : memref<81920xf32, #tpu.memory_space<vmem_shared>> -> memref<81920xf32, #tpu.memory_space<vmem_shared>>
    tpu.wait_indirect_dma semaphore(%arg38 : memref<!tpu.dma_semaphore, #tpu.memory_space<semaphore_mem>>) src(%dma_wait3A_129 : memref<80xf32, #tpu.memory_space<vmem>>) dst(%dma_wait3A_134 : memref<81920xf32, #tpu.memory_space<vmem_shared>>)
    %dma_wait3A_135 = arith.constant 0 : i32
    %dma_wait3A_136 = arith.constant 0 : i32
    %dma_wait3A_137 = arith.constant 0 : i32
    %dma_wait3A_138 = tpu.memref_slice %arg23[%dma_wait3A_135, %dma_wait3A_137] : memref<1x80xf32, #tpu.memory_space<vmem>> -> memref<1x80xf32, #tpu.memory_space<vmem>>
    %dma_wait3A_139 = tpu.memref_squeeze %dma_wait3A_138 : memref<1x80xf32, #tpu.memory_space<vmem>> -> memref<80xf32, #tpu.memory_space<vmem>>
    %dma_wait3A_140 = arith.constant 0 : i32
    %dma_wait3A_141 = tpu.memref_slice %arg11[%dma_wait3A_136, %dma_wait3A_140] : memref<1x80xi32, #tpu.memory_space<vmem>> -> memref<1x80xi32, #tpu.memory_space<vmem>>
    %dma_wait3A_142 = tpu.memref_squeeze %dma_wait3A_141 : memref<1x80xi32, #tpu.memory_space<vmem>> -> memref<80xi32, #tpu.memory_space<vmem>>
    %dma_wait3A_143 = arith.constant 0 : i32
    %dma_wait3A_144 = tpu.memref_slice %arg35[%dma_wait3A_143] : memref<81920xf32, #tpu.memory_space<vmem_shared>> -> memref<81920xf32, #tpu.memory_space<vmem_shared>>
    tpu.wait_indirect_dma semaphore(%arg38 : memref<!tpu.dma_semaphore, #tpu.memory_space<semaphore_mem>>) src(%dma_wait3A_139 : memref<80xf32, #tpu.memory_space<vmem>>) dst(%dma_wait3A_144 : memref<81920xf32, #tpu.memory_space<vmem_shared>>)
    %dma_wait3A_145 = arith.constant 0 : i32
    %dma_wait3A_146 = arith.constant 0 : i32
    %dma_wait3A_147 = arith.constant 0 : i32
    %dma_wait3A_148 = tpu.memref_slice %arg24[%dma_wait3A_145, %dma_wait3A_147] : memref<1x80xf32, #tpu.memory_space<vmem>> -> memref<1x80xf32, #tpu.memory_space<vmem>>
    %dma_wait3A_149 = tpu.memref_squeeze %dma_wait3A_148 : memref<1x80xf32, #tpu.memory_space<vmem>> -> memref<80xf32, #tpu.memory_space<vmem>>
    %dma_wait3A_150 = arith.constant 0 : i32
    %dma_wait3A_151 = tpu.memref_slice %arg11[%dma_wait3A_146, %dma_wait3A_150] : memref<1x80xi32, #tpu.memory_space<vmem>> -> memref<1x80xi32, #tpu.memory_space<vmem>>
    %dma_wait3A_152 = tpu.memref_squeeze %dma_wait3A_151 : memref<1x80xi32, #tpu.memory_space<vmem>> -> memref<80xi32, #tpu.memory_space<vmem>>
    %dma_wait3A_153 = arith.constant 0 : i32
    %dma_wait3A_154 = tpu.memref_slice %arg35[%dma_wait3A_153] : memref<81920xf32, #tpu.memory_space<vmem_shared>> -> memref<81920xf32, #tpu.memory_space<vmem_shared>>
    tpu.wait_indirect_dma semaphore(%arg38 : memref<!tpu.dma_semaphore, #tpu.memory_space<semaphore_mem>>) src(%dma_wait3A_149 : memref<80xf32, #tpu.memory_space<vmem>>) dst(%dma_wait3A_154 : memref<81920xf32, #tpu.memory_space<vmem_shared>>)
    %dma_wait3A_155 = arith.constant 0 : i32
    %dma_wait3A_156 = arith.constant 0 : i32
    %dma_wait3A_157 = arith.constant 0 : i32
    %dma_wait3A_158 = tpu.memref_slice %arg25[%dma_wait3A_155, %dma_wait3A_157] : memref<1x80xf32, #tpu.memory_space<vmem>> -> memref<1x80xf32, #tpu.memory_space<vmem>>
    %dma_wait3A_159 = tpu.memref_squeeze %dma_wait3A_158 : memref<1x80xf32, #tpu.memory_space<vmem>> -> memref<80xf32, #tpu.memory_space<vmem>>
    %dma_wait3A_160 = arith.constant 0 : i32
    %dma_wait3A_161 = tpu.memref_slice %arg11[%dma_wait3A_156, %dma_wait3A_160] : memref<1x80xi32, #tpu.memory_space<vmem>> -> memref<1x80xi32, #tpu.memory_space<vmem>>
    %dma_wait3A_162 = tpu.memref_squeeze %dma_wait3A_161 : memref<1x80xi32, #tpu.memory_space<vmem>> -> memref<80xi32, #tpu.memory_space<vmem>>
    %dma_wait3A_163 = arith.constant 0 : i32
    %dma_wait3A_164 = tpu.memref_slice %arg35[%dma_wait3A_163] : memref<81920xf32, #tpu.memory_space<vmem_shared>> -> memref<81920xf32, #tpu.memory_space<vmem_shared>>
    tpu.wait_indirect_dma semaphore(%arg38 : memref<!tpu.dma_semaphore, #tpu.memory_space<semaphore_mem>>) src(%dma_wait3A_159 : memref<80xf32, #tpu.memory_space<vmem>>) dst(%dma_wait3A_164 : memref<81920xf32, #tpu.memory_space<vmem_shared>>)
    %barrier3A_165 = arith.constant 0 : index
    tpu.barrier barrier_id(%barrier3A_165)
    %mul3A_166 = arith.constant 625 : i32
    %mul3A_167 = arith.muli %arg1, %mul3A_166 : i32
    %add3A_168 = arith.constant 0 : i32
    %add3A_169 = arith.addi %mul3A_167, %add3A_168 : i32
    "tpu.region"() ({
      %run_scoped3A = tpu.sem_alloc : memref<!tpu.dma_semaphore, #tpu.memory_space<semaphore_mem>>
      %dma_start3A_230 = arith.constant 0 : i32
      %dma_start3A_231 = tpu.memref_slice %arg7[%arg0, %add3A_169, %dma_start3A_230] : memref<2x10000x64xf32, #tpu.memory_space<hbm>> -> memref<1x80x64xf32, #tpu.memory_space<hbm>>
      %dma_start3A_232 = tpu.memref_squeeze %dma_start3A_231 : memref<1x80x64xf32, #tpu.memory_space<hbm>> -> memref<80x64xf32, #tpu.memory_space<hbm>>
      %dma_start3A_233 = arith.constant 0 : i32
      %dma_start3A_234 = tpu.memref_slice %arg34[%add3A_169, %dma_start3A_233] : memref<10000x64xf32, #tpu.memory_space<vmem_shared>> -> memref<80x64xf32, #tpu.memory_space<vmem_shared>>
      tpu.enqueue_dma source(%dma_start3A_234 : memref<80x64xf32, #tpu.memory_space<vmem_shared>>) target(%dma_start3A_232 : memref<80x64xf32, #tpu.memory_space<hbm>>) target_semaphore(%run_scoped3A : memref<!tpu.dma_semaphore, #tpu.memory_space<semaphore_mem>>)
      %dma_wait3A_235 = arith.constant 0 : i32
      %dma_wait3A_236 = tpu.memref_slice %arg7[%arg0, %add3A_169, %dma_wait3A_235] : memref<2x10000x64xf32, #tpu.memory_space<hbm>> -> memref<1x80x64xf32, #tpu.memory_space<hbm>>
      %dma_wait3A_237 = tpu.memref_squeeze %dma_wait3A_236 : memref<1x80x64xf32, #tpu.memory_space<hbm>> -> memref<80x64xf32, #tpu.memory_space<hbm>>
      %dma_wait3A_238 = arith.constant 0 : i32
      %dma_wait3A_239 = tpu.memref_slice %arg34[%add3A_169, %dma_wait3A_238] : memref<10000x64xf32, #tpu.memory_space<vmem_shared>> -> memref<80x64xf32, #tpu.memory_space<vmem_shared>>
      tpu.wait_dma2 semaphore(%run_scoped3A : memref<!tpu.dma_semaphore, #tpu.memory_space<semaphore_mem>>) src(%dma_wait3A_239 : memref<80x64xf32, #tpu.memory_space<vmem_shared>>) dst(%dma_wait3A_237 : memref<80x64xf32, #tpu.memory_space<hbm>>)
      tpu.yield
    }) : () -> ()
    %mul3A_170 = arith.constant 625 : i32
    %mul3A_171 = arith.muli %arg1, %mul3A_170 : i32
    %add3A_172 = arith.constant 80 : i32
    %add3A_173 = arith.addi %mul3A_171, %add3A_172 : i32
    "tpu.region"() ({
      %run_scoped3A = tpu.sem_alloc : memref<!tpu.dma_semaphore, #tpu.memory_space<semaphore_mem>>
      %dma_start3A_230 = arith.constant 0 : i32
      %dma_start3A_231 = tpu.memref_slice %arg7[%arg0, %add3A_173, %dma_start3A_230] : memref<2x10000x64xf32, #tpu.memory_space<hbm>> -> memref<1x80x64xf32, #tpu.memory_space<hbm>>
      %dma_start3A_232 = tpu.memref_squeeze %dma_start3A_231 : memref<1x80x64xf32, #tpu.memory_space<hbm>> -> memref<80x64xf32, #tpu.memory_space<hbm>>
      %dma_start3A_233 = arith.constant 0 : i32
      %dma_start3A_234 = tpu.memref_slice %arg34[%add3A_173, %dma_start3A_233] : memref<10000x64xf32, #tpu.memory_space<vmem_shared>> -> memref<80x64xf32, #tpu.memory_space<vmem_shared>>
      tpu.enqueue_dma source(%dma_start3A_234 : memref<80x64xf32, #tpu.memory_space<vmem_shared>>) target(%dma_start3A_232 : memref<80x64xf32, #tpu.memory_space<hbm>>) target_semaphore(%run_scoped3A : memref<!tpu.dma_semaphore, #tpu.memory_space<semaphore_mem>>)
      %dma_wait3A_235 = arith.constant 0 : i32
      %dma_wait3A_236 = tpu.memref_slice %arg7[%arg0, %add3A_173, %dma_wait3A_235] : memref<2x10000x64xf32, #tpu.memory_space<hbm>> -> memref<1x80x64xf32, #tpu.memory_space<hbm>>
      %dma_wait3A_237 = tpu.memref_squeeze %dma_wait3A_236 : memref<1x80x64xf32, #tpu.memory_space<hbm>> -> memref<80x64xf32, #tpu.memory_space<hbm>>
      %dma_wait3A_238 = arith.constant 0 : i32
      %dma_wait3A_239 = tpu.memref_slice %arg34[%add3A_173, %dma_wait3A_238] : memref<10000x64xf32, #tpu.memory_space<vmem_shared>> -> memref<80x64xf32, #tpu.memory_space<vmem_shared>>
      tpu.wait_dma2 semaphore(%run_scoped3A : memref<!tpu.dma_semaphore, #tpu.memory_space<semaphore_mem>>) src(%dma_wait3A_239 : memref<80x64xf32, #tpu.memory_space<vmem_shared>>) dst(%dma_wait3A_237 : memref<80x64xf32, #tpu.memory_space<hbm>>)
      tpu.yield
    }) : () -> ()
    %mul3A_174 = arith.constant 625 : i32
    %mul3A_175 = arith.muli %arg1, %mul3A_174 : i32
    %add3A_176 = arith.constant 160 : i32
    %add3A_177 = arith.addi %mul3A_175, %add3A_176 : i32
    "tpu.region"() ({
      %run_scoped3A = tpu.sem_alloc : memref<!tpu.dma_semaphore, #tpu.memory_space<semaphore_mem>>
      %dma_start3A_230 = arith.constant 0 : i32
      %dma_start3A_231 = tpu.memref_slice %arg7[%arg0, %add3A_177, %dma_start3A_230] : memref<2x10000x64xf32, #tpu.memory_space<hbm>> -> memref<1x80x64xf32, #tpu.memory_space<hbm>>
      %dma_start3A_232 = tpu.memref_squeeze %dma_start3A_231 : memref<1x80x64xf32, #tpu.memory_space<hbm>> -> memref<80x64xf32, #tpu.memory_space<hbm>>
      %dma_start3A_233 = arith.constant 0 : i32
      %dma_start3A_234 = tpu.memref_slice %arg34[%add3A_177, %dma_start3A_233] : memref<10000x64xf32, #tpu.memory_space<vmem_shared>> -> memref<80x64xf32, #tpu.memory_space<vmem_shared>>
      tpu.enqueue_dma source(%dma_start3A_234 : memref<80x64xf32, #tpu.memory_space<vmem_shared>>) target(%dma_start3A_232 : memref<80x64xf32, #tpu.memory_space<hbm>>) target_semaphore(%run_scoped3A : memref<!tpu.dma_semaphore, #tpu.memory_space<semaphore_mem>>)
      %dma_wait3A_235 = arith.constant 0 : i32
      %dma_wait3A_236 = tpu.memref_slice %arg7[%arg0, %add3A_177, %dma_wait3A_235] : memref<2x10000x64xf32, #tpu.memory_space<hbm>> -> memref<1x80x64xf32, #tpu.memory_space<hbm>>
      %dma_wait3A_237 = tpu.memref_squeeze %dma_wait3A_236 : memref<1x80x64xf32, #tpu.memory_space<hbm>> -> memref<80x64xf32, #tpu.memory_space<hbm>>
      %dma_wait3A_238 = arith.constant 0 : i32
      %dma_wait3A_239 = tpu.memref_slice %arg34[%add3A_177, %dma_wait3A_238] : memref<10000x64xf32, #tpu.memory_space<vmem_shared>> -> memref<80x64xf32, #tpu.memory_space<vmem_shared>>
      tpu.wait_dma2 semaphore(%run_scoped3A : memref<!tpu.dma_semaphore, #tpu.memory_space<semaphore_mem>>) src(%dma_wait3A_239 : memref<80x64xf32, #tpu.memory_space<vmem_shared>>) dst(%dma_wait3A_237 : memref<80x64xf32, #tpu.memory_space<hbm>>)
      tpu.yield
    }) : () -> ()
    %mul3A_178 = arith.constant 625 : i32
    %mul3A_179 = arith.muli %arg1, %mul3A_178 : i32
    %add3A_180 = arith.constant 240 : i32
    %add3A_181 = arith.addi %mul3A_179, %add3A_180 : i32
    "tpu.region"() ({
      %run_scoped3A = tpu.sem_alloc : memref<!tpu.dma_semaphore, #tpu.memory_space<semaphore_mem>>
      %dma_start3A_230 = arith.constant 0 : i32
      %dma_start3A_231 = tpu.memref_slice %arg7[%arg0, %add3A_181, %dma_start3A_230] : memref<2x10000x64xf32, #tpu.memory_space<hbm>> -> memref<1x80x64xf32, #tpu.memory_space<hbm>>
      %dma_start3A_232 = tpu.memref_squeeze %dma_start3A_231 : memref<1x80x64xf32, #tpu.memory_space<hbm>> -> memref<80x64xf32, #tpu.memory_space<hbm>>
      %dma_start3A_233 = arith.constant 0 : i32
      %dma_start3A_234 = tpu.memref_slice %arg34[%add3A_181, %dma_start3A_233] : memref<10000x64xf32, #tpu.memory_space<vmem_shared>> -> memref<80x64xf32, #tpu.memory_space<vmem_shared>>
      tpu.enqueue_dma source(%dma_start3A_234 : memref<80x64xf32, #tpu.memory_space<vmem_shared>>) target(%dma_start3A_232 : memref<80x64xf32, #tpu.memory_space<hbm>>) target_semaphore(%run_scoped3A : memref<!tpu.dma_semaphore, #tpu.memory_space<semaphore_mem>>)
      %dma_wait3A_235 = arith.constant 0 : i32
      %dma_wait3A_236 = tpu.memref_slice %arg7[%arg0, %add3A_181, %dma_wait3A_235] : memref<2x10000x64xf32, #tpu.memory_space<hbm>> -> memref<1x80x64xf32, #tpu.memory_space<hbm>>
      %dma_wait3A_237 = tpu.memref_squeeze %dma_wait3A_236 : memref<1x80x64xf32, #tpu.memory_space<hbm>> -> memref<80x64xf32, #tpu.memory_space<hbm>>
      %dma_wait3A_238 = arith.constant 0 : i32
      %dma_wait3A_239 = tpu.memref_slice %arg34[%add3A_181, %dma_wait3A_238] : memref<10000x64xf32, #tpu.memory_space<vmem_shared>> -> memref<80x64xf32, #tpu.memory_space<vmem_shared>>
      tpu.wait_dma2 semaphore(%run_scoped3A : memref<!tpu.dma_semaphore, #tpu.memory_space<semaphore_mem>>) src(%dma_wait3A_239 : memref<80x64xf32, #tpu.memory_space<vmem_shared>>) dst(%dma_wait3A_237 : memref<80x64xf32, #tpu.memory_space<hbm>>)
      tpu.yield
    }) : () -> ()
    %mul3A_182 = arith.constant 625 : i32
    %mul3A_183 = arith.muli %arg1, %mul3A_182 : i32
    %add3A_184 = arith.constant 320 : i32
    %add3A_185 = arith.addi %mul3A_183, %add3A_184 : i32
    "tpu.region"() ({
      %run_scoped3A = tpu.sem_alloc : memref<!tpu.dma_semaphore, #tpu.memory_space<semaphore_mem>>
      %dma_start3A_230 = arith.constant 0 : i32
      %dma_start3A_231 = tpu.memref_slice %arg7[%arg0, %add3A_185, %dma_start3A_230] : memref<2x10000x64xf32, #tpu.memory_space<hbm>> -> memref<1x80x64xf32, #tpu.memory_space<hbm>>
      %dma_start3A_232 = tpu.memref_squeeze %dma_start3A_231 : memref<1x80x64xf32, #tpu.memory_space<hbm>> -> memref<80x64xf32, #tpu.memory_space<hbm>>
      %dma_start3A_233 = arith.constant 0 : i32
      %dma_start3A_234 = tpu.memref_slice %arg34[%add3A_185, %dma_start3A_233] : memref<10000x64xf32, #tpu.memory_space<vmem_shared>> -> memref<80x64xf32, #tpu.memory_space<vmem_shared>>
      tpu.enqueue_dma source(%dma_start3A_234 : memref<80x64xf32, #tpu.memory_space<vmem_shared>>) target(%dma_start3A_232 : memref<80x64xf32, #tpu.memory_space<hbm>>) target_semaphore(%run_scoped3A : memref<!tpu.dma_semaphore, #tpu.memory_space<semaphore_mem>>)
      %dma_wait3A_235 = arith.constant 0 : i32
      %dma_wait3A_236 = tpu.memref_slice %arg7[%arg0, %add3A_185, %dma_wait3A_235] : memref<2x10000x64xf32, #tpu.memory_space<hbm>> -> memref<1x80x64xf32, #tpu.memory_space<hbm>>
      %dma_wait3A_237 = tpu.memref_squeeze %dma_wait3A_236 : memref<1x80x64xf32, #tpu.memory_space<hbm>> -> memref<80x64xf32, #tpu.memory_space<hbm>>
      %dma_wait3A_238 = arith.constant 0 : i32
      %dma_wait3A_239 = tpu.memref_slice %arg34[%add3A_185, %dma_wait3A_238] : memref<10000x64xf32, #tpu.memory_space<vmem_shared>> -> memref<80x64xf32, #tpu.memory_space<vmem_shared>>
      tpu.wait_dma2 semaphore(%run_scoped3A : memref<!tpu.dma_semaphore, #tpu.memory_space<semaphore_mem>>) src(%dma_wait3A_239 : memref<80x64xf32, #tpu.memory_space<vmem_shared>>) dst(%dma_wait3A_237 : memref<80x64xf32, #tpu.memory_space<hbm>>)
      tpu.yield
    }) : () -> ()
    %mul3A_186 = arith.constant 625 : i32
    %mul3A_187 = arith.muli %arg1, %mul3A_186 : i32
    %add3A_188 = arith.constant 400 : i32
    %add3A_189 = arith.addi %mul3A_187, %add3A_188 : i32
    "tpu.region"() ({
      %run_scoped3A = tpu.sem_alloc : memref<!tpu.dma_semaphore, #tpu.memory_space<semaphore_mem>>
      %dma_start3A_230 = arith.constant 0 : i32
      %dma_start3A_231 = tpu.memref_slice %arg7[%arg0, %add3A_189, %dma_start3A_230] : memref<2x10000x64xf32, #tpu.memory_space<hbm>> -> memref<1x80x64xf32, #tpu.memory_space<hbm>>
      %dma_start3A_232 = tpu.memref_squeeze %dma_start3A_231 : memref<1x80x64xf32, #tpu.memory_space<hbm>> -> memref<80x64xf32, #tpu.memory_space<hbm>>
      %dma_start3A_233 = arith.constant 0 : i32
      %dma_start3A_234 = tpu.memref_slice %arg34[%add3A_189, %dma_start3A_233] : memref<10000x64xf32, #tpu.memory_space<vmem_shared>> -> memref<80x64xf32, #tpu.memory_space<vmem_shared>>
      tpu.enqueue_dma source(%dma_start3A_234 : memref<80x64xf32, #tpu.memory_space<vmem_shared>>) target(%dma_start3A_232 : memref<80x64xf32, #tpu.memory_space<hbm>>) target_semaphore(%run_scoped3A : memref<!tpu.dma_semaphore, #tpu.memory_space<semaphore_mem>>)
      %dma_wait3A_235 = arith.constant 0 : i32
      %dma_wait3A_236 = tpu.memref_slice %arg7[%arg0, %add3A_189, %dma_wait3A_235] : memref<2x10000x64xf32, #tpu.memory_space<hbm>> -> memref<1x80x64xf32, #tpu.memory_space<hbm>>
      %dma_wait3A_237 = tpu.memref_squeeze %dma_wait3A_236 : memref<1x80x64xf32, #tpu.memory_space<hbm>> -> memref<80x64xf32, #tpu.memory_space<hbm>>
      %dma_wait3A_238 = arith.constant 0 : i32
      %dma_wait3A_239 = tpu.memref_slice %arg34[%add3A_189, %dma_wait3A_238] : memref<10000x64xf32, #tpu.memory_space<vmem_shared>> -> memref<80x64xf32, #tpu.memory_space<vmem_shared>>
      tpu.wait_dma2 semaphore(%run_scoped3A : memref<!tpu.dma_semaphore, #tpu.memory_space<semaphore_mem>>) src(%dma_wait3A_239 : memref<80x64xf32, #tpu.memory_space<vmem_shared>>) dst(%dma_wait3A_237 : memref<80x64xf32, #tpu.memory_space<hbm>>)
      tpu.yield
    }) : () -> ()
    %mul3A_190 = arith.constant 625 : i32
    %mul3A_191 = arith.muli %arg1, %mul3A_190 : i32
    %add3A_192 = arith.constant 480 : i32
    %add3A_193 = arith.addi %mul3A_191, %add3A_192 : i32
    "tpu.region"() ({
      %run_scoped3A = tpu.sem_alloc : memref<!tpu.dma_semaphore, #tpu.memory_space<semaphore_mem>>
      %dma_start3A_230 = arith.constant 0 : i32
      %dma_start3A_231 = tpu.memref_slice %arg7[%arg0, %add3A_193, %dma_start3A_230] : memref<2x10000x64xf32, #tpu.memory_space<hbm>> -> memref<1x80x64xf32, #tpu.memory_space<hbm>>
      %dma_start3A_232 = tpu.memref_squeeze %dma_start3A_231 : memref<1x80x64xf32, #tpu.memory_space<hbm>> -> memref<80x64xf32, #tpu.memory_space<hbm>>
      %dma_start3A_233 = arith.constant 0 : i32
      %dma_start3A_234 = tpu.memref_slice %arg34[%add3A_193, %dma_start3A_233] : memref<10000x64xf32, #tpu.memory_space<vmem_shared>> -> memref<80x64xf32, #tpu.memory_space<vmem_shared>>
      tpu.enqueue_dma source(%dma_start3A_234 : memref<80x64xf32, #tpu.memory_space<vmem_shared>>) target(%dma_start3A_232 : memref<80x64xf32, #tpu.memory_space<hbm>>) target_semaphore(%run_scoped3A : memref<!tpu.dma_semaphore, #tpu.memory_space<semaphore_mem>>)
      %dma_wait3A_235 = arith.constant 0 : i32
      %dma_wait3A_236 = tpu.memref_slice %arg7[%arg0, %add3A_193, %dma_wait3A_235] : memref<2x10000x64xf32, #tpu.memory_space<hbm>> -> memref<1x80x64xf32, #tpu.memory_space<hbm>>
      %dma_wait3A_237 = tpu.memref_squeeze %dma_wait3A_236 : memref<1x80x64xf32, #tpu.memory_space<hbm>> -> memref<80x64xf32, #tpu.memory_space<hbm>>
      %dma_wait3A_238 = arith.constant 0 : i32
      %dma_wait3A_239 = tpu.memref_slice %arg34[%add3A_193, %dma_wait3A_238] : memref<10000x64xf32, #tpu.memory_space<vmem_shared>> -> memref<80x64xf32, #tpu.memory_space<vmem_shared>>
      tpu.wait_dma2 semaphore(%run_scoped3A : memref<!tpu.dma_semaphore, #tpu.memory_space<semaphore_mem>>) src(%dma_wait3A_239 : memref<80x64xf32, #tpu.memory_space<vmem_shared>>) dst(%dma_wait3A_237 : memref<80x64xf32, #tpu.memory_space<hbm>>)
      tpu.yield
    }) : () -> ()
    %mul3A_194 = arith.constant 625 : i32
    %mul3A_195 = arith.muli %arg1, %mul3A_194 : i32
    %add3A_196 = arith.constant 560 : i32
    %add3A_197 = arith.addi %mul3A_195, %add3A_196 : i32
    "tpu.region"() ({
      %run_scoped3A = tpu.sem_alloc : memref<!tpu.dma_semaphore, #tpu.memory_space<semaphore_mem>>
      %dma_start3A_230 = arith.constant 0 : i32
      %dma_start3A_231 = tpu.memref_slice %arg7[%arg0, %add3A_197, %dma_start3A_230] : memref<2x10000x64xf32, #tpu.memory_space<hbm>> -> memref<1x65x64xf32, #tpu.memory_space<hbm>>
      %dma_start3A_232 = tpu.memref_squeeze %dma_start3A_231 : memref<1x65x64xf32, #tpu.memory_space<hbm>> -> memref<65x64xf32, #tpu.memory_space<hbm>>
      %dma_start3A_233 = arith.constant 0 : i32
      %dma_start3A_234 = tpu.memref_slice %arg34[%add3A_197, %dma_start3A_233] : memref<10000x64xf32, #tpu.memory_space<vmem_shared>> -> memref<65x64xf32, #tpu.memory_space<vmem_shared>>
      tpu.enqueue_dma source(%dma_start3A_234 : memref<65x64xf32, #tpu.memory_space<vmem_shared>>) target(%dma_start3A_232 : memref<65x64xf32, #tpu.memory_space<hbm>>) target_semaphore(%run_scoped3A : memref<!tpu.dma_semaphore, #tpu.memory_space<semaphore_mem>>)
      %dma_wait3A_235 = arith.constant 0 : i32
      %dma_wait3A_236 = tpu.memref_slice %arg7[%arg0, %add3A_197, %dma_wait3A_235] : memref<2x10000x64xf32, #tpu.memory_space<hbm>> -> memref<1x65x64xf32, #tpu.memory_space<hbm>>
      %dma_wait3A_237 = tpu.memref_squeeze %dma_wait3A_236 : memref<1x65x64xf32, #tpu.memory_space<hbm>> -> memref<65x64xf32, #tpu.memory_space<hbm>>
      %dma_wait3A_238 = arith.constant 0 : i32
      %dma_wait3A_239 = tpu.memref_slice %arg34[%add3A_197, %dma_wait3A_238] : memref<10000x64xf32, #tpu.memory_space<vmem_shared>> -> memref<65x64xf32, #tpu.memory_space<vmem_shared>>
      tpu.wait_dma2 semaphore(%run_scoped3A : memref<!tpu.dma_semaphore, #tpu.memory_space<semaphore_mem>>) src(%dma_wait3A_239 : memref<65x64xf32, #tpu.memory_space<vmem_shared>>) dst(%dma_wait3A_237 : memref<65x64xf32, #tpu.memory_space<hbm>>)
      tpu.yield
    }) : () -> ()
    %mul3A_198 = arith.constant 5120 : i32
    %mul3A_199 = arith.muli %arg1, %mul3A_198 : i32
    %add3A_200 = arith.constant 0 : i32
    %add3A_201 = arith.addi %mul3A_199, %add3A_200 : i32
    "tpu.region"() ({
      %run_scoped3A = tpu.sem_alloc : memref<!tpu.dma_semaphore, #tpu.memory_space<semaphore_mem>>
      %dma_start3A_230 = tpu.memref_slice %arg8[%arg0, %add3A_201] : memref<2x81920xf32, #tpu.memory_space<hbm>> -> memref<1x640xf32, #tpu.memory_space<hbm>>
      %dma_start3A_231 = tpu.memref_squeeze %dma_start3A_230 : memref<1x640xf32, #tpu.memory_space<hbm>> -> memref<640xf32, #tpu.memory_space<hbm>>
      %dma_start3A_232 = tpu.memref_slice %arg35[%add3A_201] : memref<81920xf32, #tpu.memory_space<vmem_shared>> -> memref<640xf32, #tpu.memory_space<vmem_shared>>
      tpu.enqueue_dma source(%dma_start3A_232 : memref<640xf32, #tpu.memory_space<vmem_shared>>) target(%dma_start3A_231 : memref<640xf32, #tpu.memory_space<hbm>>) target_semaphore(%run_scoped3A : memref<!tpu.dma_semaphore, #tpu.memory_space<semaphore_mem>>)
      %dma_wait3A_233 = tpu.memref_slice %arg8[%arg0, %add3A_201] : memref<2x81920xf32, #tpu.memory_space<hbm>> -> memref<1x640xf32, #tpu.memory_space<hbm>>
      %dma_wait3A_234 = tpu.memref_squeeze %dma_wait3A_233 : memref<1x640xf32, #tpu.memory_space<hbm>> -> memref<640xf32, #tpu.memory_space<hbm>>
      %dma_wait3A_235 = tpu.memref_slice %arg35[%add3A_201] : memref<81920xf32, #tpu.memory_space<vmem_shared>> -> memref<640xf32, #tpu.memory_space<vmem_shared>>
      tpu.wait_dma2 semaphore(%run_scoped3A : memref<!tpu.dma_semaphore, #tpu.memory_space<semaphore_mem>>) src(%dma_wait3A_235 : memref<640xf32, #tpu.memory_space<vmem_shared>>) dst(%dma_wait3A_234 : memref<640xf32, #tpu.memory_space<hbm>>)
      tpu.yield
    }) : () -> ()
    %mul3A_202 = arith.constant 5120 : i32
    %mul3A_203 = arith.muli %arg1, %mul3A_202 : i32
    %add3A_204 = arith.constant 640 : i32
    %add3A_205 = arith.addi %mul3A_203, %add3A_204 : i32
    "tpu.region"() ({
      %run_scoped3A = tpu.sem_alloc : memref<!tpu.dma_semaphore, #tpu.memory_space<semaphore_mem>>
      %dma_start3A_230 = tpu.memref_slice %arg8[%arg0, %add3A_205] : memref<2x81920xf32, #tpu.memory_space<hbm>> -> memref<1x640xf32, #tpu.memory_space<hbm>>
      %dma_start3A_231 = tpu.memref_squeeze %dma_start3A_230 : memref<1x640xf32, #tpu.memory_space<hbm>> -> memref<640xf32, #tpu.memory_space<hbm>>
      %dma_start3A_232 = tpu.memref_slice %arg35[%add3A_205] : memref<81920xf32, #tpu.memory_space<vmem_shared>> -> memref<640xf32, #tpu.memory_space<vmem_shared>>
      tpu.enqueue_dma source(%dma_start3A_232 : memref<640xf32, #tpu.memory_space<vmem_shared>>) target(%dma_start3A_231 : memref<640xf32, #tpu.memory_space<hbm>>) target_semaphore(%run_scoped3A : memref<!tpu.dma_semaphore, #tpu.memory_space<semaphore_mem>>)
      %dma_wait3A_233 = tpu.memref_slice %arg8[%arg0, %add3A_205] : memref<2x81920xf32, #tpu.memory_space<hbm>> -> memref<1x640xf32, #tpu.memory_space<hbm>>
      %dma_wait3A_234 = tpu.memref_squeeze %dma_wait3A_233 : memref<1x640xf32, #tpu.memory_space<hbm>> -> memref<640xf32, #tpu.memory_space<hbm>>
      %dma_wait3A_235 = tpu.memref_slice %arg35[%add3A_205] : memref<81920xf32, #tpu.memory_space<vmem_shared>> -> memref<640xf32, #tpu.memory_space<vmem_shared>>
      tpu.wait_dma2 semaphore(%run_scoped3A : memref<!tpu.dma_semaphore, #tpu.memory_space<semaphore_mem>>) src(%dma_wait3A_235 : memref<640xf32, #tpu.memory_space<vmem_shared>>) dst(%dma_wait3A_234 : memref<640xf32, #tpu.memory_space<hbm>>)
      tpu.yield
    }) : () -> ()
    %mul3A_206 = arith.constant 5120 : i32
    %mul3A_207 = arith.muli %arg1, %mul3A_206 : i32
    %add3A_208 = arith.constant 1280 : i32
    %add3A_209 = arith.addi %mul3A_207, %add3A_208 : i32
    "tpu.region"() ({
      %run_scoped3A = tpu.sem_alloc : memref<!tpu.dma_semaphore, #tpu.memory_space<semaphore_mem>>
      %dma_start3A_230 = tpu.memref_slice %arg8[%arg0, %add3A_209] : memref<2x81920xf32, #tpu.memory_space<hbm>> -> memref<1x640xf32, #tpu.memory_space<hbm>>
      %dma_start3A_231 = tpu.memref_squeeze %dma_start3A_230 : memref<1x640xf32, #tpu.memory_space<hbm>> -> memref<640xf32, #tpu.memory_space<hbm>>
      %dma_start3A_232 = tpu.memref_slice %arg35[%add3A_209] : memref<81920xf32, #tpu.memory_space<vmem_shared>> -> memref<640xf32, #tpu.memory_space<vmem_shared>>
      tpu.enqueue_dma source(%dma_start3A_232 : memref<640xf32, #tpu.memory_space<vmem_shared>>) target(%dma_start3A_231 : memref<640xf32, #tpu.memory_space<hbm>>) target_semaphore(%run_scoped3A : memref<!tpu.dma_semaphore, #tpu.memory_space<semaphore_mem>>)
      %dma_wait3A_233 = tpu.memref_slice %arg8[%arg0, %add3A_209] : memref<2x81920xf32, #tpu.memory_space<hbm>> -> memref<1x640xf32, #tpu.memory_space<hbm>>
      %dma_wait3A_234 = tpu.memref_squeeze %dma_wait3A_233 : memref<1x640xf32, #tpu.memory_space<hbm>> -> memref<640xf32, #tpu.memory_space<hbm>>
      %dma_wait3A_235 = tpu.memref_slice %arg35[%add3A_209] : memref<81920xf32, #tpu.memory_space<vmem_shared>> -> memref<640xf32, #tpu.memory_space<vmem_shared>>
      tpu.wait_dma2 semaphore(%run_scoped3A : memref<!tpu.dma_semaphore, #tpu.memory_space<semaphore_mem>>) src(%dma_wait3A_235 : memref<640xf32, #tpu.memory_space<vmem_shared>>) dst(%dma_wait3A_234 : memref<640xf32, #tpu.memory_space<hbm>>)
      tpu.yield
    }) : () -> ()
    %mul3A_210 = arith.constant 5120 : i32
    %mul3A_211 = arith.muli %arg1, %mul3A_210 : i32
    %add3A_212 = arith.constant 1920 : i32
    %add3A_213 = arith.addi %mul3A_211, %add3A_212 : i32
    "tpu.region"() ({
      %run_scoped3A = tpu.sem_alloc : memref<!tpu.dma_semaphore, #tpu.memory_space<semaphore_mem>>
      %dma_start3A_230 = tpu.memref_slice %arg8[%arg0, %add3A_213] : memref<2x81920xf32, #tpu.memory_space<hbm>> -> memref<1x640xf32, #tpu.memory_space<hbm>>
      %dma_start3A_231 = tpu.memref_squeeze %dma_start3A_230 : memref<1x640xf32, #tpu.memory_space<hbm>> -> memref<640xf32, #tpu.memory_space<hbm>>
      %dma_start3A_232 = tpu.memref_slice %arg35[%add3A_213] : memref<81920xf32, #tpu.memory_space<vmem_shared>> -> memref<640xf32, #tpu.memory_space<vmem_shared>>
      tpu.enqueue_dma source(%dma_start3A_232 : memref<640xf32, #tpu.memory_space<vmem_shared>>) target(%dma_start3A_231 : memref<640xf32, #tpu.memory_space<hbm>>) target_semaphore(%run_scoped3A : memref<!tpu.dma_semaphore, #tpu.memory_space<semaphore_mem>>)
      %dma_wait3A_233 = tpu.memref_slice %arg8[%arg0, %add3A_213] : memref<2x81920xf32, #tpu.memory_space<hbm>> -> memref<1x640xf32, #tpu.memory_space<hbm>>
      %dma_wait3A_234 = tpu.memref_squeeze %dma_wait3A_233 : memref<1x640xf32, #tpu.memory_space<hbm>> -> memref<640xf32, #tpu.memory_space<hbm>>
      %dma_wait3A_235 = tpu.memref_slice %arg35[%add3A_213] : memref<81920xf32, #tpu.memory_space<vmem_shared>> -> memref<640xf32, #tpu.memory_space<vmem_shared>>
      tpu.wait_dma2 semaphore(%run_scoped3A : memref<!tpu.dma_semaphore, #tpu.memory_space<semaphore_mem>>) src(%dma_wait3A_235 : memref<640xf32, #tpu.memory_space<vmem_shared>>) dst(%dma_wait3A_234 : memref<640xf32, #tpu.memory_space<hbm>>)
      tpu.yield
    }) : () -> ()
    %mul3A_214 = arith.constant 5120 : i32
    %mul3A_215 = arith.muli %arg1, %mul3A_214 : i32
    %add3A_216 = arith.constant 2560 : i32
    %add3A_217 = arith.addi %mul3A_215, %add3A_216 : i32
    "tpu.region"() ({
      %run_scoped3A = tpu.sem_alloc : memref<!tpu.dma_semaphore, #tpu.memory_space<semaphore_mem>>
      %dma_start3A_230 = tpu.memref_slice %arg8[%arg0, %add3A_217] : memref<2x81920xf32, #tpu.memory_space<hbm>> -> memref<1x640xf32, #tpu.memory_space<hbm>>
      %dma_start3A_231 = tpu.memref_squeeze %dma_start3A_230 : memref<1x640xf32, #tpu.memory_space<hbm>> -> memref<640xf32, #tpu.memory_space<hbm>>
      %dma_start3A_232 = tpu.memref_slice %arg35[%add3A_217] : memref<81920xf32, #tpu.memory_space<vmem_shared>> -> memref<640xf32, #tpu.memory_space<vmem_shared>>
      tpu.enqueue_dma source(%dma_start3A_232 : memref<640xf32, #tpu.memory_space<vmem_shared>>) target(%dma_start3A_231 : memref<640xf32, #tpu.memory_space<hbm>>) target_semaphore(%run_scoped3A : memref<!tpu.dma_semaphore, #tpu.memory_space<semaphore_mem>>)
      %dma_wait3A_233 = tpu.memref_slice %arg8[%arg0, %add3A_217] : memref<2x81920xf32, #tpu.memory_space<hbm>> -> memref<1x640xf32, #tpu.memory_space<hbm>>
      %dma_wait3A_234 = tpu.memref_squeeze %dma_wait3A_233 : memref<1x640xf32, #tpu.memory_space<hbm>> -> memref<640xf32, #tpu.memory_space<hbm>>
      %dma_wait3A_235 = tpu.memref_slice %arg35[%add3A_217] : memref<81920xf32, #tpu.memory_space<vmem_shared>> -> memref<640xf32, #tpu.memory_space<vmem_shared>>
      tpu.wait_dma2 semaphore(%run_scoped3A : memref<!tpu.dma_semaphore, #tpu.memory_space<semaphore_mem>>) src(%dma_wait3A_235 : memref<640xf32, #tpu.memory_space<vmem_shared>>) dst(%dma_wait3A_234 : memref<640xf32, #tpu.memory_space<hbm>>)
      tpu.yield
    }) : () -> ()
    %mul3A_218 = arith.constant 5120 : i32
    %mul3A_219 = arith.muli %arg1, %mul3A_218 : i32
    %add3A_220 = arith.constant 3200 : i32
    %add3A_221 = arith.addi %mul3A_219, %add3A_220 : i32
    "tpu.region"() ({
      %run_scoped3A = tpu.sem_alloc : memref<!tpu.dma_semaphore, #tpu.memory_space<semaphore_mem>>
      %dma_start3A_230 = tpu.memref_slice %arg8[%arg0, %add3A_221] : memref<2x81920xf32, #tpu.memory_space<hbm>> -> memref<1x640xf32, #tpu.memory_space<hbm>>
      %dma_start3A_231 = tpu.memref_squeeze %dma_start3A_230 : memref<1x640xf32, #tpu.memory_space<hbm>> -> memref<640xf32, #tpu.memory_space<hbm>>
      %dma_start3A_232 = tpu.memref_slice %arg35[%add3A_221] : memref<81920xf32, #tpu.memory_space<vmem_shared>> -> memref<640xf32, #tpu.memory_space<vmem_shared>>
      tpu.enqueue_dma source(%dma_start3A_232 : memref<640xf32, #tpu.memory_space<vmem_shared>>) target(%dma_start3A_231 : memref<640xf32, #tpu.memory_space<hbm>>) target_semaphore(%run_scoped3A : memref<!tpu.dma_semaphore, #tpu.memory_space<semaphore_mem>>)
      %dma_wait3A_233 = tpu.memref_slice %arg8[%arg0, %add3A_221] : memref<2x81920xf32, #tpu.memory_space<hbm>> -> memref<1x640xf32, #tpu.memory_space<hbm>>
      %dma_wait3A_234 = tpu.memref_squeeze %dma_wait3A_233 : memref<1x640xf32, #tpu.memory_space<hbm>> -> memref<640xf32, #tpu.memory_space<hbm>>
      %dma_wait3A_235 = tpu.memref_slice %arg35[%add3A_221] : memref<81920xf32, #tpu.memory_space<vmem_shared>> -> memref<640xf32, #tpu.memory_space<vmem_shared>>
      tpu.wait_dma2 semaphore(%run_scoped3A : memref<!tpu.dma_semaphore, #tpu.memory_space<semaphore_mem>>) src(%dma_wait3A_235 : memref<640xf32, #tpu.memory_space<vmem_shared>>) dst(%dma_wait3A_234 : memref<640xf32, #tpu.memory_space<hbm>>)
      tpu.yield
    }) : () -> ()
    %mul3A_222 = arith.constant 5120 : i32
    %mul3A_223 = arith.muli %arg1, %mul3A_222 : i32
    %add3A_224 = arith.constant 3840 : i32
    %add3A_225 = arith.addi %mul3A_223, %add3A_224 : i32
    "tpu.region"() ({
      %run_scoped3A = tpu.sem_alloc : memref<!tpu.dma_semaphore, #tpu.memory_space<semaphore_mem>>
      %dma_start3A_230 = tpu.memref_slice %arg8[%arg0, %add3A_225] : memref<2x81920xf32, #tpu.memory_space<hbm>> -> memref<1x640xf32, #tpu.memory_space<hbm>>
      %dma_start3A_231 = tpu.memref_squeeze %dma_start3A_230 : memref<1x640xf32, #tpu.memory_space<hbm>> -> memref<640xf32, #tpu.memory_space<hbm>>
      %dma_start3A_232 = tpu.memref_slice %arg35[%add3A_225] : memref<81920xf32, #tpu.memory_space<vmem_shared>> -> memref<640xf32, #tpu.memory_space<vmem_shared>>
      tpu.enqueue_dma source(%dma_start3A_232 : memref<640xf32, #tpu.memory_space<vmem_shared>>) target(%dma_start3A_231 : memref<640xf32, #tpu.memory_space<hbm>>) target_semaphore(%run_scoped3A : memref<!tpu.dma_semaphore, #tpu.memory_space<semaphore_mem>>)
      %dma_wait3A_233 = tpu.memref_slice %arg8[%arg0, %add3A_225] : memref<2x81920xf32, #tpu.memory_space<hbm>> -> memref<1x640xf32, #tpu.memory_space<hbm>>
      %dma_wait3A_234 = tpu.memref_squeeze %dma_wait3A_233 : memref<1x640xf32, #tpu.memory_space<hbm>> -> memref<640xf32, #tpu.memory_space<hbm>>
      %dma_wait3A_235 = tpu.memref_slice %arg35[%add3A_225] : memref<81920xf32, #tpu.memory_space<vmem_shared>> -> memref<640xf32, #tpu.memory_space<vmem_shared>>
      tpu.wait_dma2 semaphore(%run_scoped3A : memref<!tpu.dma_semaphore, #tpu.memory_space<semaphore_mem>>) src(%dma_wait3A_235 : memref<640xf32, #tpu.memory_space<vmem_shared>>) dst(%dma_wait3A_234 : memref<640xf32, #tpu.memory_space<hbm>>)
      tpu.yield
    }) : () -> ()
    %mul3A_226 = arith.constant 5120 : i32
    %mul3A_227 = arith.muli %arg1, %mul3A_226 : i32
    %add3A_228 = arith.constant 4480 : i32
    %add3A_229 = arith.addi %mul3A_227, %add3A_228 : i32
    "tpu.region"() ({
      %run_scoped3A = tpu.sem_alloc : memref<!tpu.dma_semaphore, #tpu.memory_space<semaphore_mem>>
      %dma_start3A_230 = tpu.memref_slice %arg8[%arg0, %add3A_229] : memref<2x81920xf32, #tpu.memory_space<hbm>> -> memref<1x640xf32, #tpu.memory_space<hbm>>
      %dma_start3A_231 = tpu.memref_squeeze %dma_start3A_230 : memref<1x640xf32, #tpu.memory_space<hbm>> -> memref<640xf32, #tpu.memory_space<hbm>>
      %dma_start3A_232 = tpu.memref_slice %arg35[%add3A_229] : memref<81920xf32, #tpu.memory_space<vmem_shared>> -> memref<640xf32, #tpu.memory_space<vmem_shared>>
      tpu.enqueue_dma source(%dma_start3A_232 : memref<640xf32, #tpu.memory_space<vmem_shared>>) target(%dma_start3A_231 : memref<640xf32, #tpu.memory_space<hbm>>) target_semaphore(%run_scoped3A : memref<!tpu.dma_semaphore, #tpu.memory_space<semaphore_mem>>)
      %dma_wait3A_233 = tpu.memref_slice %arg8[%arg0, %add3A_229] : memref<2x81920xf32, #tpu.memory_space<hbm>> -> memref<1x640xf32, #tpu.memory_space<hbm>>
      %dma_wait3A_234 = tpu.memref_squeeze %dma_wait3A_233 : memref<1x640xf32, #tpu.memory_space<hbm>> -> memref<640xf32, #tpu.memory_space<hbm>>
      %dma_wait3A_235 = tpu.memref_slice %arg35[%add3A_229] : memref<81920xf32, #tpu.memory_space<vmem_shared>> -> memref<640xf32, #tpu.memory_space<vmem_shared>>
      tpu.wait_dma2 semaphore(%run_scoped3A : memref<!tpu.dma_semaphore, #tpu.memory_space<semaphore_mem>>) src(%dma_wait3A_235 : memref<640xf32, #tpu.memory_space<vmem_shared>>) dst(%dma_wait3A_234 : memref<640xf32, #tpu.memory_space<hbm>>)
      tpu.yield
    }) : () -> ()
    return
  }
}

module attributes {stable_mosaic.version = 14 : i64} {
  func.func @_k1_body(%arg0: i32, %arg1: memref<1000x32xf32, #tpu.memory_space<vmem>>, %arg2: memref<1000x3xi32, #tpu.memory_space<vmem>>, %arg3: memref<16x128xf32, #tpu.memory_space<vmem>>, %arg4: memref<128x128xf32, #tpu.memory_space<vmem>>, %arg5: memref<128x128xf32, #tpu.memory_space<vmem>>, %arg6: memref<128x1xf32, #tpu.memory_space<vmem>>, %arg7: memref<3x32xf32, #tpu.memory_space<vmem>>, %arg8: memref<9x32xf32, #tpu.memory_space<vmem>>, %arg9: memref<11x32xf32, #tpu.memory_space<vmem>>, %arg10: memref<1000x2x64xf32, #tpu.memory_space<vmem>>, %arg11: memref<16x128xf32, #tpu.memory_space<vmem>>, %arg12: memref<1000x1xf32, #tpu.memory_space<vmem>>, %arg13: memref<16x1xf32, #tpu.memory_space<vmem>>) attributes {dimension_semantics = [#tpu.dimension_semantics<arbitrary>], iteration_bounds = array<i64: 10>, scalar_prefetch = 0 : i64, scratch_operands = 0 : i64, tpu.core_type = #tpu.core_type<tc>, window_params = [{transform_indices = @transform_0, window_bounds = array<i64: 1000, 32>}, {transform_indices = @transform_1, window_bounds = array<i64: 1000, 3>}, {pipeline_mode = #tpu.pipeline_mode<synchronous>, transform_indices = @transform_2, window_bounds = array<i64: 16, 128>}, {pipeline_mode = #tpu.pipeline_mode<synchronous>, transform_indices = @transform_3, window_bounds = array<i64: 128, 128>}, {pipeline_mode = #tpu.pipeline_mode<synchronous>, transform_indices = @transform_4, window_bounds = array<i64: 128, 128>}, {pipeline_mode = #tpu.pipeline_mode<synchronous>, transform_indices = @transform_5, window_bounds = array<i64: 128, 1>}, {pipeline_mode = #tpu.pipeline_mode<synchronous>, transform_indices = @transform_6, window_bounds = array<i64: 3, 32>}, {pipeline_mode = #tpu.pipeline_mode<synchronous>, transform_indices = @transform_7, window_bounds = array<i64: 9, 32>}, {pipeline_mode = #tpu.pipeline_mode<synchronous>, transform_indices = @transform_8, window_bounds = array<i64: 11, 32>}, {transform_indices = @transform_9, window_bounds = array<i64: 1000, 2, 64>}, {pipeline_mode = #tpu.pipeline_mode<synchronous>, transform_indices = @transform_10, window_bounds = array<i64: 16, 128>}, {transform_indices = @transform_11, window_bounds = array<i64: 1000, 1>}, {pipeline_mode = #tpu.pipeline_mode<synchronous>, transform_indices = @transform_12, window_bounds = array<i64: 16, 1>}]} {
    %get3A = arith.constant 0 : index
    %get3A_0 = arith.constant 0 : index
    %get3A_1 = vector.load %arg4[%get3A, %get3A_0] : memref<128x128xf32, #tpu.memory_space<vmem>>, vector<128x128xf32>
    %get3A_2 = arith.constant 0 : index
    %get3A_3 = arith.constant 0 : index
    %get3A_4 = vector.load %arg7[%get3A_2, %get3A_3] : memref<3x32xf32, #tpu.memory_space<vmem>>, vector<3x32xf32>
    %slice3A = vector.extract_strided_slice %get3A_1 {offsets = [32, 0], sizes = [32, 128], strides = [1, 1]} : vector<128x128xf32> to vector<32x128xf32>
    %dot_general3A = arith.constant dense<0.000000e+00> : vector<3x128xf32>
    %dot_general3A_5 = tpu.matmul %get3A_4, %slice3A, %dot_general3A {dimension_numbers = #tpu.dot_dimension_numbers<[1], [0], [0], [1], [0, 0, 1, 1], [], []>, transpose_lhs_hint = false} : vector<3x32xf32>, vector<32x128xf32>, vector<3x128xf32> -> vector<3x128xf32>
    %get3A_6 = arith.constant 0 : index
    %get3A_7 = arith.constant 0 : index
    %get3A_8 = vector.load %arg8[%get3A_6, %get3A_7] : memref<9x32xf32, #tpu.memory_space<vmem>>, vector<9x32xf32>
    %slice3A_9 = vector.extract_strided_slice %get3A_1 {offsets = [64, 0], sizes = [32, 128], strides = [1, 1]} : vector<128x128xf32> to vector<32x128xf32>
    %dot_general3A_10 = arith.constant dense<0.000000e+00> : vector<9x128xf32>
    %dot_general3A_11 = tpu.matmul %get3A_8, %slice3A_9, %dot_general3A_10 {dimension_numbers = #tpu.dot_dimension_numbers<[1], [0], [0], [1], [0, 0, 1, 1], [], []>, transpose_lhs_hint = false} : vector<9x32xf32>, vector<32x128xf32>, vector<9x128xf32> -> vector<9x128xf32>
    %get3A_12 = arith.constant 0 : index
    %get3A_13 = arith.constant 0 : index
    %get3A_14 = vector.load %arg9[%get3A_12, %get3A_13] : memref<11x32xf32, #tpu.memory_space<vmem>>, vector<11x32xf32>
    %slice3A_15 = vector.extract_strided_slice %get3A_1 {offsets = [96, 0], sizes = [32, 128], strides = [1, 1]} : vector<128x128xf32> to vector<32x128xf32>
    %dot_general3A_16 = arith.constant dense<0.000000e+00> : vector<11x128xf32>
    %dot_general3A_17 = tpu.matmul %get3A_14, %slice3A_15, %dot_general3A_16 {dimension_numbers = #tpu.dot_dimension_numbers<[1], [0], [0], [1], [0, 0, 1, 1], [], []>, transpose_lhs_hint = false} : vector<11x32xf32>, vector<32x128xf32>, vector<11x128xf32> -> vector<11x128xf32>
    %get3A_18 = arith.constant 0 : index
    %get3A_19 = arith.constant 0 : index
    %get3A_20 = vector.load %arg2[%get3A_18, %get3A_19] : memref<1000x3xi32, #tpu.memory_space<vmem>>, vector<1000x3xi32>
    %slice3A_21 = vector.extract_strided_slice %get3A_20 {offsets = [0, 0], sizes = [1000, 1], strides = [1, 1]} : vector<1000x3xi32> to vector<1000x1xi32>
    %iota3A = tpu.iota {dimensions = array<i32: 1>} : vector<1x3xi32>
    %eq3A = vector.broadcast %slice3A_21 : vector<1000x1xi32> to vector<1000x3xi32>
    %eq3A_22 = vector.broadcast %iota3A : vector<1x3xi32> to vector<1000x3xi32>
    %eq3A_23 = arith.cmpi eq, %eq3A, %eq3A_22 : vector<1000x3xi32>
    %convert_element_type3A = arith.extui %eq3A_23 : vector<1000x3xi1> to vector<1000x3xi32>
    %convert_element_type3A_24 = arith.sitofp %convert_element_type3A : vector<1000x3xi32> to vector<1000x3xf32>
    %slice3A_25 = vector.extract_strided_slice %get3A_20 {offsets = [0, 1], sizes = [1000, 1], strides = [1, 1]} : vector<1000x3xi32> to vector<1000x1xi32>
    %iota3A_26 = tpu.iota {dimensions = array<i32: 1>} : vector<1x9xi32>
    %eq3A_27 = vector.broadcast %slice3A_25 : vector<1000x1xi32> to vector<1000x9xi32>
    %eq3A_28 = vector.broadcast %iota3A_26 : vector<1x9xi32> to vector<1000x9xi32>
    %eq3A_29 = arith.cmpi eq, %eq3A_27, %eq3A_28 : vector<1000x9xi32>
    %convert_element_type3A_30 = arith.extui %eq3A_29 : vector<1000x9xi1> to vector<1000x9xi32>
    %convert_element_type3A_31 = arith.sitofp %convert_element_type3A_30 : vector<1000x9xi32> to vector<1000x9xf32>
    %slice3A_32 = vector.extract_strided_slice %get3A_20 {offsets = [0, 2], sizes = [1000, 1], strides = [1, 1]} : vector<1000x3xi32> to vector<1000x1xi32>
    %iota3A_33 = tpu.iota {dimensions = array<i32: 1>} : vector<1x11xi32>
    %eq3A_34 = vector.broadcast %slice3A_32 : vector<1000x1xi32> to vector<1000x11xi32>
    %eq3A_35 = vector.broadcast %iota3A_33 : vector<1x11xi32> to vector<1000x11xi32>
    %eq3A_36 = arith.cmpi eq, %eq3A_34, %eq3A_35 : vector<1000x11xi32>
    %convert_element_type3A_37 = arith.extui %eq3A_36 : vector<1000x11xi1> to vector<1000x11xi32>
    %convert_element_type3A_38 = arith.sitofp %convert_element_type3A_37 : vector<1000x11xi32> to vector<1000x11xf32>
    %get3A_39 = arith.constant 0 : index
    %get3A_40 = arith.constant 0 : index
    %get3A_41 = vector.load %arg1[%get3A_39, %get3A_40] : memref<1000x32xf32, #tpu.memory_space<vmem>>, vector<1000x32xf32>
    %slice3A_42 = vector.extract_strided_slice %get3A_1 {offsets = [0, 0], sizes = [32, 128], strides = [1, 1]} : vector<128x128xf32> to vector<32x128xf32>
    %dot_general3A_43 = arith.constant dense<0.000000e+00> : vector<1000x128xf32>
    %dot_general3A_44 = tpu.matmul %get3A_41, %slice3A_42, %dot_general3A_43 {dimension_numbers = #tpu.dot_dimension_numbers<[1], [0], [0], [1], [0, 0, 1, 1], [], []>, transpose_lhs_hint = false} : vector<1000x32xf32>, vector<32x128xf32>, vector<1000x128xf32> -> vector<1000x128xf32>
    %dot_general3A_45 = arith.constant dense<0.000000e+00> : vector<1000x128xf32>
    %dot_general3A_46 = tpu.matmul %convert_element_type3A_24, %dot_general3A_5, %dot_general3A_45 {dimension_numbers = #tpu.dot_dimension_numbers<[1], [0], [0], [1], [0, 0, 1, 1], [], []>, transpose_lhs_hint = false} : vector<1000x3xf32>, vector<3x128xf32>, vector<1000x128xf32> -> vector<1000x128xf32>
    %add3A = arith.addf %dot_general3A_44, %dot_general3A_46 : vector<1000x128xf32>
    %dot_general3A_47 = arith.constant dense<0.000000e+00> : vector<1000x128xf32>
    %dot_general3A_48 = tpu.matmul %convert_element_type3A_31, %dot_general3A_11, %dot_general3A_47 {dimension_numbers = #tpu.dot_dimension_numbers<[1], [0], [0], [1], [0, 0, 1, 1], [], []>, transpose_lhs_hint = false} : vector<1000x9xf32>, vector<9x128xf32>, vector<1000x128xf32> -> vector<1000x128xf32>
    %add3A_49 = arith.addf %add3A, %dot_general3A_48 : vector<1000x128xf32>
    %dot_general3A_50 = arith.constant dense<0.000000e+00> : vector<1000x128xf32>
    %dot_general3A_51 = tpu.matmul %convert_element_type3A_38, %dot_general3A_17, %dot_general3A_50 {dimension_numbers = #tpu.dot_dimension_numbers<[1], [0], [0], [1], [0, 0, 1, 1], [], []>, transpose_lhs_hint = false} : vector<1000x11xf32>, vector<11x128xf32>, vector<1000x128xf32> -> vector<1000x128xf32>
    %add3A_52 = arith.addf %add3A_49, %dot_general3A_51 : vector<1000x128xf32>
    %get3A_53 = arith.constant 0 : index
    %get3A_54 = arith.constant 0 : index
    %get3A_55 = vector.load %arg6[%get3A_53, %get3A_54] : memref<128x1xf32, #tpu.memory_space<vmem>>, vector<128x1xf32>
    %slice3A_56 = vector.extract_strided_slice %add3A_52 {offsets = [0, 0], sizes = [1000, 64], strides = [1, 1]} : vector<1000x128xf32> to vector<1000x64xf32>
    %swap3A = arith.constant 0 : index
    %swap3A_57 = arith.constant 0 : index
    %swap3A_58 = arith.constant 0 : index
    %swap3A_59 = vector.load %arg10[%swap3A, %swap3A_57, %swap3A_58] : memref<1000x2x64xf32, #tpu.memory_space<vmem>>, vector<1000x1x64xf32>
    %swap3A_60 = vector.shape_cast %swap3A_59 : vector<1000x1x64xf32> to vector<1000x64xf32>
    %swap3A_61 = vector.shape_cast %slice3A_56 : vector<1000x64xf32> to vector<1000x1x64xf32>
    tpu.vector_store %arg10[%swap3A, %swap3A_57, %swap3A_58], %swap3A_61 {strides = array<i32>} : memref<1000x2x64xf32, #tpu.memory_space<vmem>>, vector<1000x1x64xf32>,
    %slice3A_62 = vector.extract_strided_slice %add3A_52 {offsets = [0, 64], sizes = [1000, 64], strides = [1, 1]} : vector<1000x128xf32> to vector<1000x64xf32>
    %swap3A_63 = arith.constant 0 : index
    %swap3A_64 = arith.constant 1 : index
    %swap3A_65 = arith.constant 0 : index
    %swap3A_66 = vector.load %arg10[%swap3A_63, %swap3A_64, %swap3A_65] : memref<1000x2x64xf32, #tpu.memory_space<vmem>>, vector<1000x1x64xf32>
    %swap3A_67 = vector.shape_cast %swap3A_66 : vector<1000x1x64xf32> to vector<1000x64xf32>
    %swap3A_68 = vector.shape_cast %slice3A_62 : vector<1000x64xf32> to vector<1000x1x64xf32>
    tpu.vector_store %arg10[%swap3A_63, %swap3A_64, %swap3A_65], %swap3A_68 {strides = array<i32>} : memref<1000x2x64xf32, #tpu.memory_space<vmem>>, vector<1000x1x64xf32>,
    %dot_general3A_69 = arith.constant dense<0.000000e+00> : vector<1000x1xf32>
    %dot_general3A_70 = tpu.matmul %add3A_52, %get3A_55, %dot_general3A_69 {dimension_numbers = #tpu.dot_dimension_numbers<[1], [0], [0], [1], [0, 0, 1, 1], [], []>, transpose_lhs_hint = false} : vector<1000x128xf32>, vector<128x1xf32>, vector<1000x1xf32> -> vector<1000x1xf32>
    %swap3A_71 = arith.constant 0 : index
    %swap3A_72 = arith.constant 0 : index
    %swap3A_73 = vector.load %arg12[%swap3A_71, %swap3A_72] : memref<1000x1xf32, #tpu.memory_space<vmem>>, vector<1000x1xf32>
    tpu.vector_store %arg12[%swap3A_71, %swap3A_72], %dot_general3A_70 {strides = array<i32>} : memref<1000x1xf32, #tpu.memory_space<vmem>>, vector<1000x1xf32>,
    %eq3A_74 = arith.constant 0 : i32
    %eq3A_75 = arith.cmpi eq, %arg0, %eq3A_74 : i32
    %convert_element_type3A_76 = arith.extui %eq3A_75 : i1 to i32
    %cond3A = arith.constant 0 : i32
    %cond3A_77 = arith.cmpi ne, %convert_element_type3A_76, %cond3A : i32
    scf.if %cond3A_77 {
      %get3A_78 = arith.constant 0 : index
      %get3A_79 = arith.constant 0 : index
      %get3A_80 = vector.load %arg3[%get3A_78, %get3A_79] : memref<16x128xf32, #tpu.memory_space<vmem>>, vector<16x128xf32>
      %get3A_81 = arith.constant 0 : index
      %get3A_82 = arith.constant 0 : index
      %get3A_83 = vector.load %arg5[%get3A_81, %get3A_82] : memref<128x128xf32, #tpu.memory_space<vmem>>, vector<128x128xf32>
      %dot_general3A_84 = arith.constant dense<0.000000e+00> : vector<16x128xf32>
      %dot_general3A_85 = tpu.matmul %get3A_80, %get3A_83, %dot_general3A_84 {dimension_numbers = #tpu.dot_dimension_numbers<[1], [0], [0], [1], [0, 0, 1, 1], [], []>, transpose_lhs_hint = false} : vector<16x128xf32>, vector<128x128xf32>, vector<16x128xf32> -> vector<16x128xf32>
      %swap3A_86 = arith.constant 0 : index
      %swap3A_87 = arith.constant 0 : index
      %swap3A_88 = vector.load %arg11[%swap3A_86, %swap3A_87] : memref<16x128xf32, #tpu.memory_space<vmem>>, vector<16x128xf32>
      tpu.vector_store %arg11[%swap3A_86, %swap3A_87], %dot_general3A_85 {strides = array<i32>} : memref<16x128xf32, #tpu.memory_space<vmem>>, vector<16x128xf32>,
      %dot_general3A_89 = arith.constant dense<0.000000e+00> : vector<16x1xf32>
      %dot_general3A_90 = tpu.matmul %dot_general3A_85, %get3A_55, %dot_general3A_89 {dimension_numbers = #tpu.dot_dimension_numbers<[1], [0], [0], [1], [0, 0, 1, 1], [], []>, transpose_lhs_hint = false} : vector<16x128xf32>, vector<128x1xf32>, vector<16x1xf32> -> vector<16x1xf32>
      %swap3A_91 = arith.constant 0 : index
      %swap3A_92 = arith.constant 0 : index
      %swap3A_93 = vector.load %arg13[%swap3A_91, %swap3A_92] : memref<16x1xf32, #tpu.memory_space<vmem>>, vector<16x1xf32>
      tpu.vector_store %arg13[%swap3A_91, %swap3A_92], %dot_general3A_90 {strides = array<i32>} : memref<16x1xf32, #tpu.memory_space<vmem>>, vector<16x1xf32>,
    } else {
    }
    return
  }
  func.func @transform_0(%arg0: i32) -> (i32, i32) {
    %c0_i32 = arith.constant 0 : i32
    %c0_i32_0 = arith.constant 0 : i32
    return %arg0, %c0_i32 : i32, i32
  }
  func.func @transform_1(%arg0: i32) -> (i32, i32) {
    %c0_i32 = arith.constant 0 : i32
    %c0_i32_0 = arith.constant 0 : i32
    return %arg0, %c0_i32 : i32, i32
  }
  func.func @transform_2(%arg0: i32) -> (i32, i32) {
    %c0_i32 = arith.constant 0 : i32
    %c0_i32_0 = arith.constant 0 : i32
    %c0_i32_1 = arith.constant 0 : i32
    return %c0_i32, %c0_i32_0 : i32, i32
  }
  func.func @transform_3(%arg0: i32) -> (i32, i32) {
    %c0_i32 = arith.constant 0 : i32
    %c0_i32_0 = arith.constant 0 : i32
    %c0_i32_1 = arith.constant 0 : i32
    return %c0_i32, %c0_i32_0 : i32, i32
  }
  func.func @transform_4(%arg0: i32) -> (i32, i32) {
    %c0_i32 = arith.constant 0 : i32
    %c0_i32_0 = arith.constant 0 : i32
    %c0_i32_1 = arith.constant 0 : i32
    return %c0_i32, %c0_i32_0 : i32, i32
  }
  func.func @transform_5(%arg0: i32) -> (i32, i32) {
    %c0_i32 = arith.constant 0 : i32
    %c0_i32_0 = arith.constant 0 : i32
    %c0_i32_1 = arith.constant 0 : i32
    return %c0_i32, %c0_i32_0 : i32, i32
  }
  func.func @transform_6(%arg0: i32) -> (i32, i32) {
    %c0_i32 = arith.constant 0 : i32
    %c0_i32_0 = arith.constant 0 : i32
    %c0_i32_1 = arith.constant 0 : i32
    return %c0_i32, %c0_i32_0 : i32, i32
  }
  func.func @transform_7(%arg0: i32) -> (i32, i32) {
    %c0_i32 = arith.constant 0 : i32
    %c0_i32_0 = arith.constant 0 : i32
    %c0_i32_1 = arith.constant 0 : i32
    return %c0_i32, %c0_i32_0 : i32, i32
  }
  func.func @transform_8(%arg0: i32) -> (i32, i32) {
    %c0_i32 = arith.constant 0 : i32
    %c0_i32_0 = arith.constant 0 : i32
    %c0_i32_1 = arith.constant 0 : i32
    return %c0_i32, %c0_i32_0 : i32, i32
  }
  func.func @transform_9(%arg0: i32) -> (i32, i32, i32) {
    %c0_i32 = arith.constant 0 : i32
    %c0_i32_0 = arith.constant 0 : i32
    %c0_i32_1 = arith.constant 0 : i32
    return %arg0, %c0_i32, %c0_i32_0 : i32, i32, i32
  }
  func.func @transform_10(%arg0: i32) -> (i32, i32) {
    %c0_i32 = arith.constant 0 : i32
    %c0_i32_0 = arith.constant 0 : i32
    %c0_i32_1 = arith.constant 0 : i32
    return %c0_i32, %c0_i32_0 : i32, i32
  }
  func.func @transform_11(%arg0: i32) -> (i32, i32) {
    %c0_i32 = arith.constant 0 : i32
    %c0_i32_0 = arith.constant 0 : i32
    return %arg0, %c0_i32 : i32, i32
  }
  func.func @transform_12(%arg0: i32) -> (i32, i32) {
    %c0_i32 = arith.constant 0 : i32
    %c0_i32_0 = arith.constant 0 : i32
    %c0_i32_1 = arith.constant 0 : i32
    return %c0_i32, %c0_i32_0 : i32, i32
  }
}

module attributes {stable_mosaic.version = 14 : i64} {
  func.func @_k3_body(%arg0: memref<2x10000x64xf32, #tpu.memory_space<vmem>>, %arg1: memref<2x10000x8xf32, #tpu.memory_space<vmem>>, %arg2: memref<16x128xf32, #tpu.memory_space<vmem>>, %arg3: memref<4096x1xi32, #tpu.memory_space<vmem>>, %arg4: memref<10000x128xf32, #tpu.memory_space<vmem>>, %arg5: memref<4096x128xf32, #tpu.memory_space<vmem>>) attributes {dimension_semantics = [], scalar_prefetch = 0 : i64, scratch_operands = 0 : i64, tpu.core_type = #tpu.core_type<tc>} {
    %get3A = arith.constant 0 : index
    %get3A_0 = arith.constant 0 : index
    %get3A_1 = vector.load %arg2[%get3A, %get3A_0] : memref<16x128xf32, #tpu.memory_space<vmem>>, vector<16x128xf32>
    %get3A_2 = arith.constant 0 : index
    %get3A_3 = arith.constant 0 : index
    %get3A_4 = arith.constant 0 : index
    %get3A_5 = vector.load %arg1[%get3A_2, %get3A_3, %get3A_4] : memref<2x10000x8xf32, #tpu.memory_space<vmem>>, vector<1x10000x8xf32>
    %get3A_6 = vector.shape_cast %get3A_5 : vector<1x10000x8xf32> to vector<10000x8xf32>
    %get3A_7 = arith.constant 1 : index
    %get3A_8 = arith.constant 0 : index
    %get3A_9 = arith.constant 0 : index
    %get3A_10 = vector.load %arg1[%get3A_7, %get3A_8, %get3A_9] : memref<2x10000x8xf32, #tpu.memory_space<vmem>>, vector<1x10000x8xf32>
    %get3A_11 = vector.shape_cast %get3A_10 : vector<1x10000x8xf32> to vector<10000x8xf32>
    %concatenate3A = tpu.concatenate %get3A_6, %get3A_11 in 1 : vector<10000x8xf32>, vector<10000x8xf32> -> vector<10000x16xf32>
    %dot_general3A = arith.constant dense<0.000000e+00> : vector<10000x128xf32>
    %dot_general3A_12 = tpu.matmul %concatenate3A, %get3A_1, %dot_general3A {dimension_numbers = #tpu.dot_dimension_numbers<[1], [0], [0], [1], [0, 0, 1, 1], [], []>, transpose_lhs_hint = false} : vector<10000x16xf32>, vector<16x128xf32>, vector<10000x128xf32> -> vector<10000x128xf32>
    %reduce_sum3A = arith.constant dense<0.000000e+00> : vector<10000xf32>
    %reduce_sum3A_13 = vector.multi_reduction <add>, %concatenate3A, %reduce_sum3A [1] : vector<10000x16xf32> to vector<10000xf32>
    %broadcast_in_dim3A = vector.shape_cast %reduce_sum3A_13 : vector<10000xf32> to vector<10000x1xf32>
    %add3A = arith.constant 1.000000e-16 : f32
    %add3A_14 = vector.broadcast %add3A : f32 to vector<10000x1xf32>
    %add3A_15 = arith.addf %broadcast_in_dim3A, %add3A_14 : vector<10000x1xf32>
    %get3A_16 = arith.constant 0 : index
    %get3A_17 = arith.constant 0 : index
    %get3A_18 = arith.constant 0 : index
    %get3A_19 = vector.load %arg0[%get3A_16, %get3A_17, %get3A_18] : memref<2x10000x64xf32, #tpu.memory_space<vmem>>, vector<1x10000x64xf32>
    %get3A_20 = vector.shape_cast %get3A_19 : vector<1x10000x64xf32> to vector<10000x64xf32>
    %get3A_21 = arith.constant 1 : index
    %get3A_22 = arith.constant 0 : index
    %get3A_23 = arith.constant 0 : index
    %get3A_24 = vector.load %arg0[%get3A_21, %get3A_22, %get3A_23] : memref<2x10000x64xf32, #tpu.memory_space<vmem>>, vector<1x10000x64xf32>
    %get3A_25 = vector.shape_cast %get3A_24 : vector<1x10000x64xf32> to vector<10000x64xf32>
    %concatenate3A_26 = tpu.concatenate %get3A_20, %get3A_25 in 1 : vector<10000x64xf32>, vector<10000x64xf32> -> vector<10000x128xf32>
    %add3A_27 = arith.addf %concatenate3A_26, %dot_general3A_12 : vector<10000x128xf32>
    %div3A = vector.broadcast %add3A_15 : vector<10000x1xf32> to vector<10000x128xf32>
    %div3A_28 = arith.divf %add3A_27, %div3A : vector<10000x128xf32>
    %tanh3A = math.tanh %div3A_28 : vector<10000x128xf32>
    %swap3A = arith.constant 0 : index
    %swap3A_29 = arith.constant 0 : index
    %swap3A_30 = vector.load %arg4[%swap3A, %swap3A_29] : memref<10000x128xf32, #tpu.memory_space<vmem>>, vector<10000x128xf32>
    tpu.vector_store %arg4[%swap3A, %swap3A_29], %tanh3A {strides = array<i32>} : memref<10000x128xf32, #tpu.memory_space<vmem>>, vector<10000x128xf32>,
    %get3A_31 = arith.constant 0 : index
    %get3A_32 = arith.constant 0 : index
    %get3A_33 = vector.load %arg3[%get3A_31, %get3A_32] : memref<4096x1xi32, #tpu.memory_space<vmem>>, vector<4096x1xi32>
    %iota3A = tpu.iota {dimensions = array<i32: 1>} : vector<1x16xi32>
    %eq3A = vector.broadcast %get3A_33 : vector<4096x1xi32> to vector<4096x16xi32>
    %eq3A_34 = vector.broadcast %iota3A : vector<1x16xi32> to vector<4096x16xi32>
    %eq3A_35 = arith.cmpi eq, %eq3A, %eq3A_34 : vector<4096x16xi32>
    %convert_element_type3A = arith.extui %eq3A_35 : vector<4096x16xi1> to vector<4096x16xi32>
    %convert_element_type3A_36 = arith.sitofp %convert_element_type3A : vector<4096x16xi32> to vector<4096x16xf32>
    %dot_general3A_37 = arith.constant dense<0.000000e+00> : vector<4096x128xf32>
    %dot_general3A_38 = tpu.matmul %convert_element_type3A_36, %get3A_1, %dot_general3A_37 {dimension_numbers = #tpu.dot_dimension_numbers<[1], [0], [0], [1], [0, 0, 1, 1], [], []>, transpose_lhs_hint = false} : vector<4096x16xf32>, vector<16x128xf32>, vector<4096x128xf32> -> vector<4096x128xf32>
    %swap3A_39 = arith.constant 0 : index
    %swap3A_40 = arith.constant 0 : index
    %swap3A_41 = vector.load %arg5[%swap3A_39, %swap3A_40] : memref<4096x128xf32, #tpu.memory_space<vmem>>, vector<4096x128xf32>
    tpu.vector_store %arg5[%swap3A_39, %swap3A_40], %dot_general3A_38 {strides = array<i32>} : memref<4096x128xf32, #tpu.memory_space<vmem>>, vector<4096x128xf32>,
    return
  }
}

</mosaic_0001>

<sc_bundles>
// kernel: kernel.6.cloned.1.call-start
scs
__scs_entry_jumppad:
0x0: {  	(pc) =	sbr.rel $0x88, $3  }
0x1: {  	(tag) =	ssettag $0x0;
	lr =	simm.s32 $0x1  }
0x2: {  	[smem:$0x3F94] =	sst lr;
	_ =	strace $0xD0000000  }
0x3: {  	_ = 	snop  }
0x4: {  	_ = 	snop  }
0x5: {  	_ = 	snop  }
0x6: {  	_ = 	snop  }
0x7: {  	_ = 	snop  }
__scs_overlays_trampoline_lowered:
0x8: {  	[smem:$0x3FA3] =	sst s0  }
0x9: {  	[smem:$0x3FA4] =	sst s1  }
0xa: {  	[smem:$0x3FA5] =	sst s2  }
0xb: {  	[smem:$0x3FA6] =	sst s3  }
0xc: {  	[smem:$0x3FA7] =	sst s4  }
0xd: {  	[smem:$0x3FA8] =	sst s5  }
0xe: {  	[smem:$0x3FA9] =	sst s6  }
0xf: {  	[smem:$0x3FAA] =	sst s7  }
0x10: {  	[smem:$0x3FAB] =	sst s8  }
0x11: {  	[smem:$0x3FAC] =	sst s9;
	s0 =	simm.s32 @!p0 $0x0  }
0x12: {  	s1 =	sld [smem:$0x3F92];
	s0 =	simm.s32 @p0 $0x1  }
0x13: {  	[smem:$0x3FAD] =	sst s0;
	s0 =	simm.s32 @!p1 $0x0  }
0x14: {  	s2 =	sld [smem:$0x3F91];
	s0 =	simm.s32 @p1 $0x1  }
0x15: {  	[smem:$0x3FAE] =	sst s0;
	s0 =	simm.s32 @!p2 $0x0  }
0x16: {  	s3 =	sld [smem:$0x3FDB];
	s0 =	simm.s32 @p2 $0x1  }
0x17: {  	s4 =	simm.s32 $0x1BF5;
	[smem:$0x3FB0] =	sst s0  }
0x18: {  	s0 =	sld [smem:$0x3F93];
	_ =	swait.ge [sflag:s4], $0x0  }
0x19: {  	s7 =	sld [smem:$0x3F94]  }
0x1a: {  	s8 =	sadd.s32 $0xFFFFE003, lr  }
0x1b: {  	s9 =	sadd.s32 $0xFFFFFEF7, lr;
	s5 =	simm.s32 $0xFFFFFFFF;
	p2 =	slt.u32 s8, $0xFFFFF086  }
0x1c: {  	p1 =	slt.u32 s9, $0xF7A;
	s5 =	simm.s32 @!p2 $0x0  }
0x1d: {  	s5 =	simm.s32 @p1 $0x1;
	p0 =	seq.s32 s7, s2  }
0x1e: {  	s7 =	smul.u32 @!p0 $0xF7A, s2;
	p2 =	seq.s32 @!p0 s5, $0x0  }
0x1f: {  	s9 =	smul.u32 $0xF7A, s1;
	s8 =	simm.s32 @!p0 $0x1BF5;
	p2 =	por !p2, p0  }
0x20: {  	[sflag:s8] =	ssyncset.s32 @!p0 $0xFFFFF086;
	s6 =	sadd.s32 @!p0 s3, s7;
	s7 =	simm.s32 @!p0 $0x108  }
0x21: {  	s3 =	sadd.s32 s3, s9;
	s6 =	sadd.s32 @!p0 $0x88, s6;
	s7 =	simm.s32 @p2 $0x1082  }
0x22: {  	[simem:s7], [sflag:s8] =	dma.local @!p0 [hbm:s6], $0xF7A  }
0x23: {  	s9 =	sor.u32 $0xD0000000, s2;
	s6 =	simm.s32 $0x108;
	_ =	swait.ge @!p0 [sflag:s8], $0x0  }
0x24: {  	s3 =	sadd.s32 $0x88, s3;
	s6 =	simm.s32 @!p1 $0x1082;
	[sflag:s4] =	ssyncset.s32 $0xFFFFF086  }
0x25: {  	[simem:s6], [sflag:s4] =	dma.local [hbm:s3], $0xF7A  }
0x26: {  	[smem:$0x3F94] =	sst s1;
	(tag) =	ssettag s2;
	_ =	strace s9  }
0x27: {  	s1 =	sld [smem:$0x3FA4]  }
0x28: {  	s2 =	sld [smem:$0x3FA5]  }
0x29: {  	s4 =	sld [smem:$0x3FA7]  }
0x2a: {  	p0 =	seq.s32 s5, $0x0;
	s5 =	sld [smem:$0x3FA8]  }
0x2b: {  	s6 =	sld [smem:$0x3FA9]  }
0x2c: {  	s7 =	sld [smem:$0x3FAA]  }
0x2d: {  	s3 =	simm.s32 $0x108;
	s8 =	sld [smem:$0x3FAB]  }
0x2e: {  	s3 =	simm.s32 @!p0 $0x1082;
	s9 =	sld [smem:$0x3FAC]  }
0x2f: {  	lr =	sadd.s32 s0, s3;
	s0 =	sld [smem:$0x3FA3]  }
0x30: {  	s3 =	sld [smem:$0x3FA6]  }
0x31: {  	[smem:$0x3FAF] =	sst s10  }
0x32: {  	s10 =	sld [smem:$0x3FAD];
	_ =	sdelay $0x3  }
0x33: {  	p0 =	seq.s32 s10, $0x1;
	s10 =	sld [smem:$0x3FAF];
	_ =	sdelay $0x3  }
0x34: {  	[smem:$0x3FAF] =	sst s10  }
0x35: {  	s10 =	sld [smem:$0x3FAE];
	_ =	sdelay $0x3  }
0x36: {  	p1 =	seq.s32 s10, $0x1;
	s10 =	sld [smem:$0x3FAF];
	_ =	sdelay $0x3  }
0x37: {  	[smem:$0x3FAF] =	sst s10  }
0x38: {  	s10 =	sld [smem:$0x3FB0]  }
0x39: {  	_ = 	snop;
	(pc) =	sbr.ind lr, $3  }
0x3a: {  	_ = 	snop  }
0x3b: {  	_ = 	snop  }
0x3c: {  	p2 =	seq.s32 s10, $0x1;
	s10 =	sld [smem:$0x3FAF]  }
0x3d: {  	_ =	shalt  }
0x3e: {  	_ =	shalt  }
0x3f: {  	_ =	shalt  }
0x40: {  	_ =	shalt  }
0x41: {  	_ =	shalt  }
0x42: {  	_ =	shalt  }
0x43: {  	_ =	shalt  }
0x44: {  	_ =	shalt  }
0x45: {  	_ =	shalt  }
0x46: {  	_ =	shalt  }
0x47: {  	_ =	shalt  }
0x48: {  	_ =	shalt  }
0x49: {  	_ =	shalt  }
0x4a: {  	_ =	shalt  }
0x4b: {  	_ =	shalt  }
0x4c: {  	_ =	shalt  }
0x4d: {  	_ =	shalt  }
0x4e: {  	_ =	shalt  }
0x4f: {  	_ =	shalt  }
0x50: {  	_ =	shalt  }
0x51: {  	_ =	shalt  }
0x52: {  	_ =	shalt  }
0x53: {  	_ =	shalt  }
0x54: {  	_ =	shalt  }
0x55: {  	_ =	shalt  }
0x56: {  	_ =	shalt  }
0x57: {  	_ =	shalt  }
0x58: {  	_ =	shalt  }
0x59: {  	_ =	shalt  }
0x5a: {  	_ =	shalt  }
0x5b: {  	_ =	shalt  }
0x5c: {  	_ =	shalt  }
0x5d: {  	_ =	shalt  }
0x5e: {  	_ =	shalt  }
0x5f: {  	_ =	shalt  }
0x60: {  	_ =	shalt  }
0x61: {  	_ =	shalt  }
0x62: {  	_ =	shalt  }
0x63: {  	_ =	shalt  }
0x64: {  	_ =	shalt  }
0x65: {  	_ =	shalt  }
0x66: {  	_ =	shalt  }
0x67: {  	_ =	shalt  }
0x68: {  	_ =	shalt  }
0x69: {  	_ =	shalt  }
0x6a: {  	_ =	shalt  }
0x6b: {  	_ =	shalt  }
0x6c: {  	_ =	shalt  }
0x6d: {  	_ =	shalt  }
0x6e: {  	_ =	shalt  }
0x6f: {  	_ =	shalt  }
0x70: {  	_ =	shalt  }
0x71: {  	_ =	shalt  }
0x72: {  	_ =	shalt  }
0x73: {  	_ =	shalt  }
0x74: {  	_ =	shalt  }
0x75: {  	_ =	shalt  }
0x76: {  	_ =	shalt  }
0x77: {  	_ =	shalt  }
0x78: {  	_ =	shalt  }
0x79: {  	_ =	shalt  }
0x7a: {  	_ =	shalt  }
0x7b: {  	_ =	shalt  }
0x7c: {  	_ =	shalt  }
0x7d: {  	_ =	shalt  }
0x7e: {  	_ =	shalt  }
0x7f: {  	_ =	shalt  }
0x80: {  	_ =	shalt  }
0x81: {  	_ =	shalt  }
0x82: {  	_ =	shalt  }
0x83: {  	_ =	shalt  }
0x84: {  	_ =	shalt  }
0x85: {  	_ =	shalt  }
0x86: {  	_ =	shalt  }
0x87: {  	_ =	shalt  }
.Lfunc_end0:
.L_simem_size_0:
called_computation_lowered:
.L_overlay_start_0:
0x88: {  	s2 =	sld [smem:$0x3FD9]  }
0x89: {  	s3 =	sld [smem:$0x3FFE];
	_ =	sdelay $0x1  }
0x8a: {  	s1 =	srdreg.scid  }
0x8b: {  	s0 =	sand.u32 $0x1, s1  }
0x8c: {  	s14 =	sshll.u32 s0, $0xA;
	s2 =	sadd.s32 s3, s2  }
0x8d: {  	s2 =	sadd.s32 s2, s14  }
0x8e: {  	[smem:$0x3FBB] =	sst s2  }
0x8f: {  	_ = 	snop  }
0x90: {  	s2 =	sld [smem:$0x3FD0];
	_ =	sdelay $0x2  }
0x91: {  	s15 =	simm.s32 $0xA;
	s4 =	simm.s32 $0x10  }
0x92: {  	[smem:s4], [sflag:s15] =	dma.local [hbm:s2], $0x1  }
0x93: {  	_ =	swait.eq [sflag:s15], $0x1  }
0x94: {  	s16 =	sld [smem:$0x10];
	[sflag:s15] =	ssyncset.done $0x0  }
0x95: {  	s17 =	sld [smem:$0x11];
	[sflag:s15] =	ssyncadd.s32 $0xFFFFFFFF  }
0x96: {  	s18 =	sld [smem:$0x12];
	(tm) =	ssettm $0x1  }
0x97: {  	s5 =	sld [smem:$0x3FFB];
	_ =	sdelay $0x3  }
0x98: {  	_ =	strace s5  }
0x99: {  	s5 =	sld [smem:$0x3FFC];
	_ =	sdelay $0x3  }
0x9a: {  	_ =	strace s5  }
0x9b: {  	s5 =	sld [smem:$0x3FFD];
	_ =	sdelay $0x3  }
0x9c: {  	_ =	strace s5  }
0x9d: {  	_ =	strace $0x8FFFFFFF  }
0x9e: {  	s19 =	sld [smem:$0x3FDB];
	_ =	sdelay $0x1  }
0x9f: {  	s6 =	simm.s32 $_scs_section_size  }
0xa0: {  	s7 =	simm.s32 $_size__tile_overlayer_lowered;
	s8 =	simm.s32 $_tile_overlayer_lowered  }
0xa1: {  	s22 =	simm.s32 $0x1BFF;
	s21 =	sshll.u32 s8, $0x1;
	s5 =	sadd.s32 s6, s19  }
0xa2: {  	s9 =	simm.s32 $0x0;
	s20 =	sshll.u32 s7, $0x1;
	s7 =	sadd.s32 s21, s5  }
0xa3: {  	[timem:s9], [sflag:s22] =	dma.local [hbm:s7], s20  }
0xa4: {  	_ =	swait.ge [sflag:s22], s20  }
0xa5: {  	s6 =	ssub.s32 $0x0, s20;
	[sflag:s22] =	ssyncset.done $0x0  }
0xa6: {  	[sflag:s22] =	ssyncadd.s32 s6;
	_ =	sdelay $0x1  }
0xa7: {  	s23 =	simm.s32 $0x1B8B  }
0xa8: {  	_ =	swait.ge [sflag:s23], $0x1  }
0xa9: {  	[sflag:s23] =	ssyncset.done $0x0  }
0xaa: {  	s25 =	simm.s32 $0x1B8E;
	s24 =	sld [smem:$0x3FFE];
	[sflag:s23] =	ssyncadd.s32 $0xFFFFFFFF  }
0xab: {  	s26 =	simm.s32 $execute0_lowered;
	[smem:$0x3FD2] =	sst s25  }
0xac: {  	s7 =	sshll.u32 s26, $0x1;
	_ =	strace $0x80000046;
	[dreg:$0x1] =	wrdreg $0xFFFFFFFF  }
0xad: {  	s28 =	simm.s32 $_size_execute0_lowered;
	s5 =	sadd.s32 s5, s7;
	[dreg:$0x0] =	wrdreg $0x0  }
0xae: {  	s7 =	sshll.u32 s28, $0x1;
	[dreg:$0x2] =	wrdreg s5  }
0xaf: {  	[dreg:$0x3] =	wrdreg s7  }
0xb0: {  	[dreg:$0x4] =	wrdreg $0xC0  }
0xb1: {  	_ =	task [dreg:s9], $0x5FFFF  }
0xb2: {  	[dreg:$0x1] =	wrdreg $0xFFFFFFFF  }
0xb3: {  	[dreg:$0x0] =	wrdreg $0x60  }
0xb4: {  	[dreg:$0x2] =	wrdreg s18  }
0xb5: {  	[dreg:$0x3] =	wrdreg s24  }
0xb6: {  	[dreg:$0x4] =	wrdreg s16  }
0xb7: {  	[dreg:$0x5] =	wrdreg s17  }
0xb8: {  	[dreg:$0x6] =	wrdreg $0x130100  }
0xb9: {  	[dreg:$0x7] =	wrdreg $0x1CC500  }
0xba: {  	[dreg:$0x8] =	wrdreg $0x9  }
0xbb: {  	_ =	task.clear_ibuf [dreg:s9], $0x9FFFF;
	_ =	strace $0x90000046  }
0xbc: {  	s29 =	simm.s32 $0x9;
	_ =	strace $0x80000048  }
0xbd: {  	_ =	swait.ge [sflag:s29], $0x1  }
0xbe: {  	[sflag:s29] =	ssyncadd.s32 $0xFFFFFFFF  }
0xbf: {  	_ =	strace $0x90000048  }
0xc0: {  	_ =	sfence  }
0xc1: {  	s30 =	sld [smem:$0x0];
	_ =	sdelay $0x2  }
0xc2: {  	s31 =	sshll.u32 s1, $0xD;
	s1 =	sshrl.u32 s1, $0x2  }
0xc3: {  	s3 =	sand.u32 $0x4000, s31;
	s1 =	sadd.s32 s1, s30  }
0xc4: {  	s0 =	sor.u32 s3, s0;
	s1 =	sshll.u32 s1, $0x11  }
0xc5: {  	s0 =	sor.u32 s1, s0  }
0xc6: {  	s0 =	sadd.s32 $0x8F2B, s0  }
0xc7: {  	[sflag:s0] =	ssyncadd.remote.s32 $0x1  }
0xc8: {  	_ =	sfence.sel $0xFFFF  }
0xc9: {  	[dreg:$0x0] =	wrdreg $0xFFFFFFFF;
	(pc) =	sbr.abs _section_cstart, $3  }
0xca: {  	[dreg:$0x1] =	wrdreg $0xFFFFFFFF  }
0xcb: {  	_ =	task.clear_ibuf [dreg:s9], $0x2FFFF;
	_ =	strace $0x9FFFFFFF  }
0xcc: {  	(tm) =	ssettm $0x7FFFFFFF  }
0xcd: {  	_ =	shalt  }
tec
execute0_lowered:
.L_overlay_start_1:
0x0: {  	(tag) =	ssettag $0x1  }
0x1: {  	s2 =	rddreg [dreg:$0x1];
	s0 =	srdreg.scid  }
0x2: {  	s12 =	rddreg [dreg:$0x2];
	s11 =	stileid.u32  }
0x3: {  	s13 =	rddreg [dreg:$0x3];
	s3 =	smul.u32 $0x9C40, s11  }
0x4: {  	s25 =	simm.s32 $0x0;
	s1 =	sand.u32 $0x1, s0;
	s15 =	smul.u32 $0x9C4, s11  }
0x5: {  	[smem:$0x7FF] =	sst s25;
	s11 =	smul.u32 $0x1400, s11;
	s0 =	ssub.s32 $0x2, s1  }
0x6: {  	s14 =	sadd.s32 $0x6C00, s2;
	s16 =	smul.u32 $0x9C400, s1;
	s4 =	sshrl.u32 s0, $0x1  }
0x7: {  	s5 =	sadd.s32 $0x2800, s3;
	s6 =	sadd.s32 $0x3C00, s3;
	s7 =	sadd.s32 $0x5000, s3  }
0x8: {  	s8 =	sadd.s32 $0x6400, s3;
	s9 =	sadd.s32 $0x7800, s3;
	s10 =	sadd.s32 $0x8C00, s3  }
0x9: {  	s12 =	sadd.s32 s12, s15;
	s13 =	sadd.s32 s13, s15;
	s0 =	ssub.s32 s0, s4  }
0xa: {  	s4 =	sadd.s32 $0x1400, s3;
	[dreg:$0x8] =	wrdreg s12;
	s26 =	sadd.s32 s3, s16  }
0xb: {  	[dreg:$0x9] =	wrdreg s13;
	s15 =	sadd.s32 s16, s5;
	s18 =	sadd.s32 s16, s6  }
0xc: {  	s20 =	sadd.s32 s16, s7;
	s22 =	sadd.s32 s16, s8;
	s24 =	sadd.s32 s16, s9  }
0xd: {  	s12 =	sshrl.u32 s26, $0x3;
	s29 =	sadd.s32 s16, s4;
	s17 =	sshrl.u32 s15, $0x3  }
0xe: {  	s19 =	sshrl.u32 s18, $0x3;
	s12 =	sadd.s32 s14, s12;
	s13 =	sshrl.u32 s29, $0x3  }
0xf: {  	s21 =	sshrl.u32 s20, $0x3;
	[dreg:$0xa] =	wrdreg s12;
	s12 =	sadd.s32 s14, s13  }
0x10: {  	s13 =	sshrl.u32 s24, $0x3;
	[dreg:$0xb] =	wrdreg s12;
	s12 =	sadd.s32 s14, s17  }
0x11: {  	s23 =	sshrl.u32 s22, $0x3;
	s13 =	sadd.s32 s14, s13;
	[dreg:$0xc] =	wrdreg s12  }
0x12: {  	s29 =	smul.u32 $0x14000, s1;
	s12 =	sadd.s32 s14, s19;
	[dreg:$0x10] =	wrdreg s13  }
0x13: {  	s26 =	sadd.s32 s16, s10;
	[dreg:$0xd] =	wrdreg s12;
	s12 =	sadd.s32 s14, s21  }
0x14: {  	s18 =	sadd.s32 s11, s29;
	[dreg:$0xe] =	wrdreg s12;
	s12 =	sadd.s32 s14, s23  }
0x15: {  	s17 =	sshrl.u32 s26, $0x3;
	s13 =	sshrl.u32 s18, $0x3;
	[dreg:$0xf] =	wrdreg s12  }
0x16: {  	s12 =	sadd.s32 s14, s17;
	s14 =	sadd.s32 $0x500, s11;
	s17 =	sadd.s32 $0x1C00, s2  }
0x17: {  	[dreg:$0x11] =	wrdreg s12;
	s12 =	sor.u32 $0x280, s11;
	s18 =	sadd.s32 s29, s14  }
0x18: {  	s13 =	sadd.s32 s17, s13;
	s19 =	sadd.s32 s29, s12;
	s21 =	sshrl.u32 s18, $0x3  }
0x19: {  	[dreg:$0x12] =	wrdreg s13;
	s15 =	sshrl.u32 s19, $0x3;
	s13 =	sadd.s32 s17, s21  }
0x1a: {  	s20 =	sadd.s32 s17, s15;
	[dreg:$0x14] =	wrdreg s13  }
0x1b: {  	s13 =	sadd.s32 $0x780, s11;
	s15 =	sadd.s32 $0xA00, s11;
	[dreg:$0x13] =	wrdreg s20  }
0x1c: {  	s20 =	sadd.s32 $0xC80, s11;
	s22 =	sadd.s32 s29, s13;
	s19 =	sadd.s32 s29, s15  }
0x1d: {  	s18 =	sshrl.u32 s22, $0x3;
	s19 =	sshrl.u32 s19, $0x3;
	s21 =	sadd.s32 s29, s20  }
0x1e: {  	s22 =	sadd.s32 $0xF00, s11;
	s23 =	sadd.s32 s17, s19;
	s19 =	rddreg [dreg:$0x4]  }
0x1f: {  	s18 =	sadd.s32 s17, s18;
	s24 =	sshrl.u32 s21, $0x3;
	s21 =	rddreg [dreg:$0x5]  }
0x20: {  	s26 =	sadd.s32 s29, s22;
	[dreg:$0x15] =	wrdreg s18  }
0x21: {  	[dreg:$0x16] =	wrdreg s23;
	s18 =	sadd.s32 s17, s24;
	s23 =	sadd.s32 $0x1180, s11  }
0x22: {  	s24 =	sshrl.u32 s26, $0x3;
	[dreg:$0x17] =	wrdreg s18;
	s16 =	sadd.s32 s29, s23  }
0x23: {  	s18 =	rddreg [dreg:$0x0];
	s24 =	sadd.s32 s17, s24;
	s16 =	sshrl.u32 s16, $0x3  }
0x24: {  	[dreg:$0x18] =	wrdreg s24;
	s16 =	sadd.s32 s17, s16  }
0x25: {  	s29 =	sadd.s32 $0x1400, s2;
	[dreg:$0x19] =	wrdreg s16  }
0x26: {  	s2 =	sadd.s32 $0x1A00, s2;
	_ =	strace $0x80000047;
	[dreg:$0x1a] =	wrdreg s29  }
0x27: {  	s4 =	sadd.s32 s4, s19;
	[dreg:$0x1b] =	wrdreg s2  }
0x28: {  	s7 =	sadd.s32 s7, s19;
	[dreg:$0x1d] =	wrdreg s4  }
0x29: {  	s8 =	sadd.s32 s8, s19;
	[smem:$0x7F1] =	sst s7  }
0x2a: {  	s30 =	simm.s32 $0x2;
	s9 =	sadd.s32 s9, s19;
	[smem:$0x7F2] =	sst s8  }
0x2b: {  	s31 =	simm.s32 $0x1;
	s10 =	sadd.s32 s10, s19;
	[smem:$0x7F3] =	sst s9  }
0x2c: {  	s0 =	smax.u32 s0, $0x1;
	s12 =	sadd.s32 s12, s21;
	[smem:$0x7F4] =	sst s10  }
0x2d: {  	s28 =	sadd.s32 s3, s19;
	s14 =	sadd.s32 s14, s21;
	[smem:$0x7F5] =	sst s12  }
0x2e: {  	s5 =	sadd.s32 s5, s19;
	s16 =	sadd.s32 s13, s21;
	[smem:$0x7F6] =	sst s14  }
0x2f: {  	s6 =	sadd.s32 s6, s19;
	s17 =	sadd.s32 s15, s21;
	[smem:$0x7F7] =	sst s16  }
0x30: {  	s11 =	sadd.s32 s11, s21;
	s24 =	sadd.s32 s20, s21;
	[smem:$0x7F8] =	sst s17  }
0x31: {  	s26 =	sadd.s32 s22, s21;
	s22 =	simm.s32 $0xDC10;
	[smem:$0x7F9] =	sst s24  }
0x32: {  	s20 =	simm.s32 $0x3;
	s15 =	simm.s32 $0xA0F0;
	[smem:$0x7FA] =	sst s26  }
0x33: {  	s13 =	simm.s32 $0x4;
	s29 =	sadd.s32 s23, s21;
	[smem:$0x7FC] =	sst s0  }
0x34: {  	s12 =	simm.s32 $0xC810;
	s16 =	simm.s32 $0xC800;
	s17 =	simm.s32 $0x50  }
0x35: {  	s23 =	simm.s32 $0xF010;
	s24 =	simm.s32 $0x9F60;
	[dreg:$0x1c] =	wrdreg s28  }
0x36: {  	s26 =	simm.s32 $0x9FB0;
	s0 =	simm.s32 $0xA000;
	[dreg:$0x1e] =	wrdreg s5  }
0x37: {  	s4 =	simm.s32 $0xA050;
	s7 =	simm.s32 $0x9EC0;
	[dreg:$0x1f] =	wrdreg s6  }
0x38: {  	s8 =	simm.s32 $0xA0A0;
	s9 =	simm.s32 $0x9D80;
	[smem:$0x7FD] =	sst s11  }
0x39: {  	v1 =	vimm.f32 $0.0e+00;
	v0 =	vmov s1;
	s10 =	simm.s32 $0x11810;
	s14 =	simm.s32 $0x9F10;
	[smem:$0x7FB] =	sst s29  }
.LBB2_1:
0x3a: {  	s1 =	simm.s32 $0x0  }
.LBB2_2:
0x3b: {  	p0 =	sne.s32 s1, $0x4F00  }
.Ltmp0:
0x3c: {  	s2 =	sshra.s32 s1, $0x2;
	(pc) =	sbr.rel @p0 .LBB2_2-.Ltmp0, $4  }
0x3d: {  	[tilespmem:s2+$0xC810] =	vst v1  }
0x3e: {  	[tilespmem:s2+$0xC820] =	vst v1  }
0x3f: {  	[tilespmem:s2+$0xC830] =	vst v1  }
0x40: {  	s1 =	sadd.s32 $0x100, s1;
	[tilespmem:s2+$0xC840] =	vst v1  }
0x41: {  	s1 =	simm.s32 $0x40;
	s2 =	simm.s32 $0x0  }
.LBB2_4:
0x42: {  	p0 =	sne.s32 s1, $0xFC0;
	[tilespmem:s2+$0x12C10] =	vst v1;
	s2 =	smov.u32 s1;
	s1 =	sadd.s32 $0x40, s1  }
.Ltmp1:
0x43: {  	(pc) =	sbr.rel @p0 .LBB2_4-.Ltmp1, $2  }
0x44: {  	_ =	sdelay $0x2  }
0x45: {  	s2 =	sshra.s32 s2, $0x2  }
0x46: {  	[dreg:$0x7] =	wrdreg s25;
	[tilespmem:s2+$0x12C10] =	vst v1  }
0x47: {  	[spmem:s28] =	stream.linear.scatter [tilespmem:s12], [sflag:$0x4], $0x1400, $0x38;
	[tilespmem:$0x1E050] =	vst v63  }
0x48: {  	_ =	swait.ge [sflag:s13], $0x1400  }
0x49: {  	[sflag:s13] =	ssyncset.done $0x0  }
0x4a: {  	s1 =	rddreg [dreg:$0x1d];
	[sflag:s13] =	ssyncadd.s32 $0xFFFFEC00  }
0x4b: {  	[spmem:s1] =	stream.linear.scatter [tilespmem:s12], [sflag:$0x4], $0x1400, $0x38;
	[tilespmem:$0x1E050] =	vst v63  }
0x4c: {  	_ =	swait.ge [sflag:s13], $0x1400  }
0x4d: {  	[sflag:s13] =	ssyncset.done $0x0  }
0x4e: {  	[sflag:s13] =	ssyncadd.s32 $0xFFFFEC00  }
0x4f: {  	[spmem:s5] =	stream.linear.scatter [tilespmem:s12], [sflag:$0x4], $0x1400, $0x38;
	[tilespmem:$0x1E050] =	vst v63  }
0x50: {  	_ =	swait.ge [sflag:s13], $0x1400  }
0x51: {  	[sflag:s13] =	ssyncset.done $0x0  }
0x52: {  	[sflag:s13] =	ssyncadd.s32 $0xFFFFEC00  }
0x53: {  	[spmem:s6] =	stream.linear.scatter [tilespmem:s12], [sflag:$0x4], $0x1400, $0x38;
	[tilespmem:$0x1E050] =	vst v63  }
0x54: {  	_ =	swait.ge [sflag:s13], $0x1400  }
0x55: {  	s29 =	sld [smem:$0x7F1]  }
0x56: {  	[sflag:s13] =	ssyncset.done $0x0  }
0x57: {  	[sflag:s13] =	ssyncadd.s32 $0xFFFFEC00  }
0x58: {  	[spmem:s29] =	stream.linear.scatter [tilespmem:s12], [sflag:$0x4], $0x1400, $0x38;
	[tilespmem:$0x1E050] =	vst v63  }
0x59: {  	_ =	swait.ge [sflag:s13], $0x1400  }
0x5a: {  	s2 =	sld [smem:$0x7F2]  }
0x5b: {  	[sflag:s13] =	ssyncset.done $0x0  }
0x5c: {  	[sflag:s13] =	ssyncadd.s32 $0xFFFFEC00  }
0x5d: {  	[spmem:s2] =	stream.linear.scatter [tilespmem:s12], [sflag:$0x4], $0x1400, $0x38;
	[tilespmem:$0x1E050] =	vst v63  }
0x5e: {  	_ =	swait.ge [sflag:s13], $0x1400  }
0x5f: {  	s3 =	sld [smem:$0x7F3]  }
0x60: {  	[sflag:s13] =	ssyncset.done $0x0  }
0x61: {  	[sflag:s13] =	ssyncadd.s32 $0xFFFFEC00  }
0x62: {  	[spmem:s3] =	stream.linear.scatter [tilespmem:s12], [sflag:$0x4], $0x1400, $0x38;
	[tilespmem:$0x1E050] =	vst v63  }
0x63: {  	_ =	swait.ge [sflag:s13], $0x1400  }
0x64: {  	s5 =	sld [smem:$0x7F4]  }
0x65: {  	[sflag:s13] =	ssyncset.done $0x0  }
0x66: {  	[sflag:s13] =	ssyncadd.s32 $0xFFFFEC00  }
0x67: {  	[spmem:s5] =	stream.linear.scatter [tilespmem:s12], [sflag:$0x4], $0x1040, $0x38;
	[tilespmem:$0x1E050] =	vst v63  }
0x68: {  	_ =	swait.ge [sflag:s13], $0x1040  }
0x69: {  	[sflag:s13] =	ssyncset.done $0x0  }
0x6a: {  	s2 =	simm.s32 $0x12C10;
	[sflag:s13] =	ssyncadd.s32 $0xFFFFEFC0  }
0x6b: {  	[spmem:s11] =	stream.linear.scatter [tilespmem:s2], [sflag:$0x4], $0x280, $0x38;
	[tilespmem:$0x1E050] =	vst v63  }
0x6c: {  	_ =	swait.ge [sflag:s13], $0x280  }
0x6d: {  	s6 =	sld [smem:$0x7F5]  }
0x6e: {  	[sflag:s13] =	ssyncset.done $0x0  }
0x6f: {  	[sflag:s13] =	ssyncadd.s32 $0xFFFFFD80  }
0x70: {  	[spmem:s6] =	stream.linear.scatter [tilespmem:s2], [sflag:$0x4], $0x280, $0x38;
	[tilespmem:$0x1E050] =	vst v63  }
0x71: {  	_ =	swait.ge [sflag:s13], $0x280  }
0x72: {  	s11 =	sld [smem:$0x7F6]  }
0x73: {  	[sflag:s13] =	ssyncset.done $0x0  }
0x74: {  	[sflag:s13] =	ssyncadd.s32 $0xFFFFFD80  }
0x75: {  	[spmem:s11] =	stream.linear.scatter [tilespmem:s2], [sflag:$0x4], $0x280, $0x38;
	[tilespmem:$0x1E050] =	vst v63  }
0x76: {  	_ =	swait.ge [sflag:s13], $0x280  }
0x77: {  	s25 =	sld [smem:$0x7F7]  }
0x78: {  	[sflag:s13] =	ssyncset.done $0x0  }
0x79: {  	[sflag:s13] =	ssyncadd.s32 $0xFFFFFD80  }
0x7a: {  	[spmem:s25] =	stream.linear.scatter [tilespmem:s2], [sflag:$0x4], $0x280, $0x38;
	[tilespmem:$0x1E050] =	vst v63  }
0x7b: {  	_ =	swait.ge [sflag:s13], $0x280  }
0x7c: {  	s28 =	sld [smem:$0x7F8]  }
0x7d: {  	[sflag:s13] =	ssyncset.done $0x0  }
0x7e: {  	[sflag:s13] =	ssyncadd.s32 $0xFFFFFD80  }
0x7f: {  	[spmem:s28] =	stream.linear.scatter [tilespmem:s2], [sflag:$0x4], $0x280, $0x38;
	[tilespmem:$0x1E050] =	vst v63  }
0x80: {  	_ =	swait.ge [sflag:s13], $0x280  }
0x81: {  	s29 =	sld [smem:$0x7F9]  }
0x82: {  	[sflag:s13] =	ssyncset.done $0x0  }
0x83: {  	[sflag:s13] =	ssyncadd.s32 $0xFFFFFD80  }
0x84: {  	[spmem:s29] =	stream.linear.scatter [tilespmem:s2], [sflag:$0x4], $0x280, $0x38;
	[tilespmem:$0x1E050] =	vst v63  }
0x85: {  	_ =	swait.ge [sflag:s13], $0x280  }
0x86: {  	s3 =	sld [smem:$0x7FA]  }
0x87: {  	[sflag:s13] =	ssyncset.done $0x0  }
0x88: {  	[sflag:s13] =	ssyncadd.s32 $0xFFFFFD80  }
0x89: {  	[spmem:s3] =	stream.linear.scatter [tilespmem:s2], [sflag:$0x4], $0x280, $0x38;
	[tilespmem:$0x1E050] =	vst v63  }
0x8a: {  	_ =	swait.ge [sflag:s13], $0x280  }
0x8b: {  	s5 =	sld [smem:$0x7FB]  }
0x8c: {  	[sflag:s13] =	ssyncset.done $0x0  }
0x8d: {  	[sflag:s13] =	ssyncadd.s32 $0xFFFFFD80  }
0x8e: {  	[spmem:s5] =	stream.linear.scatter [tilespmem:s2], [sflag:$0x4], $0x280, $0x38;
	[tilespmem:$0x1E050] =	vst v63  }
0x8f: {  	_ =	swait.ge [sflag:s13], $0x280  }
0x90: {  	[sflag:s13] =	ssyncset.done $0x0  }
0x91: {  	s6 =	simm.s32 $0x0;
	s11 =	rddreg [dreg:$0x8];
	[sflag:s13] =	ssyncadd.s32 $0xFFFFFD80  }
0x92: {  	[tilespmem:s6], [sflag:$0x4] =	stream.linear.gather [hbm4b:s11+s6], $0x4E20, $0x38;
	[tilespmem:$0x1E050] =	vst v63  }
0x93: {  	_ =	swait.ge [sflag:s13], $0x4E20  }
0x94: {  	[sflag:s13] =	ssyncset.done $0x0  }
0x95: {  	s3 =	simm.s32 $0x4E20;
	s25 =	rddreg [dreg:$0x9];
	[sflag:s13] =	ssyncadd.s32 $0xFFFFB1E0  }
0x96: {  	[tilespmem:s3], [sflag:$0x4] =	stream.linear.gather [hbm4b:s25+s6], $0x4E20, $0x38;
	[tilespmem:$0x1E050] =	vst v63  }
0x97: {  	_ =	swait.ge [sflag:s13], $0x4E20  }
0x98: {  	[sflag:s13] =	ssyncset.done $0x0  }
0x99: {  	s28 =	rddreg [dreg:$0x1a];
	[sflag:s13] =	ssyncadd.s32 $0xFFFFB1E0  }
0x9a: {  	[tilespmem:s15], [sflag:$0x4] =	stream.linear.gather [hbm4b:s28+s6], $0x2710, $0x38;
	[tilespmem:$0x1E050] =	vst v63  }
0x9b: {  	_ =	swait.ge [sflag:s13], $0x2710  }
0x9c: {  	[sflag:s13] =	ssyncset.done $0x0  }
0x9d: {  	s29 =	rddreg [dreg:$0x1b];
	[sflag:s13] =	ssyncadd.s32 $0xFFFFD8F0  }
0x9e: {  	[tilespmem:s16], [sflag:$0x4] =	stream.linear.gather [hbm4b:s29+s6], $0x10, $0x38;
	[tilespmem:$0x1E050] =	vst v63  }
0x9f: {  	_ =	swait.ge [sflag:s13], $0x10  }
0xa0: {  	[sflag:s13] =	ssyncset.done $0x0  }
0xa1: {  	[sflag:s13] =	ssyncadd.s32 $0xFFFFFFF0  }
0xa2: {  	s1 =	simm.s32 $0x0;
	[bflag:$0x0] =	sbarrier.arrive $0xFFFF  }
0xa3: {  	v4 =	vld [tilespmem:s1+$0x0]  }
0xa4: {  	v5 =	vld [tilespmem:s1+$0x10]  }
0xa5: {  	v3 =	vld [tilespmem:s1+$0x20]  }
0xa6: {  	s2 =	simm.s32 $0x140;
	v2 =	vld [tilespmem:s1+$0x30]  }
.LBB2_6:
0xa7: {  	p0 =	sne.s32 s2, $0x13740;
	v6 =	vld [tilespmem:s1+$0x40]  }
0xa8: {  	v4 =	vshll.u32 v4, $0x1  }
0xa9: {  	v4 =	vor.u32 v0, v4;
	v5 =	vshll.u32 v5, $0x1  }
.Ltmp2:
0xaa: {  	s3 =	sshra.s32 s2, $0x2;
	[tilespmem:s1+$0x0] =	vst v4;
	v5 =	vor.u32 v0, v5;
	v3 =	vshll.u32 v3, $0x1;
	(pc) =	sbr.rel @p0 .LBB2_6-.Ltmp2, $4  }
0xab: {  	v4 =	vld [tilespmem:s3+$0x0];
	[tilespmem:s1+$0x10] =	vst v5;
	v3 =	vor.u32 v0, v3;
	v2 =	vshll.u32 v2, $0x1  }
0xac: {  	v5 =	vld [tilespmem:s3+$0x10];
	[tilespmem:s1+$0x20] =	vst v3;
	v2 =	vor.u32 v0, v2;
	v6 =	vshll.u32 v6, $0x1  }
0xad: {  	v3 =	vld [tilespmem:s3+$0x20];
	[tilespmem:s1+$0x30] =	vst v2;
	v6 =	vor.u32 v0, v6  }
0xae: {  	s2 =	sadd.s32 $0x140, s2;
	v2 =	vld [tilespmem:s3+$0x30];
	[tilespmem:s1+$0x40] =	vst v6;
	s1 =	smov.u32 s3  }
0xaf: {  	v6 =	vld [tilespmem:s1+$0x40]  }
0xb0: {  	v4 =	vshll.u32 v4, $0x1  }
0xb1: {  	v4 =	vor.u32 v0, v4;
	v5 =	vshll.u32 v5, $0x1  }
0xb2: {  	[tilespmem:s1+$0x0] =	vst v4;
	v63 =	vor.u32 v0, v5;
	v3 =	vshll.u32 v3, $0x1  }
0xb3: {  	[tilespmem:s1+$0x10] =	vst v63;
	v3 =	vor.u32 v0, v3;
	v2 =	vshll.u32 v2, $0x1  }
0xb4: {  	[tilespmem:s1+$0x20] =	vst v3;
	v2 =	vor.u32 v0, v2;
	v3 =	vshll.u32 v6, $0x1  }
0xb5: {  	[tilespmem:s1+$0x30] =	vst v2;
	v2 =	vor.u32 v0, v3  }
0xb6: {  	[tilespmem:s1+$0x40] =	vst v2;
	s1 =	simm.s32 $0x0  }
0xb7: {  	[tilespmem:s12], [sflag:$0x1] =	stream.indirect.gather [hbm4b:s18+s17], $0x40, s1, s17, $0xb8;
	[tilespmem:$0x1E050] =	vst v63  }
0xb8: {  	_ = 	snop  }
0xb9: {  	[tilespmem:s22], [sflag:$0x1] =	stream.indirect.gather [hbm4b:s18+s17], $0x40, s17, s17, $0xb8;
	[tilespmem:$0x1E050] =	vst v63  }
0xba: {  	s2 =	simm.s32 $0xA0;
	s25 =	simm.s32 $0x0  }
0xbb: {  	[tilespmem:s23], [sflag:$0x1] =	stream.indirect.gather [hbm4b:s18+s17], $0x40, s2, s17, $0xb8;
	[tilespmem:$0x1E050] =	vst v63  }
.LBB2_8:
0xbc: {  	s28 =	smul.u32 $0x5, s25;
	_ =	sdelay $0x1  }
0xbd: {  	p0 =	seq.s32 s25, $0x0;
	s11 =	sadd.s32 $0x3, s28  }
0xbe: {  	s2 =	smul.u32 @p0 $0x140, s11;
	_ =	sdelay $0x1  }
0xbf: {  	s3 =	simm.s32 @p0 $0x50;
	s5 =	simm.s32 @p0 $0x10410;
	s2 =	sshra.s32 @p0 s2, $0x2  }
0xc0: {  	[tilespmem:s5], [sflag:$0x1] =	stream.indirect.gather @p0 [hbm4b:s18+s3], $0x40, s2, s3, $0xb8;
	[tilespmem:$0x1E050] =	vst v63  }
0xc1: {  	s2 =	simm.s32 @p0 $0x1  }
0xc2: {  	_ =	swait.ge @p0 [sflag:s2], $0x1400  }
0xc3: {  	[sflag:s2] =	ssyncset.done @p0 $0x0  }
0xc4: {  	[sflag:s2] =	ssyncadd.s32 @p0 $0xFFFFEC00;
	s2 =	simm.s32 @!p0 $0x2  }
0xc5: {  	s3 =	smul.u32 @!p0 $0x140, s11;
	_ =	swait.ge @!p0 [sflag:s2], $0x1400  }
0xc6: {  	s5 =	simm.s32 @!p0 $0x10410;
	[sflag:s2] =	ssyncset.done @!p0 $0x0  }
0xc7: {  	[sflag:s2] =	ssyncadd.s32 @!p0 $0xFFFFEC00;
	s2 =	sshra.s32 @!p0 s3, $0x2;
	s3 =	simm.s32 @!p0 $0x50  }
0xc8: {  	[tilespmem:s5], [sflag:$0x1] =	stream.indirect.gather @!p0 [hbm4b:s18+s3], $0x40, s2, s3, $0xb8;
	[tilespmem:$0x1E050] =	vst v63  }
0xc9: {  	s2 =	simm.s32 @!p0 $0x1  }
0xca: {  	_ =	swait.ge @!p0 [sflag:s2], $0x1400  }
0xcb: {  	[sflag:s2] =	ssyncset.done @!p0 $0x0  }
0xcc: {  	[sflag:s2] =	ssyncadd.s32 @!p0 $0xFFFFEC00;
	s2 =	simm.s32 @!p0 $0x3  }
0xcd: {  	_ =	swait.ge @!p0 [sflag:s2], $0x50  }
0xce: {  	s29 =	smul.u32 $0x190, s25;
	[sflag:s2] =	ssyncset.done @!p0 $0x0  }
0xcf: {  	[sflag:s2] =	ssyncadd.s32 @!p0 $0xFFFFFFB0  }
0xd0: {  	v2 =	vld [tilespmem:s29+$0x0]  }
0xd1: {  	v3 =	vld [tilespmem:s29+$0x4E20];
	_ =	sdelay $0x3  }
0xd2: {  	v2 =	vshrl.u32 v2, $0x1  }
0xd3: {  	v4 =	vand.u32 $0xF, v3;
	_ =	sdelay $0x3  }
0xd4: {  	v2 =	vld.idx.msk [tilespmem:v2+s15+$0x0], $0xffff  }
0xd5: {  	v4 =	vld.idx.msk [tilespmem:v4+s16+$0x0], $0xffff;
	_ =	sdelay $0x4  }
0xd6: {  	v2 =	vadd.f32 v4, v2;
	_ =	sdelay $0x1  }
0xd7: {  	v4 =	vmul.f32 $2.000000030e-01, v2;
	_ =	sdelay $0x1  }
0xd8: {  	v2 =	vmax.f32 v2, v4  }
0xd9: {  	v2 =	vmul.f32 $1.442695020e+00, v2;
	_ =	sdelay $0x1  }
0xda: {  	(erf) = vpow2.f32 v2;
	_ =	sdelay $0x4  }
0xdb: {  	v4 =	vshrl.u32 v3, $0x3;
	v2 =	vshrl.u32 v3, $0x4  }
0xdc: {  	v4 =	vand.u32 $0x1, v4;
	v3 =	vand.u32 $0x7, v3;
	v6 =	vshll.u32 v2, $0x3  }
0xdd: {  	vm0 =	veq.s32 v4, v0;
	v3 =	vor.u32 v3, v6  }
0xde: {  	[tilespmem:$0x9C40] =	vst v2;
	v2 =	vnsel vm0, $0x13880, v3  }
0xdf: {  	[tilespmem:$0x9DD0] =	vst v2;
	v5 =	vpop (erf)  }
0xe0: {  	[tilespmem:$0x9F60] =	vst v5  }
0xe1: {  	v2 =	vld [tilespmem:s29+$0x10]  }
0xe2: {  	v3 =	vld [tilespmem:s29+$0x4E30];
	_ =	sdelay $0x3  }
0xe3: {  	v2 =	vshrl.u32 v2, $0x1  }
0xe4: {  	v4 =	vand.u32 $0xF, v3;
	_ =	sdelay $0x3  }
0xe5: {  	v2 =	vld.idx.msk [tilespmem:v2+s15+$0x0], $0xffff  }
0xe6: {  	v4 =	vld.idx.msk [tilespmem:v4+s16+$0x0], $0xffff;
	_ =	sdelay $0x4  }
0xe7: {  	v2 =	vadd.f32 v4, v2;
	_ =	sdelay $0x1  }
0xe8: {  	v4 =	vmul.f32 $2.000000030e-01, v2;
	_ =	sdelay $0x1  }
0xe9: {  	v2 =	vmax.f32 v2, v4  }
0xea: {  	v2 =	vmul.f32 $1.442695020e+00, v2;
	_ =	sdelay $0x1  }
0xeb: {  	(erf) = vpow2.f32 v2;
	_ =	sdelay $0x4  }
0xec: {  	v4 =	vshrl.u32 v3, $0x3;
	v2 =	vshrl.u32 v3, $0x4  }
0xed: {  	v4 =	vand.u32 $0x1, v4;
	v3 =	vand.u32 $0x7, v3;
	v6 =	vshll.u32 v2, $0x3  }
0xee: {  	vm12 =	veq.s32 v4, v0;
	v3 =	vor.u32 v3, v6  }
0xef: {  	[tilespmem:$0x9C50] =	vst v2;
	v2 =	vnsel vm12, $0x13880, v3  }
0xf0: {  	[tilespmem:$0x9DE0] =	vst v2;
	v5 =	vpop (erf)  }
0xf1: {  	[tilespmem:$0x9F70] =	vst v5  }
0xf2: {  	v2 =	vld [tilespmem:s29+$0x20]  }
0xf3: {  	v3 =	vld [tilespmem:s29+$0x4E40];
	_ =	sdelay $0x3  }
0xf4: {  	v2 =	vshrl.u32 v2, $0x1  }
0xf5: {  	v4 =	vand.u32 $0xF, v3;
	_ =	sdelay $0x3  }
0xf6: {  	v2 =	vld.idx.msk [tilespmem:v2+s15+$0x0], $0xffff  }
0xf7: {  	v4 =	vld.idx.msk [tilespmem:v4+s16+$0x0], $0xffff;
	_ =	sdelay $0x4  }
0xf8: {  	v2 =	vadd.f32 v4, v2;
	_ =	sdelay $0x1  }
0xf9: {  	v4 =	vmul.f32 $2.000000030e-01, v2;
	_ =	sdelay $0x1  }
0xfa: {  	v2 =	vmax.f32 v2, v4  }
0xfb: {  	v2 =	vmul.f32 $1.442695020e+00, v2;
	_ =	sdelay $0x1  }
0xfc: {  	(erf) = vpow2.f32 v2;
	_ =	sdelay $0x4  }
0xfd: {  	v4 =	vshrl.u32 v3, $0x3;
	v2 =	vshrl.u32 v3, $0x4  }
0xfe: {  	v4 =	vand.u32 $0x1, v4;
	v3 =	vand.u32 $0x7, v3;
	v6 =	vshll.u32 v2, $0x3  }
0xff: {  	vm13 =	veq.s32 v4, v0;
	v3 =	vor.u32 v3, v6  }
0x100: {  	[tilespmem:$0x9C60] =	vst v2;
	v2 =	vnsel vm13, $0x13880, v3  }
0x101: {  	[tilespmem:$0x9DF0] =	vst v2;
	v5 =	vpop (erf)  }
0x102: {  	[tilespmem:$0x9F80] =	vst v5  }
0x103: {  	v2 =	vld [tilespmem:s29+$0x30]  }
0x104: {  	v3 =	vld [tilespmem:s29+$0x4E50];
	_ =	sdelay $0x3  }
0x105: {  	v2 =	vshrl.u32 v2, $0x1  }
0x106: {  	v4 =	vand.u32 $0xF, v3;
	_ =	sdelay $0x3  }
0x107: {  	v2 =	vld.idx.msk [tilespmem:v2+s15+$0x0], $0xffff  }
0x108: {  	v4 =	vld.idx.msk [tilespmem:v4+s16+$0x0], $0xffff;
	_ =	sdelay $0x4  }
0x109: {  	v2 =	vadd.f32 v4, v2;
	_ =	sdelay $0x1  }
0x10a: {  	v4 =	vmul.f32 $2.000000030e-01, v2;
	_ =	sdelay $0x1  }
0x10b: {  	v2 =	vmax.f32 v2, v4  }
0x10c: {  	v2 =	vmul.f32 $1.442695020e+00, v2;
	_ =	sdelay $0x1  }
0x10d: {  	(erf) = vpow2.f32 v2;
	_ =	sdelay $0x4  }
0x10e: {  	v4 =	vshrl.u32 v3, $0x3;
	v2 =	vshrl.u32 v3, $0x4  }
0x10f: {  	v4 =	vand.u32 $0x1, v4;
	v3 =	vand.u32 $0x7, v3;
	v6 =	vshll.u32 v2, $0x3  }
0x110: {  	vm14 =	veq.s32 v4, v0;
	v3 =	vor.u32 v3, v6  }
0x111: {  	[tilespmem:$0x9C70] =	vst v2;
	v2 =	vnsel vm14, $0x13880, v3  }
0x112: {  	[tilespmem:$0x9E00] =	vst v2;
	v5 =	vpop (erf)  }
0x113: {  	[tilespmem:$0x9F90] =	vst v5  }
0x114: {  	v2 =	vld [tilespmem:s29+$0x40]  }
0x115: {  	v3 =	vld [tilespmem:s29+$0x4E60];
	_ =	sdelay $0x3  }
0x116: {  	v2 =	vshrl.u32 v2, $0x1  }
0x117: {  	v4 =	vand.u32 $0xF, v3;
	_ =	sdelay $0x3  }
0x118: {  	v2 =	vld.idx.msk [tilespmem:v2+s15+$0x0], $0xffff  }
0x119: {  	v4 =	vld.idx.msk [tilespmem:v4+s16+$0x0], $0xffff;
	_ =	sdelay $0x4  }
0x11a: {  	v2 =	vadd.f32 v4, v2;
	_ =	sdelay $0x1  }
0x11b: {  	v4 =	vmul.f32 $2.000000030e-01, v2;
	_ =	sdelay $0x1  }
0x11c: {  	v2 =	vmax.f32 v2, v4  }
0x11d: {  	v2 =	vmul.f32 $1.442695020e+00, v2;
	_ =	sdelay $0x1  }
0x11e: {  	(erf) = vpow2.f32 v2;
	_ =	sdelay $0x4  }
0x11f: {  	v4 =	vshrl.u32 v3, $0x3;
	v2 =	vshrl.u32 v3, $0x4  }
0x120: {  	v4 =	vand.u32 $0x1, v4;
	v3 =	vand.u32 $0x7, v3;
	v6 =	vshll.u32 v2, $0x3  }
0x121: {  	vm15 =	veq.s32 v4, v0;
	v3 =	vor.u32 v3, v6  }
0x122: {  	v4 =	vmov s1;
	[tilespmem:$0x9C80] =	vst v2;
	v2 =	vnsel vm15, $0x13880, v3  }
0x123: {  	[tilespmem:$0x9E10] =	vst v2;
	v5 =	vpop (erf)  }
0x124: {  	s2 =	simm.s32 $0xC830;
	[tilespmem:$0x9FA0] =	vst v5  }
0x125: {  	v5 =	vld [tilespmem:s2+$0xFFFFFFF0]  }
0x126: {  	v2 =	vld [tilespmem:s2+$0x10]  }
0x127: {  	v4 =	vld.idx.msk [tilespmem:v4+s24+$0x0], $0xffff  }
0x128: {  	v3 =	vld [tilespmem:s2+$0xFFFFFFE0]  }
0x129: {  	v7 =	vld [tilespmem:s2+$0x0];
	_ =	sdelay $0x3  }
0x12a: {  	s6 =	simm.s32 $0x1;
	v3 =	vmul.f32 v3, v4;
	v6 =	vmul.f32 v2, v4  }
0x12b: {  	s3 =	simm.s32 $0x2;
	s5 =	simm.s32 $0xC830;
	v2 =	vmov s6;
	v5 =	vmul.f32 v5, v4;
	v4 =	vmul.f32 v7, v4  }
.LBB2_9:
0x12c: {  	p1 =	sne.s32 s3, $0x4F  }
0x12d: {  	[tilespmem:s2+$0x10] =	vst v6;
	s5 =	sadd.s32 $0x40, s5;
	s6 =	smov.u32 s3;
	s3 =	sadd.s32 $0x1, s3  }
0x12e: {  	[tilespmem:s2+$0xFFFFFFE0] =	vst v3  }
0x12f: {  	v7 =	vld [tilespmem:s5+$0xFFFFFFF0];
	[tilespmem:s2+$0xFFFFFFF0] =	vst v5  }
0x130: {  	v5 =	vld [tilespmem:s5+$0x10];
	[tilespmem:s2+$0x0] =	vst v4;
	s2 =	smov.u32 s5  }
0x131: {  	v4 =	vld.idx.msk [tilespmem:v2+s24+$0x0], $0xffff  }
0x132: {  	v2 =	vld [tilespmem:s5+$0xFFFFFFE0]  }
0x133: {  	v8 =	vld [tilespmem:s5+$0x0]  }
.Ltmp3:
0x134: {  	(pc) =	sbr.rel @p1 .LBB2_9-.Ltmp3, $3  }
0x135: {  	_ =	sdelay $0x1  }
0x136: {  	v6 =	vmul.f32 v5, v4;
	v3 =	vmul.f32 v2, v4  }
0x137: {  	v5 =	vmul.f32 v7, v4;
	v2 =	vmov s6;
	v4 =	vmul.f32 v8, v4  }
0x138: {  	[tilespmem:s2+$0x10] =	vst v6  }
0x139: {  	s3 =	sadd.s32 $0x40, s5;
	[tilespmem:s2+$0xFFFFFFE0] =	vst v3  }
0x13a: {  	v3 =	vld [tilespmem:s3+$0xFFFFFFF0];
	[tilespmem:s2+$0xFFFFFFF0] =	vst v5  }
0x13b: {  	v5 =	vld [tilespmem:s3+$0x10];
	[tilespmem:s2+$0x0] =	vst v4  }
0x13c: {  	v2 =	vld.idx.msk [tilespmem:v2+s24+$0x0], $0xffff  }
0x13d: {  	v4 =	vld [tilespmem:s3+$0xFFFFFFE0];
	_ =	sdelay $0x1  }
0x13e: {  	v6 =	vld [tilespmem:s3+$0x0];
	_ =	sdelay $0x1  }
0x13f: {  	v5 =	vmul.f32 v5, v2  }
0x140: {  	v4 =	vmul.f32 v4, v2  }
0x141: {  	v3 =	vmul.f32 v3, v2;
	[tilespmem:s3+$0x10] =	vst v5  }
0x142: {  	v2 =	vmul.f32 v6, v2;
	[tilespmem:s3+$0xFFFFFFE0] =	vst v4  }
0x143: {  	[tilespmem:s3+$0xFFFFFFF0] =	vst v3  }
0x144: {  	s5 =	simm.s32 $0x9C40;
	s28 =	sadd.s32 $0x4, s28;
	[tilespmem:s3+$0x0] =	vst v2  }
0x145: {  	[spmem:s19] =	stream.indirect.scatter.add.f32 [tilespmem:s12], [sflag:$0x2], $0x40, s5, s17, $0xb8;
	[tilespmem:$0x1E050] =	vst v63  }
0x146: {  	s6 =	simm.s32 $0x9DD0;
	s2 =	smul.u32 @p0 $0x140, s28  }
0x147: {  	[spmem:s21] =	stream.indirect.scatter.add.f32 [tilespmem:s24], [sflag:$0x3], $0x1, s6, s17, $0xb8;
	[tilespmem:$0x1E050] =	vst v63  }
0x148: {  	s2 =	sshra.s32 @p0 s2, $0x2;
	s3 =	simm.s32 @p0 $0x50;
	s5 =	simm.s32 @p0 $0x11810  }
0x149: {  	[tilespmem:s5], [sflag:$0x1] =	stream.indirect.gather @p0 [hbm4b:s18+s3], $0x40, s2, s3, $0xb8;
	[tilespmem:$0x1E050] =	vst v63  }
0x14a: {  	s2 =	simm.s32 @p0 $0x1  }
0x14b: {  	_ =	swait.ge @p0 [sflag:s2], $0x1400  }
0x14c: {  	[sflag:s2] =	ssyncset.done @p0 $0x0  }
0x14d: {  	[sflag:s2] =	ssyncadd.s32 @p0 $0xFFFFEC00;
	s2 =	simm.s32 @!p0 $0x2  }
0x14e: {  	s3 =	smul.u32 @!p0 $0x140, s28;
	_ =	swait.ge @!p0 [sflag:s2], $0x1400  }
0x14f: {  	s5 =	simm.s32 @!p0 $0x11810;
	[sflag:s2] =	ssyncset.done @!p0 $0x0  }
0x150: {  	[sflag:s2] =	ssyncadd.s32 @!p0 $0xFFFFEC00;
	s2 =	sshra.s32 @!p0 s3, $0x2;
	s3 =	simm.s32 @!p0 $0x50  }
0x151: {  	[tilespmem:s5], [sflag:$0x1] =	stream.indirect.gather @!p0 [hbm4b:s18+s3], $0x40, s2, s3, $0xb8;
	[tilespmem:$0x1E050] =	vst v63  }
0x152: {  	s2 =	simm.s32 @!p0 $0x1  }
0x153: {  	_ =	swait.ge @!p0 [sflag:s2], $0x1400  }
0x154: {  	[sflag:s2] =	ssyncset.done @!p0 $0x0  }
0x155: {  	[sflag:s2] =	ssyncadd.s32 @!p0 $0xFFFFEC00;
	s2 =	simm.s32 @!p0 $0x3  }
0x156: {  	_ =	swait.ge @!p0 [sflag:s2], $0x50  }
0x157: {  	[sflag:s2] =	ssyncset.done @!p0 $0x0  }
0x158: {  	[sflag:s2] =	ssyncadd.s32 @!p0 $0xFFFFFFB0  }
0x159: {  	v2 =	vld [tilespmem:s29+$0x50]  }
0x15a: {  	v3 =	vld [tilespmem:s29+$0x4E70];
	_ =	sdelay $0x3  }
0x15b: {  	v2 =	vshrl.u32 v2, $0x1  }
0x15c: {  	v4 =	vand.u32 $0xF, v3;
	_ =	sdelay $0x3  }
0x15d: {  	v2 =	vld.idx.msk [tilespmem:v2+s15+$0x0], $0xffff  }
0x15e: {  	v4 =	vld.idx.msk [tilespmem:v4+s16+$0x0], $0xffff;
	_ =	sdelay $0x4  }
0x15f: {  	v2 =	vadd.f32 v4, v2;
	_ =	sdelay $0x1  }
0x160: {  	v4 =	vmul.f32 $2.000000030e-01, v2;
	_ =	sdelay $0x1  }
0x161: {  	v2 =	vmax.f32 v2, v4  }
0x162: {  	v2 =	vmul.f32 $1.442695020e+00, v2;
	_ =	sdelay $0x1  }
0x163: {  	(erf) = vpow2.f32 v2;
	_ =	sdelay $0x4  }
0x164: {  	v4 =	vshrl.u32 v3, $0x3;
	v2 =	vshrl.u32 v3, $0x4  }
0x165: {  	v4 =	vand.u32 $0x1, v4;
	v3 =	vand.u32 $0x7, v3;
	v6 =	vshll.u32 v2, $0x3  }
0x166: {  	vm0 =	veq.s32 v4, v0;
	v3 =	vor.u32 v3, v6  }
0x167: {  	[tilespmem:$0x9C90] =	vst v2;
	v2 =	vnsel vm0, $0x13880, v3  }
0x168: {  	[tilespmem:$0x9E20] =	vst v2;
	v5 =	vpop (erf)  }
0x169: {  	[tilespmem:$0x9FB0] =	vst v5  }
0x16a: {  	v2 =	vld [tilespmem:s29+$0x60]  }
0x16b: {  	v3 =	vld [tilespmem:s29+$0x4E80];
	_ =	sdelay $0x3  }
0x16c: {  	v2 =	vshrl.u32 v2, $0x1  }
0x16d: {  	v4 =	vand.u32 $0xF, v3;
	_ =	sdelay $0x3  }
0x16e: {  	v2 =	vld.idx.msk [tilespmem:v2+s15+$0x0], $0xffff  }
0x16f: {  	v4 =	vld.idx.msk [tilespmem:v4+s16+$0x0], $0xffff;
	_ =	sdelay $0x4  }
0x170: {  	v2 =	vadd.f32 v4, v2;
	_ =	sdelay $0x1  }
0x171: {  	v4 =	vmul.f32 $2.000000030e-01, v2;
	_ =	sdelay $0x1  }
0x172: {  	v2 =	vmax.f32 v2, v4  }
0x173: {  	v2 =	vmul.f32 $1.442695020e+00, v2;
	_ =	sdelay $0x1  }
0x174: {  	(erf) = vpow2.f32 v2;
	_ =	sdelay $0x4  }
0x175: {  	v4 =	vshrl.u32 v3, $0x3;
	v2 =	vshrl.u32 v3, $0x4  }
0x176: {  	v4 =	vand.u32 $0x1, v4;
	v3 =	vand.u32 $0x7, v3;
	v6 =	vshll.u32 v2, $0x3  }
0x177: {  	vm12 =	veq.s32 v4, v0;
	v3 =	vor.u32 v3, v6  }
0x178: {  	[tilespmem:$0x9CA0] =	vst v2;
	v2 =	vnsel vm12, $0x13880, v3  }
0x179: {  	[tilespmem:$0x9E30] =	vst v2;
	v5 =	vpop (erf)  }
0x17a: {  	[tilespmem:$0x9FC0] =	vst v5  }
0x17b: {  	v2 =	vld [tilespmem:s29+$0x70]  }
0x17c: {  	v3 =	vld [tilespmem:s29+$0x4E90];
	_ =	sdelay $0x3  }
0x17d: {  	v2 =	vshrl.u32 v2, $0x1  }
0x17e: {  	v4 =	vand.u32 $0xF, v3;
	_ =	sdelay $0x3  }
0x17f: {  	v2 =	vld.idx.msk [tilespmem:v2+s15+$0x0], $0xffff  }
0x180: {  	v4 =	vld.idx.msk [tilespmem:v4+s16+$0x0], $0xffff;
	_ =	sdelay $0x4  }
0x181: {  	v2 =	vadd.f32 v4, v2;
	_ =	sdelay $0x1  }
0x182: {  	v4 =	vmul.f32 $2.000000030e-01, v2;
	_ =	sdelay $0x1  }
0x183: {  	v2 =	vmax.f32 v2, v4  }
0x184: {  	v2 =	vmul.f32 $1.442695020e+00, v2;
	_ =	sdelay $0x1  }
0x185: {  	(erf) = vpow2.f32 v2;
	_ =	sdelay $0x4  }
0x186: {  	v4 =	vshrl.u32 v3, $0x3;
	v2 =	vshrl.u32 v3, $0x4  }
0x187: {  	v4 =	vand.u32 $0x1, v4;
	v3 =	vand.u32 $0x7, v3;
	v6 =	vshll.u32 v2, $0x3  }
0x188: {  	vm13 =	veq.s32 v4, v0;
	v3 =	vor.u32 v3, v6  }
0x189: {  	[tilespmem:$0x9CB0] =	vst v2;
	v2 =	vnsel vm13, $0x13880, v3  }
0x18a: {  	[tilespmem:$0x9E40] =	vst v2;
	v5 =	vpop (erf)  }
0x18b: {  	[tilespmem:$0x9FD0] =	vst v5  }
0x18c: {  	v2 =	vld [tilespmem:s29+$0x80]  }
0x18d: {  	v3 =	vld [tilespmem:s29+$0x4EA0];
	_ =	sdelay $0x3  }
0x18e: {  	v2 =	vshrl.u32 v2, $0x1  }
0x18f: {  	v4 =	vand.u32 $0xF, v3;
	_ =	sdelay $0x3  }
0x190: {  	v2 =	vld.idx.msk [tilespmem:v2+s15+$0x0], $0xffff  }
0x191: {  	v4 =	vld.idx.msk [tilespmem:v4+s16+$0x0], $0xffff;
	_ =	sdelay $0x4  }
0x192: {  	v2 =	vadd.f32 v4, v2;
	_ =	sdelay $0x1  }
0x193: {  	v4 =	vmul.f32 $2.000000030e-01, v2;
	_ =	sdelay $0x1  }
0x194: {  	v2 =	vmax.f32 v2, v4  }
0x195: {  	v2 =	vmul.f32 $1.442695020e+00, v2;
	_ =	sdelay $0x1  }
0x196: {  	(erf) = vpow2.f32 v2;
	_ =	sdelay $0x4  }
0x197: {  	v4 =	vshrl.u32 v3, $0x3;
	v2 =	vshrl.u32 v3, $0x4  }
0x198: {  	v4 =	vand.u32 $0x1, v4;
	v3 =	vand.u32 $0x7, v3;
	v6 =	vshll.u32 v2, $0x3  }
0x199: {  	vm14 =	veq.s32 v4, v0;
	v3 =	vor.u32 v3, v6  }
0x19a: {  	[tilespmem:$0x9CC0] =	vst v2;
	v2 =	vnsel vm14, $0x13880, v3  }
0x19b: {  	[tilespmem:$0x9E50] =	vst v2;
	v5 =	vpop (erf)  }
0x19c: {  	[tilespmem:$0x9FE0] =	vst v5  }
0x19d: {  	v2 =	vld [tilespmem:s29+$0x90]  }
0x19e: {  	v3 =	vld [tilespmem:s29+$0x4EB0];
	_ =	sdelay $0x3  }
0x19f: {  	v2 =	vshrl.u32 v2, $0x1  }
0x1a0: {  	v4 =	vand.u32 $0xF, v3;
	_ =	sdelay $0x3  }
0x1a1: {  	v2 =	vld.idx.msk [tilespmem:v2+s15+$0x0], $0xffff  }
0x1a2: {  	v4 =	vld.idx.msk [tilespmem:v4+s16+$0x0], $0xffff;
	_ =	sdelay $0x4  }
0x1a3: {  	v2 =	vadd.f32 v4, v2;
	_ =	sdelay $0x1  }
0x1a4: {  	v4 =	vmul.f32 $2.000000030e-01, v2;
	_ =	sdelay $0x1  }
0x1a5: {  	v2 =	vmax.f32 v2, v4  }
0x1a6: {  	v2 =	vmul.f32 $1.442695020e+00, v2;
	_ =	sdelay $0x1  }
0x1a7: {  	(erf) = vpow2.f32 v2;
	_ =	sdelay $0x4  }
0x1a8: {  	v4 =	vshrl.u32 v3, $0x3;
	v2 =	vshrl.u32 v3, $0x4  }
0x1a9: {  	v4 =	vand.u32 $0x1, v4;
	v3 =	vand.u32 $0x7, v3;
	v6 =	vshll.u32 v2, $0x3  }
0x1aa: {  	s5 =	simm.s32 $0x0;
	vm15 =	veq.s32 v4, v0;
	v3 =	vor.u32 v3, v6  }
0x1ab: {  	v4 =	vmov s5;
	[tilespmem:$0x9CD0] =	vst v2;
	v2 =	vnsel vm15, $0x13880, v3  }
0x1ac: {  	[tilespmem:$0x9E60] =	vst v2;
	v5 =	vpop (erf)  }
0x1ad: {  	s2 =	simm.s32 $0xDC30;
	[tilespmem:$0x9FF0] =	vst v5  }
0x1ae: {  	v5 =	vld [tilespmem:s2+$0xFFFFFFF0]  }
0x1af: {  	v2 =	vld [tilespmem:s2+$0x10]  }
0x1b0: {  	v4 =	vld.idx.msk [tilespmem:v4+s26+$0x0], $0xffff  }
0x1b1: {  	v3 =	vld [tilespmem:s2+$0xFFFFFFE0]  }
0x1b2: {  	v7 =	vld [tilespmem:s2+$0x0];
	_ =	sdelay $0x3  }
0x1b3: {  	s6 =	simm.s32 $0x1;
	v3 =	vmul.f32 v3, v4;
	v6 =	vmul.f32 v2, v4  }
0x1b4: {  	s3 =	simm.s32 $0x2;
	s5 =	simm.s32 $0xDC30;
	v2 =	vmov s6;
	v5 =	vmul.f32 v5, v4;
	v4 =	vmul.f32 v7, v4  }
.LBB2_11:
0x1b5: {  	p1 =	sne.s32 s3, $0x4F  }
0x1b6: {  	[tilespmem:s2+$0x10] =	vst v6;
	s5 =	sadd.s32 $0x40, s5;
	s6 =	smov.u32 s3;
	s3 =	sadd.s32 $0x1, s3  }
0x1b7: {  	[tilespmem:s2+$0xFFFFFFE0] =	vst v3  }
0x1b8: {  	v7 =	vld [tilespmem:s5+$0xFFFFFFF0];
	[tilespmem:s2+$0xFFFFFFF0] =	vst v5  }
0x1b9: {  	v5 =	vld [tilespmem:s5+$0x10];
	[tilespmem:s2+$0x0] =	vst v4;
	s2 =	smov.u32 s5  }
0x1ba: {  	v4 =	vld.idx.msk [tilespmem:v2+s26+$0x0], $0xffff  }
0x1bb: {  	v2 =	vld [tilespmem:s5+$0xFFFFFFE0]  }
0x1bc: {  	v8 =	vld [tilespmem:s5+$0x0]  }
.Ltmp4:
0x1bd: {  	(pc) =	sbr.rel @p1 .LBB2_11-.Ltmp4, $3  }
0x1be: {  	_ =	sdelay $0x1  }
0x1bf: {  	v6 =	vmul.f32 v5, v4;
	v3 =	vmul.f32 v2, v4  }
0x1c0: {  	v5 =	vmul.f32 v7, v4;
	v2 =	vmov s6;
	v4 =	vmul.f32 v8, v4  }
0x1c1: {  	[tilespmem:s2+$0x10] =	vst v6  }
0x1c2: {  	s3 =	sadd.s32 $0x40, s5;
	[tilespmem:s2+$0xFFFFFFE0] =	vst v3  }
0x1c3: {  	v3 =	vld [tilespmem:s3+$0xFFFFFFF0];
	[tilespmem:s2+$0xFFFFFFF0] =	vst v5  }
0x1c4: {  	v5 =	vld [tilespmem:s3+$0x10];
	[tilespmem:s2+$0x0] =	vst v4  }
0x1c5: {  	v2 =	vld.idx.msk [tilespmem:v2+s26+$0x0], $0xffff  }
0x1c6: {  	v4 =	vld [tilespmem:s3+$0xFFFFFFE0];
	_ =	sdelay $0x1  }
0x1c7: {  	v6 =	vld [tilespmem:s3+$0x0];
	_ =	sdelay $0x1  }
0x1c8: {  	v5 =	vmul.f32 v5, v2  }
0x1c9: {  	v4 =	vmul.f32 v4, v2  }
0x1ca: {  	v3 =	vmul.f32 v3, v2;
	[tilespmem:s3+$0x10] =	vst v5  }
0x1cb: {  	v2 =	vmul.f32 v6, v2;
	[tilespmem:s3+$0xFFFFFFE0] =	vst v4  }
0x1cc: {  	[tilespmem:s3+$0xFFFFFFF0] =	vst v3  }
0x1cd: {  	s5 =	simm.s32 $0x9C90;
	p1 =	sne.s32 s25, $0x31;
	[tilespmem:s3+$0x0] =	vst v2  }
0x1ce: {  	[spmem:s19] =	stream.indirect.scatter.add.f32 [tilespmem:s22], [sflag:$0x2], $0x40, s5, s17, $0xb8;
	[tilespmem:$0x1E050] =	vst v63  }
.Ltmp5:
0x1cf: {  	s6 =	simm.s32 $0x9E20;
	(pc) =	sbr.rel @p1 .LBB2_14-.Ltmp5, $4  }
0x1d0: {  	[spmem:s21] =	stream.indirect.scatter.add.f32 [tilespmem:s26], [sflag:$0x3], $0x1, s6, s17, $0xb8;
	[tilespmem:$0x1E050] =	vst v63  }
0x1d1: {  	_ =	swait.ge [sflag:s30], $0x1400  }
0x1d2: {  	[sflag:s30] =	ssyncset.done $0x0  }
0x1d3: {  	[sflag:s30] =	ssyncadd.s32 $0xFFFFEC00  }
.Ltmp6:
0x1d4: {  	(pc) =	sbr.rel .LBB2_15-.Ltmp6, $4  }
0x1d5: {  	_ = 	snop  }
0x1d6: {  	_ =	swait.ge [sflag:s31], $0x1400  }
0x1d7: {  	[sflag:s31] =	ssyncset.done $0x0  }
0x1d8: {  	[sflag:s31] =	ssyncadd.s32 $0xFFFFEC00  }
.LBB2_14:
0x1d9: {  	s2 =	smul.u32 $0x640, s25;
	_ =	sdelay $0x1  }
0x1da: {  	s2 =	sshra.s32 s2, $0x2  }
.Ltmp7:
0x1db: {  	s2 =	sadd.s32 $0x190, s2;
	(pc) =	sbr.rel @p0 .LBB2_16-.Ltmp7, $4  }
0x1dc: {  	[tilespmem:s12], [sflag:$0x1] =	stream.indirect.gather [hbm4b:s18+s17], $0x40, s2, s17, $0xb8;
	[tilespmem:$0x1E050] =	vst v63  }
0x1dd: {  	_ =	swait.ge [sflag:s31], $0x1400  }
0x1de: {  	[sflag:s31] =	ssyncset.done $0x0  }
0x1df: {  	[sflag:s31] =	ssyncadd.s32 $0xFFFFEC00  }
.LBB2_15:
0x1e0: {  	_ =	swait.ge [sflag:s20], $0x50  }
0x1e1: {  	[sflag:s20] =	ssyncset.done $0x0  }
0x1e2: {  	[sflag:s20] =	ssyncadd.s32 $0xFFFFFFB0  }
.LBB2_16:
0x1e3: {  	v2 =	vld [tilespmem:s29+$0xA0]  }
0x1e4: {  	v3 =	vld [tilespmem:s29+$0x4EC0];
	_ =	sdelay $0x3  }
0x1e5: {  	v2 =	vshrl.u32 v2, $0x1  }
0x1e6: {  	v4 =	vand.u32 $0xF, v3;
	_ =	sdelay $0x3  }
0x1e7: {  	v2 =	vld.idx.msk [tilespmem:v2+s15+$0x0], $0xffff  }
0x1e8: {  	v4 =	vld.idx.msk [tilespmem:v4+s16+$0x0], $0xffff;
	_ =	sdelay $0x4  }
0x1e9: {  	v2 =	vadd.f32 v4, v2;
	_ =	sdelay $0x1  }
0x1ea: {  	v4 =	vmul.f32 $2.000000030e-01, v2;
	_ =	sdelay $0x1  }
0x1eb: {  	v2 =	vmax.f32 v2, v4  }
0x1ec: {  	v2 =	vmul.f32 $1.442695020e+00, v2;
	_ =	sdelay $0x1  }
0x1ed: {  	(erf) = vpow2.f32 v2;
	_ =	sdelay $0x4  }
0x1ee: {  	v4 =	vshrl.u32 v3, $0x3;
	v2 =	vshrl.u32 v3, $0x4  }
0x1ef: {  	v4 =	vand.u32 $0x1, v4;
	v3 =	vand.u32 $0x7, v3;
	v6 =	vshll.u32 v2, $0x3  }
0x1f0: {  	vm0 =	veq.s32 v4, v0;
	v3 =	vor.u32 v3, v6  }
0x1f1: {  	[tilespmem:$0x9CE0] =	vst v2;
	v2 =	vnsel vm0, $0x13880, v3  }
0x1f2: {  	[tilespmem:$0x9E70] =	vst v2;
	v5 =	vpop (erf)  }
0x1f3: {  	[tilespmem:$0xA000] =	vst v5  }
0x1f4: {  	v2 =	vld [tilespmem:s29+$0xB0]  }
0x1f5: {  	v3 =	vld [tilespmem:s29+$0x4ED0];
	_ =	sdelay $0x3  }
0x1f6: {  	v2 =	vshrl.u32 v2, $0x1  }
0x1f7: {  	v4 =	vand.u32 $0xF, v3;
	_ =	sdelay $0x3  }
0x1f8: {  	v2 =	vld.idx.msk [tilespmem:v2+s15+$0x0], $0xffff  }
0x1f9: {  	v4 =	vld.idx.msk [tilespmem:v4+s16+$0x0], $0xffff;
	_ =	sdelay $0x4  }
0x1fa: {  	v2 =	vadd.f32 v4, v2;
	_ =	sdelay $0x1  }
0x1fb: {  	v4 =	vmul.f32 $2.000000030e-01, v2;
	_ =	sdelay $0x1  }
0x1fc: {  	v2 =	vmax.f32 v2, v4  }
0x1fd: {  	v2 =	vmul.f32 $1.442695020e+00, v2;
	_ =	sdelay $0x1  }
0x1fe: {  	(erf) = vpow2.f32 v2;
	_ =	sdelay $0x4  }
0x1ff: {  	v4 =	vshrl.u32 v3, $0x3;
	v2 =	vshrl.u32 v3, $0x4  }
0x200: {  	v4 =	vand.u32 $0x1, v4;
	v3 =	vand.u32 $0x7, v3;
	v6 =	vshll.u32 v2, $0x3  }
0x201: {  	vm12 =	veq.s32 v4, v0;
	v3 =	vor.u32 v3, v6  }
0x202: {  	[tilespmem:$0x9CF0] =	vst v2;
	v2 =	vnsel vm12, $0x13880, v3  }
0x203: {  	[tilespmem:$0x9E80] =	vst v2;
	v5 =	vpop (erf)  }
0x204: {  	[tilespmem:$0xA010] =	vst v5  }
0x205: {  	v2 =	vld [tilespmem:s29+$0xC0]  }
0x206: {  	v3 =	vld [tilespmem:s29+$0x4EE0];
	_ =	sdelay $0x3  }
0x207: {  	v2 =	vshrl.u32 v2, $0x1  }
0x208: {  	v4 =	vand.u32 $0xF, v3;
	_ =	sdelay $0x3  }
0x209: {  	v2 =	vld.idx.msk [tilespmem:v2+s15+$0x0], $0xffff  }
0x20a: {  	v4 =	vld.idx.msk [tilespmem:v4+s16+$0x0], $0xffff;
	_ =	sdelay $0x4  }
0x20b: {  	v2 =	vadd.f32 v4, v2;
	_ =	sdelay $0x1  }
0x20c: {  	v4 =	vmul.f32 $2.000000030e-01, v2;
	_ =	sdelay $0x1  }
0x20d: {  	v2 =	vmax.f32 v2, v4  }
0x20e: {  	v2 =	vmul.f32 $1.442695020e+00, v2;
	_ =	sdelay $0x1  }
0x20f: {  	(erf) = vpow2.f32 v2;
	_ =	sdelay $0x4  }
0x210: {  	v4 =	vshrl.u32 v3, $0x3;
	v2 =	vshrl.u32 v3, $0x4  }
0x211: {  	v4 =	vand.u32 $0x1, v4;
	v3 =	vand.u32 $0x7, v3;
	v6 =	vshll.u32 v2, $0x3  }
0x212: {  	vm13 =	veq.s32 v4, v0;
	v3 =	vor.u32 v3, v6  }
0x213: {  	[tilespmem:$0x9D00] =	vst v2;
	v2 =	vnsel vm13, $0x13880, v3  }
0x214: {  	[tilespmem:$0x9E90] =	vst v2;
	v5 =	vpop (erf)  }
0x215: {  	[tilespmem:$0xA020] =	vst v5  }
0x216: {  	v2 =	vld [tilespmem:s29+$0xD0]  }
0x217: {  	v3 =	vld [tilespmem:s29+$0x4EF0];
	_ =	sdelay $0x3  }
0x218: {  	v2 =	vshrl.u32 v2, $0x1  }
0x219: {  	v4 =	vand.u32 $0xF, v3;
	_ =	sdelay $0x3  }
0x21a: {  	v2 =	vld.idx.msk [tilespmem:v2+s15+$0x0], $0xffff  }
0x21b: {  	v4 =	vld.idx.msk [tilespmem:v4+s16+$0x0], $0xffff;
	_ =	sdelay $0x4  }
0x21c: {  	v2 =	vadd.f32 v4, v2;
	_ =	sdelay $0x1  }
0x21d: {  	v4 =	vmul.f32 $2.000000030e-01, v2;
	_ =	sdelay $0x1  }
0x21e: {  	v2 =	vmax.f32 v2, v4  }
0x21f: {  	v2 =	vmul.f32 $1.442695020e+00, v2;
	_ =	sdelay $0x1  }
0x220: {  	(erf) = vpow2.f32 v2;
	_ =	sdelay $0x4  }
0x221: {  	v4 =	vshrl.u32 v3, $0x3;
	v2 =	vshrl.u32 v3, $0x4  }
0x222: {  	v4 =	vand.u32 $0x1, v4;
	v3 =	vand.u32 $0x7, v3;
	v6 =	vshll.u32 v2, $0x3  }
0x223: {  	vm14 =	veq.s32 v4, v0;
	v3 =	vor.u32 v3, v6  }
0x224: {  	[tilespmem:$0x9D10] =	vst v2;
	v2 =	vnsel vm14, $0x13880, v3  }
0x225: {  	[tilespmem:$0x9EA0] =	vst v2;
	v5 =	vpop (erf)  }
0x226: {  	[tilespmem:$0xA030] =	vst v5  }
0x227: {  	v2 =	vld [tilespmem:s29+$0xE0]  }
0x228: {  	v3 =	vld [tilespmem:s29+$0x4F00];
	_ =	sdelay $0x3  }
0x229: {  	v2 =	vshrl.u32 v2, $0x1  }
0x22a: {  	v4 =	vand.u32 $0xF, v3;
	_ =	sdelay $0x3  }
0x22b: {  	v2 =	vld.idx.msk [tilespmem:v2+s15+$0x0], $0xffff  }
0x22c: {  	v4 =	vld.idx.msk [tilespmem:v4+s16+$0x0], $0xffff;
	_ =	sdelay $0x4  }
0x22d: {  	v2 =	vadd.f32 v4, v2;
	_ =	sdelay $0x1  }
0x22e: {  	v4 =	vmul.f32 $2.000000030e-01, v2;
	_ =	sdelay $0x1  }
0x22f: {  	v2 =	vmax.f32 v2, v4  }
0x230: {  	v2 =	vmul.f32 $1.442695020e+00, v2;
	_ =	sdelay $0x1  }
0x231: {  	(erf) = vpow2.f32 v2;
	_ =	sdelay $0x4  }
0x232: {  	v4 =	vshrl.u32 v3, $0x3;
	v2 =	vshrl.u32 v3, $0x4  }
0x233: {  	v4 =	vand.u32 $0x1, v4;
	v3 =	vand.u32 $0x7, v3;
	v6 =	vshll.u32 v2, $0x3  }
0x234: {  	s2 =	simm.s32 $0x0;
	vm15 =	veq.s32 v4, v0;
	v3 =	vor.u32 v3, v6  }
0x235: {  	v4 =	vmov s2;
	[tilespmem:$0x9D20] =	vst v2;
	v2 =	vnsel vm15, $0x13880, v3  }
0x236: {  	[tilespmem:$0x9EB0] =	vst v2;
	v5 =	vpop (erf)  }
0x237: {  	s2 =	simm.s32 $0xF030;
	[tilespmem:$0xA040] =	vst v5  }
0x238: {  	v5 =	vld [tilespmem:s2+$0xFFFFFFF0]  }
0x239: {  	v2 =	vld [tilespmem:s2+$0x10]  }
0x23a: {  	v4 =	vld.idx.msk [tilespmem:v4+s0+$0x0], $0xffff  }
0x23b: {  	v3 =	vld [tilespmem:s2+$0xFFFFFFE0]  }
0x23c: {  	v7 =	vld [tilespmem:s2+$0x0];
	_ =	sdelay $0x3  }
0x23d: {  	s5 =	simm.s32 $0x1;
	v3 =	vmul.f32 v3, v4;
	v6 =	vmul.f32 v2, v4  }
0x23e: {  	s3 =	simm.s32 $0x2;
	v2 =	vmov s5;
	v5 =	vmul.f32 v5, v4;
	v4 =	vmul.f32 v7, v4;
	s5 =	simm.s32 $0xF030  }
.LBB2_17:
0x23f: {  	p2 =	sne.s32 s3, $0x4F  }
0x240: {  	[tilespmem:s2+$0x10] =	vst v6;
	s5 =	sadd.s32 $0x40, s5;
	s6 =	smov.u32 s3;
	s3 =	sadd.s32 $0x1, s3  }
0x241: {  	[tilespmem:s2+$0xFFFFFFE0] =	vst v3  }
0x242: {  	v7 =	vld [tilespmem:s5+$0xFFFFFFF0];
	[tilespmem:s2+$0xFFFFFFF0] =	vst v5  }
0x243: {  	v5 =	vld [tilespmem:s5+$0x10];
	[tilespmem:s2+$0x0] =	vst v4;
	s2 =	smov.u32 s5  }
0x244: {  	v4 =	vld.idx.msk [tilespmem:v2+s0+$0x0], $0xffff  }
0x245: {  	v2 =	vld [tilespmem:s5+$0xFFFFFFE0]  }
0x246: {  	v8 =	vld [tilespmem:s5+$0x0]  }
.Ltmp8:
0x247: {  	(pc) =	sbr.rel @p2 .LBB2_17-.Ltmp8, $3  }
0x248: {  	_ =	sdelay $0x1  }
0x249: {  	v6 =	vmul.f32 v5, v4;
	v3 =	vmul.f32 v2, v4  }
0x24a: {  	v5 =	vmul.f32 v7, v4;
	v2 =	vmov s6;
	v4 =	vmul.f32 v8, v4  }
0x24b: {  	[tilespmem:s2+$0x10] =	vst v6  }
0x24c: {  	s3 =	sadd.s32 $0x40, s5;
	[tilespmem:s2+$0xFFFFFFE0] =	vst v3  }
0x24d: {  	v3 =	vld [tilespmem:s3+$0xFFFFFFF0];
	[tilespmem:s2+$0xFFFFFFF0] =	vst v5  }
0x24e: {  	v5 =	vld [tilespmem:s3+$0x10];
	[tilespmem:s2+$0x0] =	vst v4  }
0x24f: {  	v2 =	vld.idx.msk [tilespmem:v2+s0+$0x0], $0xffff  }
0x250: {  	v4 =	vld [tilespmem:s3+$0xFFFFFFE0];
	_ =	sdelay $0x1  }
0x251: {  	v6 =	vld [tilespmem:s3+$0x0];
	_ =	sdelay $0x1  }
0x252: {  	v5 =	vmul.f32 v5, v2  }
0x253: {  	v4 =	vmul.f32 v4, v2  }
0x254: {  	v3 =	vmul.f32 v3, v2;
	[tilespmem:s3+$0x10] =	vst v5  }
0x255: {  	v2 =	vmul.f32 v6, v2;
	[tilespmem:s3+$0xFFFFFFE0] =	vst v4  }
0x256: {  	[tilespmem:s3+$0xFFFFFFF0] =	vst v3  }
0x257: {  	s6 =	simm.s32 $0x9CE0;
	[tilespmem:s3+$0x0] =	vst v2  }
0x258: {  	[spmem:s19] =	stream.indirect.scatter.add.f32 [tilespmem:s23], [sflag:$0x2], $0x40, s6, s17, $0xb8;
	[tilespmem:$0x1E050] =	vst v63  }
.Ltmp9:
0x259: {  	s29 =	simm.s32 $0x9E70;
	(pc) =	sbr.rel @p1 .LBB2_20-.Ltmp9, $4  }
0x25a: {  	[spmem:s21] =	stream.indirect.scatter.add.f32 [tilespmem:s0], [sflag:$0x3], $0x1, s29, s17, $0xb8;
	[tilespmem:$0x1E050] =	vst v63  }
0x25b: {  	_ =	swait.ge [sflag:s30], $0x1400  }
0x25c: {  	[sflag:s30] =	ssyncset.done $0x0  }
0x25d: {  	[sflag:s30] =	ssyncadd.s32 $0xFFFFEC00  }
.Ltmp10:
0x25e: {  	(pc) =	sbr.rel .LBB2_21-.Ltmp10, $4  }
0x25f: {  	_ = 	snop  }
0x260: {  	_ =	swait.ge [sflag:s31], $0x1400  }
0x261: {  	[sflag:s31] =	ssyncset.done $0x0  }
0x262: {  	[sflag:s31] =	ssyncadd.s32 $0xFFFFEC00  }
.LBB2_20:
0x263: {  	s2 =	smul.u32 $0x640, s25;
	_ =	sdelay $0x1  }
0x264: {  	s2 =	sshra.s32 s2, $0x2  }
.Ltmp11:
0x265: {  	s2 =	sadd.s32 $0x1E0, s2;
	(pc) =	sbr.rel @p0 .LBB2_22-.Ltmp11, $4  }
0x266: {  	[tilespmem:s22], [sflag:$0x1] =	stream.indirect.gather [hbm4b:s18+s17], $0x40, s2, s17, $0xb8;
	[tilespmem:$0x1E050] =	vst v63  }
0x267: {  	_ =	swait.ge [sflag:s31], $0x1400  }
0x268: {  	[sflag:s31] =	ssyncset.done $0x0  }
0x269: {  	[sflag:s31] =	ssyncadd.s32 $0xFFFFEC00  }
.LBB2_21:
0x26a: {  	_ =	swait.ge [sflag:s20], $0x50  }
0x26b: {  	[sflag:s20] =	ssyncset.done $0x0  }
0x26c: {  	[sflag:s20] =	ssyncadd.s32 $0xFFFFFFB0  }
.LBB2_22:
0x26d: {  	s11 =	smul.u32 $0x50, s11;
	_ =	sdelay $0x1  }
0x26e: {  	v2 =	vld [tilespmem:s11+$0x0]  }
0x26f: {  	v3 =	vld [tilespmem:s11+$0x4E20];
	_ =	sdelay $0x3  }
0x270: {  	v2 =	vshrl.u32 v2, $0x1  }
0x271: {  	v4 =	vand.u32 $0xF, v3;
	_ =	sdelay $0x3  }
0x272: {  	v2 =	vld.idx.msk [tilespmem:v2+s15+$0x0], $0xffff  }
0x273: {  	v4 =	vld.idx.msk [tilespmem:v4+s16+$0x0], $0xffff;
	_ =	sdelay $0x4  }
0x274: {  	v2 =	vadd.f32 v4, v2;
	_ =	sdelay $0x1  }
0x275: {  	v4 =	vmul.f32 $2.000000030e-01, v2;
	_ =	sdelay $0x1  }
0x276: {  	v2 =	vmax.f32 v2, v4  }
0x277: {  	v2 =	vmul.f32 $1.442695020e+00, v2;
	_ =	sdelay $0x1  }
0x278: {  	(erf) = vpow2.f32 v2;
	_ =	sdelay $0x4  }
0x279: {  	v4 =	vshrl.u32 v3, $0x3;
	v2 =	vshrl.u32 v3, $0x4  }
0x27a: {  	v4 =	vand.u32 $0x1, v4;
	v3 =	vand.u32 $0x7, v3;
	v6 =	vshll.u32 v2, $0x3  }
0x27b: {  	vm0 =	veq.s32 v4, v0;
	v3 =	vor.u32 v3, v6  }
0x27c: {  	[tilespmem:$0x9D30] =	vst v2;
	v2 =	vnsel vm0, $0x13880, v3  }
0x27d: {  	[tilespmem:$0x9EC0] =	vst v2;
	v5 =	vpop (erf)  }
0x27e: {  	[tilespmem:$0xA050] =	vst v5  }
0x27f: {  	v2 =	vld [tilespmem:s11+$0x10]  }
0x280: {  	v3 =	vld [tilespmem:s11+$0x4E30];
	_ =	sdelay $0x3  }
0x281: {  	v2 =	vshrl.u32 v2, $0x1  }
0x282: {  	v4 =	vand.u32 $0xF, v3;
	_ =	sdelay $0x3  }
0x283: {  	v2 =	vld.idx.msk [tilespmem:v2+s15+$0x0], $0xffff  }
0x284: {  	v4 =	vld.idx.msk [tilespmem:v4+s16+$0x0], $0xffff;
	_ =	sdelay $0x4  }
0x285: {  	v2 =	vadd.f32 v4, v2;
	_ =	sdelay $0x1  }
0x286: {  	v4 =	vmul.f32 $2.000000030e-01, v2;
	_ =	sdelay $0x1  }
0x287: {  	v2 =	vmax.f32 v2, v4  }
0x288: {  	v2 =	vmul.f32 $1.442695020e+00, v2;
	_ =	sdelay $0x1  }
0x289: {  	(erf) = vpow2.f32 v2;
	_ =	sdelay $0x4  }
0x28a: {  	v4 =	vshrl.u32 v3, $0x3;
	v2 =	vshrl.u32 v3, $0x4  }
0x28b: {  	v4 =	vand.u32 $0x1, v4;
	v3 =	vand.u32 $0x7, v3;
	v6 =	vshll.u32 v2, $0x3  }
0x28c: {  	vm12 =	veq.s32 v4, v0;
	v3 =	vor.u32 v3, v6  }
0x28d: {  	[tilespmem:$0x9D40] =	vst v2;
	v2 =	vnsel vm12, $0x13880, v3  }
0x28e: {  	[tilespmem:$0x9ED0] =	vst v2;
	v5 =	vpop (erf)  }
0x28f: {  	[tilespmem:$0xA060] =	vst v5  }
0x290: {  	v2 =	vld [tilespmem:s11+$0x20]  }
0x291: {  	v3 =	vld [tilespmem:s11+$0x4E40];
	_ =	sdelay $0x3  }
0x292: {  	v2 =	vshrl.u32 v2, $0x1  }
0x293: {  	v4 =	vand.u32 $0xF, v3;
	_ =	sdelay $0x3  }
0x294: {  	v2 =	vld.idx.msk [tilespmem:v2+s15+$0x0], $0xffff  }
0x295: {  	v4 =	vld.idx.msk [tilespmem:v4+s16+$0x0], $0xffff;
	_ =	sdelay $0x4  }
0x296: {  	v2 =	vadd.f32 v4, v2;
	_ =	sdelay $0x1  }
0x297: {  	v4 =	vmul.f32 $2.000000030e-01, v2;
	_ =	sdelay $0x1  }
0x298: {  	v2 =	vmax.f32 v2, v4  }
0x299: {  	v2 =	vmul.f32 $1.442695020e+00, v2;
	_ =	sdelay $0x1  }
0x29a: {  	(erf) = vpow2.f32 v2;
	_ =	sdelay $0x4  }
0x29b: {  	v4 =	vshrl.u32 v3, $0x3;
	v2 =	vshrl.u32 v3, $0x4  }
0x29c: {  	v4 =	vand.u32 $0x1, v4;
	v3 =	vand.u32 $0x7, v3;
	v6 =	vshll.u32 v2, $0x3  }
0x29d: {  	vm13 =	veq.s32 v4, v0;
	v3 =	vor.u32 v3, v6  }
0x29e: {  	[tilespmem:$0x9D50] =	vst v2;
	v2 =	vnsel vm13, $0x13880, v3  }
0x29f: {  	[tilespmem:$0x9EE0] =	vst v2;
	v5 =	vpop (erf)  }
0x2a0: {  	[tilespmem:$0xA070] =	vst v5  }
0x2a1: {  	v2 =	vld [tilespmem:s11+$0x30]  }
0x2a2: {  	v3 =	vld [tilespmem:s11+$0x4E50];
	_ =	sdelay $0x3  }
0x2a3: {  	v2 =	vshrl.u32 v2, $0x1  }
0x2a4: {  	v4 =	vand.u32 $0xF, v3;
	_ =	sdelay $0x3  }
0x2a5: {  	v2 =	vld.idx.msk [tilespmem:v2+s15+$0x0], $0xffff  }
0x2a6: {  	v4 =	vld.idx.msk [tilespmem:v4+s16+$0x0], $0xffff;
	_ =	sdelay $0x4  }
0x2a7: {  	v2 =	vadd.f32 v4, v2;
	_ =	sdelay $0x1  }
0x2a8: {  	v4 =	vmul.f32 $2.000000030e-01, v2;
	_ =	sdelay $0x1  }
0x2a9: {  	v2 =	vmax.f32 v2, v4  }
0x2aa: {  	v2 =	vmul.f32 $1.442695020e+00, v2;
	_ =	sdelay $0x1  }
0x2ab: {  	(erf) = vpow2.f32 v2;
	_ =	sdelay $0x4  }
0x2ac: {  	v4 =	vshrl.u32 v3, $0x3;
	v2 =	vshrl.u32 v3, $0x4  }
0x2ad: {  	v4 =	vand.u32 $0x1, v4;
	v3 =	vand.u32 $0x7, v3;
	v6 =	vshll.u32 v2, $0x3  }
0x2ae: {  	vm14 =	veq.s32 v4, v0;
	v3 =	vor.u32 v3, v6  }
0x2af: {  	[tilespmem:$0x9D60] =	vst v2;
	v2 =	vnsel vm14, $0x13880, v3  }
0x2b0: {  	[tilespmem:$0x9EF0] =	vst v2;
	v5 =	vpop (erf)  }
0x2b1: {  	[tilespmem:$0xA080] =	vst v5  }
0x2b2: {  	v2 =	vld [tilespmem:s11+$0x40]  }
0x2b3: {  	v3 =	vld [tilespmem:s11+$0x4E60];
	_ =	sdelay $0x3  }
0x2b4: {  	v2 =	vshrl.u32 v2, $0x1  }
0x2b5: {  	v4 =	vand.u32 $0xF, v3;
	_ =	sdelay $0x3  }
0x2b6: {  	v2 =	vld.idx.msk [tilespmem:v2+s15+$0x0], $0xffff  }
0x2b7: {  	v4 =	vld.idx.msk [tilespmem:v4+s16+$0x0], $0xffff;
	_ =	sdelay $0x4  }
0x2b8: {  	v2 =	vadd.f32 v4, v2;
	_ =	sdelay $0x1  }
0x2b9: {  	v4 =	vmul.f32 $2.000000030e-01, v2;
	_ =	sdelay $0x1  }
0x2ba: {  	v2 =	vmax.f32 v2, v4  }
0x2bb: {  	v2 =	vmul.f32 $1.442695020e+00, v2;
	_ =	sdelay $0x1  }
0x2bc: {  	(erf) = vpow2.f32 v2;
	_ =	sdelay $0x4  }
0x2bd: {  	v4 =	vshrl.u32 v3, $0x3;
	v2 =	vshrl.u32 v3, $0x4  }
0x2be: {  	v4 =	vand.u32 $0x1, v4;
	v3 =	vand.u32 $0x7, v3;
	v6 =	vshll.u32 v2, $0x3  }
0x2bf: {  	s2 =	simm.s32 $0x0;
	vm15 =	veq.s32 v4, v0;
	v3 =	vor.u32 v3, v6  }
0x2c0: {  	v4 =	vmov s2;
	[tilespmem:$0x9D70] =	vst v2;
	v2 =	vnsel vm15, $0x13880, v3  }
0x2c1: {  	[tilespmem:$0x9F00] =	vst v2;
	v5 =	vpop (erf)  }
0x2c2: {  	s2 =	simm.s32 $0x10430;
	[tilespmem:$0xA090] =	vst v5  }
0x2c3: {  	v5 =	vld [tilespmem:s2+$0xFFFFFFF0]  }
0x2c4: {  	v2 =	vld [tilespmem:s2+$0x10]  }
0x2c5: {  	v4 =	vld.idx.msk [tilespmem:v4+s4+$0x0], $0xffff  }
0x2c6: {  	v3 =	vld [tilespmem:s2+$0xFFFFFFE0]  }
0x2c7: {  	v7 =	vld [tilespmem:s2+$0x0];
	_ =	sdelay $0x3  }
0x2c8: {  	s5 =	simm.s32 $0x1;
	v3 =	vmul.f32 v3, v4;
	v6 =	vmul.f32 v2, v4  }
0x2c9: {  	s3 =	simm.s32 $0x2;
	v2 =	vmov s5;
	v5 =	vmul.f32 v5, v4;
	v4 =	vmul.f32 v7, v4;
	s5 =	simm.s32 $0x10430  }
.LBB2_23:
0x2ca: {  	p2 =	sne.s32 s3, $0x4F  }
0x2cb: {  	[tilespmem:s2+$0x10] =	vst v6;
	s5 =	sadd.s32 $0x40, s5;
	s6 =	smov.u32 s3;
	s3 =	sadd.s32 $0x1, s3  }
0x2cc: {  	[tilespmem:s2+$0xFFFFFFE0] =	vst v3  }
0x2cd: {  	v7 =	vld [tilespmem:s5+$0xFFFFFFF0];
	[tilespmem:s2+$0xFFFFFFF0] =	vst v5  }
0x2ce: {  	v5 =	vld [tilespmem:s5+$0x10];
	[tilespmem:s2+$0x0] =	vst v4;
	s2 =	smov.u32 s5  }
0x2cf: {  	v4 =	vld.idx.msk [tilespmem:v2+s4+$0x0], $0xffff  }
0x2d0: {  	v2 =	vld [tilespmem:s5+$0xFFFFFFE0]  }
0x2d1: {  	v8 =	vld [tilespmem:s5+$0x0]  }
.Ltmp12:
0x2d2: {  	(pc) =	sbr.rel @p2 .LBB2_23-.Ltmp12, $3  }
0x2d3: {  	_ =	sdelay $0x1  }
0x2d4: {  	v6 =	vmul.f32 v5, v4;
	v3 =	vmul.f32 v2, v4  }
0x2d5: {  	v5 =	vmul.f32 v7, v4;
	v2 =	vmov s6;
	v4 =	vmul.f32 v8, v4  }
0x2d6: {  	[tilespmem:s2+$0x10] =	vst v6  }
0x2d7: {  	s3 =	sadd.s32 $0x40, s5;
	[tilespmem:s2+$0xFFFFFFE0] =	vst v3  }
0x2d8: {  	v3 =	vld [tilespmem:s3+$0xFFFFFFF0];
	[tilespmem:s2+$0xFFFFFFF0] =	vst v5  }
0x2d9: {  	v5 =	vld [tilespmem:s3+$0x10];
	[tilespmem:s2+$0x0] =	vst v4  }
0x2da: {  	v2 =	vld.idx.msk [tilespmem:v2+s4+$0x0], $0xffff  }
0x2db: {  	v4 =	vld [tilespmem:s3+$0xFFFFFFE0];
	_ =	sdelay $0x1  }
0x2dc: {  	v6 =	vld [tilespmem:s3+$0x0];
	_ =	sdelay $0x1  }
0x2dd: {  	v5 =	vmul.f32 v5, v2  }
0x2de: {  	v4 =	vmul.f32 v4, v2  }
0x2df: {  	v3 =	vmul.f32 v3, v2;
	[tilespmem:s3+$0x10] =	vst v5  }
0x2e0: {  	v2 =	vmul.f32 v6, v2;
	[tilespmem:s3+$0xFFFFFFE0] =	vst v4  }
0x2e1: {  	[tilespmem:s3+$0xFFFFFFF0] =	vst v3  }
0x2e2: {  	s11 =	simm.s32 $0x9D30;
	s29 =	simm.s32 $0x10410;
	[tilespmem:s3+$0x0] =	vst v2  }
0x2e3: {  	[spmem:s19] =	stream.indirect.scatter.add.f32 [tilespmem:s29], [sflag:$0x2], $0x40, s11, s17, $0xb8;
	[tilespmem:$0x1E050] =	vst v63  }
.Ltmp13:
0x2e4: {  	_ = 	snop;
	(pc) =	sbr.rel @p1 .LBB2_26-.Ltmp13, $4  }
0x2e5: {  	[spmem:s21] =	stream.indirect.scatter.add.f32 [tilespmem:s4], [sflag:$0x3], $0x1, s7, s17, $0xb8;
	[tilespmem:$0x1E050] =	vst v63  }
0x2e6: {  	_ =	swait.ge [sflag:s30], $0x1400  }
0x2e7: {  	[sflag:s30] =	ssyncset.done $0x0  }
0x2e8: {  	[sflag:s30] =	ssyncadd.s32 $0xFFFFEC00  }
.Ltmp14:
0x2e9: {  	(pc) =	sbr.rel .LBB2_27-.Ltmp14, $4  }
0x2ea: {  	_ = 	snop  }
0x2eb: {  	_ =	swait.ge [sflag:s31], $0x1400  }
0x2ec: {  	[sflag:s31] =	ssyncset.done $0x0  }
0x2ed: {  	[sflag:s31] =	ssyncadd.s32 $0xFFFFEC00  }
.LBB2_26:
0x2ee: {  	s2 =	smul.u32 $0x640, s25;
	_ =	sdelay $0x1  }
0x2ef: {  	s2 =	sshra.s32 s2, $0x2  }
.Ltmp15:
0x2f0: {  	s2 =	sadd.s32 $0x230, s2;
	(pc) =	sbr.rel @p0 .LBB2_28-.Ltmp15, $4  }
0x2f1: {  	[tilespmem:s23], [sflag:$0x1] =	stream.indirect.gather [hbm4b:s18+s17], $0x40, s2, s17, $0xb8;
	[tilespmem:$0x1E050] =	vst v63  }
0x2f2: {  	_ =	swait.ge [sflag:s31], $0x1400  }
0x2f3: {  	[sflag:s31] =	ssyncset.done $0x0  }
0x2f4: {  	[sflag:s31] =	ssyncadd.s32 $0xFFFFEC00  }
.LBB2_27:
0x2f5: {  	_ =	swait.ge [sflag:s20], $0x50  }
0x2f6: {  	[sflag:s20] =	ssyncset.done $0x0  }
0x2f7: {  	[sflag:s20] =	ssyncadd.s32 $0xFFFFFFB0  }
.LBB2_28:
0x2f8: {  	s11 =	smul.u32 $0x50, s28;
	_ =	sdelay $0x1  }
0x2f9: {  	v2 =	vld [tilespmem:s11+$0x0]  }
0x2fa: {  	v3 =	vld [tilespmem:s11+$0x4E20];
	_ =	sdelay $0x3  }
0x2fb: {  	v2 =	vshrl.u32 v2, $0x1  }
0x2fc: {  	v4 =	vand.u32 $0xF, v3;
	_ =	sdelay $0x3  }
0x2fd: {  	v2 =	vld.idx.msk [tilespmem:v2+s15+$0x0], $0xffff  }
0x2fe: {  	v4 =	vld.idx.msk [tilespmem:v4+s16+$0x0], $0xffff;
	_ =	sdelay $0x4  }
0x2ff: {  	v2 =	vadd.f32 v4, v2;
	_ =	sdelay $0x1  }
0x300: {  	v4 =	vmul.f32 $2.000000030e-01, v2;
	_ =	sdelay $0x1  }
0x301: {  	v2 =	vmax.f32 v2, v4  }
0x302: {  	v2 =	vmul.f32 $1.442695020e+00, v2;
	_ =	sdelay $0x1  }
0x303: {  	(erf) = vpow2.f32 v2;
	_ =	sdelay $0x4  }
0x304: {  	v4 =	vshrl.u32 v3, $0x3;
	v2 =	vshrl.u32 v3, $0x4  }
0x305: {  	v4 =	vand.u32 $0x1, v4;
	v3 =	vand.u32 $0x7, v3;
	v6 =	vshll.u32 v2, $0x3  }
0x306: {  	vm0 =	veq.s32 v4, v0;
	v3 =	vor.u32 v3, v6  }
0x307: {  	[tilespmem:$0x9D80] =	vst v2;
	v2 =	vnsel vm0, $0x13880, v3  }
0x308: {  	[tilespmem:$0x9F10] =	vst v2;
	v5 =	vpop (erf)  }
0x309: {  	[tilespmem:$0xA0A0] =	vst v5  }
0x30a: {  	v2 =	vld [tilespmem:s11+$0x10]  }
0x30b: {  	v3 =	vld [tilespmem:s11+$0x4E30];
	_ =	sdelay $0x3  }
0x30c: {  	v2 =	vshrl.u32 v2, $0x1  }
0x30d: {  	v4 =	vand.u32 $0xF, v3;
	_ =	sdelay $0x3  }
0x30e: {  	v2 =	vld.idx.msk [tilespmem:v2+s15+$0x0], $0xffff  }
0x30f: {  	v4 =	vld.idx.msk [tilespmem:v4+s16+$0x0], $0xffff;
	_ =	sdelay $0x4  }
0x310: {  	v2 =	vadd.f32 v4, v2;
	_ =	sdelay $0x1  }
0x311: {  	v4 =	vmul.f32 $2.000000030e-01, v2;
	_ =	sdelay $0x1  }
0x312: {  	v2 =	vmax.f32 v2, v4  }
0x313: {  	v2 =	vmul.f32 $1.442695020e+00, v2;
	_ =	sdelay $0x1  }
0x314: {  	(erf) = vpow2.f32 v2;
	_ =	sdelay $0x4  }
0x315: {  	v4 =	vshrl.u32 v3, $0x3;
	v2 =	vshrl.u32 v3, $0x4  }
0x316: {  	v4 =	vand.u32 $0x1, v4;
	v3 =	vand.u32 $0x7, v3;
	v6 =	vshll.u32 v2, $0x3  }
0x317: {  	vm12 =	veq.s32 v4, v0;
	v3 =	vor.u32 v3, v6  }
0x318: {  	[tilespmem:$0x9D90] =	vst v2;
	v2 =	vnsel vm12, $0x13880, v3  }
0x319: {  	[tilespmem:$0x9F20] =	vst v2;
	v5 =	vpop (erf)  }
0x31a: {  	[tilespmem:$0xA0B0] =	vst v5  }
0x31b: {  	v2 =	vld [tilespmem:s11+$0x20]  }
0x31c: {  	v3 =	vld [tilespmem:s11+$0x4E40];
	_ =	sdelay $0x3  }
0x31d: {  	v2 =	vshrl.u32 v2, $0x1  }
0x31e: {  	v4 =	vand.u32 $0xF, v3;
	_ =	sdelay $0x3  }
0x31f: {  	v2 =	vld.idx.msk [tilespmem:v2+s15+$0x0], $0xffff  }
0x320: {  	v4 =	vld.idx.msk [tilespmem:v4+s16+$0x0], $0xffff;
	_ =	sdelay $0x4  }
0x321: {  	v2 =	vadd.f32 v4, v2;
	_ =	sdelay $0x1  }
0x322: {  	v4 =	vmul.f32 $2.000000030e-01, v2;
	_ =	sdelay $0x1  }
0x323: {  	v2 =	vmax.f32 v2, v4  }
0x324: {  	v2 =	vmul.f32 $1.442695020e+00, v2;
	_ =	sdelay $0x1  }
0x325: {  	(erf) = vpow2.f32 v2;
	_ =	sdelay $0x4  }
0x326: {  	v4 =	vshrl.u32 v3, $0x3;
	v2 =	vshrl.u32 v3, $0x4  }
0x327: {  	v4 =	vand.u32 $0x1, v4;
	v3 =	vand.u32 $0x7, v3;
	v6 =	vshll.u32 v2, $0x3  }
0x328: {  	vm13 =	veq.s32 v4, v0;
	v3 =	vor.u32 v3, v6  }
0x329: {  	[tilespmem:$0x9DA0] =	vst v2;
	v2 =	vnsel vm13, $0x13880, v3  }
0x32a: {  	[tilespmem:$0x9F30] =	vst v2;
	v5 =	vpop (erf)  }
0x32b: {  	[tilespmem:$0xA0C0] =	vst v5  }
0x32c: {  	v2 =	vld [tilespmem:s11+$0x30]  }
0x32d: {  	v3 =	vld [tilespmem:s11+$0x4E50];
	_ =	sdelay $0x3  }
0x32e: {  	v2 =	vshrl.u32 v2, $0x1  }
0x32f: {  	v4 =	vand.u32 $0xF, v3;
	_ =	sdelay $0x3  }
0x330: {  	v2 =	vld.idx.msk [tilespmem:v2+s15+$0x0], $0xffff  }
0x331: {  	v4 =	vld.idx.msk [tilespmem:v4+s16+$0x0], $0xffff;
	_ =	sdelay $0x4  }
0x332: {  	v2 =	vadd.f32 v4, v2;
	_ =	sdelay $0x1  }
0x333: {  	v4 =	vmul.f32 $2.000000030e-01, v2;
	_ =	sdelay $0x1  }
0x334: {  	v2 =	vmax.f32 v2, v4  }
0x335: {  	v2 =	vmul.f32 $1.442695020e+00, v2;
	_ =	sdelay $0x1  }
0x336: {  	(erf) = vpow2.f32 v2;
	_ =	sdelay $0x4  }
0x337: {  	v4 =	vshrl.u32 v3, $0x3;
	v2 =	vshrl.u32 v3, $0x4  }
0x338: {  	v4 =	vand.u32 $0x1, v4;
	v3 =	vand.u32 $0x7, v3;
	v6 =	vshll.u32 v2, $0x3  }
0x339: {  	vm14 =	veq.s32 v4, v0;
	v3 =	vor.u32 v3, v6  }
0x33a: {  	[tilespmem:$0x9DB0] =	vst v2;
	v2 =	vnsel vm14, $0x13880, v3  }
0x33b: {  	[tilespmem:$0x9F40] =	vst v2;
	v5 =	vpop (erf)  }
0x33c: {  	[tilespmem:$0xA0D0] =	vst v5  }
0x33d: {  	v2 =	vld [tilespmem:s11+$0x40]  }
0x33e: {  	v3 =	vld [tilespmem:s11+$0x4E60];
	_ =	sdelay $0x3  }
0x33f: {  	v2 =	vshrl.u32 v2, $0x1  }
0x340: {  	v4 =	vand.u32 $0xF, v3;
	_ =	sdelay $0x3  }
0x341: {  	v2 =	vld.idx.msk [tilespmem:v2+s15+$0x0], $0xffff  }
0x342: {  	v4 =	vld.idx.msk [tilespmem:v4+s16+$0x0], $0xffff;
	_ =	sdelay $0x4  }
0x343: {  	v2 =	vadd.f32 v4, v2;
	_ =	sdelay $0x1  }
0x344: {  	v4 =	vmul.f32 $2.000000030e-01, v2;
	_ =	sdelay $0x1  }
0x345: {  	v2 =	vmax.f32 v2, v4  }
0x346: {  	v2 =	vmul.f32 $1.442695020e+00, v2;
	_ =	sdelay $0x1  }
0x347: {  	(erf) = vpow2.f32 v2;
	_ =	sdelay $0x4  }
0x348: {  	v4 =	vshrl.u32 v3, $0x3;
	v2 =	vshrl.u32 v3, $0x4  }
0x349: {  	v4 =	vand.u32 $0x1, v4;
	v3 =	vand.u32 $0x7, v3;
	v6 =	vshll.u32 v2, $0x3  }
0x34a: {  	s2 =	simm.s32 $0x0;
	vm15 =	veq.s32 v4, v0;
	v3 =	vor.u32 v3, v6  }
0x34b: {  	v4 =	vmov s2;
	[tilespmem:$0x9DC0] =	vst v2;
	v2 =	vnsel vm15, $0x13880, v3  }
0x34c: {  	[tilespmem:$0x9F50] =	vst v2;
	v5 =	vpop (erf)  }
0x34d: {  	s2 =	simm.s32 $0x11830;
	[tilespmem:$0xA0E0] =	vst v5  }
0x34e: {  	v5 =	vld [tilespmem:s2+$0xFFFFFFF0]  }
0x34f: {  	v2 =	vld [tilespmem:s2+$0x10]  }
0x350: {  	v4 =	vld.idx.msk [tilespmem:v4+s8+$0x0], $0xffff  }
0x351: {  	v3 =	vld [tilespmem:s2+$0xFFFFFFE0]  }
0x352: {  	v7 =	vld [tilespmem:s2+$0x0];
	_ =	sdelay $0x3  }
0x353: {  	s5 =	simm.s32 $0x1;
	v3 =	vmul.f32 v3, v4;
	v6 =	vmul.f32 v2, v4  }
0x354: {  	s3 =	simm.s32 $0x2;
	v2 =	vmov s5;
	v5 =	vmul.f32 v5, v4;
	v4 =	vmul.f32 v7, v4;
	s5 =	simm.s32 $0x11830  }
.LBB2_29:
0x355: {  	p0 =	sne.s32 s3, $0x4F  }
0x356: {  	[tilespmem:s2+$0x10] =	vst v6;
	s5 =	sadd.s32 $0x40, s5;
	s6 =	smov.u32 s3;
	s3 =	sadd.s32 $0x1, s3  }
0x357: {  	[tilespmem:s2+$0xFFFFFFE0] =	vst v3  }
0x358: {  	v7 =	vld [tilespmem:s5+$0xFFFFFFF0];
	[tilespmem:s2+$0xFFFFFFF0] =	vst v5  }
0x359: {  	v5 =	vld [tilespmem:s5+$0x10];
	[tilespmem:s2+$0x0] =	vst v4;
	s2 =	smov.u32 s5  }
0x35a: {  	v4 =	vld.idx.msk [tilespmem:v2+s8+$0x0], $0xffff  }
0x35b: {  	v2 =	vld [tilespmem:s5+$0xFFFFFFE0]  }
0x35c: {  	v8 =	vld [tilespmem:s5+$0x0]  }
.Ltmp16:
0x35d: {  	(pc) =	sbr.rel @p0 .LBB2_29-.Ltmp16, $3  }
0x35e: {  	_ =	sdelay $0x1  }
0x35f: {  	v6 =	vmul.f32 v5, v4;
	v3 =	vmul.f32 v2, v4  }
0x360: {  	v5 =	vmul.f32 v7, v4;
	v2 =	vmov s6;
	v4 =	vmul.f32 v8, v4  }
0x361: {  	[tilespmem:s2+$0x10] =	vst v6  }
0x362: {  	s3 =	sadd.s32 $0x40, s5;
	[tilespmem:s2+$0xFFFFFFE0] =	vst v3  }
0x363: {  	v3 =	vld [tilespmem:s3+$0xFFFFFFF0];
	[tilespmem:s2+$0xFFFFFFF0] =	vst v5  }
0x364: {  	v5 =	vld [tilespmem:s3+$0x10];
	[tilespmem:s2+$0x0] =	vst v4  }
0x365: {  	v2 =	vld.idx.msk [tilespmem:v2+s8+$0x0], $0xffff  }
0x366: {  	v4 =	vld [tilespmem:s3+$0xFFFFFFE0];
	_ =	sdelay $0x1  }
0x367: {  	v6 =	vld [tilespmem:s3+$0x0];
	_ =	sdelay $0x1  }
0x368: {  	v5 =	vmul.f32 v5, v2  }
0x369: {  	v4 =	vmul.f32 v4, v2  }
0x36a: {  	s25 =	sadd.s32 $0x1, s25;
	v3 =	vmul.f32 v3, v2;
	[tilespmem:s3+$0x10] =	vst v5  }
0x36b: {  	p0 =	sne.s32 s25, $0x32;
	v2 =	vmul.f32 v6, v2;
	[tilespmem:s3+$0xFFFFFFE0] =	vst v4  }
.Ltmp17:
0x36c: {  	[tilespmem:s3+$0xFFFFFFF0] =	vst v3;
	(pc) =	sbr.rel @p0 .LBB2_8-.Ltmp17, $4  }
0x36d: {  	[tilespmem:s3+$0x0] =	vst v2  }
0x36e: {  	[spmem:s19] =	stream.indirect.scatter.add.f32 [tilespmem:s10], [sflag:$0x2], $0x40, s9, s17, $0xb8;
	[tilespmem:$0x1E050] =	vst v63  }
0x36f: {  	_ = 	snop  }
0x370: {  	[spmem:s21] =	stream.indirect.scatter.add.f32 [tilespmem:s8], [sflag:$0x3], $0x1, s14, s17, $0xb8;
	[tilespmem:$0x1E050] =	vst v63  }
0x371: {  	_ =	swait.ge [sflag:s30], $0x1400  }
0x372: {  	[sflag:s30] =	ssyncset.done $0x0  }
0x373: {  	[sflag:s30] =	ssyncadd.s32 $0xFFFFEC00  }
0x374: {  	_ =	swait.ge [sflag:s30], $0x1400  }
0x375: {  	[sflag:s30] =	ssyncset.done $0x0  }
0x376: {  	[sflag:s30] =	ssyncadd.s32 $0xFFFFEC00  }
0x377: {  	_ =	swait.ge [sflag:s20], $0x50  }
0x378: {  	[sflag:s20] =	ssyncset.done $0x0  }
0x379: {  	[sflag:s20] =	ssyncadd.s32 $0xFFFFFFB0  }
0x37a: {  	_ =	swait.ge [sflag:s20], $0x50  }
0x37b: {  	[sflag:s20] =	ssyncset.done $0x0  }
0x37c: {  	[sflag:s20] =	ssyncadd.s32 $0xFFFFFFB0  }
0x37d: {  	_ =	swait.ge [sflag:s20], $0x50  }
0x37e: {  	[sflag:s20] =	ssyncset.done $0x0  }
0x37f: {  	[sflag:s20] =	ssyncadd.s32 $0xFFFFFFB0  }
0x380: {  	_ =	swait.ge [sflag:s20], $0x50  }
0x381: {  	[sflag:s20] =	ssyncset.done $0x0  }
0x382: {  	[sflag:s20] =	ssyncadd.s32 $0xFFFFFFB0  }
0x383: {  	_ =	swait.ge [sflag:s20], $0x50  }
0x384: {  	[sflag:s20] =	ssyncset.done $0x0  }
0x385: {  	[sflag:s20] =	ssyncadd.s32 $0xFFFFFFB0  }
0x386: {  	s1 =	stileid.u32;
	[bflag:$0x0] =	sbarrier.arrive $0xFFFF  }
0x387: {  	s1 =	sshll.u32 s1, $0x6;
	s28 =	rddreg [dreg:$0x1c]  }
0x388: {  	s1 =	sor.u32 $0x1C04, s1;
	s3 =	rddreg [dreg:$0xa];
	s2 =	sshrl.u32 s28, $0x3  }
0x389: {  	[hbm:s3], [sflag:s1] =	dma.local [spmem:s2], $0x280  }
0x38a: {  	_ =	swait.ge [sflag:s13], $0x280  }
0x38b: {  	[sflag:s13] =	ssyncset.done $0x0;
	s6 =	rddreg [dreg:$0x1d]  }
0x38c: {  	s11 =	rddreg [dreg:$0xb];
	[sflag:s13] =	ssyncadd.s32 $0xFFFFFD80;
	s2 =	sshrl.u32 s6, $0x3  }
0x38d: {  	[hbm:s11], [sflag:s1] =	dma.local [spmem:s2], $0x280  }
0x38e: {  	_ =	swait.ge [sflag:s13], $0x280  }
0x38f: {  	[sflag:s13] =	ssyncset.done $0x0;
	s5 =	rddreg [dreg:$0x1e]  }
0x390: {  	s29 =	rddreg [dreg:$0xc];
	[sflag:s13] =	ssyncadd.s32 $0xFFFFFD80;
	s25 =	sshrl.u32 s5, $0x3  }
0x391: {  	[hbm:s29], [sflag:s1] =	dma.local [spmem:s25], $0x280  }
0x392: {  	_ =	swait.ge [sflag:s13], $0x280  }
0x393: {  	[sflag:s13] =	ssyncset.done $0x0;
	s6 =	rddreg [dreg:$0x1f]  }
0x394: {  	s11 =	rddreg [dreg:$0xd];
	[sflag:s13] =	ssyncadd.s32 $0xFFFFFD80;
	s3 =	sshrl.u32 s6, $0x3  }
0x395: {  	[hbm:s11], [sflag:s1] =	dma.local [spmem:s3], $0x280  }
0x396: {  	_ =	swait.ge [sflag:s13], $0x280  }
0x397: {  	s25 =	sld [smem:$0x7F1];
	_ =	sdelay $0x1  }
0x398: {  	[sflag:s13] =	ssyncset.done $0x0  }
0x399: {  	s29 =	rddreg [dreg:$0xe];
	[sflag:s13] =	ssyncadd.s32 $0xFFFFFD80;
	s2 =	sshrl.u32 s25, $0x3  }
0x39a: {  	[hbm:s29], [sflag:s1] =	dma.local [spmem:s2], $0x280  }
0x39b: {  	_ =	swait.ge [sflag:s13], $0x280  }
0x39c: {  	s3 =	sld [smem:$0x7F2];
	_ =	sdelay $0x1  }
0x39d: {  	[sflag:s13] =	ssyncset.done $0x0  }
0x39e: {  	s11 =	rddreg [dreg:$0xf];
	[sflag:s13] =	ssyncadd.s32 $0xFFFFFD80;
	s2 =	sshrl.u32 s3, $0x3  }
0x39f: {  	[hbm:s11], [sflag:s1] =	dma.local [spmem:s2], $0x280  }
0x3a0: {  	_ =	swait.ge [sflag:s13], $0x280  }
0x3a1: {  	s25 =	sld [smem:$0x7F3];
	_ =	sdelay $0x1  }
0x3a2: {  	[sflag:s13] =	ssyncset.done $0x0  }
0x3a3: {  	s29 =	rddreg [dreg:$0x10];
	[sflag:s13] =	ssyncadd.s32 $0xFFFFFD80;
	s2 =	sshrl.u32 s25, $0x3  }
0x3a4: {  	[hbm:s29], [sflag:s1] =	dma.local [spmem:s2], $0x280  }
0x3a5: {  	_ =	swait.ge [sflag:s13], $0x280  }
0x3a6: {  	s3 =	sld [smem:$0x7F4];
	_ =	sdelay $0x1  }
0x3a7: {  	[sflag:s13] =	ssyncset.done $0x0  }
0x3a8: {  	s11 =	rddreg [dreg:$0x11];
	[sflag:s13] =	ssyncadd.s32 $0xFFFFFD80;
	s2 =	sshrl.u32 s3, $0x3  }
0x3a9: {  	[hbm:s11], [sflag:s1] =	dma.local [spmem:s2], $0x208  }
0x3aa: {  	_ =	swait.ge [sflag:s13], $0x208  }
0x3ab: {  	s11 =	sld [smem:$0x7FD];
	_ =	sdelay $0x1  }
0x3ac: {  	[sflag:s13] =	ssyncset.done $0x0  }
0x3ad: {  	s29 =	rddreg [dreg:$0x12];
	[sflag:s13] =	ssyncadd.s32 $0xFFFFFDF8;
	s25 =	sshrl.u32 s11, $0x3  }
0x3ae: {  	[hbm:s29], [sflag:s1] =	dma.local [spmem:s25], $0x50  }
0x3af: {  	_ =	swait.ge [sflag:s13], $0x50  }
0x3b0: {  	s25 =	sld [smem:$0x7F5];
	_ =	sdelay $0x1  }
0x3b1: {  	[sflag:s13] =	ssyncset.done $0x0  }
0x3b2: {  	s29 =	rddreg [dreg:$0x13];
	[sflag:s13] =	ssyncadd.s32 $0xFFFFFFB0;
	s2 =	sshrl.u32 s25, $0x3  }
0x3b3: {  	[hbm:s29], [sflag:s1] =	dma.local [spmem:s2], $0x50  }
0x3b4: {  	_ =	swait.ge [sflag:s13], $0x50  }
0x3b5: {  	s25 =	sld [smem:$0x7F6];
	_ =	sdelay $0x1  }
0x3b6: {  	[sflag:s13] =	ssyncset.done $0x0  }
0x3b7: {  	s29 =	rddreg [dreg:$0x14];
	[sflag:s13] =	ssyncadd.s32 $0xFFFFFFB0;
	s2 =	sshrl.u32 s25, $0x3  }
0x3b8: {  	[hbm:s29], [sflag:s1] =	dma.local [spmem:s2], $0x50  }
0x3b9: {  	_ =	swait.ge [sflag:s13], $0x50  }
0x3ba: {  	s25 =	sld [smem:$0x7F7];
	_ =	sdelay $0x1  }
0x3bb: {  	[sflag:s13] =	ssyncset.done $0x0  }
0x3bc: {  	s29 =	rddreg [dreg:$0x15];
	[sflag:s13] =	ssyncadd.s32 $0xFFFFFFB0;
	s2 =	sshrl.u32 s25, $0x3  }
0x3bd: {  	[hbm:s29], [sflag:s1] =	dma.local [spmem:s2], $0x50  }
0x3be: {  	_ =	swait.ge [sflag:s13], $0x50  }
0x3bf: {  	s25 =	sld [smem:$0x7F8];
	_ =	sdelay $0x1  }
0x3c0: {  	[sflag:s13] =	ssyncset.done $0x0  }
0x3c1: {  	s29 =	rddreg [dreg:$0x16];
	[sflag:s13] =	ssyncadd.s32 $0xFFFFFFB0;
	s2 =	sshrl.u32 s25, $0x3  }
0x3c2: {  	[hbm:s29], [sflag:s1] =	dma.local [spmem:s2], $0x50  }
0x3c3: {  	_ =	swait.ge [sflag:s13], $0x50  }
0x3c4: {  	s25 =	sld [smem:$0x7F9];
	_ =	sdelay $0x1  }
0x3c5: {  	[sflag:s13] =	ssyncset.done $0x0  }
0x3c6: {  	s29 =	rddreg [dreg:$0x17];
	[sflag:s13] =	ssyncadd.s32 $0xFFFFFFB0;
	s2 =	sshrl.u32 s25, $0x3  }
0x3c7: {  	[hbm:s29], [sflag:s1] =	dma.local [spmem:s2], $0x50  }
0x3c8: {  	_ =	swait.ge [sflag:s13], $0x50  }
0x3c9: {  	s25 =	sld [smem:$0x7FA];
	_ =	sdelay $0x1  }
0x3ca: {  	[sflag:s13] =	ssyncset.done $0x0  }
0x3cb: {  	s29 =	rddreg [dreg:$0x18];
	[sflag:s13] =	ssyncadd.s32 $0xFFFFFFB0;
	s2 =	sshrl.u32 s25, $0x3  }
0x3cc: {  	[hbm:s29], [sflag:s1] =	dma.local [spmem:s2], $0x50  }
0x3cd: {  	_ =	swait.ge [sflag:s13], $0x50  }
0x3ce: {  	s3 =	sld [smem:$0x7FB];
	_ =	sdelay $0x1  }
0x3cf: {  	[sflag:s13] =	ssyncset.done $0x0  }
0x3d0: {  	s25 =	rddreg [dreg:$0x19];
	[sflag:s13] =	ssyncadd.s32 $0xFFFFFFB0;
	s2 =	sshrl.u32 s3, $0x3  }
0x3d1: {  	[hbm:s25], [sflag:s1] =	dma.local [spmem:s2], $0x50  }
0x3d2: {  	_ =	swait.ge [sflag:s13], $0x50  }
0x3d3: {  	s29 =	sld [smem:$0x7FC]  }
0x3d4: {  	s25 =	rddreg [dreg:$0x7]  }
0x3d5: {  	s25 =	sadd.s32 $0x1, s25  }
0x3d6: {  	p0 =	sne.s32 s25, s29  }
.Ltmp18:
0x3d7: {  	_ = 	snop;
	(pc) =	sbr.rel @p0 .LBB2_1-.Ltmp18, $3  }
0x3d8: {  	_ =	sdelay $0x1  }
0x3d9: {  	[sflag:s13] =	ssyncset.done $0x0  }
0x3da: {  	[sflag:s13] =	ssyncadd.s32 $0xFFFFFFB0  }
0x3db: {  	_ =	sfence.sel $0x180000  }
0x3dc: {  	[bflag:$0x0] =	sbarrier.arrive $0xFFFF  }
0x3dd: {  	_ =	strace $0x90000047  }
0x3de: {  	s0 =	stileid.u32;
	[bflag:$0x2] =	sbarrier.arrive $0xFFFF  }
0x3df: {  	p0 =	sne.s32 s0, $0x0;
	s0 =	rddreg [dreg:$0x6]  }
0x3e0: {  	s0 =	sadd.s32 @!p0 $0x100000, s0  }
0x3e1: {  	[sflag:s0] =	ssyncadd.tile.s32 @!p0 $0x1;
	_ =	shalt  }
.Lfunc_end2:
_tile_overlayer_lowered:
.L_overlay_start_2:
0x3e2: {  	(tag) =	ssettag $0x2  }
0x3e3: {  	s0 =	rddreg [dreg:$0x0];
	s2 =	stileid.u32  }
0x3e4: {  	s1 =	rddreg [dreg:$0x1];
	p0 =	sne.s32 s2, $0x0  }
0x3e5: {  	s3 =	rddreg [dreg:$0x2];
	[bflag:$0x3] =	sbarrier.arrive $0xFFFF;
	s2 =	simm.s32 @!p0 $0x1C04  }
0x3e6: {  	[timem:s3], [sflag:s2] =	dma.local @!p0 [hbm:s0], s1  }
0x3e7: {  	s0 =	simm.s32 @!p0 $0x4  }
0x3e8: {  	_ =	swait.ge @!p0 [sflag:s0], s1  }
0x3e9: {  	s1 =	ssub.s32 @!p0 $0x0, s1;
	[sflag:s0] =	ssyncset.done @!p0 $0x0  }
0x3ea: {  	[sflag:s0] =	ssyncadd.s32 @!p0 s1  }
0x3eb: {  	[bflag:$0x3] =	sbarrier.arrive $0xFFFF  }
0x3ec: {  	_ =	shalt  }

// kernel: kernel.9.cloned.1.call-start
scs
__scs_entry_jumppad:
0x0: {  	(pc) =	sbr.rel $0x88, $3  }
0x1: {  	(tag) =	ssettag $0x0;
	lr =	simm.s32 $0x1  }
0x2: {  	[smem:$0x3F94] =	sst lr;
	_ =	strace $0xD0000000  }
0x3: {  	_ = 	snop  }
0x4: {  	_ = 	snop  }
0x5: {  	_ = 	snop  }
0x6: {  	_ = 	snop  }
0x7: {  	_ = 	snop  }
__scs_overlays_trampoline_lowered:
0x8: {  	[smem:$0x3FA3] =	sst s0  }
0x9: {  	[smem:$0x3FA4] =	sst s1  }
0xa: {  	[smem:$0x3FA5] =	sst s2  }
0xb: {  	[smem:$0x3FA6] =	sst s3  }
0xc: {  	[smem:$0x3FA7] =	sst s4  }
0xd: {  	[smem:$0x3FA8] =	sst s5  }
0xe: {  	[smem:$0x3FA9] =	sst s6  }
0xf: {  	[smem:$0x3FAA] =	sst s7  }
0x10: {  	[smem:$0x3FAB] =	sst s8  }
0x11: {  	[smem:$0x3FAC] =	sst s9;
	s0 =	simm.s32 @!p0 $0x0  }
0x12: {  	s1 =	sld [smem:$0x3F92];
	s0 =	simm.s32 @p0 $0x1  }
0x13: {  	[smem:$0x3FAD] =	sst s0;
	s0 =	simm.s32 @!p1 $0x0  }
0x14: {  	s2 =	sld [smem:$0x3F91];
	s0 =	simm.s32 @p1 $0x1  }
0x15: {  	[smem:$0x3FAE] =	sst s0;
	s0 =	simm.s32 @!p2 $0x0  }
0x16: {  	s3 =	sld [smem:$0x3FDB];
	s0 =	simm.s32 @p2 $0x1  }
0x17: {  	s4 =	simm.s32 $0x1BF5;
	[smem:$0x3FB0] =	sst s0  }
0x18: {  	s0 =	sld [smem:$0x3F93];
	_ =	swait.ge [sflag:s4], $0x0  }
0x19: {  	s7 =	sld [smem:$0x3F94]  }
0x1a: {  	s8 =	sadd.s32 $0xFFFFE003, lr  }
0x1b: {  	s9 =	sadd.s32 $0xFFFFFEF7, lr;
	s5 =	simm.s32 $0xFFFFFFFF;
	p2 =	slt.u32 s8, $0xFFFFF086  }
0x1c: {  	p1 =	slt.u32 s9, $0xF7A;
	s5 =	simm.s32 @!p2 $0x0  }
0x1d: {  	s5 =	simm.s32 @p1 $0x1;
	p0 =	seq.s32 s7, s2  }
0x1e: {  	s7 =	smul.u32 @!p0 $0xF7A, s2;
	p2 =	seq.s32 @!p0 s5, $0x0  }
0x1f: {  	s9 =	smul.u32 $0xF7A, s1;
	s8 =	simm.s32 @!p0 $0x1BF5;
	p2 =	por !p2, p0  }
0x20: {  	[sflag:s8] =	ssyncset.s32 @!p0 $0xFFFFF086;
	s6 =	sadd.s32 @!p0 s3, s7;
	s7 =	simm.s32 @!p0 $0x108  }
0x21: {  	s3 =	sadd.s32 s3, s9;
	s6 =	sadd.s32 @!p0 $0x88, s6;
	s7 =	simm.s32 @p2 $0x1082  }
0x22: {  	[simem:s7], [sflag:s8] =	dma.local @!p0 [hbm:s6], $0xF7A  }
0x23: {  	s9 =	sor.u32 $0xD0000000, s2;
	s6 =	simm.s32 $0x108;
	_ =	swait.ge @!p0 [sflag:s8], $0x0  }
0x24: {  	s3 =	sadd.s32 $0x88, s3;
	s6 =	simm.s32 @!p1 $0x1082;
	[sflag:s4] =	ssyncset.s32 $0xFFFFF086  }
0x25: {  	[simem:s6], [sflag:s4] =	dma.local [hbm:s3], $0xF7A  }
0x26: {  	[smem:$0x3F94] =	sst s1;
	(tag) =	ssettag s2;
	_ =	strace s9  }
0x27: {  	s1 =	sld [smem:$0x3FA4]  }
0x28: {  	s2 =	sld [smem:$0x3FA5]  }
0x29: {  	s4 =	sld [smem:$0x3FA7]  }
0x2a: {  	p0 =	seq.s32 s5, $0x0;
	s5 =	sld [smem:$0x3FA8]  }
0x2b: {  	s6 =	sld [smem:$0x3FA9]  }
0x2c: {  	s7 =	sld [smem:$0x3FAA]  }
0x2d: {  	s3 =	simm.s32 $0x108;
	s8 =	sld [smem:$0x3FAB]  }
0x2e: {  	s3 =	simm.s32 @!p0 $0x1082;
	s9 =	sld [smem:$0x3FAC]  }
0x2f: {  	lr =	sadd.s32 s0, s3;
	s0 =	sld [smem:$0x3FA3]  }
0x30: {  	s3 =	sld [smem:$0x3FA6]  }
0x31: {  	[smem:$0x3FAF] =	sst s10  }
0x32: {  	s10 =	sld [smem:$0x3FAD];
	_ =	sdelay $0x3  }
0x33: {  	p0 =	seq.s32 s10, $0x1;
	s10 =	sld [smem:$0x3FAF];
	_ =	sdelay $0x3  }
0x34: {  	[smem:$0x3FAF] =	sst s10  }
0x35: {  	s10 =	sld [smem:$0x3FAE];
	_ =	sdelay $0x3  }
0x36: {  	p1 =	seq.s32 s10, $0x1;
	s10 =	sld [smem:$0x3FAF];
	_ =	sdelay $0x3  }
0x37: {  	[smem:$0x3FAF] =	sst s10  }
0x38: {  	s10 =	sld [smem:$0x3FB0]  }
0x39: {  	_ = 	snop;
	(pc) =	sbr.ind lr, $3  }
0x3a: {  	_ = 	snop  }
0x3b: {  	_ = 	snop  }
0x3c: {  	p2 =	seq.s32 s10, $0x1;
	s10 =	sld [smem:$0x3FAF]  }
0x3d: {  	_ =	shalt  }
0x3e: {  	_ =	shalt  }
0x3f: {  	_ =	shalt  }
0x40: {  	_ =	shalt  }
0x41: {  	_ =	shalt  }
0x42: {  	_ =	shalt  }
0x43: {  	_ =	shalt  }
0x44: {  	_ =	shalt  }
0x45: {  	_ =	shalt  }
0x46: {  	_ =	shalt  }
0x47: {  	_ =	shalt  }
0x48: {  	_ =	shalt  }
0x49: {  	_ =	shalt  }
0x4a: {  	_ =	shalt  }
0x4b: {  	_ =	shalt  }
0x4c: {  	_ =	shalt  }
0x4d: {  	_ =	shalt  }
0x4e: {  	_ =	shalt  }
0x4f: {  	_ =	shalt  }
0x50: {  	_ =	shalt  }
0x51: {  	_ =	shalt  }
0x52: {  	_ =	shalt  }
0x53: {  	_ =	shalt  }
0x54: {  	_ =	shalt  }
0x55: {  	_ =	shalt  }
0x56: {  	_ =	shalt  }
0x57: {  	_ =	shalt  }
0x58: {  	_ =	shalt  }
0x59: {  	_ =	shalt  }
0x5a: {  	_ =	shalt  }
0x5b: {  	_ =	shalt  }
0x5c: {  	_ =	shalt  }
0x5d: {  	_ =	shalt  }
0x5e: {  	_ =	shalt  }
0x5f: {  	_ =	shalt  }
0x60: {  	_ =	shalt  }
0x61: {  	_ =	shalt  }
0x62: {  	_ =	shalt  }
0x63: {  	_ =	shalt  }
0x64: {  	_ =	shalt  }
0x65: {  	_ =	shalt  }
0x66: {  	_ =	shalt  }
0x67: {  	_ =	shalt  }
0x68: {  	_ =	shalt  }
0x69: {  	_ =	shalt  }
0x6a: {  	_ =	shalt  }
0x6b: {  	_ =	shalt  }
0x6c: {  	_ =	shalt  }
0x6d: {  	_ =	shalt  }
0x6e: {  	_ =	shalt  }
0x6f: {  	_ =	shalt  }
0x70: {  	_ =	shalt  }
0x71: {  	_ =	shalt  }
0x72: {  	_ =	shalt  }
0x73: {  	_ =	shalt  }
0x74: {  	_ =	shalt  }
0x75: {  	_ =	shalt  }
0x76: {  	_ =	shalt  }
0x77: {  	_ =	shalt  }
0x78: {  	_ =	shalt  }
0x79: {  	_ =	shalt  }
0x7a: {  	_ =	shalt  }
0x7b: {  	_ =	shalt  }
0x7c: {  	_ =	shalt  }
0x7d: {  	_ =	shalt  }
0x7e: {  	_ =	shalt  }
0x7f: {  	_ =	shalt  }
0x80: {  	_ =	shalt  }
0x81: {  	_ =	shalt  }
0x82: {  	_ =	shalt  }
0x83: {  	_ =	shalt  }
0x84: {  	_ =	shalt  }
0x85: {  	_ =	shalt  }
0x86: {  	_ =	shalt  }
0x87: {  	_ =	shalt  }
.Lfunc_end0:
.L_simem_size_0:
called_computation.1_lowered:
.L_overlay_start_0:
0x88: {  	s2 =	sld [smem:$0x3FD9]  }
0x89: {  	s3 =	sld [smem:$0x3FFE];
	_ =	sdelay $0x1  }
0x8a: {  	s1 =	srdreg.scid  }
0x8b: {  	s0 =	sand.u32 $0x1, s1  }
0x8c: {  	s15 =	sshll.u32 s0, $0xA;
	s2 =	sadd.s32 s3, s2  }
0x8d: {  	s2 =	sadd.s32 s2, s15  }
0x8e: {  	[smem:$0x3FBB] =	sst s2  }
0x8f: {  	_ = 	snop  }
0x90: {  	s2 =	sld [smem:$0x3FD0];
	_ =	sdelay $0x2  }
0x91: {  	s4 =	simm.s32 $0xA;
	s5 =	simm.s32 $0x10;
	s16 =	sld [smem:$0x3FBE]  }
0x92: {  	[smem:s5], [sflag:s4] =	dma.local [hbm:s2], $0x1  }
0x93: {  	_ =	swait.eq [sflag:s4], $0x1  }
0x94: {  	[sflag:s4] =	ssyncset.done $0x0  }
0x95: {  	s17 =	sld [smem:$0x10];
	[sflag:s4] =	ssyncadd.s32 $0xFFFFFFFF  }
0x96: {  	s18 =	sld [smem:$0x12];
	(tm) =	ssettm $0x1  }
0x97: {  	s19 =	sld [smem:$0x3FFB];
	_ =	sdelay $0x3  }
0x98: {  	_ =	strace s19  }
0x99: {  	s5 =	sld [smem:$0x3FFC];
	_ =	sdelay $0x3  }
0x9a: {  	_ =	strace s5  }
0x9b: {  	s5 =	sld [smem:$0x3FFD];
	_ =	sdelay $0x3  }
0x9c: {  	_ =	strace s5  }
0x9d: {  	_ =	strace $0x8FFFFFFF  }
0x9e: {  	s20 =	sld [smem:$0x3FDB];
	_ =	sdelay $0x1  }
0x9f: {  	s6 =	simm.s32 $_scs_section_size  }
0xa0: {  	s7 =	simm.s32 $_size__tile_overlayer_lowered;
	s8 =	simm.s32 $_tile_overlayer_lowered  }
0xa1: {  	s23 =	simm.s32 $0x1BFF;
	s22 =	sshll.u32 s8, $0x1;
	s5 =	sadd.s32 s6, s20  }
0xa2: {  	s9 =	simm.s32 $0x0;
	s21 =	sshll.u32 s7, $0x1;
	s7 =	sadd.s32 s22, s5  }
0xa3: {  	[timem:s9], [sflag:s23] =	dma.local [hbm:s7], s21  }
0xa4: {  	_ =	swait.ge [sflag:s23], s21  }
0xa5: {  	s6 =	ssub.s32 $0x0, s21;
	[sflag:s23] =	ssyncset.done $0x0  }
0xa6: {  	[sflag:s23] =	ssyncadd.s32 s6;
	_ =	sdelay $0x1  }
0xa7: {  	s24 =	simm.s32 $0x1B8B  }
0xa8: {  	_ =	swait.ge [sflag:s24], $0x1  }
0xa9: {  	[sflag:s24] =	ssyncset.done $0x0  }
0xaa: {  	s25 =	simm.s32 $0x1B8E;
	[sflag:s24] =	ssyncadd.s32 $0xFFFFFFFF  }
0xab: {  	s26 =	simm.s32 $execute0_lowered;
	[smem:$0x3FD2] =	sst s25  }
0xac: {  	s6 =	sshll.u32 s26, $0x1;
	_ =	strace $0x80000049;
	[dreg:$0x1] =	wrdreg $0xFFFFFFFF  }
0xad: {  	s28 =	simm.s32 $_size_execute0_lowered;
	s5 =	sadd.s32 s5, s6;
	[dreg:$0x0] =	wrdreg $0x0  }
0xae: {  	s6 =	sshll.u32 s28, $0x1;
	[dreg:$0x2] =	wrdreg s5  }
0xaf: {  	[dreg:$0x3] =	wrdreg s6  }
0xb0: {  	[dreg:$0x4] =	wrdreg $0xC0  }
0xb1: {  	_ =	task [dreg:s9], $0x5FFFF  }
0xb2: {  	[dreg:$0x1] =	wrdreg $0xFFFFFFFF  }
0xb3: {  	[dreg:$0x0] =	wrdreg $0x60  }
0xb4: {  	[dreg:$0x2] =	wrdreg s18  }
0xb5: {  	[dreg:$0x3] =	wrdreg s16  }
0xb6: {  	[dreg:$0x4] =	wrdreg s17  }
0xb7: {  	[dreg:$0x5] =	wrdreg $0x9  }
0xb8: {  	_ =	task.clear_ibuf [dreg:s9], $0x6FFFF;
	_ =	strace $0x90000049  }
0xb9: {  	s29 =	simm.s32 $0x9;
	_ =	strace $0x8000004B  }
0xba: {  	_ =	swait.ge [sflag:s29], $0x1  }
0xbb: {  	[sflag:s29] =	ssyncadd.s32 $0xFFFFFFFF  }
0xbc: {  	_ =	strace $0x9000004B  }
0xbd: {  	_ =	sfence  }
0xbe: {  	s30 =	sld [smem:$0x0];
	_ =	sdelay $0x2  }
0xbf: {  	s31 =	sshll.u32 s1, $0xD;
	s1 =	sshrl.u32 s1, $0x2  }
0xc0: {  	s3 =	sand.u32 $0x4000, s31;
	s1 =	sadd.s32 s1, s30  }
0xc1: {  	s0 =	sor.u32 s3, s0;
	s1 =	sshll.u32 s1, $0x11  }
0xc2: {  	s0 =	sor.u32 s1, s0  }
0xc3: {  	s0 =	sadd.s32 $0x8F2B, s0  }
0xc4: {  	[sflag:s0] =	ssyncadd.remote.s32 $0x1  }
0xc5: {  	_ =	sfence.sel $0xFFFF  }
0xc6: {  	[dreg:$0x0] =	wrdreg $0xFFFFFFFF;
	(pc) =	sbr.abs _section_cstart, $3  }
0xc7: {  	[dreg:$0x1] =	wrdreg $0xFFFFFFFF  }
0xc8: {  	_ =	task.clear_ibuf [dreg:s9], $0x2FFFF;
	_ =	strace $0x9FFFFFFF  }
0xc9: {  	(tm) =	ssettm $0x7FFFFFFF  }
tec
execute0_lowered:
.L_overlay_start_1:
0x0: {  	(tag) =	ssettag $0x1  }
0x1: {  	s1 =	rddreg [dreg:$0x0]  }
0x2: {  	s2 =	srdreg.scid;
	s4 =	rddreg [dreg:$0x1]  }
0x3: {  	s0 =	stileid.u32;
	s8 =	rddreg [dreg:$0x2];
	s6 =	sand.u32 $0x1, s2  }
0x4: {  	s3 =	simm.s32 $0x0;
	s7 =	sshll.u32 s0, $0x7;
	s5 =	sshll.u32 s6, $0xB  }
0x5: {  	[smem:$0x7FF] =	sst s3;
	s9 =	sor.u32 s7, s5  }
0x6: {  	s2 =	rddreg [dreg:$0x3];
	_ =	strace $0x8000004A;
	s5 =	sshrl.u32 s9, $0x3  }
0x7: {  	s10 =	ssub.s32 $0x2, s6;
	s5 =	sadd.s32 s4, s5;
	s4 =	simm.s32 $0x2  }
0x8: {  	[tilespmem:s3], [sflag:$0x2] =	stream.linear.gather [hbm4b:s5+s3], $0x80, $0x38;
	[tilespmem:$0x4080] =	vst v63  }
0x9: {  	s11 =	sshrl.u32 s10, $0x1;
	_ =	swait.ge [sflag:s4], $0x80  }
0xa: {  	s6 =	simm.s32 $0x80;
	s10 =	ssub.s32 s10, s11;
	[sflag:s4] =	ssyncset.done $0x0  }
0xb: {  	s7 =	simm.s32 $0x1;
	s31 =	smax.u32 s10, $0x1;
	[sflag:s4] =	ssyncadd.s32 $0xFFFFFF80  }
0xc: {  	[tilespmem:s6], [sflag:$0x1] =	stream.indirect.gather [hbm4b:s1+s6], $0x80, s3, s6, $0xb8;
	[tilespmem:$0x4080] =	vst v63  }
0xd: {  	p0 =	sne.s32 s31, $0x1;
	_ =	swait.ge [sflag:s7], $0x4000  }
.Ltmp0:
0xe: {  	s9 =	sshll.u32 s9, $0x4;
	[sflag:s7] =	ssyncset.done $0x0;
	(pc) =	sbr.rel @!p0 .LBB2_2-.Ltmp0, $4  }
0xf: {  	s8 =	sadd.s32 s8, s9;
	[sflag:s7] =	ssyncadd.s32 $0xFFFFC000  }
0x10: {  	[hbm4b:s8+s3] =	stream.linear.scatter [tilespmem:s6], [sflag:$0x2], $0x4000, $0x38;
	[tilespmem:$0x4080] =	vst v63  }
0x11: {  	_ =	swait.ge [sflag:s4], $0x4000  }
0x12: {  	s9 =	sadd.s32 $0xFFFFFFFF, s31;
	[sflag:s4] =	ssyncset.done $0x0  }
.LBB2_1:
0x13: {  	p0 =	sne.s32 s9, $0x1;
	s9 =	sadd.s32 $0xFFFFFFFF, s9;
	[sflag:s4] =	ssyncadd.s32 $0xFFFFC000  }
0x14: {  	[tilespmem:s3], [sflag:$0x2] =	stream.linear.gather [hbm4b:s5+s3], $0x80, $0x38;
	[tilespmem:$0x4080] =	vst v63  }
0x15: {  	_ =	swait.ge [sflag:s4], $0x80  }
0x16: {  	[sflag:s4] =	ssyncset.done $0x0  }
0x17: {  	[sflag:s4] =	ssyncadd.s32 $0xFFFFFF80  }
0x18: {  	[tilespmem:s6], [sflag:$0x1] =	stream.indirect.gather [hbm4b:s1+s6], $0x80, s3, s6, $0xb8;
	[tilespmem:$0x4080] =	vst v63  }
0x19: {  	_ =	swait.ge [sflag:s7], $0x4000  }
.Ltmp1:
0x1a: {  	[sflag:s7] =	ssyncset.done $0x0;
	(pc) =	sbr.rel @p0 .LBB2_1-.Ltmp1, $4  }
0x1b: {  	[sflag:s7] =	ssyncadd.s32 $0xFFFFC000  }
0x1c: {  	[hbm4b:s8+s3] =	stream.linear.scatter [tilespmem:s6], [sflag:$0x2], $0x4000, $0x38;
	[tilespmem:$0x4080] =	vst v63  }
0x1d: {  	_ =	swait.ge [sflag:s4], $0x4000  }
0x1e: {  	[sflag:s4] =	ssyncset.done $0x0  }
.LBB2_2:
0x1f: {  	[sflag:s4] =	ssyncadd.s32 $0xFFFFC000  }
0x20: {  	_ =	sfence.sel $0x180000  }
0x21: {  	[bflag:$0x0] =	sbarrier.arrive $0xFFFF  }
0x22: {  	p0 =	sne.s32 s0, $0x0;
	_ =	strace $0x9000004A  }
0x23: {  	s0 =	sadd.s32 @!p0 $0x100000, s2;
	[bflag:$0x2] =	sbarrier.arrive $0xFFFF  }
0x24: {  	[sflag:s0] =	ssyncadd.tile.s32 @!p0 $0x1;
	_ =	shalt  }
.Lfunc_end2:
_tile_overlayer_lowered:
.L_overlay_start_2:
0x25: {  	(tag) =	ssettag $0x2  }
0x26: {  	s0 =	rddreg [dreg:$0x0];
	s2 =	stileid.u32  }
0x27: {  	s1 =	rddreg [dreg:$0x1];
	p0 =	sne.s32 s2, $0x0  }
0x28: {  	s3 =	rddreg [dreg:$0x2];
	[bflag:$0x3] =	sbarrier.arrive $0xFFFF;
	s2 =	simm.s32 @!p0 $0x1C02  }
0x29: {  	[timem:s3], [sflag:s2] =	dma.local @!p0 [hbm:s0], s1  }
0x2a: {  	s0 =	simm.s32 @!p0 $0x2  }
0x2b: {  	_ =	swait.ge @!p0 [sflag:s0], s1  }
0x2c: {  	s1 =	ssub.s32 @!p0 $0x0, s1;
	[sflag:s0] =	ssyncset.done @!p0 $0x0  }
0x2d: {  	[sflag:s0] =	ssyncadd.s32 @!p0 s1  }
0x2e: {  	[bflag:$0x3] =	sbarrier.arrive $0xFFFF  }
0x2f: {  	_ =	shalt  }

</sc_bundles>
